<compile_context>
chip_gen: v7x
topology: tpu7x:2x2x1
jax: 0.10.2.dev20260603
libtpu: 0.0.44.dev20260713+nightly
codegen_flags: <defaults>
</compile_context>

<pallas_src>
import functools

import jax
import jax.numpy as jnp
from jax import lax
from jax.experimental import pallas as pl
from jax.experimental.pallas import tpu as pltpu
from jax.experimental.pallas import tpu_sc as plsc

V = 100000
D = 128
B = 16384
NC = 2
NS = 16
NW = NC * NS
BPW = B // NW
HALF = BPW // 2
NCH = D // 16

_mesh = plsc.VectorSubcoreMesh(core_axis_name="c", subcore_axis_name="s")


@functools.partial(
    pl.kernel,
    out_type=jax.ShapeDtypeStruct((B,), jnp.float32),
    mesh=_mesh,
    scratch_types=[
        pltpu.VMEM((BPW,), jnp.int32),
        pltpu.VMEM((HALF, D), jnp.float32),
        pltpu.VMEM((HALF, D), jnp.float32),
        pltpu.VMEM((BPW,), jnp.float32),
        pltpu.VMEM((BPW,), jnp.float32),
        pltpu.VMEM((D + 16,), jnp.float32),
        pltpu.VMEM((BPW,), jnp.float32),
        pltpu.SemaphoreType.DMA,
        pltpu.SemaphoreType.DMA,
        pltpu.SemaphoreType.DMA,
        pltpu.SemaphoreType.DMA,
        pltpu.SemaphoreType.DMA,
    ],
)
def _sc_fused(table_hbm, idx_hbm, feats_hbm, wc_hbm, out_hbm,
              idx_v, rows0_v, rows1_v, f0_v, f1_v, wc_v, out_v,
              sem0, sem1, sem2, sem3, sem4):
    wid = lax.axis_index("s") * NC + lax.axis_index("c")
    base = wid * BPW

    pltpu.sync_copy(idx_hbm.at[pl.ds(base, BPW)], idx_v)
    cp0 = pltpu.async_copy(table_hbm.at[idx_v.at[pl.ds(0, HALF)]], rows0_v,
                           sem0)
    cp1 = pltpu.async_copy(table_hbm.at[idx_v.at[pl.ds(HALF, HALF)]], rows1_v,
                           sem1)
    cpf = pltpu.async_copy(feats_hbm.at[pl.ds(base, BPW)], f0_v, sem2)
    cpg = pltpu.async_copy(feats_hbm.at[pl.ds(B + base, BPW)], f1_v, sem3)
    cpw = pltpu.async_copy(wc_hbm, wc_v, sem4)

    cpw.wait()
    w1c = [wc_v[pl.ds(16 * c, 16)] for c in range(NCH)]
    sm = wc_v[pl.ds(D, 16)]

    lanes = lax.iota(jnp.int32, 16)

    def perm(v, p):
        return v.at[p].get(mode="promise_in_bounds")

    def bcast(v, lane):
        return perm(v, jnp.full((16,), lane, jnp.int32))

    c_b1 = bcast(sm, 0)
    c_w0 = bcast(sm, 1)
    c_w1 = bcast(sm, 2)
    c_w2 = bcast(sm, 3)
    c_bfc = bcast(sm, 4)
    one = jnp.full((16,), 1.0, jnp.float32)
    two = jnp.full((16,), 2.0, jnp.float32)
    stages = [(jnp.bitwise_and(lanes, d) == 0, lanes ^ d) for d in (8, 4, 2, 1)]

    def merge(a, b, m, pd):
        return jnp.where(m, a, perm(b, pd)) + jnp.where(m, perm(a, pd), b)

    cpf.wait()
    cpg.wait()

    def do_half(rows_ref, off):
        @plsc.parallel_loop(0, HALF // 16, 1, unroll=2)
        def _(g):
            vs = []
            for j in range(16):
                r = 16 * g + j
                ea = rows_ref[r, pl.ds(0, 16)] * w1c[0]
                eb = rows_ref[r, pl.ds(16, 16)] * w1c[1]
                for c in range(2, NCH, 2):
                    ea = ea + rows_ref[r, pl.ds(16 * c, 16)] * w1c[c]
                    eb = eb + rows_ref[r, pl.ds(16 * (c + 1), 16)] * w1c[c + 1]
                vs.append(ea + eb)
            for m, pd in stages:
                n = len(vs) // 2
                vs = [merge(vs[i], vs[i + n], m, pd) for i in range(n)]
            x = vs[0] + c_b1
            ax = jnp.abs(x)
            e = jnp.exp(two * ax)
            t = one - two / (e + one)
            t = jnp.where(x < 0.0, -t, t)
            b16 = off + 16 * g
            f0 = f0_v[pl.ds(b16, 16)]
            f1 = f1_v[pl.ds(b16, 16)]
            out_v[pl.ds(b16, 16)] = f0 * c_w0 + f1 * c_w1 + t * c_w2 + c_bfc

    cp0.wait()
    do_half(rows0_v, 0)
    cp1.wait()
    do_half(rows1_v, HALF)

    pltpu.sync_copy(out_v, out_hbm.at[pl.ds(base, BPW)])


def kernel(adj, feats, table, W1, b1, Wfc, bfc):
    wc = jnp.concatenate([W1.reshape(D), b1, Wfc.reshape(3), bfc,
                          jnp.zeros((11,), jnp.float32)])
    ret = _sc_fused(table, adj.astype(jnp.int32), feats.T.reshape(2 * B), wc)
    return ret.reshape(B, 1)

# --- scband reference (transcript-rebuilt; emitter-appended) ---
"""Pipeline reference for scband-adj-emb-6949257085242 (READ-ONLY COPY).

The authoritative reference and input builder live on the scoring server;
editing this copy changes nothing except your own understanding.
"""

import jax, jax.numpy as jnp
import numpy as np

V = 100000      # GloVe vocab size (loaded from file in original)
D = 128         # GloVe embedding dim
B = 16384       # batch of adjective lookups
DENSE1 = 1      # dense1_size global in original
FEAT = 2        # feats size when addTurkerOneHot=False (fc in = dense1_size + 2)


def setup_inputs(seed: int = 0) -> dict:
    key = jax.random.key(seed)
    ks = jax.random.split(key, 6)
    adj = jax.random.randint(ks[0], (B,), 0, V)
    feats = jax.random.normal(ks[1], (B, FEAT), dtype=jnp.float32)
    # frozen GloVe table (embeddings.weight.requires_grad = False; forward reads self.vec)
    table = jax.random.normal(ks[2], (V, D), dtype=jnp.float32) * 0.1
    W1 = jax.random.normal(ks[3], (D, DENSE1), dtype=jnp.float32) * (1.0 / np.sqrt(D))
    b1 = jnp.zeros((DENSE1,), dtype=jnp.float32)
    Wfc = jax.random.normal(ks[4], (DENSE1 + FEAT, 1), dtype=jnp.float32) * (1.0 / np.sqrt(DENSE1 + FEAT))
    bfc = jnp.zeros((1,), dtype=jnp.float32)
    return {"adj": adj, "feats": feats, "table": table, "W1": W1, "b1": b1, "Wfc": Wfc, "bfc": bfc}


def reference(adj, feats, table, W1, b1, Wfc, bfc):
    # emb = self.vec[self.vocab[adj]]  -> embedding gather (memory-bound)
    emb = jnp.take(table, adj, axis=0)                 # [B, D]
    # out = F.tanh(self.linear1(embV))
    out = jnp.tanh(emb @ W1 + b1)                      # [B, 1]
    # feature_squished = torch.cat((feats, out))  (per-example 1-D cat -> batched axis=-1)
    feature_squished = jnp.concatenate([feats, out], axis=-1)  # [B, 3]
    # retValue = self.fc(feature_squished)
    ret = feature_squished @ Wfc + bfc                 # [B, 1]
    return ret

if __name__ == "__main__":
    import jax
    _d = setup_inputs()
    print(jax.jit(kernel)(*tuple(_d.values())))

</pallas_src>

<mosaic_0001>
#map = affine_map<(d0, d1) -> (0, 0)>
#map1 = affine_map<(d0, d1) -> (0)>
module attributes {stable_mosaic.version = 14 : i64} {
  func.func @_sc_fused(%arg0: i32, %arg1: i32, %arg2: memref<100000x128xf32, #tpu.memory_space<hbm>>, %arg3: memref<16384xi32, #tpu.memory_space<hbm>>, %arg4: memref<32768xf32, #tpu.memory_space<hbm>>, %arg5: memref<144xf32, #tpu.memory_space<hbm>>, %arg6: memref<16384xf32, #tpu.memory_space<hbm>>, %arg7: memref<512xi32, #tpu.memory_space<vmem>>, %arg8: memref<256x128xf32, #tpu.memory_space<vmem>>, %arg9: memref<256x128xf32, #tpu.memory_space<vmem>>, %arg10: memref<512xf32, #tpu.memory_space<vmem>>, %arg11: memref<512xf32, #tpu.memory_space<vmem>>, %arg12: memref<144xf32, #tpu.memory_space<vmem>>, %arg13: memref<512xf32, #tpu.memory_space<vmem>>, %arg14: memref<!tpu.dma_semaphore, #tpu.memory_space<semaphore_mem>>, %arg15: memref<!tpu.dma_semaphore, #tpu.memory_space<semaphore_mem>>, %arg16: memref<!tpu.dma_semaphore, #tpu.memory_space<semaphore_mem>>, %arg17: memref<!tpu.dma_semaphore, #tpu.memory_space<semaphore_mem>>, %arg18: memref<!tpu.dma_semaphore, #tpu.memory_space<semaphore_mem>>) attributes {dimension_semantics = [#tpu.dimension_semantics<core_parallel>, #tpu.dimension_semantics<subcore_parallel>], iteration_bounds = array<i64: 2, 16>, scalar_prefetch = 0 : i64, scratch_operands = 12 : i64, tpu.core_type = #tpu.core_type<sc_vector_subcore>, window_params = [{transform_indices = #map}, {transform_indices = #map1}, {transform_indices = #map1}, {transform_indices = #map1}, {transform_indices = #map1}]} {
    %mul3A = arith.constant 2 : i32
    %mul3A_0 = arith.muli %arg1, %mul3A : i32
    %add3A = arith.addi %mul3A_0, %arg0 : i32
    %mul3A_1 = arith.constant 512 : i32
    %mul3A_2 = arith.muli %add3A, %mul3A_1 : i32
    "tpu.region"() ({
      %run_scoped3A = tpu.sem_alloc : memref<!tpu.dma_semaphore, #tpu.memory_space<semaphore_mem>>
      %dma_start3A_155 = tpu.memref_slice %arg3[%mul3A_2] : memref<16384xi32, #tpu.memory_space<hbm>> -> memref<512xi32, #tpu.memory_space<hbm>>
      %dma_start3A_156 = tpu.memref_slice %arg3[%mul3A_2] : memref<16384xi32, #tpu.memory_space<hbm>> -> memref<512xi32, #tpu.memory_space<hbm>>
      tpu.enqueue_dma source(%dma_start3A_156 : memref<512xi32, #tpu.memory_space<hbm>>) target(%arg7 : memref<512xi32, #tpu.memory_space<vmem>>) target_semaphore(%run_scoped3A : memref<!tpu.dma_semaphore, #tpu.memory_space<semaphore_mem>>)
      %dma_wait3A_157 = tpu.memref_slice %arg3[%mul3A_2] : memref<16384xi32, #tpu.memory_space<hbm>> -> memref<512xi32, #tpu.memory_space<hbm>>
      %dma_wait3A_158 = tpu.memref_slice %arg3[%mul3A_2] : memref<16384xi32, #tpu.memory_space<hbm>> -> memref<512xi32, #tpu.memory_space<hbm>>
      tpu.wait_dma2 semaphore(%run_scoped3A : memref<!tpu.dma_semaphore, #tpu.memory_space<semaphore_mem>>) src(%dma_wait3A_158 : memref<512xi32, #tpu.memory_space<hbm>>) dst(%arg7 : memref<512xi32, #tpu.memory_space<vmem>>)
      tpu.yield
    }) : () -> ()
    %dma_start3A = arith.constant 0 : i32
    %dma_start3A_3 = tpu.memref_slice %arg7[%dma_start3A] : memref<512xi32, #tpu.memory_space<vmem>> -> memref<256xi32, #tpu.memory_space<vmem>>
    %dma_start3A_4 = arith.constant 0 : i32
    %dma_start3A_5 = arith.constant 0 : i32
    %dma_start3A_6 = tpu.memref_slice %arg2[%dma_start3A_4, %dma_start3A_5] : memref<100000x128xf32, #tpu.memory_space<hbm>> -> memref<100000x128xf32, #tpu.memory_space<hbm>>
    tpu.enqueue_indirect_dma source(%dma_start3A_6 : memref<100000x128xf32, #tpu.memory_space<hbm>>) target(%arg8 : memref<256x128xf32, #tpu.memory_space<vmem>>) offsets(%dma_start3A_3 : memref<256xi32, #tpu.memory_space<vmem>>) semaphore(%arg14 : memref<!tpu.dma_semaphore, #tpu.memory_space<semaphore_mem>>)
    %dma_start3A_7 = arith.constant 256 : i32
    %dma_start3A_8 = tpu.memref_slice %arg7[%dma_start3A_7] : memref<512xi32, #tpu.memory_space<vmem>> -> memref<256xi32, #tpu.memory_space<vmem>>
    %dma_start3A_9 = arith.constant 0 : i32
    %dma_start3A_10 = arith.constant 0 : i32
    %dma_start3A_11 = tpu.memref_slice %arg2[%dma_start3A_9, %dma_start3A_10] : memref<100000x128xf32, #tpu.memory_space<hbm>> -> memref<100000x128xf32, #tpu.memory_space<hbm>>
    tpu.enqueue_indirect_dma source(%dma_start3A_11 : memref<100000x128xf32, #tpu.memory_space<hbm>>) target(%arg9 : memref<256x128xf32, #tpu.memory_space<vmem>>) offsets(%dma_start3A_8 : memref<256xi32, #tpu.memory_space<vmem>>) semaphore(%arg15 : memref<!tpu.dma_semaphore, #tpu.memory_space<semaphore_mem>>)
    %dma_start3A_12 = tpu.memref_slice %arg4[%mul3A_2] : memref<32768xf32, #tpu.memory_space<hbm>> -> memref<512xf32, #tpu.memory_space<hbm>>
    %dma_start3A_13 = tpu.memref_slice %arg4[%mul3A_2] : memref<32768xf32, #tpu.memory_space<hbm>> -> memref<512xf32, #tpu.memory_space<hbm>>
    tpu.enqueue_dma source(%dma_start3A_13 : memref<512xf32, #tpu.memory_space<hbm>>) target(%arg10 : memref<512xf32, #tpu.memory_space<vmem>>) target_semaphore(%arg16 : memref<!tpu.dma_semaphore, #tpu.memory_space<semaphore_mem>>)
    %add3A_14 = arith.constant 16384 : i32
    %add3A_15 = arith.addi %add3A_14, %mul3A_2 : i32
    %dma_start3A_16 = tpu.memref_slice %arg4[%add3A_15] : memref<32768xf32, #tpu.memory_space<hbm>> -> memref<512xf32, #tpu.memory_space<hbm>>
    %dma_start3A_17 = tpu.memref_slice %arg4[%add3A_15] : memref<32768xf32, #tpu.memory_space<hbm>> -> memref<512xf32, #tpu.memory_space<hbm>>
    tpu.enqueue_dma source(%dma_start3A_17 : memref<512xf32, #tpu.memory_space<hbm>>) target(%arg11 : memref<512xf32, #tpu.memory_space<vmem>>) target_semaphore(%arg17 : memref<!tpu.dma_semaphore, #tpu.memory_space<semaphore_mem>>)
    tpu.enqueue_dma source(%arg5 : memref<144xf32, #tpu.memory_space<hbm>>) target(%arg12 : memref<144xf32, #tpu.memory_space<vmem>>) target_semaphore(%arg18 : memref<!tpu.dma_semaphore, #tpu.memory_space<semaphore_mem>>)
    tpu.wait_dma2 semaphore(%arg18 : memref<!tpu.dma_semaphore, #tpu.memory_space<semaphore_mem>>) src(%arg5 : memref<144xf32, #tpu.memory_space<hbm>>) dst(%arg12 : memref<144xf32, #tpu.memory_space<vmem>>)
    %get3A = arith.constant 0 : index
    %get3A_18 = tpu.vector_load %arg12[%get3A] {strides = array<i32>} : memref<144xf32, #tpu.memory_space<vmem>>, vector<16xf32>,
    %get3A_19 = vector.shape_cast %get3A_18 : vector<16xf32> to vector<16xf32>
    %get3A_20 = arith.constant 16 : index
    %get3A_21 = tpu.vector_load %arg12[%get3A_20] {strides = array<i32>} : memref<144xf32, #tpu.memory_space<vmem>>, vector<16xf32>,
    %get3A_22 = vector.shape_cast %get3A_21 : vector<16xf32> to vector<16xf32>
    %get3A_23 = arith.constant 32 : index
    %get3A_24 = tpu.vector_load %arg12[%get3A_23] {strides = array<i32>} : memref<144xf32, #tpu.memory_space<vmem>>, vector<16xf32>,
    %get3A_25 = vector.shape_cast %get3A_24 : vector<16xf32> to vector<16xf32>
    %get3A_26 = arith.constant 48 : index
    %get3A_27 = tpu.vector_load %arg12[%get3A_26] {strides = array<i32>} : memref<144xf32, #tpu.memory_space<vmem>>, vector<16xf32>,
    %get3A_28 = vector.shape_cast %get3A_27 : vector<16xf32> to vector<16xf32>
    %get3A_29 = arith.constant 64 : index
    %get3A_30 = tpu.vector_load %arg12[%get3A_29] {strides = array<i32>} : memref<144xf32, #tpu.memory_space<vmem>>, vector<16xf32>,
    %get3A_31 = vector.shape_cast %get3A_30 : vector<16xf32> to vector<16xf32>
    %get3A_32 = arith.constant 80 : index
    %get3A_33 = tpu.vector_load %arg12[%get3A_32] {strides = array<i32>} : memref<144xf32, #tpu.memory_space<vmem>>, vector<16xf32>,
    %get3A_34 = vector.shape_cast %get3A_33 : vector<16xf32> to vector<16xf32>
    %get3A_35 = arith.constant 96 : index
    %get3A_36 = tpu.vector_load %arg12[%get3A_35] {strides = array<i32>} : memref<144xf32, #tpu.memory_space<vmem>>, vector<16xf32>,
    %get3A_37 = vector.shape_cast %get3A_36 : vector<16xf32> to vector<16xf32>
    %get3A_38 = arith.constant 112 : index
    %get3A_39 = tpu.vector_load %arg12[%get3A_38] {strides = array<i32>} : memref<144xf32, #tpu.memory_space<vmem>>, vector<16xf32>,
    %get3A_40 = vector.shape_cast %get3A_39 : vector<16xf32> to vector<16xf32>
    %get3A_41 = arith.constant 128 : index
    %get3A_42 = tpu.vector_load %arg12[%get3A_41] {strides = array<i32>} : memref<144xf32, #tpu.memory_space<vmem>>, vector<16xf32>,
    %get3A_43 = vector.shape_cast %get3A_42 : vector<16xf32> to vector<16xf32>
    %iota3A = tpu.iota {dimensions = array<i32: 0>} : vector<16xi32>
    %broadcast_in_dim3A = arith.constant 0 : i32
    %broadcast_in_dim3A_44 = vector.broadcast %broadcast_in_dim3A : i32 to vector<16xi32>
    %lt3A = arith.constant 0 : i32
    %lt3A_45 = vector.broadcast %lt3A : i32 to vector<16xi32>
    %lt3A_46 = arith.cmpi slt, %broadcast_in_dim3A_44, %lt3A_45 : vector<16xi32>
    %add3A_47 = arith.constant 16 : i32
    %add3A_48 = vector.broadcast %add3A_47 : i32 to vector<16xi32>
    %add3A_49 = arith.addi %broadcast_in_dim3A_44, %add3A_48 : vector<16xi32>
    %select_n3A = arith.select %lt3A_46, %add3A_49, %broadcast_in_dim3A_44 : vector<16xi1>, vector<16xi32>
    %broadcast_in_dim3A_50 = vector.shape_cast %select_n3A : vector<16xi32> to vector<16x1xi32>
    %gather3A = vector.shape_cast %broadcast_in_dim3A_50 : vector<16x1xi32> to vector<16xi32>
    %gather3A_51 = tpu.dynamic_gather %get3A_43[%gather3A] in [0] : vector<16xf32>, vector<16xi32> -> vector<16xf32>
    %broadcast_in_dim3A_52 = arith.constant 1 : i32
    %broadcast_in_dim3A_53 = vector.broadcast %broadcast_in_dim3A_52 : i32 to vector<16xi32>
    %lt3A_54 = arith.constant 0 : i32
    %lt3A_55 = vector.broadcast %lt3A_54 : i32 to vector<16xi32>
    %lt3A_56 = arith.cmpi slt, %broadcast_in_dim3A_53, %lt3A_55 : vector<16xi32>
    %add3A_57 = arith.constant 16 : i32
    %add3A_58 = vector.broadcast %add3A_57 : i32 to vector<16xi32>
    %add3A_59 = arith.addi %broadcast_in_dim3A_53, %add3A_58 : vector<16xi32>
    %select_n3A_60 = arith.select %lt3A_56, %add3A_59, %broadcast_in_dim3A_53 : vector<16xi1>, vector<16xi32>
    %broadcast_in_dim3A_61 = vector.shape_cast %select_n3A_60 : vector<16xi32> to vector<16x1xi32>
    %gather3A_62 = vector.shape_cast %broadcast_in_dim3A_61 : vector<16x1xi32> to vector<16xi32>
    %gather3A_63 = tpu.dynamic_gather %get3A_43[%gather3A_62] in [0] : vector<16xf32>, vector<16xi32> -> vector<16xf32>
    %broadcast_in_dim3A_64 = arith.constant 2 : i32
    %broadcast_in_dim3A_65 = vector.broadcast %broadcast_in_dim3A_64 : i32 to vector<16xi32>
    %lt3A_66 = arith.constant 0 : i32
    %lt3A_67 = vector.broadcast %lt3A_66 : i32 to vector<16xi32>
    %lt3A_68 = arith.cmpi slt, %broadcast_in_dim3A_65, %lt3A_67 : vector<16xi32>
    %add3A_69 = arith.constant 16 : i32
    %add3A_70 = vector.broadcast %add3A_69 : i32 to vector<16xi32>
    %add3A_71 = arith.addi %broadcast_in_dim3A_65, %add3A_70 : vector<16xi32>
    %select_n3A_72 = arith.select %lt3A_68, %add3A_71, %broadcast_in_dim3A_65 : vector<16xi1>, vector<16xi32>
    %broadcast_in_dim3A_73 = vector.shape_cast %select_n3A_72 : vector<16xi32> to vector<16x1xi32>
    %gather3A_74 = vector.shape_cast %broadcast_in_dim3A_73 : vector<16x1xi32> to vector<16xi32>
    %gather3A_75 = tpu.dynamic_gather %get3A_43[%gather3A_74] in [0] : vector<16xf32>, vector<16xi32> -> vector<16xf32>
    %broadcast_in_dim3A_76 = arith.constant 3 : i32
    %broadcast_in_dim3A_77 = vector.broadcast %broadcast_in_dim3A_76 : i32 to vector<16xi32>
    %lt3A_78 = arith.constant 0 : i32
    %lt3A_79 = vector.broadcast %lt3A_78 : i32 to vector<16xi32>
    %lt3A_80 = arith.cmpi slt, %broadcast_in_dim3A_77, %lt3A_79 : vector<16xi32>
    %add3A_81 = arith.constant 16 : i32
    %add3A_82 = vector.broadcast %add3A_81 : i32 to vector<16xi32>
    %add3A_83 = arith.addi %broadcast_in_dim3A_77, %add3A_82 : vector<16xi32>
    %select_n3A_84 = arith.select %lt3A_80, %add3A_83, %broadcast_in_dim3A_77 : vector<16xi1>, vector<16xi32>
    %broadcast_in_dim3A_85 = vector.shape_cast %select_n3A_84 : vector<16xi32> to vector<16x1xi32>
    %gather3A_86 = vector.shape_cast %broadcast_in_dim3A_85 : vector<16x1xi32> to vector<16xi32>
    %gather3A_87 = tpu.dynamic_gather %get3A_43[%gather3A_86] in [0] : vector<16xf32>, vector<16xi32> -> vector<16xf32>
    %broadcast_in_dim3A_88 = arith.constant 4 : i32
    %broadcast_in_dim3A_89 = vector.broadcast %broadcast_in_dim3A_88 : i32 to vector<16xi32>
    %lt3A_90 = arith.constant 0 : i32
    %lt3A_91 = vector.broadcast %lt3A_90 : i32 to vector<16xi32>
    %lt3A_92 = arith.cmpi slt, %broadcast_in_dim3A_89, %lt3A_91 : vector<16xi32>
    %add3A_93 = arith.constant 16 : i32
    %add3A_94 = vector.broadcast %add3A_93 : i32 to vector<16xi32>
    %add3A_95 = arith.addi %broadcast_in_dim3A_89, %add3A_94 : vector<16xi32>
    %select_n3A_96 = arith.select %lt3A_92, %add3A_95, %broadcast_in_dim3A_89 : vector<16xi1>, vector<16xi32>
    %broadcast_in_dim3A_97 = vector.shape_cast %select_n3A_96 : vector<16xi32> to vector<16x1xi32>
    %gather3A_98 = vector.shape_cast %broadcast_in_dim3A_97 : vector<16x1xi32> to vector<16xi32>
    %gather3A_99 = tpu.dynamic_gather %get3A_43[%gather3A_98] in [0] : vector<16xf32>, vector<16xi32> -> vector<16xf32>
    %broadcast_in_dim3A_100 = arith.constant 1.000000e+00 : f32
    %broadcast_in_dim3A_101 = vector.broadcast %broadcast_in_dim3A_100 : f32 to vector<16xf32>
    %broadcast_in_dim3A_102 = arith.constant 2.000000e+00 : f32
    %broadcast_in_dim3A_103 = vector.broadcast %broadcast_in_dim3A_102 : f32 to vector<16xf32>
    %and3A = arith.constant 8 : i32
    %and3A_104 = vector.broadcast %and3A : i32 to vector<16xi32>
    %and3A_105 = arith.andi %iota3A, %and3A_104 : vector<16xi32>
    %eq3A = arith.constant 0 : i32
    %eq3A_106 = vector.broadcast %eq3A : i32 to vector<16xi32>
    %eq3A_107 = arith.cmpi eq, %and3A_105, %eq3A_106 : vector<16xi32>
    %xor3A = arith.constant 8 : i32
    %xor3A_108 = vector.broadcast %xor3A : i32 to vector<16xi32>
    %xor3A_109 = arith.xori %iota3A, %xor3A_108 : vector<16xi32>
    %and3A_110 = arith.constant 4 : i32
    %and3A_111 = vector.broadcast %and3A_110 : i32 to vector<16xi32>
    %and3A_112 = arith.andi %iota3A, %and3A_111 : vector<16xi32>
    %eq3A_113 = arith.constant 0 : i32
    %eq3A_114 = vector.broadcast %eq3A_113 : i32 to vector<16xi32>
    %eq3A_115 = arith.cmpi eq, %and3A_112, %eq3A_114 : vector<16xi32>
    %xor3A_116 = arith.constant 4 : i32
    %xor3A_117 = vector.broadcast %xor3A_116 : i32 to vector<16xi32>
    %xor3A_118 = arith.xori %iota3A, %xor3A_117 : vector<16xi32>
    %and3A_119 = arith.constant 2 : i32
    %and3A_120 = vector.broadcast %and3A_119 : i32 to vector<16xi32>
    %and3A_121 = arith.andi %iota3A, %and3A_120 : vector<16xi32>
    %eq3A_122 = arith.constant 0 : i32
    %eq3A_123 = vector.broadcast %eq3A_122 : i32 to vector<16xi32>
    %eq3A_124 = arith.cmpi eq, %and3A_121, %eq3A_123 : vector<16xi32>
    %xor3A_125 = arith.constant 2 : i32
    %xor3A_126 = vector.broadcast %xor3A_125 : i32 to vector<16xi32>
    %xor3A_127 = arith.xori %iota3A, %xor3A_126 : vector<16xi32>
    %and3A_128 = arith.constant 1 : i32
    %and3A_129 = vector.broadcast %and3A_128 : i32 to vector<16xi32>
    %and3A_130 = arith.andi %iota3A, %and3A_129 : vector<16xi32>
    %eq3A_131 = arith.constant 0 : i32
    %eq3A_132 = vector.broadcast %eq3A_131 : i32 to vector<16xi32>
    %eq3A_133 = arith.cmpi eq, %and3A_130, %eq3A_132 : vector<16xi32>
    %xor3A_134 = arith.constant 1 : i32
    %xor3A_135 = vector.broadcast %xor3A_134 : i32 to vector<16xi32>
    %xor3A_136 = arith.xori %iota3A, %xor3A_135 : vector<16xi32>
    %dma_wait3A = tpu.memref_slice %arg4[%mul3A_2] : memref<32768xf32, #tpu.memory_space<hbm>> -> memref<512xf32, #tpu.memory_space<hbm>>
    %dma_wait3A_137 = tpu.memref_slice %arg4[%mul3A_2] : memref<32768xf32, #tpu.memory_space<hbm>> -> memref<512xf32, #tpu.memory_space<hbm>>
    tpu.wait_dma2 semaphore(%arg16 : memref<!tpu.dma_semaphore, #tpu.memory_space<semaphore_mem>>) src(%dma_wait3A_137 : memref<512xf32, #tpu.memory_space<hbm>>) dst(%arg10 : memref<512xf32, #tpu.memory_space<vmem>>)
    %dma_wait3A_138 = tpu.memref_slice %arg4[%add3A_15] : memref<32768xf32, #tpu.memory_space<hbm>> -> memref<512xf32, #tpu.memory_space<hbm>>
    %dma_wait3A_139 = tpu.memref_slice %arg4[%add3A_15] : memref<32768xf32, #tpu.memory_space<hbm>> -> memref<512xf32, #tpu.memory_space<hbm>>
    tpu.wait_dma2 semaphore(%arg17 : memref<!tpu.dma_semaphore, #tpu.memory_space<semaphore_mem>>) src(%dma_wait3A_139 : memref<512xf32, #tpu.memory_space<hbm>>) dst(%arg11 : memref<512xf32, #tpu.memory_space<vmem>>)
    %dma_wait3A_140 = arith.constant 0 : i32
    %dma_wait3A_141 = tpu.memref_slice %arg7[%dma_wait3A_140] : memref<512xi32, #tpu.memory_space<vmem>> -> memref<256xi32, #tpu.memory_space<vmem>>
    %dma_wait3A_142 = arith.constant 0 : i32
    %dma_wait3A_143 = arith.constant 0 : i32
    %dma_wait3A_144 = tpu.memref_slice %arg2[%dma_wait3A_142, %dma_wait3A_143] : memref<100000x128xf32, #tpu.memory_space<hbm>> -> memref<100000x128xf32, #tpu.memory_space<hbm>>
    tpu.wait_indirect_dma semaphore(%arg14 : memref<!tpu.dma_semaphore, #tpu.memory_space<semaphore_mem>>) src(%dma_wait3A_144 : memref<100000x128xf32, #tpu.memory_space<hbm>>) dst(%arg8 : memref<256x128xf32, #tpu.memory_space<vmem>>)
    %parallel_loop3A = arith.constant 0 : i32
    %parallel_loop3A_145 = arith.constant 16 : i32
    %parallel_loop3A_146 = arith.constant 1 : i32
    scf.for %parallel_loop3A_155 = %parallel_loop3A to %parallel_loop3A_145 step %parallel_loop3A_146  : i32 {
      %parallel_loop3A_156 = arith.constant 16 : i32
      %parallel_loop3A_157 = arith.muli %parallel_loop3A_156, %parallel_loop3A_155 : i32
      %parallel_loop3A_158 = arith.constant 0 : i32
      %parallel_loop3A_159 = arith.addi %parallel_loop3A_157, %parallel_loop3A_158 : i32
      %parallel_loop3A_160 = arith.index_cast %parallel_loop3A_159 : i32 to index
      %parallel_loop3A_161 = arith.constant 0 : index
      %parallel_loop3A_162 = tpu.vector_load %arg8[%parallel_loop3A_160, %parallel_loop3A_161] {strides = array<i32>} : memref<256x128xf32, #tpu.memory_space<vmem>>, vector<1x16xf32>,
      %parallel_loop3A_163 = vector.shape_cast %parallel_loop3A_162 : vector<1x16xf32> to vector<16xf32>
      %parallel_loop3A_164 = arith.mulf %parallel_loop3A_163, %get3A_19 : vector<16xf32>
      %parallel_loop3A_165 = arith.index_cast %parallel_loop3A_159 : i32 to index
      %parallel_loop3A_166 = arith.constant 16 : index
      %parallel_loop3A_167 = tpu.vector_load %arg8[%parallel_loop3A_165, %parallel_loop3A_166] {strides = array<i32>} : memref<256x128xf32, #tpu.memory_space<vmem>>, vector<1x16xf32>,
      %parallel_loop3A_168 = vector.shape_cast %parallel_loop3A_167 : vector<1x16xf32> to vector<16xf32>
      %parallel_loop3A_169 = arith.mulf %parallel_loop3A_168, %get3A_22 : vector<16xf32>
      %parallel_loop3A_170 = arith.index_cast %parallel_loop3A_159 : i32 to index
      %parallel_loop3A_171 = arith.constant 32 : index
      %parallel_loop3A_172 = tpu.vector_load %arg8[%parallel_loop3A_170, %parallel_loop3A_171] {strides = array<i32>} : memref<256x128xf32, #tpu.memory_space<vmem>>, vector<1x16xf32>,
      %parallel_loop3A_173 = vector.shape_cast %parallel_loop3A_172 : vector<1x16xf32> to vector<16xf32>
      %parallel_loop3A_174 = arith.mulf %parallel_loop3A_173, %get3A_25 : vector<16xf32>
      %parallel_loop3A_175 = arith.addf %parallel_loop3A_164, %parallel_loop3A_174 : vector<16xf32>
      %parallel_loop3A_176 = arith.index_cast %parallel_loop3A_159 : i32 to index
      %parallel_loop3A_177 = arith.constant 48 : index
      %parallel_loop3A_178 = tpu.vector_load %arg8[%parallel_loop3A_176, %parallel_loop3A_177] {strides = array<i32>} : memref<256x128xf32, #tpu.memory_space<vmem>>, vector<1x16xf32>,
      %parallel_loop3A_179 = vector.shape_cast %parallel_loop3A_178 : vector<1x16xf32> to vector<16xf32>
      %parallel_loop3A_180 = arith.mulf %parallel_loop3A_179, %get3A_28 : vector<16xf32>
      %parallel_loop3A_181 = arith.addf %parallel_loop3A_169, %parallel_loop3A_180 : vector<16xf32>
      %parallel_loop3A_182 = arith.index_cast %parallel_loop3A_159 : i32 to index
      %parallel_loop3A_183 = arith.constant 64 : index
      %parallel_loop3A_184 = tpu.vector_load %arg8[%parallel_loop3A_182, %parallel_loop3A_183] {strides = array<i32>} : memref<256x128xf32, #tpu.memory_space<vmem>>, vector<1x16xf32>,
      %parallel_loop3A_185 = vector.shape_cast %parallel_loop3A_184 : vector<1x16xf32> to vector<16xf32>
      %parallel_loop3A_186 = arith.mulf %parallel_loop3A_185, %get3A_31 : vector<16xf32>
      %parallel_loop3A_187 = arith.addf %parallel_loop3A_175, %parallel_loop3A_186 : vector<16xf32>
      %parallel_loop3A_188 = arith.index_cast %parallel_loop3A_159 : i32 to index
      %parallel_loop3A_189 = arith.constant 80 : index
      %parallel_loop3A_190 = tpu.vector_load %arg8[%parallel_loop3A_188, %parallel_loop3A_189] {strides = array<i32>} : memref<256x128xf32, #tpu.memory_space<vmem>>, vector<1x16xf32>,
      %parallel_loop3A_191 = vector.shape_cast %parallel_loop3A_190 : vector<1x16xf32> to vector<16xf32>
      %parallel_loop3A_192 = arith.mulf %parallel_loop3A_191, %get3A_34 : vector<16xf32>
      %parallel_loop3A_193 = arith.addf %parallel_loop3A_181, %parallel_loop3A_192 : vector<16xf32>
      %parallel_loop3A_194 = arith.index_cast %parallel_loop3A_159 : i32 to index
      %parallel_loop3A_195 = arith.constant 96 : index
      %parallel_loop3A_196 = tpu.vector_load %arg8[%parallel_loop3A_194, %parallel_loop3A_195] {strides = array<i32>} : memref<256x128xf32, #tpu.memory_space<vmem>>, vector<1x16xf32>,
      %parallel_loop3A_197 = vector.shape_cast %parallel_loop3A_196 : vector<1x16xf32> to vector<16xf32>
      %parallel_loop3A_198 = arith.mulf %parallel_loop3A_197, %get3A_37 : vector<16xf32>
      %parallel_loop3A_199 = arith.addf %parallel_loop3A_187, %parallel_loop3A_198 : vector<16xf32>
      %parallel_loop3A_200 = arith.index_cast %parallel_loop3A_159 : i32 to index
      %parallel_loop3A_201 = arith.constant 112 : index
      %parallel_loop3A_202 = tpu.vector_load %arg8[%parallel_loop3A_200, %parallel_loop3A_201] {strides = array<i32>} : memref<256x128xf32, #tpu.memory_space<vmem>>, vector<1x16xf32>,
      %parallel_loop3A_203 = vector.shape_cast %parallel_loop3A_202 : vector<1x16xf32> to vector<16xf32>
      %parallel_loop3A_204 = arith.mulf %parallel_loop3A_203, %get3A_40 : vector<16xf32>
      %parallel_loop3A_205 = arith.addf %parallel_loop3A_193, %parallel_loop3A_204 : vector<16xf32>
      %parallel_loop3A_206 = arith.addf %parallel_loop3A_199, %parallel_loop3A_205 : vector<16xf32>
      %parallel_loop3A_207 = arith.constant 16 : i32
      %parallel_loop3A_208 = arith.muli %parallel_loop3A_207, %parallel_loop3A_155 : i32
      %parallel_loop3A_209 = arith.constant 1 : i32
      %parallel_loop3A_210 = arith.addi %parallel_loop3A_208, %parallel_loop3A_209 : i32
      %parallel_loop3A_211 = arith.index_cast %parallel_loop3A_210 : i32 to index
      %parallel_loop3A_212 = arith.constant 0 : index
      %parallel_loop3A_213 = tpu.vector_load %arg8[%parallel_loop3A_211, %parallel_loop3A_212] {strides = array<i32>} : memref<256x128xf32, #tpu.memory_space<vmem>>, vector<1x16xf32>,
      %parallel_loop3A_214 = vector.shape_cast %parallel_loop3A_213 : vector<1x16xf32> to vector<16xf32>
      %parallel_loop3A_215 = arith.mulf %parallel_loop3A_214, %get3A_19 : vector<16xf32>
      %parallel_loop3A_216 = arith.index_cast %parallel_loop3A_210 : i32 to index
      %parallel_loop3A_217 = arith.constant 16 : index
      %parallel_loop3A_218 = tpu.vector_load %arg8[%parallel_loop3A_216, %parallel_loop3A_217] {strides = array<i32>} : memref<256x128xf32, #tpu.memory_space<vmem>>, vector<1x16xf32>,
      %parallel_loop3A_219 = vector.shape_cast %parallel_loop3A_218 : vector<1x16xf32> to vector<16xf32>
      %parallel_loop3A_220 = arith.mulf %parallel_loop3A_219, %get3A_22 : vector<16xf32>
      %parallel_loop3A_221 = arith.index_cast %parallel_loop3A_210 : i32 to index
      %parallel_loop3A_222 = arith.constant 32 : index
      %parallel_loop3A_223 = tpu.vector_load %arg8[%parallel_loop3A_221, %parallel_loop3A_222] {strides = array<i32>} : memref<256x128xf32, #tpu.memory_space<vmem>>, vector<1x16xf32>,
      %parallel_loop3A_224 = vector.shape_cast %parallel_loop3A_223 : vector<1x16xf32> to vector<16xf32>
      %parallel_loop3A_225 = arith.mulf %parallel_loop3A_224, %get3A_25 : vector<16xf32>
      %parallel_loop3A_226 = arith.addf %parallel_loop3A_215, %parallel_loop3A_225 : vector<16xf32>
      %parallel_loop3A_227 = arith.index_cast %parallel_loop3A_210 : i32 to index
      %parallel_loop3A_228 = arith.constant 48 : index
      %parallel_loop3A_229 = tpu.vector_load %arg8[%parallel_loop3A_227, %parallel_loop3A_228] {strides = array<i32>} : memref<256x128xf32, #tpu.memory_space<vmem>>, vector<1x16xf32>,
      %parallel_loop3A_230 = vector.shape_cast %parallel_loop3A_229 : vector<1x16xf32> to vector<16xf32>
      %parallel_loop3A_231 = arith.mulf %parallel_loop3A_230, %get3A_28 : vector<16xf32>
      %parallel_loop3A_232 = arith.addf %parallel_loop3A_220, %parallel_loop3A_231 : vector<16xf32>
      %parallel_loop3A_233 = arith.index_cast %parallel_loop3A_210 : i32 to index
      %parallel_loop3A_234 = arith.constant 64 : index
      %parallel_loop3A_235 = tpu.vector_load %arg8[%parallel_loop3A_233, %parallel_loop3A_234] {strides = array<i32>} : memref<256x128xf32, #tpu.memory_space<vmem>>, vector<1x16xf32>,
      %parallel_loop3A_236 = vector.shape_cast %parallel_loop3A_235 : vector<1x16xf32> to vector<16xf32>
      %parallel_loop3A_237 = arith.mulf %parallel_loop3A_236, %get3A_31 : vector<16xf32>
      %parallel_loop3A_238 = arith.addf %parallel_loop3A_226, %parallel_loop3A_237 : vector<16xf32>
      %parallel_loop3A_239 = arith.index_cast %parallel_loop3A_210 : i32 to index
      %parallel_loop3A_240 = arith.constant 80 : index
      %parallel_loop3A_241 = tpu.vector_load %arg8[%parallel_loop3A_239, %parallel_loop3A_240] {strides = array<i32>} : memref<256x128xf32, #tpu.memory_space<vmem>>, vector<1x16xf32>,
      %parallel_loop3A_242 = vector.shape_cast %parallel_loop3A_241 : vector<1x16xf32> to vector<16xf32>
      %parallel_loop3A_243 = arith.mulf %parallel_loop3A_242, %get3A_34 : vector<16xf32>
      %parallel_loop3A_244 = arith.addf %parallel_loop3A_232, %parallel_loop3A_243 : vector<16xf32>
      %parallel_loop3A_245 = arith.index_cast %parallel_loop3A_210 : i32 to index
      %parallel_loop3A_246 = arith.constant 96 : index
      %parallel_loop3A_247 = tpu.vector_load %arg8[%parallel_loop3A_245, %parallel_loop3A_246] {strides = array<i32>} : memref<256x128xf32, #tpu.memory_space<vmem>>, vector<1x16xf32>,
      %parallel_loop3A_248 = vector.shape_cast %parallel_loop3A_247 : vector<1x16xf32> to vector<16xf32>
      %parallel_loop3A_249 = arith.mulf %parallel_loop3A_248, %get3A_37 : vector<16xf32>
      %parallel_loop3A_250 = arith.addf %parallel_loop3A_238, %parallel_loop3A_249 : vector<16xf32>
      %parallel_loop3A_251 = arith.index_cast %parallel_loop3A_210 : i32 to index
      %parallel_loop3A_252 = arith.constant 112 : index
      %parallel_loop3A_253 = tpu.vector_load %arg8[%parallel_loop3A_251, %parallel_loop3A_252] {strides = array<i32>} : memref<256x128xf32, #tpu.memory_space<vmem>>, vector<1x16xf32>,
      %parallel_loop3A_254 = vector.shape_cast %parallel_loop3A_253 : vector<1x16xf32> to vector<16xf32>
      %parallel_loop3A_255 = arith.mulf %parallel_loop3A_254, %get3A_40 : vector<16xf32>
      %parallel_loop3A_256 = arith.addf %parallel_loop3A_244, %parallel_loop3A_255 : vector<16xf32>
      %parallel_loop3A_257 = arith.addf %parallel_loop3A_250, %parallel_loop3A_256 : vector<16xf32>
      %parallel_loop3A_258 = arith.constant 16 : i32
      %parallel_loop3A_259 = arith.muli %parallel_loop3A_258, %parallel_loop3A_155 : i32
      %parallel_loop3A_260 = arith.constant 2 : i32
      %parallel_loop3A_261 = arith.addi %parallel_loop3A_259, %parallel_loop3A_260 : i32
      %parallel_loop3A_262 = arith.index_cast %parallel_loop3A_261 : i32 to index
      %parallel_loop3A_263 = arith.constant 0 : index
      %parallel_loop3A_264 = tpu.vector_load %arg8[%parallel_loop3A_262, %parallel_loop3A_263] {strides = array<i32>} : memref<256x128xf32, #tpu.memory_space<vmem>>, vector<1x16xf32>,
      %parallel_loop3A_265 = vector.shape_cast %parallel_loop3A_264 : vector<1x16xf32> to vector<16xf32>
      %parallel_loop3A_266 = arith.mulf %parallel_loop3A_265, %get3A_19 : vector<16xf32>
      %parallel_loop3A_267 = arith.index_cast %parallel_loop3A_261 : i32 to index
      %parallel_loop3A_268 = arith.constant 16 : index
      %parallel_loop3A_269 = tpu.vector_load %arg8[%parallel_loop3A_267, %parallel_loop3A_268] {strides = array<i32>} : memref<256x128xf32, #tpu.memory_space<vmem>>, vector<1x16xf32>,
      %parallel_loop3A_270 = vector.shape_cast %parallel_loop3A_269 : vector<1x16xf32> to vector<16xf32>
      %parallel_loop3A_271 = arith.mulf %parallel_loop3A_270, %get3A_22 : vector<16xf32>
      %parallel_loop3A_272 = arith.index_cast %parallel_loop3A_261 : i32 to index
      %parallel_loop3A_273 = arith.constant 32 : index
      %parallel_loop3A_274 = tpu.vector_load %arg8[%parallel_loop3A_272, %parallel_loop3A_273] {strides = array<i32>} : memref<256x128xf32, #tpu.memory_space<vmem>>, vector<1x16xf32>,
      %parallel_loop3A_275 = vector.shape_cast %parallel_loop3A_274 : vector<1x16xf32> to vector<16xf32>
      %parallel_loop3A_276 = arith.mulf %parallel_loop3A_275, %get3A_25 : vector<16xf32>
      %parallel_loop3A_277 = arith.addf %parallel_loop3A_266, %parallel_loop3A_276 : vector<16xf32>
      %parallel_loop3A_278 = arith.index_cast %parallel_loop3A_261 : i32 to index
      %parallel_loop3A_279 = arith.constant 48 : index
      %parallel_loop3A_280 = tpu.vector_load %arg8[%parallel_loop3A_278, %parallel_loop3A_279] {strides = array<i32>} : memref<256x128xf32, #tpu.memory_space<vmem>>, vector<1x16xf32>,
      %parallel_loop3A_281 = vector.shape_cast %parallel_loop3A_280 : vector<1x16xf32> to vector<16xf32>
      %parallel_loop3A_282 = arith.mulf %parallel_loop3A_281, %get3A_28 : vector<16xf32>
      %parallel_loop3A_283 = arith.addf %parallel_loop3A_271, %parallel_loop3A_282 : vector<16xf32>
      %parallel_loop3A_284 = arith.index_cast %parallel_loop3A_261 : i32 to index
      %parallel_loop3A_285 = arith.constant 64 : index
      %parallel_loop3A_286 = tpu.vector_load %arg8[%parallel_loop3A_284, %parallel_loop3A_285] {strides = array<i32>} : memref<256x128xf32, #tpu.memory_space<vmem>>, vector<1x16xf32>,
      %parallel_loop3A_287 = vector.shape_cast %parallel_loop3A_286 : vector<1x16xf32> to vector<16xf32>
      %parallel_loop3A_288 = arith.mulf %parallel_loop3A_287, %get3A_31 : vector<16xf32>
      %parallel_loop3A_289 = arith.addf %parallel_loop3A_277, %parallel_loop3A_288 : vector<16xf32>
      %parallel_loop3A_290 = arith.index_cast %parallel_loop3A_261 : i32 to index
      %parallel_loop3A_291 = arith.constant 80 : index
      %parallel_loop3A_292 = tpu.vector_load %arg8[%parallel_loop3A_290, %parallel_loop3A_291] {strides = array<i32>} : memref<256x128xf32, #tpu.memory_space<vmem>>, vector<1x16xf32>,
      %parallel_loop3A_293 = vector.shape_cast %parallel_loop3A_292 : vector<1x16xf32> to vector<16xf32>
      %parallel_loop3A_294 = arith.mulf %parallel_loop3A_293, %get3A_34 : vector<16xf32>
      %parallel_loop3A_295 = arith.addf %parallel_loop3A_283, %parallel_loop3A_294 : vector<16xf32>
      %parallel_loop3A_296 = arith.index_cast %parallel_loop3A_261 : i32 to index
      %parallel_loop3A_297 = arith.constant 96 : index
      %parallel_loop3A_298 = tpu.vector_load %arg8[%parallel_loop3A_296, %parallel_loop3A_297] {strides = array<i32>} : memref<256x128xf32, #tpu.memory_space<vmem>>, vector<1x16xf32>,
      %parallel_loop3A_299 = vector.shape_cast %parallel_loop3A_298 : vector<1x16xf32> to vector<16xf32>
      %parallel_loop3A_300 = arith.mulf %parallel_loop3A_299, %get3A_37 : vector<16xf32>
      %parallel_loop3A_301 = arith.addf %parallel_loop3A_289, %parallel_loop3A_300 : vector<16xf32>
      %parallel_loop3A_302 = arith.index_cast %parallel_loop3A_261 : i32 to index
      %parallel_loop3A_303 = arith.constant 112 : index
      %parallel_loop3A_304 = tpu.vector_load %arg8[%parallel_loop3A_302, %parallel_loop3A_303] {strides = array<i32>} : memref<256x128xf32, #tpu.memory_space<vmem>>, vector<1x16xf32>,
      %parallel_loop3A_305 = vector.shape_cast %parallel_loop3A_304 : vector<1x16xf32> to vector<16xf32>
      %parallel_loop3A_306 = arith.mulf %parallel_loop3A_305, %get3A_40 : vector<16xf32>
      %parallel_loop3A_307 = arith.addf %parallel_loop3A_295, %parallel_loop3A_306 : vector<16xf32>
      %parallel_loop3A_308 = arith.addf %parallel_loop3A_301, %parallel_loop3A_307 : vector<16xf32>
      %parallel_loop3A_309 = arith.constant 16 : i32
      %parallel_loop3A_310 = arith.muli %parallel_loop3A_309, %parallel_loop3A_155 : i32
      %parallel_loop3A_311 = arith.constant 3 : i32
      %parallel_loop3A_312 = arith.addi %parallel_loop3A_310, %parallel_loop3A_311 : i32
      %parallel_loop3A_313 = arith.index_cast %parallel_loop3A_312 : i32 to index
      %parallel_loop3A_314 = arith.constant 0 : index
      %parallel_loop3A_315 = tpu.vector_load %arg8[%parallel_loop3A_313, %parallel_loop3A_314] {strides = array<i32>} : memref<256x128xf32, #tpu.memory_space<vmem>>, vector<1x16xf32>,
      %parallel_loop3A_316 = vector.shape_cast %parallel_loop3A_315 : vector<1x16xf32> to vector<16xf32>
      %parallel_loop3A_317 = arith.mulf %parallel_loop3A_316, %get3A_19 : vector<16xf32>
      %parallel_loop3A_318 = arith.index_cast %parallel_loop3A_312 : i32 to index
      %parallel_loop3A_319 = arith.constant 16 : index
      %parallel_loop3A_320 = tpu.vector_load %arg8[%parallel_loop3A_318, %parallel_loop3A_319] {strides = array<i32>} : memref<256x128xf32, #tpu.memory_space<vmem>>, vector<1x16xf32>,
      %parallel_loop3A_321 = vector.shape_cast %parallel_loop3A_320 : vector<1x16xf32> to vector<16xf32>
      %parallel_loop3A_322 = arith.mulf %parallel_loop3A_321, %get3A_22 : vector<16xf32>
      %parallel_loop3A_323 = arith.index_cast %parallel_loop3A_312 : i32 to index
      %parallel_loop3A_324 = arith.constant 32 : index
      %parallel_loop3A_325 = tpu.vector_load %arg8[%parallel_loop3A_323, %parallel_loop3A_324] {strides = array<i32>} : memref<256x128xf32, #tpu.memory_space<vmem>>, vector<1x16xf32>,
      %parallel_loop3A_326 = vector.shape_cast %parallel_loop3A_325 : vector<1x16xf32> to vector<16xf32>
      %parallel_loop3A_327 = arith.mulf %parallel_loop3A_326, %get3A_25 : vector<16xf32>
      %parallel_loop3A_328 = arith.addf %parallel_loop3A_317, %parallel_loop3A_327 : vector<16xf32>
      %parallel_loop3A_329 = arith.index_cast %parallel_loop3A_312 : i32 to index
      %parallel_loop3A_330 = arith.constant 48 : index
      %parallel_loop3A_331 = tpu.vector_load %arg8[%parallel_loop3A_329, %parallel_loop3A_330] {strides = array<i32>} : memref<256x128xf32, #tpu.memory_space<vmem>>, vector<1x16xf32>,
      %parallel_loop3A_332 = vector.shape_cast %parallel_loop3A_331 : vector<1x16xf32> to vector<16xf32>
      %parallel_loop3A_333 = arith.mulf %parallel_loop3A_332, %get3A_28 : vector<16xf32>
      %parallel_loop3A_334 = arith.addf %parallel_loop3A_322, %parallel_loop3A_333 : vector<16xf32>
      %parallel_loop3A_335 = arith.index_cast %parallel_loop3A_312 : i32 to index
      %parallel_loop3A_336 = arith.constant 64 : index
      %parallel_loop3A_337 = tpu.vector_load %arg8[%parallel_loop3A_335, %parallel_loop3A_336] {strides = array<i32>} : memref<256x128xf32, #tpu.memory_space<vmem>>, vector<1x16xf32>,
      %parallel_loop3A_338 = vector.shape_cast %parallel_loop3A_337 : vector<1x16xf32> to vector<16xf32>
      %parallel_loop3A_339 = arith.mulf %parallel_loop3A_338, %get3A_31 : vector<16xf32>
      %parallel_loop3A_340 = arith.addf %parallel_loop3A_328, %parallel_loop3A_339 : vector<16xf32>
      %parallel_loop3A_341 = arith.index_cast %parallel_loop3A_312 : i32 to index
      %parallel_loop3A_342 = arith.constant 80 : index
      %parallel_loop3A_343 = tpu.vector_load %arg8[%parallel_loop3A_341, %parallel_loop3A_342] {strides = array<i32>} : memref<256x128xf32, #tpu.memory_space<vmem>>, vector<1x16xf32>,
      %parallel_loop3A_344 = vector.shape_cast %parallel_loop3A_343 : vector<1x16xf32> to vector<16xf32>
      %parallel_loop3A_345 = arith.mulf %parallel_loop3A_344, %get3A_34 : vector<16xf32>
      %parallel_loop3A_346 = arith.addf %parallel_loop3A_334, %parallel_loop3A_345 : vector<16xf32>
      %parallel_loop3A_347 = arith.index_cast %parallel_loop3A_312 : i32 to index
      %parallel_loop3A_348 = arith.constant 96 : index
      %parallel_loop3A_349 = tpu.vector_load %arg8[%parallel_loop3A_347, %parallel_loop3A_348] {strides = array<i32>} : memref<256x128xf32, #tpu.memory_space<vmem>>, vector<1x16xf32>,
      %parallel_loop3A_350 = vector.shape_cast %parallel_loop3A_349 : vector<1x16xf32> to vector<16xf32>
      %parallel_loop3A_351 = arith.mulf %parallel_loop3A_350, %get3A_37 : vector<16xf32>
      %parallel_loop3A_352 = arith.addf %parallel_loop3A_340, %parallel_loop3A_351 : vector<16xf32>
      %parallel_loop3A_353 = arith.index_cast %parallel_loop3A_312 : i32 to index
      %parallel_loop3A_354 = arith.constant 112 : index
      %parallel_loop3A_355 = tpu.vector_load %arg8[%parallel_loop3A_353, %parallel_loop3A_354] {strides = array<i32>} : memref<256x128xf32, #tpu.memory_space<vmem>>, vector<1x16xf32>,
      %parallel_loop3A_356 = vector.shape_cast %parallel_loop3A_355 : vector<1x16xf32> to vector<16xf32>
      %parallel_loop3A_357 = arith.mulf %parallel_loop3A_356, %get3A_40 : vector<16xf32>
      %parallel_loop3A_358 = arith.addf %parallel_loop3A_346, %parallel_loop3A_357 : vector<16xf32>
      %parallel_loop3A_359 = arith.addf %parallel_loop3A_352, %parallel_loop3A_358 : vector<16xf32>
      %parallel_loop3A_360 = arith.constant 16 : i32
      %parallel_loop3A_361 = arith.muli %parallel_loop3A_360, %parallel_loop3A_155 : i32
      %parallel_loop3A_362 = arith.constant 4 : i32
      %parallel_loop3A_363 = arith.addi %parallel_loop3A_361, %parallel_loop3A_362 : i32
      %parallel_loop3A_364 = arith.index_cast %parallel_loop3A_363 : i32 to index
      %parallel_loop3A_365 = arith.constant 0 : index
      %parallel_loop3A_366 = tpu.vector_load %arg8[%parallel_loop3A_364, %parallel_loop3A_365] {strides = array<i32>} : memref<256x128xf32, #tpu.memory_space<vmem>>, vector<1x16xf32>,
      %parallel_loop3A_367 = vector.shape_cast %parallel_loop3A_366 : vector<1x16xf32> to vector<16xf32>
      %parallel_loop3A_368 = arith.mulf %parallel_loop3A_367, %get3A_19 : vector<16xf32>
      %parallel_loop3A_369 = arith.index_cast %parallel_loop3A_363 : i32 to index
      %parallel_loop3A_370 = arith.constant 16 : index
      %parallel_loop3A_371 = tpu.vector_load %arg8[%parallel_loop3A_369, %parallel_loop3A_370] {strides = array<i32>} : memref<256x128xf32, #tpu.memory_space<vmem>>, vector<1x16xf32>,
      %parallel_loop3A_372 = vector.shape_cast %parallel_loop3A_371 : vector<1x16xf32> to vector<16xf32>
      %parallel_loop3A_373 = arith.mulf %parallel_loop3A_372, %get3A_22 : vector<16xf32>
      %parallel_loop3A_374 = arith.index_cast %parallel_loop3A_363 : i32 to index
      %parallel_loop3A_375 = arith.constant 32 : index
      %parallel_loop3A_376 = tpu.vector_load %arg8[%parallel_loop3A_374, %parallel_loop3A_375] {strides = array<i32>} : memref<256x128xf32, #tpu.memory_space<vmem>>, vector<1x16xf32>,
      %parallel_loop3A_377 = vector.shape_cast %parallel_loop3A_376 : vector<1x16xf32> to vector<16xf32>
      %parallel_loop3A_378 = arith.mulf %parallel_loop3A_377, %get3A_25 : vector<16xf32>
      %parallel_loop3A_379 = arith.addf %parallel_loop3A_368, %parallel_loop3A_378 : vector<16xf32>
      %parallel_loop3A_380 = arith.index_cast %parallel_loop3A_363 : i32 to index
      %parallel_loop3A_381 = arith.constant 48 : index
      %parallel_loop3A_382 = tpu.vector_load %arg8[%parallel_loop3A_380, %parallel_loop3A_381] {strides = array<i32>} : memref<256x128xf32, #tpu.memory_space<vmem>>, vector<1x16xf32>,
      %parallel_loop3A_383 = vector.shape_cast %parallel_loop3A_382 : vector<1x16xf32> to vector<16xf32>
      %parallel_loop3A_384 = arith.mulf %parallel_loop3A_383, %get3A_28 : vector<16xf32>
      %parallel_loop3A_385 = arith.addf %parallel_loop3A_373, %parallel_loop3A_384 : vector<16xf32>
      %parallel_loop3A_386 = arith.index_cast %parallel_loop3A_363 : i32 to index
      %parallel_loop3A_387 = arith.constant 64 : index
      %parallel_loop3A_388 = tpu.vector_load %arg8[%parallel_loop3A_386, %parallel_loop3A_387] {strides = array<i32>} : memref<256x128xf32, #tpu.memory_space<vmem>>, vector<1x16xf32>,
      %parallel_loop3A_389 = vector.shape_cast %parallel_loop3A_388 : vector<1x16xf32> to vector<16xf32>
      %parallel_loop3A_390 = arith.mulf %parallel_loop3A_389, %get3A_31 : vector<16xf32>
      %parallel_loop3A_391 = arith.addf %parallel_loop3A_379, %parallel_loop3A_390 : vector<16xf32>
      %parallel_loop3A_392 = arith.index_cast %parallel_loop3A_363 : i32 to index
      %parallel_loop3A_393 = arith.constant 80 : index
      %parallel_loop3A_394 = tpu.vector_load %arg8[%parallel_loop3A_392, %parallel_loop3A_393] {strides = array<i32>} : memref<256x128xf32, #tpu.memory_space<vmem>>, vector<1x16xf32>,
      %parallel_loop3A_395 = vector.shape_cast %parallel_loop3A_394 : vector<1x16xf32> to vector<16xf32>
      %parallel_loop3A_396 = arith.mulf %parallel_loop3A_395, %get3A_34 : vector<16xf32>
      %parallel_loop3A_397 = arith.addf %parallel_loop3A_385, %parallel_loop3A_396 : vector<16xf32>
      %parallel_loop3A_398 = arith.index_cast %parallel_loop3A_363 : i32 to index
      %parallel_loop3A_399 = arith.constant 96 : index
      %parallel_loop3A_400 = tpu.vector_load %arg8[%parallel_loop3A_398, %parallel_loop3A_399] {strides = array<i32>} : memref<256x128xf32, #tpu.memory_space<vmem>>, vector<1x16xf32>,
      %parallel_loop3A_401 = vector.shape_cast %parallel_loop3A_400 : vector<1x16xf32> to vector<16xf32>
      %parallel_loop3A_402 = arith.mulf %parallel_loop3A_401, %get3A_37 : vector<16xf32>
      %parallel_loop3A_403 = arith.addf %parallel_loop3A_391, %parallel_loop3A_402 : vector<16xf32>
      %parallel_loop3A_404 = arith.index_cast %parallel_loop3A_363 : i32 to index
      %parallel_loop3A_405 = arith.constant 112 : index
      %parallel_loop3A_406 = tpu.vector_load %arg8[%parallel_loop3A_404, %parallel_loop3A_405] {strides = array<i32>} : memref<256x128xf32, #tpu.memory_space<vmem>>, vector<1x16xf32>,
      %parallel_loop3A_407 = vector.shape_cast %parallel_loop3A_406 : vector<1x16xf32> to vector<16xf32>
      %parallel_loop3A_408 = arith.mulf %parallel_loop3A_407, %get3A_40 : vector<16xf32>
      %parallel_loop3A_409 = arith.addf %parallel_loop3A_397, %parallel_loop3A_408 : vector<16xf32>
      %parallel_loop3A_410 = arith.addf %parallel_loop3A_403, %parallel_loop3A_409 : vector<16xf32>
      %parallel_loop3A_411 = arith.constant 16 : i32
      %parallel_loop3A_412 = arith.muli %parallel_loop3A_411, %parallel_loop3A_155 : i32
      %parallel_loop3A_413 = arith.constant 5 : i32
      %parallel_loop3A_414 = arith.addi %parallel_loop3A_412, %parallel_loop3A_413 : i32
      %parallel_loop3A_415 = arith.index_cast %parallel_loop3A_414 : i32 to index
      %parallel_loop3A_416 = arith.constant 0 : index
      %parallel_loop3A_417 = tpu.vector_load %arg8[%parallel_loop3A_415, %parallel_loop3A_416] {strides = array<i32>} : memref<256x128xf32, #tpu.memory_space<vmem>>, vector<1x16xf32>,
      %parallel_loop3A_418 = vector.shape_cast %parallel_loop3A_417 : vector<1x16xf32> to vector<16xf32>
      %parallel_loop3A_419 = arith.mulf %parallel_loop3A_418, %get3A_19 : vector<16xf32>
      %parallel_loop3A_420 = arith.index_cast %parallel_loop3A_414 : i32 to index
      %parallel_loop3A_421 = arith.constant 16 : index
      %parallel_loop3A_422 = tpu.vector_load %arg8[%parallel_loop3A_420, %parallel_loop3A_421] {strides = array<i32>} : memref<256x128xf32, #tpu.memory_space<vmem>>, vector<1x16xf32>,
      %parallel_loop3A_423 = vector.shape_cast %parallel_loop3A_422 : vector<1x16xf32> to vector<16xf32>
      %parallel_loop3A_424 = arith.mulf %parallel_loop3A_423, %get3A_22 : vector<16xf32>
      %parallel_loop3A_425 = arith.index_cast %parallel_loop3A_414 : i32 to index
      %parallel_loop3A_426 = arith.constant 32 : index
      %parallel_loop3A_427 = tpu.vector_load %arg8[%parallel_loop3A_425, %parallel_loop3A_426] {strides = array<i32>} : memref<256x128xf32, #tpu.memory_space<vmem>>, vector<1x16xf32>,
      %parallel_loop3A_428 = vector.shape_cast %parallel_loop3A_427 : vector<1x16xf32> to vector<16xf32>
      %parallel_loop3A_429 = arith.mulf %parallel_loop3A_428, %get3A_25 : vector<16xf32>
      %parallel_loop3A_430 = arith.addf %parallel_loop3A_419, %parallel_loop3A_429 : vector<16xf32>
      %parallel_loop3A_431 = arith.index_cast %parallel_loop3A_414 : i32 to index
      %parallel_loop3A_432 = arith.constant 48 : index
      %parallel_loop3A_433 = tpu.vector_load %arg8[%parallel_loop3A_431, %parallel_loop3A_432] {strides = array<i32>} : memref<256x128xf32, #tpu.memory_space<vmem>>, vector<1x16xf32>,
      %parallel_loop3A_434 = vector.shape_cast %parallel_loop3A_433 : vector<1x16xf32> to vector<16xf32>
      %parallel_loop3A_435 = arith.mulf %parallel_loop3A_434, %get3A_28 : vector<16xf32>
      %parallel_loop3A_436 = arith.addf %parallel_loop3A_424, %parallel_loop3A_435 : vector<16xf32>
      %parallel_loop3A_437 = arith.index_cast %parallel_loop3A_414 : i32 to index
      %parallel_loop3A_438 = arith.constant 64 : index
      %parallel_loop3A_439 = tpu.vector_load %arg8[%parallel_loop3A_437, %parallel_loop3A_438] {strides = array<i32>} : memref<256x128xf32, #tpu.memory_space<vmem>>, vector<1x16xf32>,
      %parallel_loop3A_440 = vector.shape_cast %parallel_loop3A_439 : vector<1x16xf32> to vector<16xf32>
      %parallel_loop3A_441 = arith.mulf %parallel_loop3A_440, %get3A_31 : vector<16xf32>
      %parallel_loop3A_442 = arith.addf %parallel_loop3A_430, %parallel_loop3A_441 : vector<16xf32>
      %parallel_loop3A_443 = arith.index_cast %parallel_loop3A_414 : i32 to index
      %parallel_loop3A_444 = arith.constant 80 : index
      %parallel_loop3A_445 = tpu.vector_load %arg8[%parallel_loop3A_443, %parallel_loop3A_444] {strides = array<i32>} : memref<256x128xf32, #tpu.memory_space<vmem>>, vector<1x16xf32>,
      %parallel_loop3A_446 = vector.shape_cast %parallel_loop3A_445 : vector<1x16xf32> to vector<16xf32>
      %parallel_loop3A_447 = arith.mulf %parallel_loop3A_446, %get3A_34 : vector<16xf32>
      %parallel_loop3A_448 = arith.addf %parallel_loop3A_436, %parallel_loop3A_447 : vector<16xf32>
      %parallel_loop3A_449 = arith.index_cast %parallel_loop3A_414 : i32 to index
      %parallel_loop3A_450 = arith.constant 96 : index
      %parallel_loop3A_451 = tpu.vector_load %arg8[%parallel_loop3A_449, %parallel_loop3A_450] {strides = array<i32>} : memref<256x128xf32, #tpu.memory_space<vmem>>, vector<1x16xf32>,
      %parallel_loop3A_452 = vector.shape_cast %parallel_loop3A_451 : vector<1x16xf32> to vector<16xf32>
      %parallel_loop3A_453 = arith.mulf %parallel_loop3A_452, %get3A_37 : vector<16xf32>
      %parallel_loop3A_454 = arith.addf %parallel_loop3A_442, %parallel_loop3A_453 : vector<16xf32>
      %parallel_loop3A_455 = arith.index_cast %parallel_loop3A_414 : i32 to index
      %parallel_loop3A_456 = arith.constant 112 : index
      %parallel_loop3A_457 = tpu.vector_load %arg8[%parallel_loop3A_455, %parallel_loop3A_456] {strides = array<i32>} : memref<256x128xf32, #tpu.memory_space<vmem>>, vector<1x16xf32>,
      %parallel_loop3A_458 = vector.shape_cast %parallel_loop3A_457 : vector<1x16xf32> to vector<16xf32>
      %parallel_loop3A_459 = arith.mulf %parallel_loop3A_458, %get3A_40 : vector<16xf32>
      %parallel_loop3A_460 = arith.addf %parallel_loop3A_448, %parallel_loop3A_459 : vector<16xf32>
      %parallel_loop3A_461 = arith.addf %parallel_loop3A_454, %parallel_loop3A_460 : vector<16xf32>
      %parallel_loop3A_462 = arith.constant 16 : i32
      %parallel_loop3A_463 = arith.muli %parallel_loop3A_462, %parallel_loop3A_155 : i32
      %parallel_loop3A_464 = arith.constant 6 : i32
      %parallel_loop3A_465 = arith.addi %parallel_loop3A_463, %parallel_loop3A_464 : i32
      %parallel_loop3A_466 = arith.index_cast %parallel_loop3A_465 : i32 to index
      %parallel_loop3A_467 = arith.constant 0 : index
      %parallel_loop3A_468 = tpu.vector_load %arg8[%parallel_loop3A_466, %parallel_loop3A_467] {strides = array<i32>} : memref<256x128xf32, #tpu.memory_space<vmem>>, vector<1x16xf32>,
      %parallel_loop3A_469 = vector.shape_cast %parallel_loop3A_468 : vector<1x16xf32> to vector<16xf32>
      %parallel_loop3A_470 = arith.mulf %parallel_loop3A_469, %get3A_19 : vector<16xf32>
      %parallel_loop3A_471 = arith.index_cast %parallel_loop3A_465 : i32 to index
      %parallel_loop3A_472 = arith.constant 16 : index
      %parallel_loop3A_473 = tpu.vector_load %arg8[%parallel_loop3A_471, %parallel_loop3A_472] {strides = array<i32>} : memref<256x128xf32, #tpu.memory_space<vmem>>, vector<1x16xf32>,
      %parallel_loop3A_474 = vector.shape_cast %parallel_loop3A_473 : vector<1x16xf32> to vector<16xf32>
      %parallel_loop3A_475 = arith.mulf %parallel_loop3A_474, %get3A_22 : vector<16xf32>
      %parallel_loop3A_476 = arith.index_cast %parallel_loop3A_465 : i32 to index
      %parallel_loop3A_477 = arith.constant 32 : index
      %parallel_loop3A_478 = tpu.vector_load %arg8[%parallel_loop3A_476, %parallel_loop3A_477] {strides = array<i32>} : memref<256x128xf32, #tpu.memory_space<vmem>>, vector<1x16xf32>,
      %parallel_loop3A_479 = vector.shape_cast %parallel_loop3A_478 : vector<1x16xf32> to vector<16xf32>
      %parallel_loop3A_480 = arith.mulf %parallel_loop3A_479, %get3A_25 : vector<16xf32>
      %parallel_loop3A_481 = arith.addf %parallel_loop3A_470, %parallel_loop3A_480 : vector<16xf32>
      %parallel_loop3A_482 = arith.index_cast %parallel_loop3A_465 : i32 to index
      %parallel_loop3A_483 = arith.constant 48 : index
      %parallel_loop3A_484 = tpu.vector_load %arg8[%parallel_loop3A_482, %parallel_loop3A_483] {strides = array<i32>} : memref<256x128xf32, #tpu.memory_space<vmem>>, vector<1x16xf32>,
      %parallel_loop3A_485 = vector.shape_cast %parallel_loop3A_484 : vector<1x16xf32> to vector<16xf32>
      %parallel_loop3A_486 = arith.mulf %parallel_loop3A_485, %get3A_28 : vector<16xf32>
      %parallel_loop3A_487 = arith.addf %parallel_loop3A_475, %parallel_loop3A_486 : vector<16xf32>
      %parallel_loop3A_488 = arith.index_cast %parallel_loop3A_465 : i32 to index
      %parallel_loop3A_489 = arith.constant 64 : index
      %parallel_loop3A_490 = tpu.vector_load %arg8[%parallel_loop3A_488, %parallel_loop3A_489] {strides = array<i32>} : memref<256x128xf32, #tpu.memory_space<vmem>>, vector<1x16xf32>,
      %parallel_loop3A_491 = vector.shape_cast %parallel_loop3A_490 : vector<1x16xf32> to vector<16xf32>
      %parallel_loop3A_492 = arith.mulf %parallel_loop3A_491, %get3A_31 : vector<16xf32>
      %parallel_loop3A_493 = arith.addf %parallel_loop3A_481, %parallel_loop3A_492 : vector<16xf32>
      %parallel_loop3A_494 = arith.index_cast %parallel_loop3A_465 : i32 to index
      %parallel_loop3A_495 = arith.constant 80 : index
      %parallel_loop3A_496 = tpu.vector_load %arg8[%parallel_loop3A_494, %parallel_loop3A_495] {strides = array<i32>} : memref<256x128xf32, #tpu.memory_space<vmem>>, vector<1x16xf32>,
      %parallel_loop3A_497 = vector.shape_cast %parallel_loop3A_496 : vector<1x16xf32> to vector<16xf32>
      %parallel_loop3A_498 = arith.mulf %parallel_loop3A_497, %get3A_34 : vector<16xf32>
      %parallel_loop3A_499 = arith.addf %parallel_loop3A_487, %parallel_loop3A_498 : vector<16xf32>
      %parallel_loop3A_500 = arith.index_cast %parallel_loop3A_465 : i32 to index
      %parallel_loop3A_501 = arith.constant 96 : index
      %parallel_loop3A_502 = tpu.vector_load %arg8[%parallel_loop3A_500, %parallel_loop3A_501] {strides = array<i32>} : memref<256x128xf32, #tpu.memory_space<vmem>>, vector<1x16xf32>,
      %parallel_loop3A_503 = vector.shape_cast %parallel_loop3A_502 : vector<1x16xf32> to vector<16xf32>
      %parallel_loop3A_504 = arith.mulf %parallel_loop3A_503, %get3A_37 : vector<16xf32>
      %parallel_loop3A_505 = arith.addf %parallel_loop3A_493, %parallel_loop3A_504 : vector<16xf32>
      %parallel_loop3A_506 = arith.index_cast %parallel_loop3A_465 : i32 to index
      %parallel_loop3A_507 = arith.constant 112 : index
      %parallel_loop3A_508 = tpu.vector_load %arg8[%parallel_loop3A_506, %parallel_loop3A_507] {strides = array<i32>} : memref<256x128xf32, #tpu.memory_space<vmem>>, vector<1x16xf32>,
      %parallel_loop3A_509 = vector.shape_cast %parallel_loop3A_508 : vector<1x16xf32> to vector<16xf32>
      %parallel_loop3A_510 = arith.mulf %parallel_loop3A_509, %get3A_40 : vector<16xf32>
      %parallel_loop3A_511 = arith.addf %parallel_loop3A_499, %parallel_loop3A_510 : vector<16xf32>
      %parallel_loop3A_512 = arith.addf %parallel_loop3A_505, %parallel_loop3A_511 : vector<16xf32>
      %parallel_loop3A_513 = arith.constant 16 : i32
      %parallel_loop3A_514 = arith.muli %parallel_loop3A_513, %parallel_loop3A_155 : i32
      %parallel_loop3A_515 = arith.constant 7 : i32
      %parallel_loop3A_516 = arith.addi %parallel_loop3A_514, %parallel_loop3A_515 : i32
      %parallel_loop3A_517 = arith.index_cast %parallel_loop3A_516 : i32 to index
      %parallel_loop3A_518 = arith.constant 0 : index
      %parallel_loop3A_519 = tpu.vector_load %arg8[%parallel_loop3A_517, %parallel_loop3A_518] {strides = array<i32>} : memref<256x128xf32, #tpu.memory_space<vmem>>, vector<1x16xf32>,
      %parallel_loop3A_520 = vector.shape_cast %parallel_loop3A_519 : vector<1x16xf32> to vector<16xf32>
      %parallel_loop3A_521 = arith.mulf %parallel_loop3A_520, %get3A_19 : vector<16xf32>
      %parallel_loop3A_522 = arith.index_cast %parallel_loop3A_516 : i32 to index
      %parallel_loop3A_523 = arith.constant 16 : index
      %parallel_loop3A_524 = tpu.vector_load %arg8[%parallel_loop3A_522, %parallel_loop3A_523] {strides = array<i32>} : memref<256x128xf32, #tpu.memory_space<vmem>>, vector<1x16xf32>,
      %parallel_loop3A_525 = vector.shape_cast %parallel_loop3A_524 : vector<1x16xf32> to vector<16xf32>
      %parallel_loop3A_526 = arith.mulf %parallel_loop3A_525, %get3A_22 : vector<16xf32>
      %parallel_loop3A_527 = arith.index_cast %parallel_loop3A_516 : i32 to index
      %parallel_loop3A_528 = arith.constant 32 : index
      %parallel_loop3A_529 = tpu.vector_load %arg8[%parallel_loop3A_527, %parallel_loop3A_528] {strides = array<i32>} : memref<256x128xf32, #tpu.memory_space<vmem>>, vector<1x16xf32>,
      %parallel_loop3A_530 = vector.shape_cast %parallel_loop3A_529 : vector<1x16xf32> to vector<16xf32>
      %parallel_loop3A_531 = arith.mulf %parallel_loop3A_530, %get3A_25 : vector<16xf32>
      %parallel_loop3A_532 = arith.addf %parallel_loop3A_521, %parallel_loop3A_531 : vector<16xf32>
      %parallel_loop3A_533 = arith.index_cast %parallel_loop3A_516 : i32 to index
      %parallel_loop3A_534 = arith.constant 48 : index
      %parallel_loop3A_535 = tpu.vector_load %arg8[%parallel_loop3A_533, %parallel_loop3A_534] {strides = array<i32>} : memref<256x128xf32, #tpu.memory_space<vmem>>, vector<1x16xf32>,
      %parallel_loop3A_536 = vector.shape_cast %parallel_loop3A_535 : vector<1x16xf32> to vector<16xf32>
      %parallel_loop3A_537 = arith.mulf %parallel_loop3A_536, %get3A_28 : vector<16xf32>
      %parallel_loop3A_538 = arith.addf %parallel_loop3A_526, %parallel_loop3A_537 : vector<16xf32>
      %parallel_loop3A_539 = arith.index_cast %parallel_loop3A_516 : i32 to index
      %parallel_loop3A_540 = arith.constant 64 : index
      %parallel_loop3A_541 = tpu.vector_load %arg8[%parallel_loop3A_539, %parallel_loop3A_540] {strides = array<i32>} : memref<256x128xf32, #tpu.memory_space<vmem>>, vector<1x16xf32>,
      %parallel_loop3A_542 = vector.shape_cast %parallel_loop3A_541 : vector<1x16xf32> to vector<16xf32>
      %parallel_loop3A_543 = arith.mulf %parallel_loop3A_542, %get3A_31 : vector<16xf32>
      %parallel_loop3A_544 = arith.addf %parallel_loop3A_532, %parallel_loop3A_543 : vector<16xf32>
      %parallel_loop3A_545 = arith.index_cast %parallel_loop3A_516 : i32 to index
      %parallel_loop3A_546 = arith.constant 80 : index
      %parallel_loop3A_547 = tpu.vector_load %arg8[%parallel_loop3A_545, %parallel_loop3A_546] {strides = array<i32>} : memref<256x128xf32, #tpu.memory_space<vmem>>, vector<1x16xf32>,
      %parallel_loop3A_548 = vector.shape_cast %parallel_loop3A_547 : vector<1x16xf32> to vector<16xf32>
      %parallel_loop3A_549 = arith.mulf %parallel_loop3A_548, %get3A_34 : vector<16xf32>
      %parallel_loop3A_550 = arith.addf %parallel_loop3A_538, %parallel_loop3A_549 : vector<16xf32>
      %parallel_loop3A_551 = arith.index_cast %parallel_loop3A_516 : i32 to index
      %parallel_loop3A_552 = arith.constant 96 : index
      %parallel_loop3A_553 = tpu.vector_load %arg8[%parallel_loop3A_551, %parallel_loop3A_552] {strides = array<i32>} : memref<256x128xf32, #tpu.memory_space<vmem>>, vector<1x16xf32>,
      %parallel_loop3A_554 = vector.shape_cast %parallel_loop3A_553 : vector<1x16xf32> to vector<16xf32>
      %parallel_loop3A_555 = arith.mulf %parallel_loop3A_554, %get3A_37 : vector<16xf32>
      %parallel_loop3A_556 = arith.addf %parallel_loop3A_544, %parallel_loop3A_555 : vector<16xf32>
      %parallel_loop3A_557 = arith.index_cast %parallel_loop3A_516 : i32 to index
      %parallel_loop3A_558 = arith.constant 112 : index
      %parallel_loop3A_559 = tpu.vector_load %arg8[%parallel_loop3A_557, %parallel_loop3A_558] {strides = array<i32>} : memref<256x128xf32, #tpu.memory_space<vmem>>, vector<1x16xf32>,
      %parallel_loop3A_560 = vector.shape_cast %parallel_loop3A_559 : vector<1x16xf32> to vector<16xf32>
      %parallel_loop3A_561 = arith.mulf %parallel_loop3A_560, %get3A_40 : vector<16xf32>
      %parallel_loop3A_562 = arith.addf %parallel_loop3A_550, %parallel_loop3A_561 : vector<16xf32>
      %parallel_loop3A_563 = arith.addf %parallel_loop3A_556, %parallel_loop3A_562 : vector<16xf32>
      %parallel_loop3A_564 = arith.constant 16 : i32
      %parallel_loop3A_565 = arith.muli %parallel_loop3A_564, %parallel_loop3A_155 : i32
      %parallel_loop3A_566 = arith.constant 8 : i32
      %parallel_loop3A_567 = arith.addi %parallel_loop3A_565, %parallel_loop3A_566 : i32
      %parallel_loop3A_568 = arith.index_cast %parallel_loop3A_567 : i32 to index
      %parallel_loop3A_569 = arith.constant 0 : index
      %parallel_loop3A_570 = tpu.vector_load %arg8[%parallel_loop3A_568, %parallel_loop3A_569] {strides = array<i32>} : memref<256x128xf32, #tpu.memory_space<vmem>>, vector<1x16xf32>,
      %parallel_loop3A_571 = vector.shape_cast %parallel_loop3A_570 : vector<1x16xf32> to vector<16xf32>
      %parallel_loop3A_572 = arith.mulf %parallel_loop3A_571, %get3A_19 : vector<16xf32>
      %parallel_loop3A_573 = arith.index_cast %parallel_loop3A_567 : i32 to index
      %parallel_loop3A_574 = arith.constant 16 : index
      %parallel_loop3A_575 = tpu.vector_load %arg8[%parallel_loop3A_573, %parallel_loop3A_574] {strides = array<i32>} : memref<256x128xf32, #tpu.memory_space<vmem>>, vector<1x16xf32>,
      %parallel_loop3A_576 = vector.shape_cast %parallel_loop3A_575 : vector<1x16xf32> to vector<16xf32>
      %parallel_loop3A_577 = arith.mulf %parallel_loop3A_576, %get3A_22 : vector<16xf32>
      %parallel_loop3A_578 = arith.index_cast %parallel_loop3A_567 : i32 to index
      %parallel_loop3A_579 = arith.constant 32 : index
      %parallel_loop3A_580 = tpu.vector_load %arg8[%parallel_loop3A_578, %parallel_loop3A_579] {strides = array<i32>} : memref<256x128xf32, #tpu.memory_space<vmem>>, vector<1x16xf32>,
      %parallel_loop3A_581 = vector.shape_cast %parallel_loop3A_580 : vector<1x16xf32> to vector<16xf32>
      %parallel_loop3A_582 = arith.mulf %parallel_loop3A_581, %get3A_25 : vector<16xf32>
      %parallel_loop3A_583 = arith.addf %parallel_loop3A_572, %parallel_loop3A_582 : vector<16xf32>
      %parallel_loop3A_584 = arith.index_cast %parallel_loop3A_567 : i32 to index
      %parallel_loop3A_585 = arith.constant 48 : index
      %parallel_loop3A_586 = tpu.vector_load %arg8[%parallel_loop3A_584, %parallel_loop3A_585] {strides = array<i32>} : memref<256x128xf32, #tpu.memory_space<vmem>>, vector<1x16xf32>,
      %parallel_loop3A_587 = vector.shape_cast %parallel_loop3A_586 : vector<1x16xf32> to vector<16xf32>
      %parallel_loop3A_588 = arith.mulf %parallel_loop3A_587, %get3A_28 : vector<16xf32>
      %parallel_loop3A_589 = arith.addf %parallel_loop3A_577, %parallel_loop3A_588 : vector<16xf32>
      %parallel_loop3A_590 = arith.index_cast %parallel_loop3A_567 : i32 to index
      %parallel_loop3A_591 = arith.constant 64 : index
      %parallel_loop3A_592 = tpu.vector_load %arg8[%parallel_loop3A_590, %parallel_loop3A_591] {strides = array<i32>} : memref<256x128xf32, #tpu.memory_space<vmem>>, vector<1x16xf32>,
      %parallel_loop3A_593 = vector.shape_cast %parallel_loop3A_592 : vector<1x16xf32> to vector<16xf32>
      %parallel_loop3A_594 = arith.mulf %parallel_loop3A_593, %get3A_31 : vector<16xf32>
      %parallel_loop3A_595 = arith.addf %parallel_loop3A_583, %parallel_loop3A_594 : vector<16xf32>
      %parallel_loop3A_596 = arith.index_cast %parallel_loop3A_567 : i32 to index
      %parallel_loop3A_597 = arith.constant 80 : index
      %parallel_loop3A_598 = tpu.vector_load %arg8[%parallel_loop3A_596, %parallel_loop3A_597] {strides = array<i32>} : memref<256x128xf32, #tpu.memory_space<vmem>>, vector<1x16xf32>,
      %parallel_loop3A_599 = vector.shape_cast %parallel_loop3A_598 : vector<1x16xf32> to vector<16xf32>
      %parallel_loop3A_600 = arith.mulf %parallel_loop3A_599, %get3A_34 : vector<16xf32>
      %parallel_loop3A_601 = arith.addf %parallel_loop3A_589, %parallel_loop3A_600 : vector<16xf32>
      %parallel_loop3A_602 = arith.index_cast %parallel_loop3A_567 : i32 to index
      %parallel_loop3A_603 = arith.constant 96 : index
      %parallel_loop3A_604 = tpu.vector_load %arg8[%parallel_loop3A_602, %parallel_loop3A_603] {strides = array<i32>} : memref<256x128xf32, #tpu.memory_space<vmem>>, vector<1x16xf32>,
      %parallel_loop3A_605 = vector.shape_cast %parallel_loop3A_604 : vector<1x16xf32> to vector<16xf32>
      %parallel_loop3A_606 = arith.mulf %parallel_loop3A_605, %get3A_37 : vector<16xf32>
      %parallel_loop3A_607 = arith.addf %parallel_loop3A_595, %parallel_loop3A_606 : vector<16xf32>
      %parallel_loop3A_608 = arith.index_cast %parallel_loop3A_567 : i32 to index
      %parallel_loop3A_609 = arith.constant 112 : index
      %parallel_loop3A_610 = tpu.vector_load %arg8[%parallel_loop3A_608, %parallel_loop3A_609] {strides = array<i32>} : memref<256x128xf32, #tpu.memory_space<vmem>>, vector<1x16xf32>,
      %parallel_loop3A_611 = vector.shape_cast %parallel_loop3A_610 : vector<1x16xf32> to vector<16xf32>
      %parallel_loop3A_612 = arith.mulf %parallel_loop3A_611, %get3A_40 : vector<16xf32>
      %parallel_loop3A_613 = arith.addf %parallel_loop3A_601, %parallel_loop3A_612 : vector<16xf32>
      %parallel_loop3A_614 = arith.addf %parallel_loop3A_607, %parallel_loop3A_613 : vector<16xf32>
      %parallel_loop3A_615 = arith.constant 16 : i32
      %parallel_loop3A_616 = arith.muli %parallel_loop3A_615, %parallel_loop3A_155 : i32
      %parallel_loop3A_617 = arith.constant 9 : i32
      %parallel_loop3A_618 = arith.addi %parallel_loop3A_616, %parallel_loop3A_617 : i32
      %parallel_loop3A_619 = arith.index_cast %parallel_loop3A_618 : i32 to index
      %parallel_loop3A_620 = arith.constant 0 : index
      %parallel_loop3A_621 = tpu.vector_load %arg8[%parallel_loop3A_619, %parallel_loop3A_620] {strides = array<i32>} : memref<256x128xf32, #tpu.memory_space<vmem>>, vector<1x16xf32>,
      %parallel_loop3A_622 = vector.shape_cast %parallel_loop3A_621 : vector<1x16xf32> to vector<16xf32>
      %parallel_loop3A_623 = arith.mulf %parallel_loop3A_622, %get3A_19 : vector<16xf32>
      %parallel_loop3A_624 = arith.index_cast %parallel_loop3A_618 : i32 to index
      %parallel_loop3A_625 = arith.constant 16 : index
      %parallel_loop3A_626 = tpu.vector_load %arg8[%parallel_loop3A_624, %parallel_loop3A_625] {strides = array<i32>} : memref<256x128xf32, #tpu.memory_space<vmem>>, vector<1x16xf32>,
      %parallel_loop3A_627 = vector.shape_cast %parallel_loop3A_626 : vector<1x16xf32> to vector<16xf32>
      %parallel_loop3A_628 = arith.mulf %parallel_loop3A_627, %get3A_22 : vector<16xf32>
      %parallel_loop3A_629 = arith.index_cast %parallel_loop3A_618 : i32 to index
      %parallel_loop3A_630 = arith.constant 32 : index
      %parallel_loop3A_631 = tpu.vector_load %arg8[%parallel_loop3A_629, %parallel_loop3A_630] {strides = array<i32>} : memref<256x128xf32, #tpu.memory_space<vmem>>, vector<1x16xf32>,
      %parallel_loop3A_632 = vector.shape_cast %parallel_loop3A_631 : vector<1x16xf32> to vector<16xf32>
      %parallel_loop3A_633 = arith.mulf %parallel_loop3A_632, %get3A_25 : vector<16xf32>
      %parallel_loop3A_634 = arith.addf %parallel_loop3A_623, %parallel_loop3A_633 : vector<16xf32>
      %parallel_loop3A_635 = arith.index_cast %parallel_loop3A_618 : i32 to index
      %parallel_loop3A_636 = arith.constant 48 : index
      %parallel_loop3A_637 = tpu.vector_load %arg8[%parallel_loop3A_635, %parallel_loop3A_636] {strides = array<i32>} : memref<256x128xf32, #tpu.memory_space<vmem>>, vector<1x16xf32>,
      %parallel_loop3A_638 = vector.shape_cast %parallel_loop3A_637 : vector<1x16xf32> to vector<16xf32>
      %parallel_loop3A_639 = arith.mulf %parallel_loop3A_638, %get3A_28 : vector<16xf32>
      %parallel_loop3A_640 = arith.addf %parallel_loop3A_628, %parallel_loop3A_639 : vector<16xf32>
      %parallel_loop3A_641 = arith.index_cast %parallel_loop3A_618 : i32 to index
      %parallel_loop3A_642 = arith.constant 64 : index
      %parallel_loop3A_643 = tpu.vector_load %arg8[%parallel_loop3A_641, %parallel_loop3A_642] {strides = array<i32>} : memref<256x128xf32, #tpu.memory_space<vmem>>, vector<1x16xf32>,
      %parallel_loop3A_644 = vector.shape_cast %parallel_loop3A_643 : vector<1x16xf32> to vector<16xf32>
      %parallel_loop3A_645 = arith.mulf %parallel_loop3A_644, %get3A_31 : vector<16xf32>
      %parallel_loop3A_646 = arith.addf %parallel_loop3A_634, %parallel_loop3A_645 : vector<16xf32>
      %parallel_loop3A_647 = arith.index_cast %parallel_loop3A_618 : i32 to index
      %parallel_loop3A_648 = arith.constant 80 : index
      %parallel_loop3A_649 = tpu.vector_load %arg8[%parallel_loop3A_647, %parallel_loop3A_648] {strides = array<i32>} : memref<256x128xf32, #tpu.memory_space<vmem>>, vector<1x16xf32>,
      %parallel_loop3A_650 = vector.shape_cast %parallel_loop3A_649 : vector<1x16xf32> to vector<16xf32>
      %parallel_loop3A_651 = arith.mulf %parallel_loop3A_650, %get3A_34 : vector<16xf32>
      %parallel_loop3A_652 = arith.addf %parallel_loop3A_640, %parallel_loop3A_651 : vector<16xf32>
      %parallel_loop3A_653 = arith.index_cast %parallel_loop3A_618 : i32 to index
      %parallel_loop3A_654 = arith.constant 96 : index
      %parallel_loop3A_655 = tpu.vector_load %arg8[%parallel_loop3A_653, %parallel_loop3A_654] {strides = array<i32>} : memref<256x128xf32, #tpu.memory_space<vmem>>, vector<1x16xf32>,
      %parallel_loop3A_656 = vector.shape_cast %parallel_loop3A_655 : vector<1x16xf32> to vector<16xf32>
      %parallel_loop3A_657 = arith.mulf %parallel_loop3A_656, %get3A_37 : vector<16xf32>
      %parallel_loop3A_658 = arith.addf %parallel_loop3A_646, %parallel_loop3A_657 : vector<16xf32>
      %parallel_loop3A_659 = arith.index_cast %parallel_loop3A_618 : i32 to index
      %parallel_loop3A_660 = arith.constant 112 : index
      %parallel_loop3A_661 = tpu.vector_load %arg8[%parallel_loop3A_659, %parallel_loop3A_660] {strides = array<i32>} : memref<256x128xf32, #tpu.memory_space<vmem>>, vector<1x16xf32>,
      %parallel_loop3A_662 = vector.shape_cast %parallel_loop3A_661 : vector<1x16xf32> to vector<16xf32>
      %parallel_loop3A_663 = arith.mulf %parallel_loop3A_662, %get3A_40 : vector<16xf32>
      %parallel_loop3A_664 = arith.addf %parallel_loop3A_652, %parallel_loop3A_663 : vector<16xf32>
      %parallel_loop3A_665 = arith.addf %parallel_loop3A_658, %parallel_loop3A_664 : vector<16xf32>
      %parallel_loop3A_666 = arith.constant 16 : i32
      %parallel_loop3A_667 = arith.muli %parallel_loop3A_666, %parallel_loop3A_155 : i32
      %parallel_loop3A_668 = arith.constant 10 : i32
      %parallel_loop3A_669 = arith.addi %parallel_loop3A_667, %parallel_loop3A_668 : i32
      %parallel_loop3A_670 = arith.index_cast %parallel_loop3A_669 : i32 to index
      %parallel_loop3A_671 = arith.constant 0 : index
      %parallel_loop3A_672 = tpu.vector_load %arg8[%parallel_loop3A_670, %parallel_loop3A_671] {strides = array<i32>} : memref<256x128xf32, #tpu.memory_space<vmem>>, vector<1x16xf32>,
      %parallel_loop3A_673 = vector.shape_cast %parallel_loop3A_672 : vector<1x16xf32> to vector<16xf32>
      %parallel_loop3A_674 = arith.mulf %parallel_loop3A_673, %get3A_19 : vector<16xf32>
      %parallel_loop3A_675 = arith.index_cast %parallel_loop3A_669 : i32 to index
      %parallel_loop3A_676 = arith.constant 16 : index
      %parallel_loop3A_677 = tpu.vector_load %arg8[%parallel_loop3A_675, %parallel_loop3A_676] {strides = array<i32>} : memref<256x128xf32, #tpu.memory_space<vmem>>, vector<1x16xf32>,
      %parallel_loop3A_678 = vector.shape_cast %parallel_loop3A_677 : vector<1x16xf32> to vector<16xf32>
      %parallel_loop3A_679 = arith.mulf %parallel_loop3A_678, %get3A_22 : vector<16xf32>
      %parallel_loop3A_680 = arith.index_cast %parallel_loop3A_669 : i32 to index
      %parallel_loop3A_681 = arith.constant 32 : index
      %parallel_loop3A_682 = tpu.vector_load %arg8[%parallel_loop3A_680, %parallel_loop3A_681] {strides = array<i32>} : memref<256x128xf32, #tpu.memory_space<vmem>>, vector<1x16xf32>,
      %parallel_loop3A_683 = vector.shape_cast %parallel_loop3A_682 : vector<1x16xf32> to vector<16xf32>
      %parallel_loop3A_684 = arith.mulf %parallel_loop3A_683, %get3A_25 : vector<16xf32>
      %parallel_loop3A_685 = arith.addf %parallel_loop3A_674, %parallel_loop3A_684 : vector<16xf32>
      %parallel_loop3A_686 = arith.index_cast %parallel_loop3A_669 : i32 to index
      %parallel_loop3A_687 = arith.constant 48 : index
      %parallel_loop3A_688 = tpu.vector_load %arg8[%parallel_loop3A_686, %parallel_loop3A_687] {strides = array<i32>} : memref<256x128xf32, #tpu.memory_space<vmem>>, vector<1x16xf32>,
      %parallel_loop3A_689 = vector.shape_cast %parallel_loop3A_688 : vector<1x16xf32> to vector<16xf32>
      %parallel_loop3A_690 = arith.mulf %parallel_loop3A_689, %get3A_28 : vector<16xf32>
      %parallel_loop3A_691 = arith.addf %parallel_loop3A_679, %parallel_loop3A_690 : vector<16xf32>
      %parallel_loop3A_692 = arith.index_cast %parallel_loop3A_669 : i32 to index
      %parallel_loop3A_693 = arith.constant 64 : index
      %parallel_loop3A_694 = tpu.vector_load %arg8[%parallel_loop3A_692, %parallel_loop3A_693] {strides = array<i32>} : memref<256x128xf32, #tpu.memory_space<vmem>>, vector<1x16xf32>,
      %parallel_loop3A_695 = vector.shape_cast %parallel_loop3A_694 : vector<1x16xf32> to vector<16xf32>
      %parallel_loop3A_696 = arith.mulf %parallel_loop3A_695, %get3A_31 : vector<16xf32>
      %parallel_loop3A_697 = arith.addf %parallel_loop3A_685, %parallel_loop3A_696 : vector<16xf32>
      %parallel_loop3A_698 = arith.index_cast %parallel_loop3A_669 : i32 to index
      %parallel_loop3A_699 = arith.constant 80 : index
      %parallel_loop3A_700 = tpu.vector_load %arg8[%parallel_loop3A_698, %parallel_loop3A_699] {strides = array<i32>} : memref<256x128xf32, #tpu.memory_space<vmem>>, vector<1x16xf32>,
      %parallel_loop3A_701 = vector.shape_cast %parallel_loop3A_700 : vector<1x16xf32> to vector<16xf32>
      %parallel_loop3A_702 = arith.mulf %parallel_loop3A_701, %get3A_34 : vector<16xf32>
      %parallel_loop3A_703 = arith.addf %parallel_loop3A_691, %parallel_loop3A_702 : vector<16xf32>
      %parallel_loop3A_704 = arith.index_cast %parallel_loop3A_669 : i32 to index
      %parallel_loop3A_705 = arith.constant 96 : index
      %parallel_loop3A_706 = tpu.vector_load %arg8[%parallel_loop3A_704, %parallel_loop3A_705] {strides = array<i32>} : memref<256x128xf32, #tpu.memory_space<vmem>>, vector<1x16xf32>,
      %parallel_loop3A_707 = vector.shape_cast %parallel_loop3A_706 : vector<1x16xf32> to vector<16xf32>
      %parallel_loop3A_708 = arith.mulf %parallel_loop3A_707, %get3A_37 : vector<16xf32>
      %parallel_loop3A_709 = arith.addf %parallel_loop3A_697, %parallel_loop3A_708 : vector<16xf32>
      %parallel_loop3A_710 = arith.index_cast %parallel_loop3A_669 : i32 to index
      %parallel_loop3A_711 = arith.constant 112 : index
      %parallel_loop3A_712 = tpu.vector_load %arg8[%parallel_loop3A_710, %parallel_loop3A_711] {strides = array<i32>} : memref<256x128xf32, #tpu.memory_space<vmem>>, vector<1x16xf32>,
      %parallel_loop3A_713 = vector.shape_cast %parallel_loop3A_712 : vector<1x16xf32> to vector<16xf32>
      %parallel_loop3A_714 = arith.mulf %parallel_loop3A_713, %get3A_40 : vector<16xf32>
      %parallel_loop3A_715 = arith.addf %parallel_loop3A_703, %parallel_loop3A_714 : vector<16xf32>
      %parallel_loop3A_716 = arith.addf %parallel_loop3A_709, %parallel_loop3A_715 : vector<16xf32>
      %parallel_loop3A_717 = arith.constant 16 : i32
      %parallel_loop3A_718 = arith.muli %parallel_loop3A_717, %parallel_loop3A_155 : i32
      %parallel_loop3A_719 = arith.constant 11 : i32
      %parallel_loop3A_720 = arith.addi %parallel_loop3A_718, %parallel_loop3A_719 : i32
      %parallel_loop3A_721 = arith.index_cast %parallel_loop3A_720 : i32 to index
      %parallel_loop3A_722 = arith.constant 0 : index
      %parallel_loop3A_723 = tpu.vector_load %arg8[%parallel_loop3A_721, %parallel_loop3A_722] {strides = array<i32>} : memref<256x128xf32, #tpu.memory_space<vmem>>, vector<1x16xf32>,
      %parallel_loop3A_724 = vector.shape_cast %parallel_loop3A_723 : vector<1x16xf32> to vector<16xf32>
      %parallel_loop3A_725 = arith.mulf %parallel_loop3A_724, %get3A_19 : vector<16xf32>
      %parallel_loop3A_726 = arith.index_cast %parallel_loop3A_720 : i32 to index
      %parallel_loop3A_727 = arith.constant 16 : index
      %parallel_loop3A_728 = tpu.vector_load %arg8[%parallel_loop3A_726, %parallel_loop3A_727] {strides = array<i32>} : memref<256x128xf32, #tpu.memory_space<vmem>>, vector<1x16xf32>,
      %parallel_loop3A_729 = vector.shape_cast %parallel_loop3A_728 : vector<1x16xf32> to vector<16xf32>
      %parallel_loop3A_730 = arith.mulf %parallel_loop3A_729, %get3A_22 : vector<16xf32>
      %parallel_loop3A_731 = arith.index_cast %parallel_loop3A_720 : i32 to index
      %parallel_loop3A_732 = arith.constant 32 : index
      %parallel_loop3A_733 = tpu.vector_load %arg8[%parallel_loop3A_731, %parallel_loop3A_732] {strides = array<i32>} : memref<256x128xf32, #tpu.memory_space<vmem>>, vector<1x16xf32>,
      %parallel_loop3A_734 = vector.shape_cast %parallel_loop3A_733 : vector<1x16xf32> to vector<16xf32>
      %parallel_loop3A_735 = arith.mulf %parallel_loop3A_734, %get3A_25 : vector<16xf32>
      %parallel_loop3A_736 = arith.addf %parallel_loop3A_725, %parallel_loop3A_735 : vector<16xf32>
      %parallel_loop3A_737 = arith.index_cast %parallel_loop3A_720 : i32 to index
      %parallel_loop3A_738 = arith.constant 48 : index
      %parallel_loop3A_739 = tpu.vector_load %arg8[%parallel_loop3A_737, %parallel_loop3A_738] {strides = array<i32>} : memref<256x128xf32, #tpu.memory_space<vmem>>, vector<1x16xf32>,
      %parallel_loop3A_740 = vector.shape_cast %parallel_loop3A_739 : vector<1x16xf32> to vector<16xf32>
      %parallel_loop3A_741 = arith.mulf %parallel_loop3A_740, %get3A_28 : vector<16xf32>
      %parallel_loop3A_742 = arith.addf %parallel_loop3A_730, %parallel_loop3A_741 : vector<16xf32>
      %parallel_loop3A_743 = arith.index_cast %parallel_loop3A_720 : i32 to index
      %parallel_loop3A_744 = arith.constant 64 : index
      %parallel_loop3A_745 = tpu.vector_load %arg8[%parallel_loop3A_743, %parallel_loop3A_744] {strides = array<i32>} : memref<256x128xf32, #tpu.memory_space<vmem>>, vector<1x16xf32>,
      %parallel_loop3A_746 = vector.shape_cast %parallel_loop3A_745 : vector<1x16xf32> to vector<16xf32>
      %parallel_loop3A_747 = arith.mulf %parallel_loop3A_746, %get3A_31 : vector<16xf32>
      %parallel_loop3A_748 = arith.addf %parallel_loop3A_736, %parallel_loop3A_747 : vector<16xf32>
      %parallel_loop3A_749 = arith.index_cast %parallel_loop3A_720 : i32 to index
      %parallel_loop3A_750 = arith.constant 80 : index
      %parallel_loop3A_751 = tpu.vector_load %arg8[%parallel_loop3A_749, %parallel_loop3A_750] {strides = array<i32>} : memref<256x128xf32, #tpu.memory_space<vmem>>, vector<1x16xf32>,
      %parallel_loop3A_752 = vector.shape_cast %parallel_loop3A_751 : vector<1x16xf32> to vector<16xf32>
      %parallel_loop3A_753 = arith.mulf %parallel_loop3A_752, %get3A_34 : vector<16xf32>
      %parallel_loop3A_754 = arith.addf %parallel_loop3A_742, %parallel_loop3A_753 : vector<16xf32>
      %parallel_loop3A_755 = arith.index_cast %parallel_loop3A_720 : i32 to index
      %parallel_loop3A_756 = arith.constant 96 : index
      %parallel_loop3A_757 = tpu.vector_load %arg8[%parallel_loop3A_755, %parallel_loop3A_756] {strides = array<i32>} : memref<256x128xf32, #tpu.memory_space<vmem>>, vector<1x16xf32>,
      %parallel_loop3A_758 = vector.shape_cast %parallel_loop3A_757 : vector<1x16xf32> to vector<16xf32>
      %parallel_loop3A_759 = arith.mulf %parallel_loop3A_758, %get3A_37 : vector<16xf32>
      %parallel_loop3A_760 = arith.addf %parallel_loop3A_748, %parallel_loop3A_759 : vector<16xf32>
      %parallel_loop3A_761 = arith.index_cast %parallel_loop3A_720 : i32 to index
      %parallel_loop3A_762 = arith.constant 112 : index
      %parallel_loop3A_763 = tpu.vector_load %arg8[%parallel_loop3A_761, %parallel_loop3A_762] {strides = array<i32>} : memref<256x128xf32, #tpu.memory_space<vmem>>, vector<1x16xf32>,
      %parallel_loop3A_764 = vector.shape_cast %parallel_loop3A_763 : vector<1x16xf32> to vector<16xf32>
      %parallel_loop3A_765 = arith.mulf %parallel_loop3A_764, %get3A_40 : vector<16xf32>
      %parallel_loop3A_766 = arith.addf %parallel_loop3A_754, %parallel_loop3A_765 : vector<16xf32>
      %parallel_loop3A_767 = arith.addf %parallel_loop3A_760, %parallel_loop3A_766 : vector<16xf32>
      %parallel_loop3A_768 = arith.constant 16 : i32
      %parallel_loop3A_769 = arith.muli %parallel_loop3A_768, %parallel_loop3A_155 : i32
      %parallel_loop3A_770 = arith.constant 12 : i32
      %parallel_loop3A_771 = arith.addi %parallel_loop3A_769, %parallel_loop3A_770 : i32
      %parallel_loop3A_772 = arith.index_cast %parallel_loop3A_771 : i32 to index
      %parallel_loop3A_773 = arith.constant 0 : index
      %parallel_loop3A_774 = tpu.vector_load %arg8[%parallel_loop3A_772, %parallel_loop3A_773] {strides = array<i32>} : memref<256x128xf32, #tpu.memory_space<vmem>>, vector<1x16xf32>,
      %parallel_loop3A_775 = vector.shape_cast %parallel_loop3A_774 : vector<1x16xf32> to vector<16xf32>
      %parallel_loop3A_776 = arith.mulf %parallel_loop3A_775, %get3A_19 : vector<16xf32>
      %parallel_loop3A_777 = arith.index_cast %parallel_loop3A_771 : i32 to index
      %parallel_loop3A_778 = arith.constant 16 : index
      %parallel_loop3A_779 = tpu.vector_load %arg8[%parallel_loop3A_777, %parallel_loop3A_778] {strides = array<i32>} : memref<256x128xf32, #tpu.memory_space<vmem>>, vector<1x16xf32>,
      %parallel_loop3A_780 = vector.shape_cast %parallel_loop3A_779 : vector<1x16xf32> to vector<16xf32>
      %parallel_loop3A_781 = arith.mulf %parallel_loop3A_780, %get3A_22 : vector<16xf32>
      %parallel_loop3A_782 = arith.index_cast %parallel_loop3A_771 : i32 to index
      %parallel_loop3A_783 = arith.constant 32 : index
      %parallel_loop3A_784 = tpu.vector_load %arg8[%parallel_loop3A_782, %parallel_loop3A_783] {strides = array<i32>} : memref<256x128xf32, #tpu.memory_space<vmem>>, vector<1x16xf32>,
      %parallel_loop3A_785 = vector.shape_cast %parallel_loop3A_784 : vector<1x16xf32> to vector<16xf32>
      %parallel_loop3A_786 = arith.mulf %parallel_loop3A_785, %get3A_25 : vector<16xf32>
      %parallel_loop3A_787 = arith.addf %parallel_loop3A_776, %parallel_loop3A_786 : vector<16xf32>
      %parallel_loop3A_788 = arith.index_cast %parallel_loop3A_771 : i32 to index
      %parallel_loop3A_789 = arith.constant 48 : index
      %parallel_loop3A_790 = tpu.vector_load %arg8[%parallel_loop3A_788, %parallel_loop3A_789] {strides = array<i32>} : memref<256x128xf32, #tpu.memory_space<vmem>>, vector<1x16xf32>,
      %parallel_loop3A_791 = vector.shape_cast %parallel_loop3A_790 : vector<1x16xf32> to vector<16xf32>
      %parallel_loop3A_792 = arith.mulf %parallel_loop3A_791, %get3A_28 : vector<16xf32>
      %parallel_loop3A_793 = arith.addf %parallel_loop3A_781, %parallel_loop3A_792 : vector<16xf32>
      %parallel_loop3A_794 = arith.index_cast %parallel_loop3A_771 : i32 to index
      %parallel_loop3A_795 = arith.constant 64 : index
      %parallel_loop3A_796 = tpu.vector_load %arg8[%parallel_loop3A_794, %parallel_loop3A_795] {strides = array<i32>} : memref<256x128xf32, #tpu.memory_space<vmem>>, vector<1x16xf32>,
      %parallel_loop3A_797 = vector.shape_cast %parallel_loop3A_796 : vector<1x16xf32> to vector<16xf32>
      %parallel_loop3A_798 = arith.mulf %parallel_loop3A_797, %get3A_31 : vector<16xf32>
      %parallel_loop3A_799 = arith.addf %parallel_loop3A_787, %parallel_loop3A_798 : vector<16xf32>
      %parallel_loop3A_800 = arith.index_cast %parallel_loop3A_771 : i32 to index
      %parallel_loop3A_801 = arith.constant 80 : index
      %parallel_loop3A_802 = tpu.vector_load %arg8[%parallel_loop3A_800, %parallel_loop3A_801] {strides = array<i32>} : memref<256x128xf32, #tpu.memory_space<vmem>>, vector<1x16xf32>,
      %parallel_loop3A_803 = vector.shape_cast %parallel_loop3A_802 : vector<1x16xf32> to vector<16xf32>
      %parallel_loop3A_804 = arith.mulf %parallel_loop3A_803, %get3A_34 : vector<16xf32>
      %parallel_loop3A_805 = arith.addf %parallel_loop3A_793, %parallel_loop3A_804 : vector<16xf32>
      %parallel_loop3A_806 = arith.index_cast %parallel_loop3A_771 : i32 to index
      %parallel_loop3A_807 = arith.constant 96 : index
      %parallel_loop3A_808 = tpu.vector_load %arg8[%parallel_loop3A_806, %parallel_loop3A_807] {strides = array<i32>} : memref<256x128xf32, #tpu.memory_space<vmem>>, vector<1x16xf32>,
      %parallel_loop3A_809 = vector.shape_cast %parallel_loop3A_808 : vector<1x16xf32> to vector<16xf32>
      %parallel_loop3A_810 = arith.mulf %parallel_loop3A_809, %get3A_37 : vector<16xf32>
      %parallel_loop3A_811 = arith.addf %parallel_loop3A_799, %parallel_loop3A_810 : vector<16xf32>
      %parallel_loop3A_812 = arith.index_cast %parallel_loop3A_771 : i32 to index
      %parallel_loop3A_813 = arith.constant 112 : index
      %parallel_loop3A_814 = tpu.vector_load %arg8[%parallel_loop3A_812, %parallel_loop3A_813] {strides = array<i32>} : memref<256x128xf32, #tpu.memory_space<vmem>>, vector<1x16xf32>,
      %parallel_loop3A_815 = vector.shape_cast %parallel_loop3A_814 : vector<1x16xf32> to vector<16xf32>
      %parallel_loop3A_816 = arith.mulf %parallel_loop3A_815, %get3A_40 : vector<16xf32>
      %parallel_loop3A_817 = arith.addf %parallel_loop3A_805, %parallel_loop3A_816 : vector<16xf32>
      %parallel_loop3A_818 = arith.addf %parallel_loop3A_811, %parallel_loop3A_817 : vector<16xf32>
      %parallel_loop3A_819 = arith.constant 16 : i32
      %parallel_loop3A_820 = arith.muli %parallel_loop3A_819, %parallel_loop3A_155 : i32
      %parallel_loop3A_821 = arith.constant 13 : i32
      %parallel_loop3A_822 = arith.addi %parallel_loop3A_820, %parallel_loop3A_821 : i32
      %parallel_loop3A_823 = arith.index_cast %parallel_loop3A_822 : i32 to index
      %parallel_loop3A_824 = arith.constant 0 : index
      %parallel_loop3A_825 = tpu.vector_load %arg8[%parallel_loop3A_823, %parallel_loop3A_824] {strides = array<i32>} : memref<256x128xf32, #tpu.memory_space<vmem>>, vector<1x16xf32>,
      %parallel_loop3A_826 = vector.shape_cast %parallel_loop3A_825 : vector<1x16xf32> to vector<16xf32>
      %parallel_loop3A_827 = arith.mulf %parallel_loop3A_826, %get3A_19 : vector<16xf32>
      %parallel_loop3A_828 = arith.index_cast %parallel_loop3A_822 : i32 to index
      %parallel_loop3A_829 = arith.constant 16 : index
      %parallel_loop3A_830 = tpu.vector_load %arg8[%parallel_loop3A_828, %parallel_loop3A_829] {strides = array<i32>} : memref<256x128xf32, #tpu.memory_space<vmem>>, vector<1x16xf32>,
      %parallel_loop3A_831 = vector.shape_cast %parallel_loop3A_830 : vector<1x16xf32> to vector<16xf32>
      %parallel_loop3A_832 = arith.mulf %parallel_loop3A_831, %get3A_22 : vector<16xf32>
      %parallel_loop3A_833 = arith.index_cast %parallel_loop3A_822 : i32 to index
      %parallel_loop3A_834 = arith.constant 32 : index
      %parallel_loop3A_835 = tpu.vector_load %arg8[%parallel_loop3A_833, %parallel_loop3A_834] {strides = array<i32>} : memref<256x128xf32, #tpu.memory_space<vmem>>, vector<1x16xf32>,
      %parallel_loop3A_836 = vector.shape_cast %parallel_loop3A_835 : vector<1x16xf32> to vector<16xf32>
      %parallel_loop3A_837 = arith.mulf %parallel_loop3A_836, %get3A_25 : vector<16xf32>
      %parallel_loop3A_838 = arith.addf %parallel_loop3A_827, %parallel_loop3A_837 : vector<16xf32>
      %parallel_loop3A_839 = arith.index_cast %parallel_loop3A_822 : i32 to index
      %parallel_loop3A_840 = arith.constant 48 : index
      %parallel_loop3A_841 = tpu.vector_load %arg8[%parallel_loop3A_839, %parallel_loop3A_840] {strides = array<i32>} : memref<256x128xf32, #tpu.memory_space<vmem>>, vector<1x16xf32>,
      %parallel_loop3A_842 = vector.shape_cast %parallel_loop3A_841 : vector<1x16xf32> to vector<16xf32>
      %parallel_loop3A_843 = arith.mulf %parallel_loop3A_842, %get3A_28 : vector<16xf32>
      %parallel_loop3A_844 = arith.addf %parallel_loop3A_832, %parallel_loop3A_843 : vector<16xf32>
      %parallel_loop3A_845 = arith.index_cast %parallel_loop3A_822 : i32 to index
      %parallel_loop3A_846 = arith.constant 64 : index
      %parallel_loop3A_847 = tpu.vector_load %arg8[%parallel_loop3A_845, %parallel_loop3A_846] {strides = array<i32>} : memref<256x128xf32, #tpu.memory_space<vmem>>, vector<1x16xf32>,
      %parallel_loop3A_848 = vector.shape_cast %parallel_loop3A_847 : vector<1x16xf32> to vector<16xf32>
      %parallel_loop3A_849 = arith.mulf %parallel_loop3A_848, %get3A_31 : vector<16xf32>
      %parallel_loop3A_850 = arith.addf %parallel_loop3A_838, %parallel_loop3A_849 : vector<16xf32>
      %parallel_loop3A_851 = arith.index_cast %parallel_loop3A_822 : i32 to index
      %parallel_loop3A_852 = arith.constant 80 : index
      %parallel_loop3A_853 = tpu.vector_load %arg8[%parallel_loop3A_851, %parallel_loop3A_852] {strides = array<i32>} : memref<256x128xf32, #tpu.memory_space<vmem>>, vector<1x16xf32>,
      %parallel_loop3A_854 = vector.shape_cast %parallel_loop3A_853 : vector<1x16xf32> to vector<16xf32>
      %parallel_loop3A_855 = arith.mulf %parallel_loop3A_854, %get3A_34 : vector<16xf32>
      %parallel_loop3A_856 = arith.addf %parallel_loop3A_844, %parallel_loop3A_855 : vector<16xf32>
      %parallel_loop3A_857 = arith.index_cast %parallel_loop3A_822 : i32 to index
      %parallel_loop3A_858 = arith.constant 96 : index
      %parallel_loop3A_859 = tpu.vector_load %arg8[%parallel_loop3A_857, %parallel_loop3A_858] {strides = array<i32>} : memref<256x128xf32, #tpu.memory_space<vmem>>, vector<1x16xf32>,
      %parallel_loop3A_860 = vector.shape_cast %parallel_loop3A_859 : vector<1x16xf32> to vector<16xf32>
      %parallel_loop3A_861 = arith.mulf %parallel_loop3A_860, %get3A_37 : vector<16xf32>
      %parallel_loop3A_862 = arith.addf %parallel_loop3A_850, %parallel_loop3A_861 : vector<16xf32>
      %parallel_loop3A_863 = arith.index_cast %parallel_loop3A_822 : i32 to index
      %parallel_loop3A_864 = arith.constant 112 : index
      %parallel_loop3A_865 = tpu.vector_load %arg8[%parallel_loop3A_863, %parallel_loop3A_864] {strides = array<i32>} : memref<256x128xf32, #tpu.memory_space<vmem>>, vector<1x16xf32>,
      %parallel_loop3A_866 = vector.shape_cast %parallel_loop3A_865 : vector<1x16xf32> to vector<16xf32>
      %parallel_loop3A_867 = arith.mulf %parallel_loop3A_866, %get3A_40 : vector<16xf32>
      %parallel_loop3A_868 = arith.addf %parallel_loop3A_856, %parallel_loop3A_867 : vector<16xf32>
      %parallel_loop3A_869 = arith.addf %parallel_loop3A_862, %parallel_loop3A_868 : vector<16xf32>
      %parallel_loop3A_870 = arith.constant 16 : i32
      %parallel_loop3A_871 = arith.muli %parallel_loop3A_870, %parallel_loop3A_155 : i32
      %parallel_loop3A_872 = arith.constant 14 : i32
      %parallel_loop3A_873 = arith.addi %parallel_loop3A_871, %parallel_loop3A_872 : i32
      %parallel_loop3A_874 = arith.index_cast %parallel_loop3A_873 : i32 to index
      %parallel_loop3A_875 = arith.constant 0 : index
      %parallel_loop3A_876 = tpu.vector_load %arg8[%parallel_loop3A_874, %parallel_loop3A_875] {strides = array<i32>} : memref<256x128xf32, #tpu.memory_space<vmem>>, vector<1x16xf32>,
      %parallel_loop3A_877 = vector.shape_cast %parallel_loop3A_876 : vector<1x16xf32> to vector<16xf32>
      %parallel_loop3A_878 = arith.mulf %parallel_loop3A_877, %get3A_19 : vector<16xf32>
      %parallel_loop3A_879 = arith.index_cast %parallel_loop3A_873 : i32 to index
      %parallel_loop3A_880 = arith.constant 16 : index
      %parallel_loop3A_881 = tpu.vector_load %arg8[%parallel_loop3A_879, %parallel_loop3A_880] {strides = array<i32>} : memref<256x128xf32, #tpu.memory_space<vmem>>, vector<1x16xf32>,
      %parallel_loop3A_882 = vector.shape_cast %parallel_loop3A_881 : vector<1x16xf32> to vector<16xf32>
      %parallel_loop3A_883 = arith.mulf %parallel_loop3A_882, %get3A_22 : vector<16xf32>
      %parallel_loop3A_884 = arith.index_cast %parallel_loop3A_873 : i32 to index
      %parallel_loop3A_885 = arith.constant 32 : index
      %parallel_loop3A_886 = tpu.vector_load %arg8[%parallel_loop3A_884, %parallel_loop3A_885] {strides = array<i32>} : memref<256x128xf32, #tpu.memory_space<vmem>>, vector<1x16xf32>,
      %parallel_loop3A_887 = vector.shape_cast %parallel_loop3A_886 : vector<1x16xf32> to vector<16xf32>
      %parallel_loop3A_888 = arith.mulf %parallel_loop3A_887, %get3A_25 : vector<16xf32>
      %parallel_loop3A_889 = arith.addf %parallel_loop3A_878, %parallel_loop3A_888 : vector<16xf32>
      %parallel_loop3A_890 = arith.index_cast %parallel_loop3A_873 : i32 to index
      %parallel_loop3A_891 = arith.constant 48 : index
      %parallel_loop3A_892 = tpu.vector_load %arg8[%parallel_loop3A_890, %parallel_loop3A_891] {strides = array<i32>} : memref<256x128xf32, #tpu.memory_space<vmem>>, vector<1x16xf32>,
      %parallel_loop3A_893 = vector.shape_cast %parallel_loop3A_892 : vector<1x16xf32> to vector<16xf32>
      %parallel_loop3A_894 = arith.mulf %parallel_loop3A_893, %get3A_28 : vector<16xf32>
      %parallel_loop3A_895 = arith.addf %parallel_loop3A_883, %parallel_loop3A_894 : vector<16xf32>
      %parallel_loop3A_896 = arith.index_cast %parallel_loop3A_873 : i32 to index
      %parallel_loop3A_897 = arith.constant 64 : index
      %parallel_loop3A_898 = tpu.vector_load %arg8[%parallel_loop3A_896, %parallel_loop3A_897] {strides = array<i32>} : memref<256x128xf32, #tpu.memory_space<vmem>>, vector<1x16xf32>,
      %parallel_loop3A_899 = vector.shape_cast %parallel_loop3A_898 : vector<1x16xf32> to vector<16xf32>
      %parallel_loop3A_900 = arith.mulf %parallel_loop3A_899, %get3A_31 : vector<16xf32>
      %parallel_loop3A_901 = arith.addf %parallel_loop3A_889, %parallel_loop3A_900 : vector<16xf32>
      %parallel_loop3A_902 = arith.index_cast %parallel_loop3A_873 : i32 to index
      %parallel_loop3A_903 = arith.constant 80 : index
      %parallel_loop3A_904 = tpu.vector_load %arg8[%parallel_loop3A_902, %parallel_loop3A_903] {strides = array<i32>} : memref<256x128xf32, #tpu.memory_space<vmem>>, vector<1x16xf32>,
      %parallel_loop3A_905 = vector.shape_cast %parallel_loop3A_904 : vector<1x16xf32> to vector<16xf32>
      %parallel_loop3A_906 = arith.mulf %parallel_loop3A_905, %get3A_34 : vector<16xf32>
      %parallel_loop3A_907 = arith.addf %parallel_loop3A_895, %parallel_loop3A_906 : vector<16xf32>
      %parallel_loop3A_908 = arith.index_cast %parallel_loop3A_873 : i32 to index
      %parallel_loop3A_909 = arith.constant 96 : index
      %parallel_loop3A_910 = tpu.vector_load %arg8[%parallel_loop3A_908, %parallel_loop3A_909] {strides = array<i32>} : memref<256x128xf32, #tpu.memory_space<vmem>>, vector<1x16xf32>,
      %parallel_loop3A_911 = vector.shape_cast %parallel_loop3A_910 : vector<1x16xf32> to vector<16xf32>
      %parallel_loop3A_912 = arith.mulf %parallel_loop3A_911, %get3A_37 : vector<16xf32>
      %parallel_loop3A_913 = arith.addf %parallel_loop3A_901, %parallel_loop3A_912 : vector<16xf32>
      %parallel_loop3A_914 = arith.index_cast %parallel_loop3A_873 : i32 to index
      %parallel_loop3A_915 = arith.constant 112 : index
      %parallel_loop3A_916 = tpu.vector_load %arg8[%parallel_loop3A_914, %parallel_loop3A_915] {strides = array<i32>} : memref<256x128xf32, #tpu.memory_space<vmem>>, vector<1x16xf32>,
      %parallel_loop3A_917 = vector.shape_cast %parallel_loop3A_916 : vector<1x16xf32> to vector<16xf32>
      %parallel_loop3A_918 = arith.mulf %parallel_loop3A_917, %get3A_40 : vector<16xf32>
      %parallel_loop3A_919 = arith.addf %parallel_loop3A_907, %parallel_loop3A_918 : vector<16xf32>
      %parallel_loop3A_920 = arith.addf %parallel_loop3A_913, %parallel_loop3A_919 : vector<16xf32>
      %parallel_loop3A_921 = arith.constant 16 : i32
      %parallel_loop3A_922 = arith.muli %parallel_loop3A_921, %parallel_loop3A_155 : i32
      %parallel_loop3A_923 = arith.constant 15 : i32
      %parallel_loop3A_924 = arith.addi %parallel_loop3A_922, %parallel_loop3A_923 : i32
      %parallel_loop3A_925 = arith.index_cast %parallel_loop3A_924 : i32 to index
      %parallel_loop3A_926 = arith.constant 0 : index
      %parallel_loop3A_927 = tpu.vector_load %arg8[%parallel_loop3A_925, %parallel_loop3A_926] {strides = array<i32>} : memref<256x128xf32, #tpu.memory_space<vmem>>, vector<1x16xf32>,
      %parallel_loop3A_928 = vector.shape_cast %parallel_loop3A_927 : vector<1x16xf32> to vector<16xf32>
      %parallel_loop3A_929 = arith.mulf %parallel_loop3A_928, %get3A_19 : vector<16xf32>
      %parallel_loop3A_930 = arith.index_cast %parallel_loop3A_924 : i32 to index
      %parallel_loop3A_931 = arith.constant 16 : index
      %parallel_loop3A_932 = tpu.vector_load %arg8[%parallel_loop3A_930, %parallel_loop3A_931] {strides = array<i32>} : memref<256x128xf32, #tpu.memory_space<vmem>>, vector<1x16xf32>,
      %parallel_loop3A_933 = vector.shape_cast %parallel_loop3A_932 : vector<1x16xf32> to vector<16xf32>
      %parallel_loop3A_934 = arith.mulf %parallel_loop3A_933, %get3A_22 : vector<16xf32>
      %parallel_loop3A_935 = arith.index_cast %parallel_loop3A_924 : i32 to index
      %parallel_loop3A_936 = arith.constant 32 : index
      %parallel_loop3A_937 = tpu.vector_load %arg8[%parallel_loop3A_935, %parallel_loop3A_936] {strides = array<i32>} : memref<256x128xf32, #tpu.memory_space<vmem>>, vector<1x16xf32>,
      %parallel_loop3A_938 = vector.shape_cast %parallel_loop3A_937 : vector<1x16xf32> to vector<16xf32>
      %parallel_loop3A_939 = arith.mulf %parallel_loop3A_938, %get3A_25 : vector<16xf32>
      %parallel_loop3A_940 = arith.addf %parallel_loop3A_929, %parallel_loop3A_939 : vector<16xf32>
      %parallel_loop3A_941 = arith.index_cast %parallel_loop3A_924 : i32 to index
      %parallel_loop3A_942 = arith.constant 48 : index
      %parallel_loop3A_943 = tpu.vector_load %arg8[%parallel_loop3A_941, %parallel_loop3A_942] {strides = array<i32>} : memref<256x128xf32, #tpu.memory_space<vmem>>, vector<1x16xf32>,
      %parallel_loop3A_944 = vector.shape_cast %parallel_loop3A_943 : vector<1x16xf32> to vector<16xf32>
      %parallel_loop3A_945 = arith.mulf %parallel_loop3A_944, %get3A_28 : vector<16xf32>
      %parallel_loop3A_946 = arith.addf %parallel_loop3A_934, %parallel_loop3A_945 : vector<16xf32>
      %parallel_loop3A_947 = arith.index_cast %parallel_loop3A_924 : i32 to index
      %parallel_loop3A_948 = arith.constant 64 : index
      %parallel_loop3A_949 = tpu.vector_load %arg8[%parallel_loop3A_947, %parallel_loop3A_948] {strides = array<i32>} : memref<256x128xf32, #tpu.memory_space<vmem>>, vector<1x16xf32>,
      %parallel_loop3A_950 = vector.shape_cast %parallel_loop3A_949 : vector<1x16xf32> to vector<16xf32>
      %parallel_loop3A_951 = arith.mulf %parallel_loop3A_950, %get3A_31 : vector<16xf32>
      %parallel_loop3A_952 = arith.addf %parallel_loop3A_940, %parallel_loop3A_951 : vector<16xf32>
      %parallel_loop3A_953 = arith.index_cast %parallel_loop3A_924 : i32 to index
      %parallel_loop3A_954 = arith.constant 80 : index
      %parallel_loop3A_955 = tpu.vector_load %arg8[%parallel_loop3A_953, %parallel_loop3A_954] {strides = array<i32>} : memref<256x128xf32, #tpu.memory_space<vmem>>, vector<1x16xf32>,
      %parallel_loop3A_956 = vector.shape_cast %parallel_loop3A_955 : vector<1x16xf32> to vector<16xf32>
      %parallel_loop3A_957 = arith.mulf %parallel_loop3A_956, %get3A_34 : vector<16xf32>
      %parallel_loop3A_958 = arith.addf %parallel_loop3A_946, %parallel_loop3A_957 : vector<16xf32>
      %parallel_loop3A_959 = arith.index_cast %parallel_loop3A_924 : i32 to index
      %parallel_loop3A_960 = arith.constant 96 : index
      %parallel_loop3A_961 = tpu.vector_load %arg8[%parallel_loop3A_959, %parallel_loop3A_960] {strides = array<i32>} : memref<256x128xf32, #tpu.memory_space<vmem>>, vector<1x16xf32>,
      %parallel_loop3A_962 = vector.shape_cast %parallel_loop3A_961 : vector<1x16xf32> to vector<16xf32>
      %parallel_loop3A_963 = arith.mulf %parallel_loop3A_962, %get3A_37 : vector<16xf32>
      %parallel_loop3A_964 = arith.addf %parallel_loop3A_952, %parallel_loop3A_963 : vector<16xf32>
      %parallel_loop3A_965 = arith.index_cast %parallel_loop3A_924 : i32 to index
      %parallel_loop3A_966 = arith.constant 112 : index
      %parallel_loop3A_967 = tpu.vector_load %arg8[%parallel_loop3A_965, %parallel_loop3A_966] {strides = array<i32>} : memref<256x128xf32, #tpu.memory_space<vmem>>, vector<1x16xf32>,
      %parallel_loop3A_968 = vector.shape_cast %parallel_loop3A_967 : vector<1x16xf32> to vector<16xf32>
      %parallel_loop3A_969 = arith.mulf %parallel_loop3A_968, %get3A_40 : vector<16xf32>
      %parallel_loop3A_970 = arith.addf %parallel_loop3A_958, %parallel_loop3A_969 : vector<16xf32>
      %parallel_loop3A_971 = arith.addf %parallel_loop3A_964, %parallel_loop3A_970 : vector<16xf32>
      %parallel_loop3A_972 = arith.constant 0 : i32
      %parallel_loop3A_973 = vector.broadcast %parallel_loop3A_972 : i32 to vector<16xi32>
      %parallel_loop3A_974 = arith.cmpi slt, %xor3A_109, %parallel_loop3A_973 : vector<16xi32>
      %parallel_loop3A_975 = arith.constant 16 : i32
      %parallel_loop3A_976 = vector.broadcast %parallel_loop3A_975 : i32 to vector<16xi32>
      %parallel_loop3A_977 = arith.addi %xor3A_109, %parallel_loop3A_976 : vector<16xi32>
      %parallel_loop3A_978 = arith.select %parallel_loop3A_974, %parallel_loop3A_977, %xor3A_109 : vector<16xi1>, vector<16xi32>
      %parallel_loop3A_979 = vector.shape_cast %parallel_loop3A_978 : vector<16xi32> to vector<16x1xi32>
      %parallel_loop3A_980 = vector.shape_cast %parallel_loop3A_979 : vector<16x1xi32> to vector<16xi32>
      %parallel_loop3A_981 = tpu.dynamic_gather %parallel_loop3A_614[%parallel_loop3A_980] in [0] : vector<16xf32>, vector<16xi32> -> vector<16xf32>
      %parallel_loop3A_982 = arith.select %eq3A_107, %parallel_loop3A_206, %parallel_loop3A_981 : vector<16xi1>, vector<16xf32>
      %parallel_loop3A_983 = arith.constant 0 : i32
      %parallel_loop3A_984 = vector.broadcast %parallel_loop3A_983 : i32 to vector<16xi32>
      %parallel_loop3A_985 = arith.cmpi slt, %xor3A_109, %parallel_loop3A_984 : vector<16xi32>
      %parallel_loop3A_986 = arith.constant 16 : i32
      %parallel_loop3A_987 = vector.broadcast %parallel_loop3A_986 : i32 to vector<16xi32>
      %parallel_loop3A_988 = arith.addi %xor3A_109, %parallel_loop3A_987 : vector<16xi32>
      %parallel_loop3A_989 = arith.select %parallel_loop3A_985, %parallel_loop3A_988, %xor3A_109 : vector<16xi1>, vector<16xi32>
      %parallel_loop3A_990 = vector.shape_cast %parallel_loop3A_989 : vector<16xi32> to vector<16x1xi32>
      %parallel_loop3A_991 = vector.shape_cast %parallel_loop3A_990 : vector<16x1xi32> to vector<16xi32>
      %parallel_loop3A_992 = tpu.dynamic_gather %parallel_loop3A_206[%parallel_loop3A_991] in [0] : vector<16xf32>, vector<16xi32> -> vector<16xf32>
      %parallel_loop3A_993 = arith.select %eq3A_107, %parallel_loop3A_992, %parallel_loop3A_614 : vector<16xi1>, vector<16xf32>
      %parallel_loop3A_994 = arith.addf %parallel_loop3A_982, %parallel_loop3A_993 : vector<16xf32>
      %parallel_loop3A_995 = arith.constant 0 : i32
      %parallel_loop3A_996 = vector.broadcast %parallel_loop3A_995 : i32 to vector<16xi32>
      %parallel_loop3A_997 = arith.cmpi slt, %xor3A_109, %parallel_loop3A_996 : vector<16xi32>
      %parallel_loop3A_998 = arith.constant 16 : i32
      %parallel_loop3A_999 = vector.broadcast %parallel_loop3A_998 : i32 to vector<16xi32>
      %parallel_loop3A_1000 = arith.addi %xor3A_109, %parallel_loop3A_999 : vector<16xi32>
      %parallel_loop3A_1001 = arith.select %parallel_loop3A_997, %parallel_loop3A_1000, %xor3A_109 : vector<16xi1>, vector<16xi32>
      %parallel_loop3A_1002 = vector.shape_cast %parallel_loop3A_1001 : vector<16xi32> to vector<16x1xi32>
      %parallel_loop3A_1003 = vector.shape_cast %parallel_loop3A_1002 : vector<16x1xi32> to vector<16xi32>
      %parallel_loop3A_1004 = tpu.dynamic_gather %parallel_loop3A_665[%parallel_loop3A_1003] in [0] : vector<16xf32>, vector<16xi32> -> vector<16xf32>
      %parallel_loop3A_1005 = arith.select %eq3A_107, %parallel_loop3A_257, %parallel_loop3A_1004 : vector<16xi1>, vector<16xf32>
      %parallel_loop3A_1006 = arith.constant 0 : i32
      %parallel_loop3A_1007 = vector.broadcast %parallel_loop3A_1006 : i32 to vector<16xi32>
      %parallel_loop3A_1008 = arith.cmpi slt, %xor3A_109, %parallel_loop3A_1007 : vector<16xi32>
      %parallel_loop3A_1009 = arith.constant 16 : i32
      %parallel_loop3A_1010 = vector.broadcast %parallel_loop3A_1009 : i32 to vector<16xi32>
      %parallel_loop3A_1011 = arith.addi %xor3A_109, %parallel_loop3A_1010 : vector<16xi32>
      %parallel_loop3A_1012 = arith.select %parallel_loop3A_1008, %parallel_loop3A_1011, %xor3A_109 : vector<16xi1>, vector<16xi32>
      %parallel_loop3A_1013 = vector.shape_cast %parallel_loop3A_1012 : vector<16xi32> to vector<16x1xi32>
      %parallel_loop3A_1014 = vector.shape_cast %parallel_loop3A_1013 : vector<16x1xi32> to vector<16xi32>
      %parallel_loop3A_1015 = tpu.dynamic_gather %parallel_loop3A_257[%parallel_loop3A_1014] in [0] : vector<16xf32>, vector<16xi32> -> vector<16xf32>
      %parallel_loop3A_1016 = arith.select %eq3A_107, %parallel_loop3A_1015, %parallel_loop3A_665 : vector<16xi1>, vector<16xf32>
      %parallel_loop3A_1017 = arith.addf %parallel_loop3A_1005, %parallel_loop3A_1016 : vector<16xf32>
      %parallel_loop3A_1018 = arith.constant 0 : i32
      %parallel_loop3A_1019 = vector.broadcast %parallel_loop3A_1018 : i32 to vector<16xi32>
      %parallel_loop3A_1020 = arith.cmpi slt, %xor3A_109, %parallel_loop3A_1019 : vector<16xi32>
      %parallel_loop3A_1021 = arith.constant 16 : i32
      %parallel_loop3A_1022 = vector.broadcast %parallel_loop3A_1021 : i32 to vector<16xi32>
      %parallel_loop3A_1023 = arith.addi %xor3A_109, %parallel_loop3A_1022 : vector<16xi32>
      %parallel_loop3A_1024 = arith.select %parallel_loop3A_1020, %parallel_loop3A_1023, %xor3A_109 : vector<16xi1>, vector<16xi32>
      %parallel_loop3A_1025 = vector.shape_cast %parallel_loop3A_1024 : vector<16xi32> to vector<16x1xi32>
      %parallel_loop3A_1026 = vector.shape_cast %parallel_loop3A_1025 : vector<16x1xi32> to vector<16xi32>
      %parallel_loop3A_1027 = tpu.dynamic_gather %parallel_loop3A_716[%parallel_loop3A_1026] in [0] : vector<16xf32>, vector<16xi32> -> vector<16xf32>
      %parallel_loop3A_1028 = arith.select %eq3A_107, %parallel_loop3A_308, %parallel_loop3A_1027 : vector<16xi1>, vector<16xf32>
      %parallel_loop3A_1029 = arith.constant 0 : i32
      %parallel_loop3A_1030 = vector.broadcast %parallel_loop3A_1029 : i32 to vector<16xi32>
      %parallel_loop3A_1031 = arith.cmpi slt, %xor3A_109, %parallel_loop3A_1030 : vector<16xi32>
      %parallel_loop3A_1032 = arith.constant 16 : i32
      %parallel_loop3A_1033 = vector.broadcast %parallel_loop3A_1032 : i32 to vector<16xi32>
      %parallel_loop3A_1034 = arith.addi %xor3A_109, %parallel_loop3A_1033 : vector<16xi32>
      %parallel_loop3A_1035 = arith.select %parallel_loop3A_1031, %parallel_loop3A_1034, %xor3A_109 : vector<16xi1>, vector<16xi32>
      %parallel_loop3A_1036 = vector.shape_cast %parallel_loop3A_1035 : vector<16xi32> to vector<16x1xi32>
      %parallel_loop3A_1037 = vector.shape_cast %parallel_loop3A_1036 : vector<16x1xi32> to vector<16xi32>
      %parallel_loop3A_1038 = tpu.dynamic_gather %parallel_loop3A_308[%parallel_loop3A_1037] in [0] : vector<16xf32>, vector<16xi32> -> vector<16xf32>
      %parallel_loop3A_1039 = arith.select %eq3A_107, %parallel_loop3A_1038, %parallel_loop3A_716 : vector<16xi1>, vector<16xf32>
      %parallel_loop3A_1040 = arith.addf %parallel_loop3A_1028, %parallel_loop3A_1039 : vector<16xf32>
      %parallel_loop3A_1041 = arith.constant 0 : i32
      %parallel_loop3A_1042 = vector.broadcast %parallel_loop3A_1041 : i32 to vector<16xi32>
      %parallel_loop3A_1043 = arith.cmpi slt, %xor3A_109, %parallel_loop3A_1042 : vector<16xi32>
      %parallel_loop3A_1044 = arith.constant 16 : i32
      %parallel_loop3A_1045 = vector.broadcast %parallel_loop3A_1044 : i32 to vector<16xi32>
      %parallel_loop3A_1046 = arith.addi %xor3A_109, %parallel_loop3A_1045 : vector<16xi32>
      %parallel_loop3A_1047 = arith.select %parallel_loop3A_1043, %parallel_loop3A_1046, %xor3A_109 : vector<16xi1>, vector<16xi32>
      %parallel_loop3A_1048 = vector.shape_cast %parallel_loop3A_1047 : vector<16xi32> to vector<16x1xi32>
      %parallel_loop3A_1049 = vector.shape_cast %parallel_loop3A_1048 : vector<16x1xi32> to vector<16xi32>
      %parallel_loop3A_1050 = tpu.dynamic_gather %parallel_loop3A_767[%parallel_loop3A_1049] in [0] : vector<16xf32>, vector<16xi32> -> vector<16xf32>
      %parallel_loop3A_1051 = arith.select %eq3A_107, %parallel_loop3A_359, %parallel_loop3A_1050 : vector<16xi1>, vector<16xf32>
      %parallel_loop3A_1052 = arith.constant 0 : i32
      %parallel_loop3A_1053 = vector.broadcast %parallel_loop3A_1052 : i32 to vector<16xi32>
      %parallel_loop3A_1054 = arith.cmpi slt, %xor3A_109, %parallel_loop3A_1053 : vector<16xi32>
      %parallel_loop3A_1055 = arith.constant 16 : i32
      %parallel_loop3A_1056 = vector.broadcast %parallel_loop3A_1055 : i32 to vector<16xi32>
      %parallel_loop3A_1057 = arith.addi %xor3A_109, %parallel_loop3A_1056 : vector<16xi32>
      %parallel_loop3A_1058 = arith.select %parallel_loop3A_1054, %parallel_loop3A_1057, %xor3A_109 : vector<16xi1>, vector<16xi32>
      %parallel_loop3A_1059 = vector.shape_cast %parallel_loop3A_1058 : vector<16xi32> to vector<16x1xi32>
      %parallel_loop3A_1060 = vector.shape_cast %parallel_loop3A_1059 : vector<16x1xi32> to vector<16xi32>
      %parallel_loop3A_1061 = tpu.dynamic_gather %parallel_loop3A_359[%parallel_loop3A_1060] in [0] : vector<16xf32>, vector<16xi32> -> vector<16xf32>
      %parallel_loop3A_1062 = arith.select %eq3A_107, %parallel_loop3A_1061, %parallel_loop3A_767 : vector<16xi1>, vector<16xf32>
      %parallel_loop3A_1063 = arith.addf %parallel_loop3A_1051, %parallel_loop3A_1062 : vector<16xf32>
      %parallel_loop3A_1064 = arith.constant 0 : i32
      %parallel_loop3A_1065 = vector.broadcast %parallel_loop3A_1064 : i32 to vector<16xi32>
      %parallel_loop3A_1066 = arith.cmpi slt, %xor3A_109, %parallel_loop3A_1065 : vector<16xi32>
      %parallel_loop3A_1067 = arith.constant 16 : i32
      %parallel_loop3A_1068 = vector.broadcast %parallel_loop3A_1067 : i32 to vector<16xi32>
      %parallel_loop3A_1069 = arith.addi %xor3A_109, %parallel_loop3A_1068 : vector<16xi32>
      %parallel_loop3A_1070 = arith.select %parallel_loop3A_1066, %parallel_loop3A_1069, %xor3A_109 : vector<16xi1>, vector<16xi32>
      %parallel_loop3A_1071 = vector.shape_cast %parallel_loop3A_1070 : vector<16xi32> to vector<16x1xi32>
      %parallel_loop3A_1072 = vector.shape_cast %parallel_loop3A_1071 : vector<16x1xi32> to vector<16xi32>
      %parallel_loop3A_1073 = tpu.dynamic_gather %parallel_loop3A_818[%parallel_loop3A_1072] in [0] : vector<16xf32>, vector<16xi32> -> vector<16xf32>
      %parallel_loop3A_1074 = arith.select %eq3A_107, %parallel_loop3A_410, %parallel_loop3A_1073 : vector<16xi1>, vector<16xf32>
      %parallel_loop3A_1075 = arith.constant 0 : i32
      %parallel_loop3A_1076 = vector.broadcast %parallel_loop3A_1075 : i32 to vector<16xi32>
      %parallel_loop3A_1077 = arith.cmpi slt, %xor3A_109, %parallel_loop3A_1076 : vector<16xi32>
      %parallel_loop3A_1078 = arith.constant 16 : i32
      %parallel_loop3A_1079 = vector.broadcast %parallel_loop3A_1078 : i32 to vector<16xi32>
      %parallel_loop3A_1080 = arith.addi %xor3A_109, %parallel_loop3A_1079 : vector<16xi32>
      %parallel_loop3A_1081 = arith.select %parallel_loop3A_1077, %parallel_loop3A_1080, %xor3A_109 : vector<16xi1>, vector<16xi32>
      %parallel_loop3A_1082 = vector.shape_cast %parallel_loop3A_1081 : vector<16xi32> to vector<16x1xi32>
      %parallel_loop3A_1083 = vector.shape_cast %parallel_loop3A_1082 : vector<16x1xi32> to vector<16xi32>
      %parallel_loop3A_1084 = tpu.dynamic_gather %parallel_loop3A_410[%parallel_loop3A_1083] in [0] : vector<16xf32>, vector<16xi32> -> vector<16xf32>
      %parallel_loop3A_1085 = arith.select %eq3A_107, %parallel_loop3A_1084, %parallel_loop3A_818 : vector<16xi1>, vector<16xf32>
      %parallel_loop3A_1086 = arith.addf %parallel_loop3A_1074, %parallel_loop3A_1085 : vector<16xf32>
      %parallel_loop3A_1087 = arith.constant 0 : i32
      %parallel_loop3A_1088 = vector.broadcast %parallel_loop3A_1087 : i32 to vector<16xi32>
      %parallel_loop3A_1089 = arith.cmpi slt, %xor3A_109, %parallel_loop3A_1088 : vector<16xi32>
      %parallel_loop3A_1090 = arith.constant 16 : i32
      %parallel_loop3A_1091 = vector.broadcast %parallel_loop3A_1090 : i32 to vector<16xi32>
      %parallel_loop3A_1092 = arith.addi %xor3A_109, %parallel_loop3A_1091 : vector<16xi32>
      %parallel_loop3A_1093 = arith.select %parallel_loop3A_1089, %parallel_loop3A_1092, %xor3A_109 : vector<16xi1>, vector<16xi32>
      %parallel_loop3A_1094 = vector.shape_cast %parallel_loop3A_1093 : vector<16xi32> to vector<16x1xi32>
      %parallel_loop3A_1095 = vector.shape_cast %parallel_loop3A_1094 : vector<16x1xi32> to vector<16xi32>
      %parallel_loop3A_1096 = tpu.dynamic_gather %parallel_loop3A_869[%parallel_loop3A_1095] in [0] : vector<16xf32>, vector<16xi32> -> vector<16xf32>
      %parallel_loop3A_1097 = arith.select %eq3A_107, %parallel_loop3A_461, %parallel_loop3A_1096 : vector<16xi1>, vector<16xf32>
      %parallel_loop3A_1098 = arith.constant 0 : i32
      %parallel_loop3A_1099 = vector.broadcast %parallel_loop3A_1098 : i32 to vector<16xi32>
      %parallel_loop3A_1100 = arith.cmpi slt, %xor3A_109, %parallel_loop3A_1099 : vector<16xi32>
      %parallel_loop3A_1101 = arith.constant 16 : i32
      %parallel_loop3A_1102 = vector.broadcast %parallel_loop3A_1101 : i32 to vector<16xi32>
      %parallel_loop3A_1103 = arith.addi %xor3A_109, %parallel_loop3A_1102 : vector<16xi32>
      %parallel_loop3A_1104 = arith.select %parallel_loop3A_1100, %parallel_loop3A_1103, %xor3A_109 : vector<16xi1>, vector<16xi32>
      %parallel_loop3A_1105 = vector.shape_cast %parallel_loop3A_1104 : vector<16xi32> to vector<16x1xi32>
      %parallel_loop3A_1106 = vector.shape_cast %parallel_loop3A_1105 : vector<16x1xi32> to vector<16xi32>
      %parallel_loop3A_1107 = tpu.dynamic_gather %parallel_loop3A_461[%parallel_loop3A_1106] in [0] : vector<16xf32>, vector<16xi32> -> vector<16xf32>
      %parallel_loop3A_1108 = arith.select %eq3A_107, %parallel_loop3A_1107, %parallel_loop3A_869 : vector<16xi1>, vector<16xf32>
      %parallel_loop3A_1109 = arith.addf %parallel_loop3A_1097, %parallel_loop3A_1108 : vector<16xf32>
      %parallel_loop3A_1110 = arith.constant 0 : i32
      %parallel_loop3A_1111 = vector.broadcast %parallel_loop3A_1110 : i32 to vector<16xi32>
      %parallel_loop3A_1112 = arith.cmpi slt, %xor3A_109, %parallel_loop3A_1111 : vector<16xi32>
      %parallel_loop3A_1113 = arith.constant 16 : i32
      %parallel_loop3A_1114 = vector.broadcast %parallel_loop3A_1113 : i32 to vector<16xi32>
      %parallel_loop3A_1115 = arith.addi %xor3A_109, %parallel_loop3A_1114 : vector<16xi32>
      %parallel_loop3A_1116 = arith.select %parallel_loop3A_1112, %parallel_loop3A_1115, %xor3A_109 : vector<16xi1>, vector<16xi32>
      %parallel_loop3A_1117 = vector.shape_cast %parallel_loop3A_1116 : vector<16xi32> to vector<16x1xi32>
      %parallel_loop3A_1118 = vector.shape_cast %parallel_loop3A_1117 : vector<16x1xi32> to vector<16xi32>
      %parallel_loop3A_1119 = tpu.dynamic_gather %parallel_loop3A_920[%parallel_loop3A_1118] in [0] : vector<16xf32>, vector<16xi32> -> vector<16xf32>
      %parallel_loop3A_1120 = arith.select %eq3A_107, %parallel_loop3A_512, %parallel_loop3A_1119 : vector<16xi1>, vector<16xf32>
      %parallel_loop3A_1121 = arith.constant 0 : i32
      %parallel_loop3A_1122 = vector.broadcast %parallel_loop3A_1121 : i32 to vector<16xi32>
      %parallel_loop3A_1123 = arith.cmpi slt, %xor3A_109, %parallel_loop3A_1122 : vector<16xi32>
      %parallel_loop3A_1124 = arith.constant 16 : i32
      %parallel_loop3A_1125 = vector.broadcast %parallel_loop3A_1124 : i32 to vector<16xi32>
      %parallel_loop3A_1126 = arith.addi %xor3A_109, %parallel_loop3A_1125 : vector<16xi32>
      %parallel_loop3A_1127 = arith.select %parallel_loop3A_1123, %parallel_loop3A_1126, %xor3A_109 : vector<16xi1>, vector<16xi32>
      %parallel_loop3A_1128 = vector.shape_cast %parallel_loop3A_1127 : vector<16xi32> to vector<16x1xi32>
      %parallel_loop3A_1129 = vector.shape_cast %parallel_loop3A_1128 : vector<16x1xi32> to vector<16xi32>
      %parallel_loop3A_1130 = tpu.dynamic_gather %parallel_loop3A_512[%parallel_loop3A_1129] in [0] : vector<16xf32>, vector<16xi32> -> vector<16xf32>
      %parallel_loop3A_1131 = arith.select %eq3A_107, %parallel_loop3A_1130, %parallel_loop3A_920 : vector<16xi1>, vector<16xf32>
      %parallel_loop3A_1132 = arith.addf %parallel_loop3A_1120, %parallel_loop3A_1131 : vector<16xf32>
      %parallel_loop3A_1133 = arith.constant 0 : i32
      %parallel_loop3A_1134 = vector.broadcast %parallel_loop3A_1133 : i32 to vector<16xi32>
      %parallel_loop3A_1135 = arith.cmpi slt, %xor3A_109, %parallel_loop3A_1134 : vector<16xi32>
      %parallel_loop3A_1136 = arith.constant 16 : i32
      %parallel_loop3A_1137 = vector.broadcast %parallel_loop3A_1136 : i32 to vector<16xi32>
      %parallel_loop3A_1138 = arith.addi %xor3A_109, %parallel_loop3A_1137 : vector<16xi32>
      %parallel_loop3A_1139 = arith.select %parallel_loop3A_1135, %parallel_loop3A_1138, %xor3A_109 : vector<16xi1>, vector<16xi32>
      %parallel_loop3A_1140 = vector.shape_cast %parallel_loop3A_1139 : vector<16xi32> to vector<16x1xi32>
      %parallel_loop3A_1141 = vector.shape_cast %parallel_loop3A_1140 : vector<16x1xi32> to vector<16xi32>
      %parallel_loop3A_1142 = tpu.dynamic_gather %parallel_loop3A_971[%parallel_loop3A_1141] in [0] : vector<16xf32>, vector<16xi32> -> vector<16xf32>
      %parallel_loop3A_1143 = arith.select %eq3A_107, %parallel_loop3A_563, %parallel_loop3A_1142 : vector<16xi1>, vector<16xf32>
      %parallel_loop3A_1144 = arith.constant 0 : i32
      %parallel_loop3A_1145 = vector.broadcast %parallel_loop3A_1144 : i32 to vector<16xi32>
      %parallel_loop3A_1146 = arith.cmpi slt, %xor3A_109, %parallel_loop3A_1145 : vector<16xi32>
      %parallel_loop3A_1147 = arith.constant 16 : i32
      %parallel_loop3A_1148 = vector.broadcast %parallel_loop3A_1147 : i32 to vector<16xi32>
      %parallel_loop3A_1149 = arith.addi %xor3A_109, %parallel_loop3A_1148 : vector<16xi32>
      %parallel_loop3A_1150 = arith.select %parallel_loop3A_1146, %parallel_loop3A_1149, %xor3A_109 : vector<16xi1>, vector<16xi32>
      %parallel_loop3A_1151 = vector.shape_cast %parallel_loop3A_1150 : vector<16xi32> to vector<16x1xi32>
      %parallel_loop3A_1152 = vector.shape_cast %parallel_loop3A_1151 : vector<16x1xi32> to vector<16xi32>
      %parallel_loop3A_1153 = tpu.dynamic_gather %parallel_loop3A_563[%parallel_loop3A_1152] in [0] : vector<16xf32>, vector<16xi32> -> vector<16xf32>
      %parallel_loop3A_1154 = arith.select %eq3A_107, %parallel_loop3A_1153, %parallel_loop3A_971 : vector<16xi1>, vector<16xf32>
      %parallel_loop3A_1155 = arith.addf %parallel_loop3A_1143, %parallel_loop3A_1154 : vector<16xf32>
      %parallel_loop3A_1156 = arith.constant 0 : i32
      %parallel_loop3A_1157 = vector.broadcast %parallel_loop3A_1156 : i32 to vector<16xi32>
      %parallel_loop3A_1158 = arith.cmpi slt, %xor3A_118, %parallel_loop3A_1157 : vector<16xi32>
      %parallel_loop3A_1159 = arith.constant 16 : i32
      %parallel_loop3A_1160 = vector.broadcast %parallel_loop3A_1159 : i32 to vector<16xi32>
      %parallel_loop3A_1161 = arith.addi %xor3A_118, %parallel_loop3A_1160 : vector<16xi32>
      %parallel_loop3A_1162 = arith.select %parallel_loop3A_1158, %parallel_loop3A_1161, %xor3A_118 : vector<16xi1>, vector<16xi32>
      %parallel_loop3A_1163 = vector.shape_cast %parallel_loop3A_1162 : vector<16xi32> to vector<16x1xi32>
      %parallel_loop3A_1164 = vector.shape_cast %parallel_loop3A_1163 : vector<16x1xi32> to vector<16xi32>
      %parallel_loop3A_1165 = tpu.dynamic_gather %parallel_loop3A_1086[%parallel_loop3A_1164] in [0] : vector<16xf32>, vector<16xi32> -> vector<16xf32>
      %parallel_loop3A_1166 = arith.select %eq3A_115, %parallel_loop3A_994, %parallel_loop3A_1165 : vector<16xi1>, vector<16xf32>
      %parallel_loop3A_1167 = arith.constant 0 : i32
      %parallel_loop3A_1168 = vector.broadcast %parallel_loop3A_1167 : i32 to vector<16xi32>
      %parallel_loop3A_1169 = arith.cmpi slt, %xor3A_118, %parallel_loop3A_1168 : vector<16xi32>
      %parallel_loop3A_1170 = arith.constant 16 : i32
      %parallel_loop3A_1171 = vector.broadcast %parallel_loop3A_1170 : i32 to vector<16xi32>
      %parallel_loop3A_1172 = arith.addi %xor3A_118, %parallel_loop3A_1171 : vector<16xi32>
      %parallel_loop3A_1173 = arith.select %parallel_loop3A_1169, %parallel_loop3A_1172, %xor3A_118 : vector<16xi1>, vector<16xi32>
      %parallel_loop3A_1174 = vector.shape_cast %parallel_loop3A_1173 : vector<16xi32> to vector<16x1xi32>
      %parallel_loop3A_1175 = vector.shape_cast %parallel_loop3A_1174 : vector<16x1xi32> to vector<16xi32>
      %parallel_loop3A_1176 = tpu.dynamic_gather %parallel_loop3A_994[%parallel_loop3A_1175] in [0] : vector<16xf32>, vector<16xi32> -> vector<16xf32>
      %parallel_loop3A_1177 = arith.select %eq3A_115, %parallel_loop3A_1176, %parallel_loop3A_1086 : vector<16xi1>, vector<16xf32>
      %parallel_loop3A_1178 = arith.addf %parallel_loop3A_1166, %parallel_loop3A_1177 : vector<16xf32>
      %parallel_loop3A_1179 = arith.constant 0 : i32
      %parallel_loop3A_1180 = vector.broadcast %parallel_loop3A_1179 : i32 to vector<16xi32>
      %parallel_loop3A_1181 = arith.cmpi slt, %xor3A_118, %parallel_loop3A_1180 : vector<16xi32>
      %parallel_loop3A_1182 = arith.constant 16 : i32
      %parallel_loop3A_1183 = vector.broadcast %parallel_loop3A_1182 : i32 to vector<16xi32>
      %parallel_loop3A_1184 = arith.addi %xor3A_118, %parallel_loop3A_1183 : vector<16xi32>
      %parallel_loop3A_1185 = arith.select %parallel_loop3A_1181, %parallel_loop3A_1184, %xor3A_118 : vector<16xi1>, vector<16xi32>
      %parallel_loop3A_1186 = vector.shape_cast %parallel_loop3A_1185 : vector<16xi32> to vector<16x1xi32>
      %parallel_loop3A_1187 = vector.shape_cast %parallel_loop3A_1186 : vector<16x1xi32> to vector<16xi32>
      %parallel_loop3A_1188 = tpu.dynamic_gather %parallel_loop3A_1109[%parallel_loop3A_1187] in [0] : vector<16xf32>, vector<16xi32> -> vector<16xf32>
      %parallel_loop3A_1189 = arith.select %eq3A_115, %parallel_loop3A_1017, %parallel_loop3A_1188 : vector<16xi1>, vector<16xf32>
      %parallel_loop3A_1190 = arith.constant 0 : i32
      %parallel_loop3A_1191 = vector.broadcast %parallel_loop3A_1190 : i32 to vector<16xi32>
      %parallel_loop3A_1192 = arith.cmpi slt, %xor3A_118, %parallel_loop3A_1191 : vector<16xi32>
      %parallel_loop3A_1193 = arith.constant 16 : i32
      %parallel_loop3A_1194 = vector.broadcast %parallel_loop3A_1193 : i32 to vector<16xi32>
      %parallel_loop3A_1195 = arith.addi %xor3A_118, %parallel_loop3A_1194 : vector<16xi32>
      %parallel_loop3A_1196 = arith.select %parallel_loop3A_1192, %parallel_loop3A_1195, %xor3A_118 : vector<16xi1>, vector<16xi32>
      %parallel_loop3A_1197 = vector.shape_cast %parallel_loop3A_1196 : vector<16xi32> to vector<16x1xi32>
      %parallel_loop3A_1198 = vector.shape_cast %parallel_loop3A_1197 : vector<16x1xi32> to vector<16xi32>
      %parallel_loop3A_1199 = tpu.dynamic_gather %parallel_loop3A_1017[%parallel_loop3A_1198] in [0] : vector<16xf32>, vector<16xi32> -> vector<16xf32>
      %parallel_loop3A_1200 = arith.select %eq3A_115, %parallel_loop3A_1199, %parallel_loop3A_1109 : vector<16xi1>, vector<16xf32>
      %parallel_loop3A_1201 = arith.addf %parallel_loop3A_1189, %parallel_loop3A_1200 : vector<16xf32>
      %parallel_loop3A_1202 = arith.constant 0 : i32
      %parallel_loop3A_1203 = vector.broadcast %parallel_loop3A_1202 : i32 to vector<16xi32>
      %parallel_loop3A_1204 = arith.cmpi slt, %xor3A_118, %parallel_loop3A_1203 : vector<16xi32>
      %parallel_loop3A_1205 = arith.constant 16 : i32
      %parallel_loop3A_1206 = vector.broadcast %parallel_loop3A_1205 : i32 to vector<16xi32>
      %parallel_loop3A_1207 = arith.addi %xor3A_118, %parallel_loop3A_1206 : vector<16xi32>
      %parallel_loop3A_1208 = arith.select %parallel_loop3A_1204, %parallel_loop3A_1207, %xor3A_118 : vector<16xi1>, vector<16xi32>
      %parallel_loop3A_1209 = vector.shape_cast %parallel_loop3A_1208 : vector<16xi32> to vector<16x1xi32>
      %parallel_loop3A_1210 = vector.shape_cast %parallel_loop3A_1209 : vector<16x1xi32> to vector<16xi32>
      %parallel_loop3A_1211 = tpu.dynamic_gather %parallel_loop3A_1132[%parallel_loop3A_1210] in [0] : vector<16xf32>, vector<16xi32> -> vector<16xf32>
      %parallel_loop3A_1212 = arith.select %eq3A_115, %parallel_loop3A_1040, %parallel_loop3A_1211 : vector<16xi1>, vector<16xf32>
      %parallel_loop3A_1213 = arith.constant 0 : i32
      %parallel_loop3A_1214 = vector.broadcast %parallel_loop3A_1213 : i32 to vector<16xi32>
      %parallel_loop3A_1215 = arith.cmpi slt, %xor3A_118, %parallel_loop3A_1214 : vector<16xi32>
      %parallel_loop3A_1216 = arith.constant 16 : i32
      %parallel_loop3A_1217 = vector.broadcast %parallel_loop3A_1216 : i32 to vector<16xi32>
      %parallel_loop3A_1218 = arith.addi %xor3A_118, %parallel_loop3A_1217 : vector<16xi32>
      %parallel_loop3A_1219 = arith.select %parallel_loop3A_1215, %parallel_loop3A_1218, %xor3A_118 : vector<16xi1>, vector<16xi32>
      %parallel_loop3A_1220 = vector.shape_cast %parallel_loop3A_1219 : vector<16xi32> to vector<16x1xi32>
      %parallel_loop3A_1221 = vector.shape_cast %parallel_loop3A_1220 : vector<16x1xi32> to vector<16xi32>
      %parallel_loop3A_1222 = tpu.dynamic_gather %parallel_loop3A_1040[%parallel_loop3A_1221] in [0] : vector<16xf32>, vector<16xi32> -> vector<16xf32>
      %parallel_loop3A_1223 = arith.select %eq3A_115, %parallel_loop3A_1222, %parallel_loop3A_1132 : vector<16xi1>, vector<16xf32>
      %parallel_loop3A_1224 = arith.addf %parallel_loop3A_1212, %parallel_loop3A_1223 : vector<16xf32>
      %parallel_loop3A_1225 = arith.constant 0 : i32
      %parallel_loop3A_1226 = vector.broadcast %parallel_loop3A_1225 : i32 to vector<16xi32>
      %parallel_loop3A_1227 = arith.cmpi slt, %xor3A_118, %parallel_loop3A_1226 : vector<16xi32>
      %parallel_loop3A_1228 = arith.constant 16 : i32
      %parallel_loop3A_1229 = vector.broadcast %parallel_loop3A_1228 : i32 to vector<16xi32>
      %parallel_loop3A_1230 = arith.addi %xor3A_118, %parallel_loop3A_1229 : vector<16xi32>
      %parallel_loop3A_1231 = arith.select %parallel_loop3A_1227, %parallel_loop3A_1230, %xor3A_118 : vector<16xi1>, vector<16xi32>
      %parallel_loop3A_1232 = vector.shape_cast %parallel_loop3A_1231 : vector<16xi32> to vector<16x1xi32>
      %parallel_loop3A_1233 = vector.shape_cast %parallel_loop3A_1232 : vector<16x1xi32> to vector<16xi32>
      %parallel_loop3A_1234 = tpu.dynamic_gather %parallel_loop3A_1155[%parallel_loop3A_1233] in [0] : vector<16xf32>, vector<16xi32> -> vector<16xf32>
      %parallel_loop3A_1235 = arith.select %eq3A_115, %parallel_loop3A_1063, %parallel_loop3A_1234 : vector<16xi1>, vector<16xf32>
      %parallel_loop3A_1236 = arith.constant 0 : i32
      %parallel_loop3A_1237 = vector.broadcast %parallel_loop3A_1236 : i32 to vector<16xi32>
      %parallel_loop3A_1238 = arith.cmpi slt, %xor3A_118, %parallel_loop3A_1237 : vector<16xi32>
      %parallel_loop3A_1239 = arith.constant 16 : i32
      %parallel_loop3A_1240 = vector.broadcast %parallel_loop3A_1239 : i32 to vector<16xi32>
      %parallel_loop3A_1241 = arith.addi %xor3A_118, %parallel_loop3A_1240 : vector<16xi32>
      %parallel_loop3A_1242 = arith.select %parallel_loop3A_1238, %parallel_loop3A_1241, %xor3A_118 : vector<16xi1>, vector<16xi32>
      %parallel_loop3A_1243 = vector.shape_cast %parallel_loop3A_1242 : vector<16xi32> to vector<16x1xi32>
      %parallel_loop3A_1244 = vector.shape_cast %parallel_loop3A_1243 : vector<16x1xi32> to vector<16xi32>
      %parallel_loop3A_1245 = tpu.dynamic_gather %parallel_loop3A_1063[%parallel_loop3A_1244] in [0] : vector<16xf32>, vector<16xi32> -> vector<16xf32>
      %parallel_loop3A_1246 = arith.select %eq3A_115, %parallel_loop3A_1245, %parallel_loop3A_1155 : vector<16xi1>, vector<16xf32>
      %parallel_loop3A_1247 = arith.addf %parallel_loop3A_1235, %parallel_loop3A_1246 : vector<16xf32>
      %parallel_loop3A_1248 = arith.constant 0 : i32
      %parallel_loop3A_1249 = vector.broadcast %parallel_loop3A_1248 : i32 to vector<16xi32>
      %parallel_loop3A_1250 = arith.cmpi slt, %xor3A_127, %parallel_loop3A_1249 : vector<16xi32>
      %parallel_loop3A_1251 = arith.constant 16 : i32
      %parallel_loop3A_1252 = vector.broadcast %parallel_loop3A_1251 : i32 to vector<16xi32>
      %parallel_loop3A_1253 = arith.addi %xor3A_127, %parallel_loop3A_1252 : vector<16xi32>
      %parallel_loop3A_1254 = arith.select %parallel_loop3A_1250, %parallel_loop3A_1253, %xor3A_127 : vector<16xi1>, vector<16xi32>
      %parallel_loop3A_1255 = vector.shape_cast %parallel_loop3A_1254 : vector<16xi32> to vector<16x1xi32>
      %parallel_loop3A_1256 = vector.shape_cast %parallel_loop3A_1255 : vector<16x1xi32> to vector<16xi32>
      %parallel_loop3A_1257 = tpu.dynamic_gather %parallel_loop3A_1224[%parallel_loop3A_1256] in [0] : vector<16xf32>, vector<16xi32> -> vector<16xf32>
      %parallel_loop3A_1258 = arith.select %eq3A_124, %parallel_loop3A_1178, %parallel_loop3A_1257 : vector<16xi1>, vector<16xf32>
      %parallel_loop3A_1259 = arith.constant 0 : i32
      %parallel_loop3A_1260 = vector.broadcast %parallel_loop3A_1259 : i32 to vector<16xi32>
      %parallel_loop3A_1261 = arith.cmpi slt, %xor3A_127, %parallel_loop3A_1260 : vector<16xi32>
      %parallel_loop3A_1262 = arith.constant 16 : i32
      %parallel_loop3A_1263 = vector.broadcast %parallel_loop3A_1262 : i32 to vector<16xi32>
      %parallel_loop3A_1264 = arith.addi %xor3A_127, %parallel_loop3A_1263 : vector<16xi32>
      %parallel_loop3A_1265 = arith.select %parallel_loop3A_1261, %parallel_loop3A_1264, %xor3A_127 : vector<16xi1>, vector<16xi32>
      %parallel_loop3A_1266 = vector.shape_cast %parallel_loop3A_1265 : vector<16xi32> to vector<16x1xi32>
      %parallel_loop3A_1267 = vector.shape_cast %parallel_loop3A_1266 : vector<16x1xi32> to vector<16xi32>
      %parallel_loop3A_1268 = tpu.dynamic_gather %parallel_loop3A_1178[%parallel_loop3A_1267] in [0] : vector<16xf32>, vector<16xi32> -> vector<16xf32>
      %parallel_loop3A_1269 = arith.select %eq3A_124, %parallel_loop3A_1268, %parallel_loop3A_1224 : vector<16xi1>, vector<16xf32>
      %parallel_loop3A_1270 = arith.addf %parallel_loop3A_1258, %parallel_loop3A_1269 : vector<16xf32>
      %parallel_loop3A_1271 = arith.constant 0 : i32
      %parallel_loop3A_1272 = vector.broadcast %parallel_loop3A_1271 : i32 to vector<16xi32>
      %parallel_loop3A_1273 = arith.cmpi slt, %xor3A_127, %parallel_loop3A_1272 : vector<16xi32>
      %parallel_loop3A_1274 = arith.constant 16 : i32
      %parallel_loop3A_1275 = vector.broadcast %parallel_loop3A_1274 : i32 to vector<16xi32>
      %parallel_loop3A_1276 = arith.addi %xor3A_127, %parallel_loop3A_1275 : vector<16xi32>
      %parallel_loop3A_1277 = arith.select %parallel_loop3A_1273, %parallel_loop3A_1276, %xor3A_127 : vector<16xi1>, vector<16xi32>
      %parallel_loop3A_1278 = vector.shape_cast %parallel_loop3A_1277 : vector<16xi32> to vector<16x1xi32>
      %parallel_loop3A_1279 = vector.shape_cast %parallel_loop3A_1278 : vector<16x1xi32> to vector<16xi32>
      %parallel_loop3A_1280 = tpu.dynamic_gather %parallel_loop3A_1247[%parallel_loop3A_1279] in [0] : vector<16xf32>, vector<16xi32> -> vector<16xf32>
      %parallel_loop3A_1281 = arith.select %eq3A_124, %parallel_loop3A_1201, %parallel_loop3A_1280 : vector<16xi1>, vector<16xf32>
      %parallel_loop3A_1282 = arith.constant 0 : i32
      %parallel_loop3A_1283 = vector.broadcast %parallel_loop3A_1282 : i32 to vector<16xi32>
      %parallel_loop3A_1284 = arith.cmpi slt, %xor3A_127, %parallel_loop3A_1283 : vector<16xi32>
      %parallel_loop3A_1285 = arith.constant 16 : i32
      %parallel_loop3A_1286 = vector.broadcast %parallel_loop3A_1285 : i32 to vector<16xi32>
      %parallel_loop3A_1287 = arith.addi %xor3A_127, %parallel_loop3A_1286 : vector<16xi32>
      %parallel_loop3A_1288 = arith.select %parallel_loop3A_1284, %parallel_loop3A_1287, %xor3A_127 : vector<16xi1>, vector<16xi32>
      %parallel_loop3A_1289 = vector.shape_cast %parallel_loop3A_1288 : vector<16xi32> to vector<16x1xi32>
      %parallel_loop3A_1290 = vector.shape_cast %parallel_loop3A_1289 : vector<16x1xi32> to vector<16xi32>
      %parallel_loop3A_1291 = tpu.dynamic_gather %parallel_loop3A_1201[%parallel_loop3A_1290] in [0] : vector<16xf32>, vector<16xi32> -> vector<16xf32>
      %parallel_loop3A_1292 = arith.select %eq3A_124, %parallel_loop3A_1291, %parallel_loop3A_1247 : vector<16xi1>, vector<16xf32>
      %parallel_loop3A_1293 = arith.addf %parallel_loop3A_1281, %parallel_loop3A_1292 : vector<16xf32>
      %parallel_loop3A_1294 = arith.constant 0 : i32
      %parallel_loop3A_1295 = vector.broadcast %parallel_loop3A_1294 : i32 to vector<16xi32>
      %parallel_loop3A_1296 = arith.cmpi slt, %xor3A_136, %parallel_loop3A_1295 : vector<16xi32>
      %parallel_loop3A_1297 = arith.constant 16 : i32
      %parallel_loop3A_1298 = vector.broadcast %parallel_loop3A_1297 : i32 to vector<16xi32>
      %parallel_loop3A_1299 = arith.addi %xor3A_136, %parallel_loop3A_1298 : vector<16xi32>
      %parallel_loop3A_1300 = arith.select %parallel_loop3A_1296, %parallel_loop3A_1299, %xor3A_136 : vector<16xi1>, vector<16xi32>
      %parallel_loop3A_1301 = vector.shape_cast %parallel_loop3A_1300 : vector<16xi32> to vector<16x1xi32>
      %parallel_loop3A_1302 = vector.shape_cast %parallel_loop3A_1301 : vector<16x1xi32> to vector<16xi32>
      %parallel_loop3A_1303 = tpu.dynamic_gather %parallel_loop3A_1293[%parallel_loop3A_1302] in [0] : vector<16xf32>, vector<16xi32> -> vector<16xf32>
      %parallel_loop3A_1304 = arith.select %eq3A_133, %parallel_loop3A_1270, %parallel_loop3A_1303 : vector<16xi1>, vector<16xf32>
      %parallel_loop3A_1305 = arith.constant 0 : i32
      %parallel_loop3A_1306 = vector.broadcast %parallel_loop3A_1305 : i32 to vector<16xi32>
      %parallel_loop3A_1307 = arith.cmpi slt, %xor3A_136, %parallel_loop3A_1306 : vector<16xi32>
      %parallel_loop3A_1308 = arith.constant 16 : i32
      %parallel_loop3A_1309 = vector.broadcast %parallel_loop3A_1308 : i32 to vector<16xi32>
      %parallel_loop3A_1310 = arith.addi %xor3A_136, %parallel_loop3A_1309 : vector<16xi32>
      %parallel_loop3A_1311 = arith.select %parallel_loop3A_1307, %parallel_loop3A_1310, %xor3A_136 : vector<16xi1>, vector<16xi32>
      %parallel_loop3A_1312 = vector.shape_cast %parallel_loop3A_1311 : vector<16xi32> to vector<16x1xi32>
      %parallel_loop3A_1313 = vector.shape_cast %parallel_loop3A_1312 : vector<16x1xi32> to vector<16xi32>
      %parallel_loop3A_1314 = tpu.dynamic_gather %parallel_loop3A_1270[%parallel_loop3A_1313] in [0] : vector<16xf32>, vector<16xi32> -> vector<16xf32>
      %parallel_loop3A_1315 = arith.select %eq3A_133, %parallel_loop3A_1314, %parallel_loop3A_1293 : vector<16xi1>, vector<16xf32>
      %parallel_loop3A_1316 = arith.addf %parallel_loop3A_1304, %parallel_loop3A_1315 : vector<16xf32>
      %parallel_loop3A_1317 = arith.addf %parallel_loop3A_1316, %gather3A_51 : vector<16xf32>
      %parallel_loop3A_1318 = math.absf %parallel_loop3A_1317 : vector<16xf32>
      %parallel_loop3A_1319 = arith.mulf %broadcast_in_dim3A_103, %parallel_loop3A_1318 : vector<16xf32>
      %parallel_loop3A_1320 = math.exp %parallel_loop3A_1319 : vector<16xf32>
      %parallel_loop3A_1321 = arith.addf %parallel_loop3A_1320, %broadcast_in_dim3A_101 : vector<16xf32>
      %parallel_loop3A_1322 = arith.divf %broadcast_in_dim3A_103, %parallel_loop3A_1321 : vector<16xf32>
      %parallel_loop3A_1323 = arith.subf %broadcast_in_dim3A_101, %parallel_loop3A_1322 : vector<16xf32>
      %parallel_loop3A_1324 = arith.constant 0.000000e+00 : f32
      %parallel_loop3A_1325 = vector.broadcast %parallel_loop3A_1324 : f32 to vector<16xf32>
      %parallel_loop3A_1326 = arith.cmpf olt, %parallel_loop3A_1317, %parallel_loop3A_1325 : vector<16xf32>
      %parallel_loop3A_1327 = arith.constant 0.000000e+00 : f32
      %parallel_loop3A_1328 = vector.broadcast %parallel_loop3A_1327 : f32 to vector<16xf32>
      %parallel_loop3A_1329 = arith.subf %parallel_loop3A_1328, %parallel_loop3A_1323 : vector<16xf32>
      %parallel_loop3A_1330 = arith.select %parallel_loop3A_1326, %parallel_loop3A_1329, %parallel_loop3A_1323 : vector<16xi1>, vector<16xf32>
      %parallel_loop3A_1331 = arith.constant 16 : i32
      %parallel_loop3A_1332 = arith.muli %parallel_loop3A_1331, %parallel_loop3A_155 : i32
      %parallel_loop3A_1333 = arith.constant 0 : i32
      %parallel_loop3A_1334 = arith.addi %parallel_loop3A_1333, %parallel_loop3A_1332 : i32
      %parallel_loop3A_1335 = arith.index_cast %parallel_loop3A_1334 : i32 to index
      %parallel_loop3A_1336 = tpu.vector_load %arg10[%parallel_loop3A_1335] {strides = array<i32>} : memref<512xf32, #tpu.memory_space<vmem>>, vector<16xf32>,
      %parallel_loop3A_1337 = vector.shape_cast %parallel_loop3A_1336 : vector<16xf32> to vector<16xf32>
      %parallel_loop3A_1338 = arith.index_cast %parallel_loop3A_1334 : i32 to index
      %parallel_loop3A_1339 = tpu.vector_load %arg11[%parallel_loop3A_1338] {strides = array<i32>} : memref<512xf32, #tpu.memory_space<vmem>>, vector<16xf32>,
      %parallel_loop3A_1340 = vector.shape_cast %parallel_loop3A_1339 : vector<16xf32> to vector<16xf32>
      %parallel_loop3A_1341 = arith.mulf %parallel_loop3A_1337, %gather3A_63 : vector<16xf32>
      %parallel_loop3A_1342 = arith.mulf %parallel_loop3A_1340, %gather3A_75 : vector<16xf32>
      %parallel_loop3A_1343 = arith.addf %parallel_loop3A_1341, %parallel_loop3A_1342 : vector<16xf32>
      %parallel_loop3A_1344 = arith.mulf %parallel_loop3A_1330, %gather3A_87 : vector<16xf32>
      %parallel_loop3A_1345 = arith.addf %parallel_loop3A_1343, %parallel_loop3A_1344 : vector<16xf32>
      %parallel_loop3A_1346 = arith.addf %parallel_loop3A_1345, %gather3A_99 : vector<16xf32>
      %parallel_loop3A_1347 = arith.index_cast %parallel_loop3A_1334 : i32 to index
      %parallel_loop3A_1348 = tpu.vector_load %arg13[%parallel_loop3A_1347] {strides = array<i32>} : memref<512xf32, #tpu.memory_space<vmem>>, vector<16xf32>,
      %parallel_loop3A_1349 = vector.shape_cast %parallel_loop3A_1348 : vector<16xf32> to vector<16xf32>
      %parallel_loop3A_1350 = vector.shape_cast %parallel_loop3A_1346 : vector<16xf32> to vector<16xf32>
      tpu.vector_store %arg13[%parallel_loop3A_1347], %parallel_loop3A_1350 {strides = array<i32>} : memref<512xf32, #tpu.memory_space<vmem>>, vector<16xf32>,
    } {sc.loop_unroll_factor = 2 : i64, sc.parallel_access}
    %dma_wait3A_147 = arith.constant 256 : i32
    %dma_wait3A_148 = tpu.memref_slice %arg7[%dma_wait3A_147] : memref<512xi32, #tpu.memory_space<vmem>> -> memref<256xi32, #tpu.memory_space<vmem>>
    %dma_wait3A_149 = arith.constant 0 : i32
    %dma_wait3A_150 = arith.constant 0 : i32
    %dma_wait3A_151 = tpu.memref_slice %arg2[%dma_wait3A_149, %dma_wait3A_150] : memref<100000x128xf32, #tpu.memory_space<hbm>> -> memref<100000x128xf32, #tpu.memory_space<hbm>>
    tpu.wait_indirect_dma semaphore(%arg15 : memref<!tpu.dma_semaphore, #tpu.memory_space<semaphore_mem>>) src(%dma_wait3A_151 : memref<100000x128xf32, #tpu.memory_space<hbm>>) dst(%arg9 : memref<256x128xf32, #tpu.memory_space<vmem>>)
    %parallel_loop3A_152 = arith.constant 0 : i32
    %parallel_loop3A_153 = arith.constant 16 : i32
    %parallel_loop3A_154 = arith.constant 1 : i32
    scf.for %parallel_loop3A_155 = %parallel_loop3A_152 to %parallel_loop3A_153 step %parallel_loop3A_154  : i32 {
      %parallel_loop3A_156 = arith.constant 16 : i32
      %parallel_loop3A_157 = arith.muli %parallel_loop3A_156, %parallel_loop3A_155 : i32
      %parallel_loop3A_158 = arith.constant 0 : i32
      %parallel_loop3A_159 = arith.addi %parallel_loop3A_157, %parallel_loop3A_158 : i32
      %parallel_loop3A_160 = arith.index_cast %parallel_loop3A_159 : i32 to index
      %parallel_loop3A_161 = arith.constant 0 : index
      %parallel_loop3A_162 = tpu.vector_load %arg9[%parallel_loop3A_160, %parallel_loop3A_161] {strides = array<i32>} : memref<256x128xf32, #tpu.memory_space<vmem>>, vector<1x16xf32>,
      %parallel_loop3A_163 = vector.shape_cast %parallel_loop3A_162 : vector<1x16xf32> to vector<16xf32>
      %parallel_loop3A_164 = arith.mulf %parallel_loop3A_163, %get3A_19 : vector<16xf32>
      %parallel_loop3A_165 = arith.index_cast %parallel_loop3A_159 : i32 to index
      %parallel_loop3A_166 = arith.constant 16 : index
      %parallel_loop3A_167 = tpu.vector_load %arg9[%parallel_loop3A_165, %parallel_loop3A_166] {strides = array<i32>} : memref<256x128xf32, #tpu.memory_space<vmem>>, vector<1x16xf32>,
      %parallel_loop3A_168 = vector.shape_cast %parallel_loop3A_167 : vector<1x16xf32> to vector<16xf32>
      %parallel_loop3A_169 = arith.mulf %parallel_loop3A_168, %get3A_22 : vector<16xf32>
      %parallel_loop3A_170 = arith.index_cast %parallel_loop3A_159 : i32 to index
      %parallel_loop3A_171 = arith.constant 32 : index
      %parallel_loop3A_172 = tpu.vector_load %arg9[%parallel_loop3A_170, %parallel_loop3A_171] {strides = array<i32>} : memref<256x128xf32, #tpu.memory_space<vmem>>, vector<1x16xf32>,
      %parallel_loop3A_173 = vector.shape_cast %parallel_loop3A_172 : vector<1x16xf32> to vector<16xf32>
      %parallel_loop3A_174 = arith.mulf %parallel_loop3A_173, %get3A_25 : vector<16xf32>
      %parallel_loop3A_175 = arith.addf %parallel_loop3A_164, %parallel_loop3A_174 : vector<16xf32>
      %parallel_loop3A_176 = arith.index_cast %parallel_loop3A_159 : i32 to index
      %parallel_loop3A_177 = arith.constant 48 : index
      %parallel_loop3A_178 = tpu.vector_load %arg9[%parallel_loop3A_176, %parallel_loop3A_177] {strides = array<i32>} : memref<256x128xf32, #tpu.memory_space<vmem>>, vector<1x16xf32>,
      %parallel_loop3A_179 = vector.shape_cast %parallel_loop3A_178 : vector<1x16xf32> to vector<16xf32>
      %parallel_loop3A_180 = arith.mulf %parallel_loop3A_179, %get3A_28 : vector<16xf32>
      %parallel_loop3A_181 = arith.addf %parallel_loop3A_169, %parallel_loop3A_180 : vector<16xf32>
      %parallel_loop3A_182 = arith.index_cast %parallel_loop3A_159 : i32 to index
      %parallel_loop3A_183 = arith.constant 64 : index
      %parallel_loop3A_184 = tpu.vector_load %arg9[%parallel_loop3A_182, %parallel_loop3A_183] {strides = array<i32>} : memref<256x128xf32, #tpu.memory_space<vmem>>, vector<1x16xf32>,
      %parallel_loop3A_185 = vector.shape_cast %parallel_loop3A_184 : vector<1x16xf32> to vector<16xf32>
      %parallel_loop3A_186 = arith.mulf %parallel_loop3A_185, %get3A_31 : vector<16xf32>
      %parallel_loop3A_187 = arith.addf %parallel_loop3A_175, %parallel_loop3A_186 : vector<16xf32>
      %parallel_loop3A_188 = arith.index_cast %parallel_loop3A_159 : i32 to index
      %parallel_loop3A_189 = arith.constant 80 : index
      %parallel_loop3A_190 = tpu.vector_load %arg9[%parallel_loop3A_188, %parallel_loop3A_189] {strides = array<i32>} : memref<256x128xf32, #tpu.memory_space<vmem>>, vector<1x16xf32>,
      %parallel_loop3A_191 = vector.shape_cast %parallel_loop3A_190 : vector<1x16xf32> to vector<16xf32>
      %parallel_loop3A_192 = arith.mulf %parallel_loop3A_191, %get3A_34 : vector<16xf32>
      %parallel_loop3A_193 = arith.addf %parallel_loop3A_181, %parallel_loop3A_192 : vector<16xf32>
      %parallel_loop3A_194 = arith.index_cast %parallel_loop3A_159 : i32 to index
      %parallel_loop3A_195 = arith.constant 96 : index
      %parallel_loop3A_196 = tpu.vector_load %arg9[%parallel_loop3A_194, %parallel_loop3A_195] {strides = array<i32>} : memref<256x128xf32, #tpu.memory_space<vmem>>, vector<1x16xf32>,
      %parallel_loop3A_197 = vector.shape_cast %parallel_loop3A_196 : vector<1x16xf32> to vector<16xf32>
      %parallel_loop3A_198 = arith.mulf %parallel_loop3A_197, %get3A_37 : vector<16xf32>
      %parallel_loop3A_199 = arith.addf %parallel_loop3A_187, %parallel_loop3A_198 : vector<16xf32>
      %parallel_loop3A_200 = arith.index_cast %parallel_loop3A_159 : i32 to index
      %parallel_loop3A_201 = arith.constant 112 : index
      %parallel_loop3A_202 = tpu.vector_load %arg9[%parallel_loop3A_200, %parallel_loop3A_201] {strides = array<i32>} : memref<256x128xf32, #tpu.memory_space<vmem>>, vector<1x16xf32>,
      %parallel_loop3A_203 = vector.shape_cast %parallel_loop3A_202 : vector<1x16xf32> to vector<16xf32>
      %parallel_loop3A_204 = arith.mulf %parallel_loop3A_203, %get3A_40 : vector<16xf32>
      %parallel_loop3A_205 = arith.addf %parallel_loop3A_193, %parallel_loop3A_204 : vector<16xf32>
      %parallel_loop3A_206 = arith.addf %parallel_loop3A_199, %parallel_loop3A_205 : vector<16xf32>
      %parallel_loop3A_207 = arith.constant 16 : i32
      %parallel_loop3A_208 = arith.muli %parallel_loop3A_207, %parallel_loop3A_155 : i32
      %parallel_loop3A_209 = arith.constant 1 : i32
      %parallel_loop3A_210 = arith.addi %parallel_loop3A_208, %parallel_loop3A_209 : i32
      %parallel_loop3A_211 = arith.index_cast %parallel_loop3A_210 : i32 to index
      %parallel_loop3A_212 = arith.constant 0 : index
      %parallel_loop3A_213 = tpu.vector_load %arg9[%parallel_loop3A_211, %parallel_loop3A_212] {strides = array<i32>} : memref<256x128xf32, #tpu.memory_space<vmem>>, vector<1x16xf32>,
      %parallel_loop3A_214 = vector.shape_cast %parallel_loop3A_213 : vector<1x16xf32> to vector<16xf32>
      %parallel_loop3A_215 = arith.mulf %parallel_loop3A_214, %get3A_19 : vector<16xf32>
      %parallel_loop3A_216 = arith.index_cast %parallel_loop3A_210 : i32 to index
      %parallel_loop3A_217 = arith.constant 16 : index
      %parallel_loop3A_218 = tpu.vector_load %arg9[%parallel_loop3A_216, %parallel_loop3A_217] {strides = array<i32>} : memref<256x128xf32, #tpu.memory_space<vmem>>, vector<1x16xf32>,
      %parallel_loop3A_219 = vector.shape_cast %parallel_loop3A_218 : vector<1x16xf32> to vector<16xf32>
      %parallel_loop3A_220 = arith.mulf %parallel_loop3A_219, %get3A_22 : vector<16xf32>
      %parallel_loop3A_221 = arith.index_cast %parallel_loop3A_210 : i32 to index
      %parallel_loop3A_222 = arith.constant 32 : index
      %parallel_loop3A_223 = tpu.vector_load %arg9[%parallel_loop3A_221, %parallel_loop3A_222] {strides = array<i32>} : memref<256x128xf32, #tpu.memory_space<vmem>>, vector<1x16xf32>,
      %parallel_loop3A_224 = vector.shape_cast %parallel_loop3A_223 : vector<1x16xf32> to vector<16xf32>
      %parallel_loop3A_225 = arith.mulf %parallel_loop3A_224, %get3A_25 : vector<16xf32>
      %parallel_loop3A_226 = arith.addf %parallel_loop3A_215, %parallel_loop3A_225 : vector<16xf32>
      %parallel_loop3A_227 = arith.index_cast %parallel_loop3A_210 : i32 to index
      %parallel_loop3A_228 = arith.constant 48 : index
      %parallel_loop3A_229 = tpu.vector_load %arg9[%parallel_loop3A_227, %parallel_loop3A_228] {strides = array<i32>} : memref<256x128xf32, #tpu.memory_space<vmem>>, vector<1x16xf32>,
      %parallel_loop3A_230 = vector.shape_cast %parallel_loop3A_229 : vector<1x16xf32> to vector<16xf32>
      %parallel_loop3A_231 = arith.mulf %parallel_loop3A_230, %get3A_28 : vector<16xf32>
      %parallel_loop3A_232 = arith.addf %parallel_loop3A_220, %parallel_loop3A_231 : vector<16xf32>
      %parallel_loop3A_233 = arith.index_cast %parallel_loop3A_210 : i32 to index
      %parallel_loop3A_234 = arith.constant 64 : index
      %parallel_loop3A_235 = tpu.vector_load %arg9[%parallel_loop3A_233, %parallel_loop3A_234] {strides = array<i32>} : memref<256x128xf32, #tpu.memory_space<vmem>>, vector<1x16xf32>,
      %parallel_loop3A_236 = vector.shape_cast %parallel_loop3A_235 : vector<1x16xf32> to vector<16xf32>
      %parallel_loop3A_237 = arith.mulf %parallel_loop3A_236, %get3A_31 : vector<16xf32>
      %parallel_loop3A_238 = arith.addf %parallel_loop3A_226, %parallel_loop3A_237 : vector<16xf32>
      %parallel_loop3A_239 = arith.index_cast %parallel_loop3A_210 : i32 to index
      %parallel_loop3A_240 = arith.constant 80 : index
      %parallel_loop3A_241 = tpu.vector_load %arg9[%parallel_loop3A_239, %parallel_loop3A_240] {strides = array<i32>} : memref<256x128xf32, #tpu.memory_space<vmem>>, vector<1x16xf32>,
      %parallel_loop3A_242 = vector.shape_cast %parallel_loop3A_241 : vector<1x16xf32> to vector<16xf32>
      %parallel_loop3A_243 = arith.mulf %parallel_loop3A_242, %get3A_34 : vector<16xf32>
      %parallel_loop3A_244 = arith.addf %parallel_loop3A_232, %parallel_loop3A_243 : vector<16xf32>
      %parallel_loop3A_245 = arith.index_cast %parallel_loop3A_210 : i32 to index
      %parallel_loop3A_246 = arith.constant 96 : index
      %parallel_loop3A_247 = tpu.vector_load %arg9[%parallel_loop3A_245, %parallel_loop3A_246] {strides = array<i32>} : memref<256x128xf32, #tpu.memory_space<vmem>>, vector<1x16xf32>,
      %parallel_loop3A_248 = vector.shape_cast %parallel_loop3A_247 : vector<1x16xf32> to vector<16xf32>
      %parallel_loop3A_249 = arith.mulf %parallel_loop3A_248, %get3A_37 : vector<16xf32>
      %parallel_loop3A_250 = arith.addf %parallel_loop3A_238, %parallel_loop3A_249 : vector<16xf32>
      %parallel_loop3A_251 = arith.index_cast %parallel_loop3A_210 : i32 to index
      %parallel_loop3A_252 = arith.constant 112 : index
      %parallel_loop3A_253 = tpu.vector_load %arg9[%parallel_loop3A_251, %parallel_loop3A_252] {strides = array<i32>} : memref<256x128xf32, #tpu.memory_space<vmem>>, vector<1x16xf32>,
      %parallel_loop3A_254 = vector.shape_cast %parallel_loop3A_253 : vector<1x16xf32> to vector<16xf32>
      %parallel_loop3A_255 = arith.mulf %parallel_loop3A_254, %get3A_40 : vector<16xf32>
      %parallel_loop3A_256 = arith.addf %parallel_loop3A_244, %parallel_loop3A_255 : vector<16xf32>
      %parallel_loop3A_257 = arith.addf %parallel_loop3A_250, %parallel_loop3A_256 : vector<16xf32>
      %parallel_loop3A_258 = arith.constant 16 : i32
      %parallel_loop3A_259 = arith.muli %parallel_loop3A_258, %parallel_loop3A_155 : i32
      %parallel_loop3A_260 = arith.constant 2 : i32
      %parallel_loop3A_261 = arith.addi %parallel_loop3A_259, %parallel_loop3A_260 : i32
      %parallel_loop3A_262 = arith.index_cast %parallel_loop3A_261 : i32 to index
      %parallel_loop3A_263 = arith.constant 0 : index
      %parallel_loop3A_264 = tpu.vector_load %arg9[%parallel_loop3A_262, %parallel_loop3A_263] {strides = array<i32>} : memref<256x128xf32, #tpu.memory_space<vmem>>, vector<1x16xf32>,
      %parallel_loop3A_265 = vector.shape_cast %parallel_loop3A_264 : vector<1x16xf32> to vector<16xf32>
      %parallel_loop3A_266 = arith.mulf %parallel_loop3A_265, %get3A_19 : vector<16xf32>
      %parallel_loop3A_267 = arith.index_cast %parallel_loop3A_261 : i32 to index
      %parallel_loop3A_268 = arith.constant 16 : index
      %parallel_loop3A_269 = tpu.vector_load %arg9[%parallel_loop3A_267, %parallel_loop3A_268] {strides = array<i32>} : memref<256x128xf32, #tpu.memory_space<vmem>>, vector<1x16xf32>,
      %parallel_loop3A_270 = vector.shape_cast %parallel_loop3A_269 : vector<1x16xf32> to vector<16xf32>
      %parallel_loop3A_271 = arith.mulf %parallel_loop3A_270, %get3A_22 : vector<16xf32>
      %parallel_loop3A_272 = arith.index_cast %parallel_loop3A_261 : i32 to index
      %parallel_loop3A_273 = arith.constant 32 : index
      %parallel_loop3A_274 = tpu.vector_load %arg9[%parallel_loop3A_272, %parallel_loop3A_273] {strides = array<i32>} : memref<256x128xf32, #tpu.memory_space<vmem>>, vector<1x16xf32>,
      %parallel_loop3A_275 = vector.shape_cast %parallel_loop3A_274 : vector<1x16xf32> to vector<16xf32>
      %parallel_loop3A_276 = arith.mulf %parallel_loop3A_275, %get3A_25 : vector<16xf32>
      %parallel_loop3A_277 = arith.addf %parallel_loop3A_266, %parallel_loop3A_276 : vector<16xf32>
      %parallel_loop3A_278 = arith.index_cast %parallel_loop3A_261 : i32 to index
      %parallel_loop3A_279 = arith.constant 48 : index
      %parallel_loop3A_280 = tpu.vector_load %arg9[%parallel_loop3A_278, %parallel_loop3A_279] {strides = array<i32>} : memref<256x128xf32, #tpu.memory_space<vmem>>, vector<1x16xf32>,
      %parallel_loop3A_281 = vector.shape_cast %parallel_loop3A_280 : vector<1x16xf32> to vector<16xf32>
      %parallel_loop3A_282 = arith.mulf %parallel_loop3A_281, %get3A_28 : vector<16xf32>
      %parallel_loop3A_283 = arith.addf %parallel_loop3A_271, %parallel_loop3A_282 : vector<16xf32>
      %parallel_loop3A_284 = arith.index_cast %parallel_loop3A_261 : i32 to index
      %parallel_loop3A_285 = arith.constant 64 : index
      %parallel_loop3A_286 = tpu.vector_load %arg9[%parallel_loop3A_284, %parallel_loop3A_285] {strides = array<i32>} : memref<256x128xf32, #tpu.memory_space<vmem>>, vector<1x16xf32>,
      %parallel_loop3A_287 = vector.shape_cast %parallel_loop3A_286 : vector<1x16xf32> to vector<16xf32>
      %parallel_loop3A_288 = arith.mulf %parallel_loop3A_287, %get3A_31 : vector<16xf32>
      %parallel_loop3A_289 = arith.addf %parallel_loop3A_277, %parallel_loop3A_288 : vector<16xf32>
      %parallel_loop3A_290 = arith.index_cast %parallel_loop3A_261 : i32 to index
      %parallel_loop3A_291 = arith.constant 80 : index
      %parallel_loop3A_292 = tpu.vector_load %arg9[%parallel_loop3A_290, %parallel_loop3A_291] {strides = array<i32>} : memref<256x128xf32, #tpu.memory_space<vmem>>, vector<1x16xf32>,
      %parallel_loop3A_293 = vector.shape_cast %parallel_loop3A_292 : vector<1x16xf32> to vector<16xf32>
      %parallel_loop3A_294 = arith.mulf %parallel_loop3A_293, %get3A_34 : vector<16xf32>
      %parallel_loop3A_295 = arith.addf %parallel_loop3A_283, %parallel_loop3A_294 : vector<16xf32>
      %parallel_loop3A_296 = arith.index_cast %parallel_loop3A_261 : i32 to index
      %parallel_loop3A_297 = arith.constant 96 : index
      %parallel_loop3A_298 = tpu.vector_load %arg9[%parallel_loop3A_296, %parallel_loop3A_297] {strides = array<i32>} : memref<256x128xf32, #tpu.memory_space<vmem>>, vector<1x16xf32>,
      %parallel_loop3A_299 = vector.shape_cast %parallel_loop3A_298 : vector<1x16xf32> to vector<16xf32>
      %parallel_loop3A_300 = arith.mulf %parallel_loop3A_299, %get3A_37 : vector<16xf32>
      %parallel_loop3A_301 = arith.addf %parallel_loop3A_289, %parallel_loop3A_300 : vector<16xf32>
      %parallel_loop3A_302 = arith.index_cast %parallel_loop3A_261 : i32 to index
      %parallel_loop3A_303 = arith.constant 112 : index
      %parallel_loop3A_304 = tpu.vector_load %arg9[%parallel_loop3A_302, %parallel_loop3A_303] {strides = array<i32>} : memref<256x128xf32, #tpu.memory_space<vmem>>, vector<1x16xf32>,
      %parallel_loop3A_305 = vector.shape_cast %parallel_loop3A_304 : vector<1x16xf32> to vector<16xf32>
      %parallel_loop3A_306 = arith.mulf %parallel_loop3A_305, %get3A_40 : vector<16xf32>
      %parallel_loop3A_307 = arith.addf %parallel_loop3A_295, %parallel_loop3A_306 : vector<16xf32>
      %parallel_loop3A_308 = arith.addf %parallel_loop3A_301, %parallel_loop3A_307 : vector<16xf32>
      %parallel_loop3A_309 = arith.constant 16 : i32
      %parallel_loop3A_310 = arith.muli %parallel_loop3A_309, %parallel_loop3A_155 : i32
      %parallel_loop3A_311 = arith.constant 3 : i32
      %parallel_loop3A_312 = arith.addi %parallel_loop3A_310, %parallel_loop3A_311 : i32
      %parallel_loop3A_313 = arith.index_cast %parallel_loop3A_312 : i32 to index
      %parallel_loop3A_314 = arith.constant 0 : index
      %parallel_loop3A_315 = tpu.vector_load %arg9[%parallel_loop3A_313, %parallel_loop3A_314] {strides = array<i32>} : memref<256x128xf32, #tpu.memory_space<vmem>>, vector<1x16xf32>,
      %parallel_loop3A_316 = vector.shape_cast %parallel_loop3A_315 : vector<1x16xf32> to vector<16xf32>
      %parallel_loop3A_317 = arith.mulf %parallel_loop3A_316, %get3A_19 : vector<16xf32>
      %parallel_loop3A_318 = arith.index_cast %parallel_loop3A_312 : i32 to index
      %parallel_loop3A_319 = arith.constant 16 : index
      %parallel_loop3A_320 = tpu.vector_load %arg9[%parallel_loop3A_318, %parallel_loop3A_319] {strides = array<i32>} : memref<256x128xf32, #tpu.memory_space<vmem>>, vector<1x16xf32>,
      %parallel_loop3A_321 = vector.shape_cast %parallel_loop3A_320 : vector<1x16xf32> to vector<16xf32>
      %parallel_loop3A_322 = arith.mulf %parallel_loop3A_321, %get3A_22 : vector<16xf32>
      %parallel_loop3A_323 = arith.index_cast %parallel_loop3A_312 : i32 to index
      %parallel_loop3A_324 = arith.constant 32 : index
      %parallel_loop3A_325 = tpu.vector_load %arg9[%parallel_loop3A_323, %parallel_loop3A_324] {strides = array<i32>} : memref<256x128xf32, #tpu.memory_space<vmem>>, vector<1x16xf32>,
      %parallel_loop3A_326 = vector.shape_cast %parallel_loop3A_325 : vector<1x16xf32> to vector<16xf32>
      %parallel_loop3A_327 = arith.mulf %parallel_loop3A_326, %get3A_25 : vector<16xf32>
      %parallel_loop3A_328 = arith.addf %parallel_loop3A_317, %parallel_loop3A_327 : vector<16xf32>
      %parallel_loop3A_329 = arith.index_cast %parallel_loop3A_312 : i32 to index
      %parallel_loop3A_330 = arith.constant 48 : index
      %parallel_loop3A_331 = tpu.vector_load %arg9[%parallel_loop3A_329, %parallel_loop3A_330] {strides = array<i32>} : memref<256x128xf32, #tpu.memory_space<vmem>>, vector<1x16xf32>,
      %parallel_loop3A_332 = vector.shape_cast %parallel_loop3A_331 : vector<1x16xf32> to vector<16xf32>
      %parallel_loop3A_333 = arith.mulf %parallel_loop3A_332, %get3A_28 : vector<16xf32>
      %parallel_loop3A_334 = arith.addf %parallel_loop3A_322, %parallel_loop3A_333 : vector<16xf32>
      %parallel_loop3A_335 = arith.index_cast %parallel_loop3A_312 : i32 to index
      %parallel_loop3A_336 = arith.constant 64 : index
      %parallel_loop3A_337 = tpu.vector_load %arg9[%parallel_loop3A_335, %parallel_loop3A_336] {strides = array<i32>} : memref<256x128xf32, #tpu.memory_space<vmem>>, vector<1x16xf32>,
      %parallel_loop3A_338 = vector.shape_cast %parallel_loop3A_337 : vector<1x16xf32> to vector<16xf32>
      %parallel_loop3A_339 = arith.mulf %parallel_loop3A_338, %get3A_31 : vector<16xf32>
      %parallel_loop3A_340 = arith.addf %parallel_loop3A_328, %parallel_loop3A_339 : vector<16xf32>
      %parallel_loop3A_341 = arith.index_cast %parallel_loop3A_312 : i32 to index
      %parallel_loop3A_342 = arith.constant 80 : index
      %parallel_loop3A_343 = tpu.vector_load %arg9[%parallel_loop3A_341, %parallel_loop3A_342] {strides = array<i32>} : memref<256x128xf32, #tpu.memory_space<vmem>>, vector<1x16xf32>,
      %parallel_loop3A_344 = vector.shape_cast %parallel_loop3A_343 : vector<1x16xf32> to vector<16xf32>
      %parallel_loop3A_345 = arith.mulf %parallel_loop3A_344, %get3A_34 : vector<16xf32>
      %parallel_loop3A_346 = arith.addf %parallel_loop3A_334, %parallel_loop3A_345 : vector<16xf32>
      %parallel_loop3A_347 = arith.index_cast %parallel_loop3A_312 : i32 to index
      %parallel_loop3A_348 = arith.constant 96 : index
      %parallel_loop3A_349 = tpu.vector_load %arg9[%parallel_loop3A_347, %parallel_loop3A_348] {strides = array<i32>} : memref<256x128xf32, #tpu.memory_space<vmem>>, vector<1x16xf32>,
      %parallel_loop3A_350 = vector.shape_cast %parallel_loop3A_349 : vector<1x16xf32> to vector<16xf32>
      %parallel_loop3A_351 = arith.mulf %parallel_loop3A_350, %get3A_37 : vector<16xf32>
      %parallel_loop3A_352 = arith.addf %parallel_loop3A_340, %parallel_loop3A_351 : vector<16xf32>
      %parallel_loop3A_353 = arith.index_cast %parallel_loop3A_312 : i32 to index
      %parallel_loop3A_354 = arith.constant 112 : index
      %parallel_loop3A_355 = tpu.vector_load %arg9[%parallel_loop3A_353, %parallel_loop3A_354] {strides = array<i32>} : memref<256x128xf32, #tpu.memory_space<vmem>>, vector<1x16xf32>,
      %parallel_loop3A_356 = vector.shape_cast %parallel_loop3A_355 : vector<1x16xf32> to vector<16xf32>
      %parallel_loop3A_357 = arith.mulf %parallel_loop3A_356, %get3A_40 : vector<16xf32>
      %parallel_loop3A_358 = arith.addf %parallel_loop3A_346, %parallel_loop3A_357 : vector<16xf32>
      %parallel_loop3A_359 = arith.addf %parallel_loop3A_352, %parallel_loop3A_358 : vector<16xf32>
      %parallel_loop3A_360 = arith.constant 16 : i32
      %parallel_loop3A_361 = arith.muli %parallel_loop3A_360, %parallel_loop3A_155 : i32
      %parallel_loop3A_362 = arith.constant 4 : i32
      %parallel_loop3A_363 = arith.addi %parallel_loop3A_361, %parallel_loop3A_362 : i32
      %parallel_loop3A_364 = arith.index_cast %parallel_loop3A_363 : i32 to index
      %parallel_loop3A_365 = arith.constant 0 : index
      %parallel_loop3A_366 = tpu.vector_load %arg9[%parallel_loop3A_364, %parallel_loop3A_365] {strides = array<i32>} : memref<256x128xf32, #tpu.memory_space<vmem>>, vector<1x16xf32>,
      %parallel_loop3A_367 = vector.shape_cast %parallel_loop3A_366 : vector<1x16xf32> to vector<16xf32>
      %parallel_loop3A_368 = arith.mulf %parallel_loop3A_367, %get3A_19 : vector<16xf32>
      %parallel_loop3A_369 = arith.index_cast %parallel_loop3A_363 : i32 to index
      %parallel_loop3A_370 = arith.constant 16 : index
      %parallel_loop3A_371 = tpu.vector_load %arg9[%parallel_loop3A_369, %parallel_loop3A_370] {strides = array<i32>} : memref<256x128xf32, #tpu.memory_space<vmem>>, vector<1x16xf32>,
      %parallel_loop3A_372 = vector.shape_cast %parallel_loop3A_371 : vector<1x16xf32> to vector<16xf32>
      %parallel_loop3A_373 = arith.mulf %parallel_loop3A_372, %get3A_22 : vector<16xf32>
      %parallel_loop3A_374 = arith.index_cast %parallel_loop3A_363 : i32 to index
      %parallel_loop3A_375 = arith.constant 32 : index
      %parallel_loop3A_376 = tpu.vector_load %arg9[%parallel_loop3A_374, %parallel_loop3A_375] {strides = array<i32>} : memref<256x128xf32, #tpu.memory_space<vmem>>, vector<1x16xf32>,
      %parallel_loop3A_377 = vector.shape_cast %parallel_loop3A_376 : vector<1x16xf32> to vector<16xf32>
      %parallel_loop3A_378 = arith.mulf %parallel_loop3A_377, %get3A_25 : vector<16xf32>
      %parallel_loop3A_379 = arith.addf %parallel_loop3A_368, %parallel_loop3A_378 : vector<16xf32>
      %parallel_loop3A_380 = arith.index_cast %parallel_loop3A_363 : i32 to index
      %parallel_loop3A_381 = arith.constant 48 : index
      %parallel_loop3A_382 = tpu.vector_load %arg9[%parallel_loop3A_380, %parallel_loop3A_381] {strides = array<i32>} : memref<256x128xf32, #tpu.memory_space<vmem>>, vector<1x16xf32>,
      %parallel_loop3A_383 = vector.shape_cast %parallel_loop3A_382 : vector<1x16xf32> to vector<16xf32>
      %parallel_loop3A_384 = arith.mulf %parallel_loop3A_383, %get3A_28 : vector<16xf32>
      %parallel_loop3A_385 = arith.addf %parallel_loop3A_373, %parallel_loop3A_384 : vector<16xf32>
      %parallel_loop3A_386 = arith.index_cast %parallel_loop3A_363 : i32 to index
      %parallel_loop3A_387 = arith.constant 64 : index
      %parallel_loop3A_388 = tpu.vector_load %arg9[%parallel_loop3A_386, %parallel_loop3A_387] {strides = array<i32>} : memref<256x128xf32, #tpu.memory_space<vmem>>, vector<1x16xf32>,
      %parallel_loop3A_389 = vector.shape_cast %parallel_loop3A_388 : vector<1x16xf32> to vector<16xf32>
      %parallel_loop3A_390 = arith.mulf %parallel_loop3A_389, %get3A_31 : vector<16xf32>
      %parallel_loop3A_391 = arith.addf %parallel_loop3A_379, %parallel_loop3A_390 : vector<16xf32>
      %parallel_loop3A_392 = arith.index_cast %parallel_loop3A_363 : i32 to index
      %parallel_loop3A_393 = arith.constant 80 : index
      %parallel_loop3A_394 = tpu.vector_load %arg9[%parallel_loop3A_392, %parallel_loop3A_393] {strides = array<i32>} : memref<256x128xf32, #tpu.memory_space<vmem>>, vector<1x16xf32>,
      %parallel_loop3A_395 = vector.shape_cast %parallel_loop3A_394 : vector<1x16xf32> to vector<16xf32>
      %parallel_loop3A_396 = arith.mulf %parallel_loop3A_395, %get3A_34 : vector<16xf32>
      %parallel_loop3A_397 = arith.addf %parallel_loop3A_385, %parallel_loop3A_396 : vector<16xf32>
      %parallel_loop3A_398 = arith.index_cast %parallel_loop3A_363 : i32 to index
      %parallel_loop3A_399 = arith.constant 96 : index
      %parallel_loop3A_400 = tpu.vector_load %arg9[%parallel_loop3A_398, %parallel_loop3A_399] {strides = array<i32>} : memref<256x128xf32, #tpu.memory_space<vmem>>, vector<1x16xf32>,
      %parallel_loop3A_401 = vector.shape_cast %parallel_loop3A_400 : vector<1x16xf32> to vector<16xf32>
      %parallel_loop3A_402 = arith.mulf %parallel_loop3A_401, %get3A_37 : vector<16xf32>
      %parallel_loop3A_403 = arith.addf %parallel_loop3A_391, %parallel_loop3A_402 : vector<16xf32>
      %parallel_loop3A_404 = arith.index_cast %parallel_loop3A_363 : i32 to index
      %parallel_loop3A_405 = arith.constant 112 : index
      %parallel_loop3A_406 = tpu.vector_load %arg9[%parallel_loop3A_404, %parallel_loop3A_405] {strides = array<i32>} : memref<256x128xf32, #tpu.memory_space<vmem>>, vector<1x16xf32>,
      %parallel_loop3A_407 = vector.shape_cast %parallel_loop3A_406 : vector<1x16xf32> to vector<16xf32>
      %parallel_loop3A_408 = arith.mulf %parallel_loop3A_407, %get3A_40 : vector<16xf32>
      %parallel_loop3A_409 = arith.addf %parallel_loop3A_397, %parallel_loop3A_408 : vector<16xf32>
      %parallel_loop3A_410 = arith.addf %parallel_loop3A_403, %parallel_loop3A_409 : vector<16xf32>
      %parallel_loop3A_411 = arith.constant 16 : i32
      %parallel_loop3A_412 = arith.muli %parallel_loop3A_411, %parallel_loop3A_155 : i32
      %parallel_loop3A_413 = arith.constant 5 : i32
      %parallel_loop3A_414 = arith.addi %parallel_loop3A_412, %parallel_loop3A_413 : i32
      %parallel_loop3A_415 = arith.index_cast %parallel_loop3A_414 : i32 to index
      %parallel_loop3A_416 = arith.constant 0 : index
      %parallel_loop3A_417 = tpu.vector_load %arg9[%parallel_loop3A_415, %parallel_loop3A_416] {strides = array<i32>} : memref<256x128xf32, #tpu.memory_space<vmem>>, vector<1x16xf32>,
      %parallel_loop3A_418 = vector.shape_cast %parallel_loop3A_417 : vector<1x16xf32> to vector<16xf32>
      %parallel_loop3A_419 = arith.mulf %parallel_loop3A_418, %get3A_19 : vector<16xf32>
      %parallel_loop3A_420 = arith.index_cast %parallel_loop3A_414 : i32 to index
      %parallel_loop3A_421 = arith.constant 16 : index
      %parallel_loop3A_422 = tpu.vector_load %arg9[%parallel_loop3A_420, %parallel_loop3A_421] {strides = array<i32>} : memref<256x128xf32, #tpu.memory_space<vmem>>, vector<1x16xf32>,
      %parallel_loop3A_423 = vector.shape_cast %parallel_loop3A_422 : vector<1x16xf32> to vector<16xf32>
      %parallel_loop3A_424 = arith.mulf %parallel_loop3A_423, %get3A_22 : vector<16xf32>
      %parallel_loop3A_425 = arith.index_cast %parallel_loop3A_414 : i32 to index
      %parallel_loop3A_426 = arith.constant 32 : index
      %parallel_loop3A_427 = tpu.vector_load %arg9[%parallel_loop3A_425, %parallel_loop3A_426] {strides = array<i32>} : memref<256x128xf32, #tpu.memory_space<vmem>>, vector<1x16xf32>,
      %parallel_loop3A_428 = vector.shape_cast %parallel_loop3A_427 : vector<1x16xf32> to vector<16xf32>
      %parallel_loop3A_429 = arith.mulf %parallel_loop3A_428, %get3A_25 : vector<16xf32>
      %parallel_loop3A_430 = arith.addf %parallel_loop3A_419, %parallel_loop3A_429 : vector<16xf32>
      %parallel_loop3A_431 = arith.index_cast %parallel_loop3A_414 : i32 to index
      %parallel_loop3A_432 = arith.constant 48 : index
      %parallel_loop3A_433 = tpu.vector_load %arg9[%parallel_loop3A_431, %parallel_loop3A_432] {strides = array<i32>} : memref<256x128xf32, #tpu.memory_space<vmem>>, vector<1x16xf32>,
      %parallel_loop3A_434 = vector.shape_cast %parallel_loop3A_433 : vector<1x16xf32> to vector<16xf32>
      %parallel_loop3A_435 = arith.mulf %parallel_loop3A_434, %get3A_28 : vector<16xf32>
      %parallel_loop3A_436 = arith.addf %parallel_loop3A_424, %parallel_loop3A_435 : vector<16xf32>
      %parallel_loop3A_437 = arith.index_cast %parallel_loop3A_414 : i32 to index
      %parallel_loop3A_438 = arith.constant 64 : index
      %parallel_loop3A_439 = tpu.vector_load %arg9[%parallel_loop3A_437, %parallel_loop3A_438] {strides = array<i32>} : memref<256x128xf32, #tpu.memory_space<vmem>>, vector<1x16xf32>,
      %parallel_loop3A_440 = vector.shape_cast %parallel_loop3A_439 : vector<1x16xf32> to vector<16xf32>
      %parallel_loop3A_441 = arith.mulf %parallel_loop3A_440, %get3A_31 : vector<16xf32>
      %parallel_loop3A_442 = arith.addf %parallel_loop3A_430, %parallel_loop3A_441 : vector<16xf32>
      %parallel_loop3A_443 = arith.index_cast %parallel_loop3A_414 : i32 to index
      %parallel_loop3A_444 = arith.constant 80 : index
      %parallel_loop3A_445 = tpu.vector_load %arg9[%parallel_loop3A_443, %parallel_loop3A_444] {strides = array<i32>} : memref<256x128xf32, #tpu.memory_space<vmem>>, vector<1x16xf32>,
      %parallel_loop3A_446 = vector.shape_cast %parallel_loop3A_445 : vector<1x16xf32> to vector<16xf32>
      %parallel_loop3A_447 = arith.mulf %parallel_loop3A_446, %get3A_34 : vector<16xf32>
      %parallel_loop3A_448 = arith.addf %parallel_loop3A_436, %parallel_loop3A_447 : vector<16xf32>
      %parallel_loop3A_449 = arith.index_cast %parallel_loop3A_414 : i32 to index
      %parallel_loop3A_450 = arith.constant 96 : index
      %parallel_loop3A_451 = tpu.vector_load %arg9[%parallel_loop3A_449, %parallel_loop3A_450] {strides = array<i32>} : memref<256x128xf32, #tpu.memory_space<vmem>>, vector<1x16xf32>,
      %parallel_loop3A_452 = vector.shape_cast %parallel_loop3A_451 : vector<1x16xf32> to vector<16xf32>
      %parallel_loop3A_453 = arith.mulf %parallel_loop3A_452, %get3A_37 : vector<16xf32>
      %parallel_loop3A_454 = arith.addf %parallel_loop3A_442, %parallel_loop3A_453 : vector<16xf32>
      %parallel_loop3A_455 = arith.index_cast %parallel_loop3A_414 : i32 to index
      %parallel_loop3A_456 = arith.constant 112 : index
      %parallel_loop3A_457 = tpu.vector_load %arg9[%parallel_loop3A_455, %parallel_loop3A_456] {strides = array<i32>} : memref<256x128xf32, #tpu.memory_space<vmem>>, vector<1x16xf32>,
      %parallel_loop3A_458 = vector.shape_cast %parallel_loop3A_457 : vector<1x16xf32> to vector<16xf32>
      %parallel_loop3A_459 = arith.mulf %parallel_loop3A_458, %get3A_40 : vector<16xf32>
      %parallel_loop3A_460 = arith.addf %parallel_loop3A_448, %parallel_loop3A_459 : vector<16xf32>
      %parallel_loop3A_461 = arith.addf %parallel_loop3A_454, %parallel_loop3A_460 : vector<16xf32>
      %parallel_loop3A_462 = arith.constant 16 : i32
      %parallel_loop3A_463 = arith.muli %parallel_loop3A_462, %parallel_loop3A_155 : i32
      %parallel_loop3A_464 = arith.constant 6 : i32
      %parallel_loop3A_465 = arith.addi %parallel_loop3A_463, %parallel_loop3A_464 : i32
      %parallel_loop3A_466 = arith.index_cast %parallel_loop3A_465 : i32 to index
      %parallel_loop3A_467 = arith.constant 0 : index
      %parallel_loop3A_468 = tpu.vector_load %arg9[%parallel_loop3A_466, %parallel_loop3A_467] {strides = array<i32>} : memref<256x128xf32, #tpu.memory_space<vmem>>, vector<1x16xf32>,
      %parallel_loop3A_469 = vector.shape_cast %parallel_loop3A_468 : vector<1x16xf32> to vector<16xf32>
      %parallel_loop3A_470 = arith.mulf %parallel_loop3A_469, %get3A_19 : vector<16xf32>
      %parallel_loop3A_471 = arith.index_cast %parallel_loop3A_465 : i32 to index
      %parallel_loop3A_472 = arith.constant 16 : index
      %parallel_loop3A_473 = tpu.vector_load %arg9[%parallel_loop3A_471, %parallel_loop3A_472] {strides = array<i32>} : memref<256x128xf32, #tpu.memory_space<vmem>>, vector<1x16xf32>,
      %parallel_loop3A_474 = vector.shape_cast %parallel_loop3A_473 : vector<1x16xf32> to vector<16xf32>
      %parallel_loop3A_475 = arith.mulf %parallel_loop3A_474, %get3A_22 : vector<16xf32>
      %parallel_loop3A_476 = arith.index_cast %parallel_loop3A_465 : i32 to index
      %parallel_loop3A_477 = arith.constant 32 : index
      %parallel_loop3A_478 = tpu.vector_load %arg9[%parallel_loop3A_476, %parallel_loop3A_477] {strides = array<i32>} : memref<256x128xf32, #tpu.memory_space<vmem>>, vector<1x16xf32>,
      %parallel_loop3A_479 = vector.shape_cast %parallel_loop3A_478 : vector<1x16xf32> to vector<16xf32>
      %parallel_loop3A_480 = arith.mulf %parallel_loop3A_479, %get3A_25 : vector<16xf32>
      %parallel_loop3A_481 = arith.addf %parallel_loop3A_470, %parallel_loop3A_480 : vector<16xf32>
      %parallel_loop3A_482 = arith.index_cast %parallel_loop3A_465 : i32 to index
      %parallel_loop3A_483 = arith.constant 48 : index
      %parallel_loop3A_484 = tpu.vector_load %arg9[%parallel_loop3A_482, %parallel_loop3A_483] {strides = array<i32>} : memref<256x128xf32, #tpu.memory_space<vmem>>, vector<1x16xf32>,
      %parallel_loop3A_485 = vector.shape_cast %parallel_loop3A_484 : vector<1x16xf32> to vector<16xf32>
      %parallel_loop3A_486 = arith.mulf %parallel_loop3A_485, %get3A_28 : vector<16xf32>
      %parallel_loop3A_487 = arith.addf %parallel_loop3A_475, %parallel_loop3A_486 : vector<16xf32>
      %parallel_loop3A_488 = arith.index_cast %parallel_loop3A_465 : i32 to index
      %parallel_loop3A_489 = arith.constant 64 : index
      %parallel_loop3A_490 = tpu.vector_load %arg9[%parallel_loop3A_488, %parallel_loop3A_489] {strides = array<i32>} : memref<256x128xf32, #tpu.memory_space<vmem>>, vector<1x16xf32>,
      %parallel_loop3A_491 = vector.shape_cast %parallel_loop3A_490 : vector<1x16xf32> to vector<16xf32>
      %parallel_loop3A_492 = arith.mulf %parallel_loop3A_491, %get3A_31 : vector<16xf32>
      %parallel_loop3A_493 = arith.addf %parallel_loop3A_481, %parallel_loop3A_492 : vector<16xf32>
      %parallel_loop3A_494 = arith.index_cast %parallel_loop3A_465 : i32 to index
      %parallel_loop3A_495 = arith.constant 80 : index
      %parallel_loop3A_496 = tpu.vector_load %arg9[%parallel_loop3A_494, %parallel_loop3A_495] {strides = array<i32>} : memref<256x128xf32, #tpu.memory_space<vmem>>, vector<1x16xf32>,
      %parallel_loop3A_497 = vector.shape_cast %parallel_loop3A_496 : vector<1x16xf32> to vector<16xf32>
      %parallel_loop3A_498 = arith.mulf %parallel_loop3A_497, %get3A_34 : vector<16xf32>
      %parallel_loop3A_499 = arith.addf %parallel_loop3A_487, %parallel_loop3A_498 : vector<16xf32>
      %parallel_loop3A_500 = arith.index_cast %parallel_loop3A_465 : i32 to index
      %parallel_loop3A_501 = arith.constant 96 : index
      %parallel_loop3A_502 = tpu.vector_load %arg9[%parallel_loop3A_500, %parallel_loop3A_501] {strides = array<i32>} : memref<256x128xf32, #tpu.memory_space<vmem>>, vector<1x16xf32>,
      %parallel_loop3A_503 = vector.shape_cast %parallel_loop3A_502 : vector<1x16xf32> to vector<16xf32>
      %parallel_loop3A_504 = arith.mulf %parallel_loop3A_503, %get3A_37 : vector<16xf32>
      %parallel_loop3A_505 = arith.addf %parallel_loop3A_493, %parallel_loop3A_504 : vector<16xf32>
      %parallel_loop3A_506 = arith.index_cast %parallel_loop3A_465 : i32 to index
      %parallel_loop3A_507 = arith.constant 112 : index
      %parallel_loop3A_508 = tpu.vector_load %arg9[%parallel_loop3A_506, %parallel_loop3A_507] {strides = array<i32>} : memref<256x128xf32, #tpu.memory_space<vmem>>, vector<1x16xf32>,
      %parallel_loop3A_509 = vector.shape_cast %parallel_loop3A_508 : vector<1x16xf32> to vector<16xf32>
      %parallel_loop3A_510 = arith.mulf %parallel_loop3A_509, %get3A_40 : vector<16xf32>
      %parallel_loop3A_511 = arith.addf %parallel_loop3A_499, %parallel_loop3A_510 : vector<16xf32>
      %parallel_loop3A_512 = arith.addf %parallel_loop3A_505, %parallel_loop3A_511 : vector<16xf32>
      %parallel_loop3A_513 = arith.constant 16 : i32
      %parallel_loop3A_514 = arith.muli %parallel_loop3A_513, %parallel_loop3A_155 : i32
      %parallel_loop3A_515 = arith.constant 7 : i32
      %parallel_loop3A_516 = arith.addi %parallel_loop3A_514, %parallel_loop3A_515 : i32
      %parallel_loop3A_517 = arith.index_cast %parallel_loop3A_516 : i32 to index
      %parallel_loop3A_518 = arith.constant 0 : index
      %parallel_loop3A_519 = tpu.vector_load %arg9[%parallel_loop3A_517, %parallel_loop3A_518] {strides = array<i32>} : memref<256x128xf32, #tpu.memory_space<vmem>>, vector<1x16xf32>,
      %parallel_loop3A_520 = vector.shape_cast %parallel_loop3A_519 : vector<1x16xf32> to vector<16xf32>
      %parallel_loop3A_521 = arith.mulf %parallel_loop3A_520, %get3A_19 : vector<16xf32>
      %parallel_loop3A_522 = arith.index_cast %parallel_loop3A_516 : i32 to index
      %parallel_loop3A_523 = arith.constant 16 : index
      %parallel_loop3A_524 = tpu.vector_load %arg9[%parallel_loop3A_522, %parallel_loop3A_523] {strides = array<i32>} : memref<256x128xf32, #tpu.memory_space<vmem>>, vector<1x16xf32>,
      %parallel_loop3A_525 = vector.shape_cast %parallel_loop3A_524 : vector<1x16xf32> to vector<16xf32>
      %parallel_loop3A_526 = arith.mulf %parallel_loop3A_525, %get3A_22 : vector<16xf32>
      %parallel_loop3A_527 = arith.index_cast %parallel_loop3A_516 : i32 to index
      %parallel_loop3A_528 = arith.constant 32 : index
      %parallel_loop3A_529 = tpu.vector_load %arg9[%parallel_loop3A_527, %parallel_loop3A_528] {strides = array<i32>} : memref<256x128xf32, #tpu.memory_space<vmem>>, vector<1x16xf32>,
      %parallel_loop3A_530 = vector.shape_cast %parallel_loop3A_529 : vector<1x16xf32> to vector<16xf32>
      %parallel_loop3A_531 = arith.mulf %parallel_loop3A_530, %get3A_25 : vector<16xf32>
      %parallel_loop3A_532 = arith.addf %parallel_loop3A_521, %parallel_loop3A_531 : vector<16xf32>
      %parallel_loop3A_533 = arith.index_cast %parallel_loop3A_516 : i32 to index
      %parallel_loop3A_534 = arith.constant 48 : index
      %parallel_loop3A_535 = tpu.vector_load %arg9[%parallel_loop3A_533, %parallel_loop3A_534] {strides = array<i32>} : memref<256x128xf32, #tpu.memory_space<vmem>>, vector<1x16xf32>,
      %parallel_loop3A_536 = vector.shape_cast %parallel_loop3A_535 : vector<1x16xf32> to vector<16xf32>
      %parallel_loop3A_537 = arith.mulf %parallel_loop3A_536, %get3A_28 : vector<16xf32>
      %parallel_loop3A_538 = arith.addf %parallel_loop3A_526, %parallel_loop3A_537 : vector<16xf32>
      %parallel_loop3A_539 = arith.index_cast %parallel_loop3A_516 : i32 to index
      %parallel_loop3A_540 = arith.constant 64 : index
      %parallel_loop3A_541 = tpu.vector_load %arg9[%parallel_loop3A_539, %parallel_loop3A_540] {strides = array<i32>} : memref<256x128xf32, #tpu.memory_space<vmem>>, vector<1x16xf32>,
      %parallel_loop3A_542 = vector.shape_cast %parallel_loop3A_541 : vector<1x16xf32> to vector<16xf32>
      %parallel_loop3A_543 = arith.mulf %parallel_loop3A_542, %get3A_31 : vector<16xf32>
      %parallel_loop3A_544 = arith.addf %parallel_loop3A_532, %parallel_loop3A_543 : vector<16xf32>
      %parallel_loop3A_545 = arith.index_cast %parallel_loop3A_516 : i32 to index
      %parallel_loop3A_546 = arith.constant 80 : index
      %parallel_loop3A_547 = tpu.vector_load %arg9[%parallel_loop3A_545, %parallel_loop3A_546] {strides = array<i32>} : memref<256x128xf32, #tpu.memory_space<vmem>>, vector<1x16xf32>,
      %parallel_loop3A_548 = vector.shape_cast %parallel_loop3A_547 : vector<1x16xf32> to vector<16xf32>
      %parallel_loop3A_549 = arith.mulf %parallel_loop3A_548, %get3A_34 : vector<16xf32>
      %parallel_loop3A_550 = arith.addf %parallel_loop3A_538, %parallel_loop3A_549 : vector<16xf32>
      %parallel_loop3A_551 = arith.index_cast %parallel_loop3A_516 : i32 to index
      %parallel_loop3A_552 = arith.constant 96 : index
      %parallel_loop3A_553 = tpu.vector_load %arg9[%parallel_loop3A_551, %parallel_loop3A_552] {strides = array<i32>} : memref<256x128xf32, #tpu.memory_space<vmem>>, vector<1x16xf32>,
      %parallel_loop3A_554 = vector.shape_cast %parallel_loop3A_553 : vector<1x16xf32> to vector<16xf32>
      %parallel_loop3A_555 = arith.mulf %parallel_loop3A_554, %get3A_37 : vector<16xf32>
      %parallel_loop3A_556 = arith.addf %parallel_loop3A_544, %parallel_loop3A_555 : vector<16xf32>
      %parallel_loop3A_557 = arith.index_cast %parallel_loop3A_516 : i32 to index
      %parallel_loop3A_558 = arith.constant 112 : index
      %parallel_loop3A_559 = tpu.vector_load %arg9[%parallel_loop3A_557, %parallel_loop3A_558] {strides = array<i32>} : memref<256x128xf32, #tpu.memory_space<vmem>>, vector<1x16xf32>,
      %parallel_loop3A_560 = vector.shape_cast %parallel_loop3A_559 : vector<1x16xf32> to vector<16xf32>
      %parallel_loop3A_561 = arith.mulf %parallel_loop3A_560, %get3A_40 : vector<16xf32>
      %parallel_loop3A_562 = arith.addf %parallel_loop3A_550, %parallel_loop3A_561 : vector<16xf32>
      %parallel_loop3A_563 = arith.addf %parallel_loop3A_556, %parallel_loop3A_562 : vector<16xf32>
      %parallel_loop3A_564 = arith.constant 16 : i32
      %parallel_loop3A_565 = arith.muli %parallel_loop3A_564, %parallel_loop3A_155 : i32
      %parallel_loop3A_566 = arith.constant 8 : i32
      %parallel_loop3A_567 = arith.addi %parallel_loop3A_565, %parallel_loop3A_566 : i32
      %parallel_loop3A_568 = arith.index_cast %parallel_loop3A_567 : i32 to index
      %parallel_loop3A_569 = arith.constant 0 : index
      %parallel_loop3A_570 = tpu.vector_load %arg9[%parallel_loop3A_568, %parallel_loop3A_569] {strides = array<i32>} : memref<256x128xf32, #tpu.memory_space<vmem>>, vector<1x16xf32>,
      %parallel_loop3A_571 = vector.shape_cast %parallel_loop3A_570 : vector<1x16xf32> to vector<16xf32>
      %parallel_loop3A_572 = arith.mulf %parallel_loop3A_571, %get3A_19 : vector<16xf32>
      %parallel_loop3A_573 = arith.index_cast %parallel_loop3A_567 : i32 to index
      %parallel_loop3A_574 = arith.constant 16 : index
      %parallel_loop3A_575 = tpu.vector_load %arg9[%parallel_loop3A_573, %parallel_loop3A_574] {strides = array<i32>} : memref<256x128xf32, #tpu.memory_space<vmem>>, vector<1x16xf32>,
      %parallel_loop3A_576 = vector.shape_cast %parallel_loop3A_575 : vector<1x16xf32> to vector<16xf32>
      %parallel_loop3A_577 = arith.mulf %parallel_loop3A_576, %get3A_22 : vector<16xf32>
      %parallel_loop3A_578 = arith.index_cast %parallel_loop3A_567 : i32 to index
      %parallel_loop3A_579 = arith.constant 32 : index
      %parallel_loop3A_580 = tpu.vector_load %arg9[%parallel_loop3A_578, %parallel_loop3A_579] {strides = array<i32>} : memref<256x128xf32, #tpu.memory_space<vmem>>, vector<1x16xf32>,
      %parallel_loop3A_581 = vector.shape_cast %parallel_loop3A_580 : vector<1x16xf32> to vector<16xf32>
      %parallel_loop3A_582 = arith.mulf %parallel_loop3A_581, %get3A_25 : vector<16xf32>
      %parallel_loop3A_583 = arith.addf %parallel_loop3A_572, %parallel_loop3A_582 : vector<16xf32>
      %parallel_loop3A_584 = arith.index_cast %parallel_loop3A_567 : i32 to index
      %parallel_loop3A_585 = arith.constant 48 : index
      %parallel_loop3A_586 = tpu.vector_load %arg9[%parallel_loop3A_584, %parallel_loop3A_585] {strides = array<i32>} : memref<256x128xf32, #tpu.memory_space<vmem>>, vector<1x16xf32>,
      %parallel_loop3A_587 = vector.shape_cast %parallel_loop3A_586 : vector<1x16xf32> to vector<16xf32>
      %parallel_loop3A_588 = arith.mulf %parallel_loop3A_587, %get3A_28 : vector<16xf32>
      %parallel_loop3A_589 = arith.addf %parallel_loop3A_577, %parallel_loop3A_588 : vector<16xf32>
      %parallel_loop3A_590 = arith.index_cast %parallel_loop3A_567 : i32 to index
      %parallel_loop3A_591 = arith.constant 64 : index
      %parallel_loop3A_592 = tpu.vector_load %arg9[%parallel_loop3A_590, %parallel_loop3A_591] {strides = array<i32>} : memref<256x128xf32, #tpu.memory_space<vmem>>, vector<1x16xf32>,
      %parallel_loop3A_593 = vector.shape_cast %parallel_loop3A_592 : vector<1x16xf32> to vector<16xf32>
      %parallel_loop3A_594 = arith.mulf %parallel_loop3A_593, %get3A_31 : vector<16xf32>
      %parallel_loop3A_595 = arith.addf %parallel_loop3A_583, %parallel_loop3A_594 : vector<16xf32>
      %parallel_loop3A_596 = arith.index_cast %parallel_loop3A_567 : i32 to index
      %parallel_loop3A_597 = arith.constant 80 : index
      %parallel_loop3A_598 = tpu.vector_load %arg9[%parallel_loop3A_596, %parallel_loop3A_597] {strides = array<i32>} : memref<256x128xf32, #tpu.memory_space<vmem>>, vector<1x16xf32>,
      %parallel_loop3A_599 = vector.shape_cast %parallel_loop3A_598 : vector<1x16xf32> to vector<16xf32>
      %parallel_loop3A_600 = arith.mulf %parallel_loop3A_599, %get3A_34 : vector<16xf32>
      %parallel_loop3A_601 = arith.addf %parallel_loop3A_589, %parallel_loop3A_600 : vector<16xf32>
      %parallel_loop3A_602 = arith.index_cast %parallel_loop3A_567 : i32 to index
      %parallel_loop3A_603 = arith.constant 96 : index
      %parallel_loop3A_604 = tpu.vector_load %arg9[%parallel_loop3A_602, %parallel_loop3A_603] {strides = array<i32>} : memref<256x128xf32, #tpu.memory_space<vmem>>, vector<1x16xf32>,
      %parallel_loop3A_605 = vector.shape_cast %parallel_loop3A_604 : vector<1x16xf32> to vector<16xf32>
      %parallel_loop3A_606 = arith.mulf %parallel_loop3A_605, %get3A_37 : vector<16xf32>
      %parallel_loop3A_607 = arith.addf %parallel_loop3A_595, %parallel_loop3A_606 : vector<16xf32>
      %parallel_loop3A_608 = arith.index_cast %parallel_loop3A_567 : i32 to index
      %parallel_loop3A_609 = arith.constant 112 : index
      %parallel_loop3A_610 = tpu.vector_load %arg9[%parallel_loop3A_608, %parallel_loop3A_609] {strides = array<i32>} : memref<256x128xf32, #tpu.memory_space<vmem>>, vector<1x16xf32>,
      %parallel_loop3A_611 = vector.shape_cast %parallel_loop3A_610 : vector<1x16xf32> to vector<16xf32>
      %parallel_loop3A_612 = arith.mulf %parallel_loop3A_611, %get3A_40 : vector<16xf32>
      %parallel_loop3A_613 = arith.addf %parallel_loop3A_601, %parallel_loop3A_612 : vector<16xf32>
      %parallel_loop3A_614 = arith.addf %parallel_loop3A_607, %parallel_loop3A_613 : vector<16xf32>
      %parallel_loop3A_615 = arith.constant 16 : i32
      %parallel_loop3A_616 = arith.muli %parallel_loop3A_615, %parallel_loop3A_155 : i32
      %parallel_loop3A_617 = arith.constant 9 : i32
      %parallel_loop3A_618 = arith.addi %parallel_loop3A_616, %parallel_loop3A_617 : i32
      %parallel_loop3A_619 = arith.index_cast %parallel_loop3A_618 : i32 to index
      %parallel_loop3A_620 = arith.constant 0 : index
      %parallel_loop3A_621 = tpu.vector_load %arg9[%parallel_loop3A_619, %parallel_loop3A_620] {strides = array<i32>} : memref<256x128xf32, #tpu.memory_space<vmem>>, vector<1x16xf32>,
      %parallel_loop3A_622 = vector.shape_cast %parallel_loop3A_621 : vector<1x16xf32> to vector<16xf32>
      %parallel_loop3A_623 = arith.mulf %parallel_loop3A_622, %get3A_19 : vector<16xf32>
      %parallel_loop3A_624 = arith.index_cast %parallel_loop3A_618 : i32 to index
      %parallel_loop3A_625 = arith.constant 16 : index
      %parallel_loop3A_626 = tpu.vector_load %arg9[%parallel_loop3A_624, %parallel_loop3A_625] {strides = array<i32>} : memref<256x128xf32, #tpu.memory_space<vmem>>, vector<1x16xf32>,
      %parallel_loop3A_627 = vector.shape_cast %parallel_loop3A_626 : vector<1x16xf32> to vector<16xf32>
      %parallel_loop3A_628 = arith.mulf %parallel_loop3A_627, %get3A_22 : vector<16xf32>
      %parallel_loop3A_629 = arith.index_cast %parallel_loop3A_618 : i32 to index
      %parallel_loop3A_630 = arith.constant 32 : index
      %parallel_loop3A_631 = tpu.vector_load %arg9[%parallel_loop3A_629, %parallel_loop3A_630] {strides = array<i32>} : memref<256x128xf32, #tpu.memory_space<vmem>>, vector<1x16xf32>,
      %parallel_loop3A_632 = vector.shape_cast %parallel_loop3A_631 : vector<1x16xf32> to vector<16xf32>
      %parallel_loop3A_633 = arith.mulf %parallel_loop3A_632, %get3A_25 : vector<16xf32>
      %parallel_loop3A_634 = arith.addf %parallel_loop3A_623, %parallel_loop3A_633 : vector<16xf32>
      %parallel_loop3A_635 = arith.index_cast %parallel_loop3A_618 : i32 to index
      %parallel_loop3A_636 = arith.constant 48 : index
      %parallel_loop3A_637 = tpu.vector_load %arg9[%parallel_loop3A_635, %parallel_loop3A_636] {strides = array<i32>} : memref<256x128xf32, #tpu.memory_space<vmem>>, vector<1x16xf32>,
      %parallel_loop3A_638 = vector.shape_cast %parallel_loop3A_637 : vector<1x16xf32> to vector<16xf32>
      %parallel_loop3A_639 = arith.mulf %parallel_loop3A_638, %get3A_28 : vector<16xf32>
      %parallel_loop3A_640 = arith.addf %parallel_loop3A_628, %parallel_loop3A_639 : vector<16xf32>
      %parallel_loop3A_641 = arith.index_cast %parallel_loop3A_618 : i32 to index
      %parallel_loop3A_642 = arith.constant 64 : index
      %parallel_loop3A_643 = tpu.vector_load %arg9[%parallel_loop3A_641, %parallel_loop3A_642] {strides = array<i32>} : memref<256x128xf32, #tpu.memory_space<vmem>>, vector<1x16xf32>,
      %parallel_loop3A_644 = vector.shape_cast %parallel_loop3A_643 : vector<1x16xf32> to vector<16xf32>
      %parallel_loop3A_645 = arith.mulf %parallel_loop3A_644, %get3A_31 : vector<16xf32>
      %parallel_loop3A_646 = arith.addf %parallel_loop3A_634, %parallel_loop3A_645 : vector<16xf32>
      %parallel_loop3A_647 = arith.index_cast %parallel_loop3A_618 : i32 to index
      %parallel_loop3A_648 = arith.constant 80 : index
      %parallel_loop3A_649 = tpu.vector_load %arg9[%parallel_loop3A_647, %parallel_loop3A_648] {strides = array<i32>} : memref<256x128xf32, #tpu.memory_space<vmem>>, vector<1x16xf32>,
      %parallel_loop3A_650 = vector.shape_cast %parallel_loop3A_649 : vector<1x16xf32> to vector<16xf32>
      %parallel_loop3A_651 = arith.mulf %parallel_loop3A_650, %get3A_34 : vector<16xf32>
      %parallel_loop3A_652 = arith.addf %parallel_loop3A_640, %parallel_loop3A_651 : vector<16xf32>
      %parallel_loop3A_653 = arith.index_cast %parallel_loop3A_618 : i32 to index
      %parallel_loop3A_654 = arith.constant 96 : index
      %parallel_loop3A_655 = tpu.vector_load %arg9[%parallel_loop3A_653, %parallel_loop3A_654] {strides = array<i32>} : memref<256x128xf32, #tpu.memory_space<vmem>>, vector<1x16xf32>,
      %parallel_loop3A_656 = vector.shape_cast %parallel_loop3A_655 : vector<1x16xf32> to vector<16xf32>
      %parallel_loop3A_657 = arith.mulf %parallel_loop3A_656, %get3A_37 : vector<16xf32>
      %parallel_loop3A_658 = arith.addf %parallel_loop3A_646, %parallel_loop3A_657 : vector<16xf32>
      %parallel_loop3A_659 = arith.index_cast %parallel_loop3A_618 : i32 to index
      %parallel_loop3A_660 = arith.constant 112 : index
      %parallel_loop3A_661 = tpu.vector_load %arg9[%parallel_loop3A_659, %parallel_loop3A_660] {strides = array<i32>} : memref<256x128xf32, #tpu.memory_space<vmem>>, vector<1x16xf32>,
      %parallel_loop3A_662 = vector.shape_cast %parallel_loop3A_661 : vector<1x16xf32> to vector<16xf32>
      %parallel_loop3A_663 = arith.mulf %parallel_loop3A_662, %get3A_40 : vector<16xf32>
      %parallel_loop3A_664 = arith.addf %parallel_loop3A_652, %parallel_loop3A_663 : vector<16xf32>
      %parallel_loop3A_665 = arith.addf %parallel_loop3A_658, %parallel_loop3A_664 : vector<16xf32>
      %parallel_loop3A_666 = arith.constant 16 : i32
      %parallel_loop3A_667 = arith.muli %parallel_loop3A_666, %parallel_loop3A_155 : i32
      %parallel_loop3A_668 = arith.constant 10 : i32
      %parallel_loop3A_669 = arith.addi %parallel_loop3A_667, %parallel_loop3A_668 : i32
      %parallel_loop3A_670 = arith.index_cast %parallel_loop3A_669 : i32 to index
      %parallel_loop3A_671 = arith.constant 0 : index
      %parallel_loop3A_672 = tpu.vector_load %arg9[%parallel_loop3A_670, %parallel_loop3A_671] {strides = array<i32>} : memref<256x128xf32, #tpu.memory_space<vmem>>, vector<1x16xf32>,
      %parallel_loop3A_673 = vector.shape_cast %parallel_loop3A_672 : vector<1x16xf32> to vector<16xf32>
      %parallel_loop3A_674 = arith.mulf %parallel_loop3A_673, %get3A_19 : vector<16xf32>
      %parallel_loop3A_675 = arith.index_cast %parallel_loop3A_669 : i32 to index
      %parallel_loop3A_676 = arith.constant 16 : index
      %parallel_loop3A_677 = tpu.vector_load %arg9[%parallel_loop3A_675, %parallel_loop3A_676] {strides = array<i32>} : memref<256x128xf32, #tpu.memory_space<vmem>>, vector<1x16xf32>,
      %parallel_loop3A_678 = vector.shape_cast %parallel_loop3A_677 : vector<1x16xf32> to vector<16xf32>
      %parallel_loop3A_679 = arith.mulf %parallel_loop3A_678, %get3A_22 : vector<16xf32>
      %parallel_loop3A_680 = arith.index_cast %parallel_loop3A_669 : i32 to index
      %parallel_loop3A_681 = arith.constant 32 : index
      %parallel_loop3A_682 = tpu.vector_load %arg9[%parallel_loop3A_680, %parallel_loop3A_681] {strides = array<i32>} : memref<256x128xf32, #tpu.memory_space<vmem>>, vector<1x16xf32>,
      %parallel_loop3A_683 = vector.shape_cast %parallel_loop3A_682 : vector<1x16xf32> to vector<16xf32>
      %parallel_loop3A_684 = arith.mulf %parallel_loop3A_683, %get3A_25 : vector<16xf32>
      %parallel_loop3A_685 = arith.addf %parallel_loop3A_674, %parallel_loop3A_684 : vector<16xf32>
      %parallel_loop3A_686 = arith.index_cast %parallel_loop3A_669 : i32 to index
      %parallel_loop3A_687 = arith.constant 48 : index
      %parallel_loop3A_688 = tpu.vector_load %arg9[%parallel_loop3A_686, %parallel_loop3A_687] {strides = array<i32>} : memref<256x128xf32, #tpu.memory_space<vmem>>, vector<1x16xf32>,
      %parallel_loop3A_689 = vector.shape_cast %parallel_loop3A_688 : vector<1x16xf32> to vector<16xf32>
      %parallel_loop3A_690 = arith.mulf %parallel_loop3A_689, %get3A_28 : vector<16xf32>
      %parallel_loop3A_691 = arith.addf %parallel_loop3A_679, %parallel_loop3A_690 : vector<16xf32>
      %parallel_loop3A_692 = arith.index_cast %parallel_loop3A_669 : i32 to index
      %parallel_loop3A_693 = arith.constant 64 : index
      %parallel_loop3A_694 = tpu.vector_load %arg9[%parallel_loop3A_692, %parallel_loop3A_693] {strides = array<i32>} : memref<256x128xf32, #tpu.memory_space<vmem>>, vector<1x16xf32>,
      %parallel_loop3A_695 = vector.shape_cast %parallel_loop3A_694 : vector<1x16xf32> to vector<16xf32>
      %parallel_loop3A_696 = arith.mulf %parallel_loop3A_695, %get3A_31 : vector<16xf32>
      %parallel_loop3A_697 = arith.addf %parallel_loop3A_685, %parallel_loop3A_696 : vector<16xf32>
      %parallel_loop3A_698 = arith.index_cast %parallel_loop3A_669 : i32 to index
      %parallel_loop3A_699 = arith.constant 80 : index
      %parallel_loop3A_700 = tpu.vector_load %arg9[%parallel_loop3A_698, %parallel_loop3A_699] {strides = array<i32>} : memref<256x128xf32, #tpu.memory_space<vmem>>, vector<1x16xf32>,
      %parallel_loop3A_701 = vector.shape_cast %parallel_loop3A_700 : vector<1x16xf32> to vector<16xf32>
      %parallel_loop3A_702 = arith.mulf %parallel_loop3A_701, %get3A_34 : vector<16xf32>
      %parallel_loop3A_703 = arith.addf %parallel_loop3A_691, %parallel_loop3A_702 : vector<16xf32>
      %parallel_loop3A_704 = arith.index_cast %parallel_loop3A_669 : i32 to index
      %parallel_loop3A_705 = arith.constant 96 : index
      %parallel_loop3A_706 = tpu.vector_load %arg9[%parallel_loop3A_704, %parallel_loop3A_705] {strides = array<i32>} : memref<256x128xf32, #tpu.memory_space<vmem>>, vector<1x16xf32>,
      %parallel_loop3A_707 = vector.shape_cast %parallel_loop3A_706 : vector<1x16xf32> to vector<16xf32>
      %parallel_loop3A_708 = arith.mulf %parallel_loop3A_707, %get3A_37 : vector<16xf32>
      %parallel_loop3A_709 = arith.addf %parallel_loop3A_697, %parallel_loop3A_708 : vector<16xf32>
      %parallel_loop3A_710 = arith.index_cast %parallel_loop3A_669 : i32 to index
      %parallel_loop3A_711 = arith.constant 112 : index
      %parallel_loop3A_712 = tpu.vector_load %arg9[%parallel_loop3A_710, %parallel_loop3A_711] {strides = array<i32>} : memref<256x128xf32, #tpu.memory_space<vmem>>, vector<1x16xf32>,
      %parallel_loop3A_713 = vector.shape_cast %parallel_loop3A_712 : vector<1x16xf32> to vector<16xf32>
      %parallel_loop3A_714 = arith.mulf %parallel_loop3A_713, %get3A_40 : vector<16xf32>
      %parallel_loop3A_715 = arith.addf %parallel_loop3A_703, %parallel_loop3A_714 : vector<16xf32>
      %parallel_loop3A_716 = arith.addf %parallel_loop3A_709, %parallel_loop3A_715 : vector<16xf32>
      %parallel_loop3A_717 = arith.constant 16 : i32
      %parallel_loop3A_718 = arith.muli %parallel_loop3A_717, %parallel_loop3A_155 : i32
      %parallel_loop3A_719 = arith.constant 11 : i32
      %parallel_loop3A_720 = arith.addi %parallel_loop3A_718, %parallel_loop3A_719 : i32
      %parallel_loop3A_721 = arith.index_cast %parallel_loop3A_720 : i32 to index
      %parallel_loop3A_722 = arith.constant 0 : index
      %parallel_loop3A_723 = tpu.vector_load %arg9[%parallel_loop3A_721, %parallel_loop3A_722] {strides = array<i32>} : memref<256x128xf32, #tpu.memory_space<vmem>>, vector<1x16xf32>,
      %parallel_loop3A_724 = vector.shape_cast %parallel_loop3A_723 : vector<1x16xf32> to vector<16xf32>
      %parallel_loop3A_725 = arith.mulf %parallel_loop3A_724, %get3A_19 : vector<16xf32>
      %parallel_loop3A_726 = arith.index_cast %parallel_loop3A_720 : i32 to index
      %parallel_loop3A_727 = arith.constant 16 : index
      %parallel_loop3A_728 = tpu.vector_load %arg9[%parallel_loop3A_726, %parallel_loop3A_727] {strides = array<i32>} : memref<256x128xf32, #tpu.memory_space<vmem>>, vector<1x16xf32>,
      %parallel_loop3A_729 = vector.shape_cast %parallel_loop3A_728 : vector<1x16xf32> to vector<16xf32>
      %parallel_loop3A_730 = arith.mulf %parallel_loop3A_729, %get3A_22 : vector<16xf32>
      %parallel_loop3A_731 = arith.index_cast %parallel_loop3A_720 : i32 to index
      %parallel_loop3A_732 = arith.constant 32 : index
      %parallel_loop3A_733 = tpu.vector_load %arg9[%parallel_loop3A_731, %parallel_loop3A_732] {strides = array<i32>} : memref<256x128xf32, #tpu.memory_space<vmem>>, vector<1x16xf32>,
      %parallel_loop3A_734 = vector.shape_cast %parallel_loop3A_733 : vector<1x16xf32> to vector<16xf32>
      %parallel_loop3A_735 = arith.mulf %parallel_loop3A_734, %get3A_25 : vector<16xf32>
      %parallel_loop3A_736 = arith.addf %parallel_loop3A_725, %parallel_loop3A_735 : vector<16xf32>
      %parallel_loop3A_737 = arith.index_cast %parallel_loop3A_720 : i32 to index
      %parallel_loop3A_738 = arith.constant 48 : index
      %parallel_loop3A_739 = tpu.vector_load %arg9[%parallel_loop3A_737, %parallel_loop3A_738] {strides = array<i32>} : memref<256x128xf32, #tpu.memory_space<vmem>>, vector<1x16xf32>,
      %parallel_loop3A_740 = vector.shape_cast %parallel_loop3A_739 : vector<1x16xf32> to vector<16xf32>
      %parallel_loop3A_741 = arith.mulf %parallel_loop3A_740, %get3A_28 : vector<16xf32>
      %parallel_loop3A_742 = arith.addf %parallel_loop3A_730, %parallel_loop3A_741 : vector<16xf32>
      %parallel_loop3A_743 = arith.index_cast %parallel_loop3A_720 : i32 to index
      %parallel_loop3A_744 = arith.constant 64 : index
      %parallel_loop3A_745 = tpu.vector_load %arg9[%parallel_loop3A_743, %parallel_loop3A_744] {strides = array<i32>} : memref<256x128xf32, #tpu.memory_space<vmem>>, vector<1x16xf32>,
      %parallel_loop3A_746 = vector.shape_cast %parallel_loop3A_745 : vector<1x16xf32> to vector<16xf32>
      %parallel_loop3A_747 = arith.mulf %parallel_loop3A_746, %get3A_31 : vector<16xf32>
      %parallel_loop3A_748 = arith.addf %parallel_loop3A_736, %parallel_loop3A_747 : vector<16xf32>
      %parallel_loop3A_749 = arith.index_cast %parallel_loop3A_720 : i32 to index
      %parallel_loop3A_750 = arith.constant 80 : index
      %parallel_loop3A_751 = tpu.vector_load %arg9[%parallel_loop3A_749, %parallel_loop3A_750] {strides = array<i32>} : memref<256x128xf32, #tpu.memory_space<vmem>>, vector<1x16xf32>,
      %parallel_loop3A_752 = vector.shape_cast %parallel_loop3A_751 : vector<1x16xf32> to vector<16xf32>
      %parallel_loop3A_753 = arith.mulf %parallel_loop3A_752, %get3A_34 : vector<16xf32>
      %parallel_loop3A_754 = arith.addf %parallel_loop3A_742, %parallel_loop3A_753 : vector<16xf32>
      %parallel_loop3A_755 = arith.index_cast %parallel_loop3A_720 : i32 to index
      %parallel_loop3A_756 = arith.constant 96 : index
      %parallel_loop3A_757 = tpu.vector_load %arg9[%parallel_loop3A_755, %parallel_loop3A_756] {strides = array<i32>} : memref<256x128xf32, #tpu.memory_space<vmem>>, vector<1x16xf32>,
      %parallel_loop3A_758 = vector.shape_cast %parallel_loop3A_757 : vector<1x16xf32> to vector<16xf32>
      %parallel_loop3A_759 = arith.mulf %parallel_loop3A_758, %get3A_37 : vector<16xf32>
      %parallel_loop3A_760 = arith.addf %parallel_loop3A_748, %parallel_loop3A_759 : vector<16xf32>
      %parallel_loop3A_761 = arith.index_cast %parallel_loop3A_720 : i32 to index
      %parallel_loop3A_762 = arith.constant 112 : index
      %parallel_loop3A_763 = tpu.vector_load %arg9[%parallel_loop3A_761, %parallel_loop3A_762] {strides = array<i32>} : memref<256x128xf32, #tpu.memory_space<vmem>>, vector<1x16xf32>,
      %parallel_loop3A_764 = vector.shape_cast %parallel_loop3A_763 : vector<1x16xf32> to vector<16xf32>
      %parallel_loop3A_765 = arith.mulf %parallel_loop3A_764, %get3A_40 : vector<16xf32>
      %parallel_loop3A_766 = arith.addf %parallel_loop3A_754, %parallel_loop3A_765 : vector<16xf32>
      %parallel_loop3A_767 = arith.addf %parallel_loop3A_760, %parallel_loop3A_766 : vector<16xf32>
      %parallel_loop3A_768 = arith.constant 16 : i32
      %parallel_loop3A_769 = arith.muli %parallel_loop3A_768, %parallel_loop3A_155 : i32
      %parallel_loop3A_770 = arith.constant 12 : i32
      %parallel_loop3A_771 = arith.addi %parallel_loop3A_769, %parallel_loop3A_770 : i32
      %parallel_loop3A_772 = arith.index_cast %parallel_loop3A_771 : i32 to index
      %parallel_loop3A_773 = arith.constant 0 : index
      %parallel_loop3A_774 = tpu.vector_load %arg9[%parallel_loop3A_772, %parallel_loop3A_773] {strides = array<i32>} : memref<256x128xf32, #tpu.memory_space<vmem>>, vector<1x16xf32>,
      %parallel_loop3A_775 = vector.shape_cast %parallel_loop3A_774 : vector<1x16xf32> to vector<16xf32>
      %parallel_loop3A_776 = arith.mulf %parallel_loop3A_775, %get3A_19 : vector<16xf32>
      %parallel_loop3A_777 = arith.index_cast %parallel_loop3A_771 : i32 to index
      %parallel_loop3A_778 = arith.constant 16 : index
      %parallel_loop3A_779 = tpu.vector_load %arg9[%parallel_loop3A_777, %parallel_loop3A_778] {strides = array<i32>} : memref<256x128xf32, #tpu.memory_space<vmem>>, vector<1x16xf32>,
      %parallel_loop3A_780 = vector.shape_cast %parallel_loop3A_779 : vector<1x16xf32> to vector<16xf32>
      %parallel_loop3A_781 = arith.mulf %parallel_loop3A_780, %get3A_22 : vector<16xf32>
      %parallel_loop3A_782 = arith.index_cast %parallel_loop3A_771 : i32 to index
      %parallel_loop3A_783 = arith.constant 32 : index
      %parallel_loop3A_784 = tpu.vector_load %arg9[%parallel_loop3A_782, %parallel_loop3A_783] {strides = array<i32>} : memref<256x128xf32, #tpu.memory_space<vmem>>, vector<1x16xf32>,
      %parallel_loop3A_785 = vector.shape_cast %parallel_loop3A_784 : vector<1x16xf32> to vector<16xf32>
      %parallel_loop3A_786 = arith.mulf %parallel_loop3A_785, %get3A_25 : vector<16xf32>
      %parallel_loop3A_787 = arith.addf %parallel_loop3A_776, %parallel_loop3A_786 : vector<16xf32>
      %parallel_loop3A_788 = arith.index_cast %parallel_loop3A_771 : i32 to index
      %parallel_loop3A_789 = arith.constant 48 : index
      %parallel_loop3A_790 = tpu.vector_load %arg9[%parallel_loop3A_788, %parallel_loop3A_789] {strides = array<i32>} : memref<256x128xf32, #tpu.memory_space<vmem>>, vector<1x16xf32>,
      %parallel_loop3A_791 = vector.shape_cast %parallel_loop3A_790 : vector<1x16xf32> to vector<16xf32>
      %parallel_loop3A_792 = arith.mulf %parallel_loop3A_791, %get3A_28 : vector<16xf32>
      %parallel_loop3A_793 = arith.addf %parallel_loop3A_781, %parallel_loop3A_792 : vector<16xf32>
      %parallel_loop3A_794 = arith.index_cast %parallel_loop3A_771 : i32 to index
      %parallel_loop3A_795 = arith.constant 64 : index
      %parallel_loop3A_796 = tpu.vector_load %arg9[%parallel_loop3A_794, %parallel_loop3A_795] {strides = array<i32>} : memref<256x128xf32, #tpu.memory_space<vmem>>, vector<1x16xf32>,
      %parallel_loop3A_797 = vector.shape_cast %parallel_loop3A_796 : vector<1x16xf32> to vector<16xf32>
      %parallel_loop3A_798 = arith.mulf %parallel_loop3A_797, %get3A_31 : vector<16xf32>
      %parallel_loop3A_799 = arith.addf %parallel_loop3A_787, %parallel_loop3A_798 : vector<16xf32>
      %parallel_loop3A_800 = arith.index_cast %parallel_loop3A_771 : i32 to index
      %parallel_loop3A_801 = arith.constant 80 : index
      %parallel_loop3A_802 = tpu.vector_load %arg9[%parallel_loop3A_800, %parallel_loop3A_801] {strides = array<i32>} : memref<256x128xf32, #tpu.memory_space<vmem>>, vector<1x16xf32>,
      %parallel_loop3A_803 = vector.shape_cast %parallel_loop3A_802 : vector<1x16xf32> to vector<16xf32>
      %parallel_loop3A_804 = arith.mulf %parallel_loop3A_803, %get3A_34 : vector<16xf32>
      %parallel_loop3A_805 = arith.addf %parallel_loop3A_793, %parallel_loop3A_804 : vector<16xf32>
      %parallel_loop3A_806 = arith.index_cast %parallel_loop3A_771 : i32 to index
      %parallel_loop3A_807 = arith.constant 96 : index
      %parallel_loop3A_808 = tpu.vector_load %arg9[%parallel_loop3A_806, %parallel_loop3A_807] {strides = array<i32>} : memref<256x128xf32, #tpu.memory_space<vmem>>, vector<1x16xf32>,
      %parallel_loop3A_809 = vector.shape_cast %parallel_loop3A_808 : vector<1x16xf32> to vector<16xf32>
      %parallel_loop3A_810 = arith.mulf %parallel_loop3A_809, %get3A_37 : vector<16xf32>
      %parallel_loop3A_811 = arith.addf %parallel_loop3A_799, %parallel_loop3A_810 : vector<16xf32>
      %parallel_loop3A_812 = arith.index_cast %parallel_loop3A_771 : i32 to index
      %parallel_loop3A_813 = arith.constant 112 : index
      %parallel_loop3A_814 = tpu.vector_load %arg9[%parallel_loop3A_812, %parallel_loop3A_813] {strides = array<i32>} : memref<256x128xf32, #tpu.memory_space<vmem>>, vector<1x16xf32>,
      %parallel_loop3A_815 = vector.shape_cast %parallel_loop3A_814 : vector<1x16xf32> to vector<16xf32>
      %parallel_loop3A_816 = arith.mulf %parallel_loop3A_815, %get3A_40 : vector<16xf32>
      %parallel_loop3A_817 = arith.addf %parallel_loop3A_805, %parallel_loop3A_816 : vector<16xf32>
      %parallel_loop3A_818 = arith.addf %parallel_loop3A_811, %parallel_loop3A_817 : vector<16xf32>
      %parallel_loop3A_819 = arith.constant 16 : i32
      %parallel_loop3A_820 = arith.muli %parallel_loop3A_819, %parallel_loop3A_155 : i32
      %parallel_loop3A_821 = arith.constant 13 : i32
      %parallel_loop3A_822 = arith.addi %parallel_loop3A_820, %parallel_loop3A_821 : i32
      %parallel_loop3A_823 = arith.index_cast %parallel_loop3A_822 : i32 to index
      %parallel_loop3A_824 = arith.constant 0 : index
      %parallel_loop3A_825 = tpu.vector_load %arg9[%parallel_loop3A_823, %parallel_loop3A_824] {strides = array<i32>} : memref<256x128xf32, #tpu.memory_space<vmem>>, vector<1x16xf32>,
      %parallel_loop3A_826 = vector.shape_cast %parallel_loop3A_825 : vector<1x16xf32> to vector<16xf32>
      %parallel_loop3A_827 = arith.mulf %parallel_loop3A_826, %get3A_19 : vector<16xf32>
      %parallel_loop3A_828 = arith.index_cast %parallel_loop3A_822 : i32 to index
      %parallel_loop3A_829 = arith.constant 16 : index
      %parallel_loop3A_830 = tpu.vector_load %arg9[%parallel_loop3A_828, %parallel_loop3A_829] {strides = array<i32>} : memref<256x128xf32, #tpu.memory_space<vmem>>, vector<1x16xf32>,
      %parallel_loop3A_831 = vector.shape_cast %parallel_loop3A_830 : vector<1x16xf32> to vector<16xf32>
      %parallel_loop3A_832 = arith.mulf %parallel_loop3A_831, %get3A_22 : vector<16xf32>
      %parallel_loop3A_833 = arith.index_cast %parallel_loop3A_822 : i32 to index
      %parallel_loop3A_834 = arith.constant 32 : index
      %parallel_loop3A_835 = tpu.vector_load %arg9[%parallel_loop3A_833, %parallel_loop3A_834] {strides = array<i32>} : memref<256x128xf32, #tpu.memory_space<vmem>>, vector<1x16xf32>,
      %parallel_loop3A_836 = vector.shape_cast %parallel_loop3A_835 : vector<1x16xf32> to vector<16xf32>
      %parallel_loop3A_837 = arith.mulf %parallel_loop3A_836, %get3A_25 : vector<16xf32>
      %parallel_loop3A_838 = arith.addf %parallel_loop3A_827, %parallel_loop3A_837 : vector<16xf32>
      %parallel_loop3A_839 = arith.index_cast %parallel_loop3A_822 : i32 to index
      %parallel_loop3A_840 = arith.constant 48 : index
      %parallel_loop3A_841 = tpu.vector_load %arg9[%parallel_loop3A_839, %parallel_loop3A_840] {strides = array<i32>} : memref<256x128xf32, #tpu.memory_space<vmem>>, vector<1x16xf32>,
      %parallel_loop3A_842 = vector.shape_cast %parallel_loop3A_841 : vector<1x16xf32> to vector<16xf32>
      %parallel_loop3A_843 = arith.mulf %parallel_loop3A_842, %get3A_28 : vector<16xf32>
      %parallel_loop3A_844 = arith.addf %parallel_loop3A_832, %parallel_loop3A_843 : vector<16xf32>
      %parallel_loop3A_845 = arith.index_cast %parallel_loop3A_822 : i32 to index
      %parallel_loop3A_846 = arith.constant 64 : index
      %parallel_loop3A_847 = tpu.vector_load %arg9[%parallel_loop3A_845, %parallel_loop3A_846] {strides = array<i32>} : memref<256x128xf32, #tpu.memory_space<vmem>>, vector<1x16xf32>,
      %parallel_loop3A_848 = vector.shape_cast %parallel_loop3A_847 : vector<1x16xf32> to vector<16xf32>
      %parallel_loop3A_849 = arith.mulf %parallel_loop3A_848, %get3A_31 : vector<16xf32>
      %parallel_loop3A_850 = arith.addf %parallel_loop3A_838, %parallel_loop3A_849 : vector<16xf32>
      %parallel_loop3A_851 = arith.index_cast %parallel_loop3A_822 : i32 to index
      %parallel_loop3A_852 = arith.constant 80 : index
      %parallel_loop3A_853 = tpu.vector_load %arg9[%parallel_loop3A_851, %parallel_loop3A_852] {strides = array<i32>} : memref<256x128xf32, #tpu.memory_space<vmem>>, vector<1x16xf32>,
      %parallel_loop3A_854 = vector.shape_cast %parallel_loop3A_853 : vector<1x16xf32> to vector<16xf32>
      %parallel_loop3A_855 = arith.mulf %parallel_loop3A_854, %get3A_34 : vector<16xf32>
      %parallel_loop3A_856 = arith.addf %parallel_loop3A_844, %parallel_loop3A_855 : vector<16xf32>
      %parallel_loop3A_857 = arith.index_cast %parallel_loop3A_822 : i32 to index
      %parallel_loop3A_858 = arith.constant 96 : index
      %parallel_loop3A_859 = tpu.vector_load %arg9[%parallel_loop3A_857, %parallel_loop3A_858] {strides = array<i32>} : memref<256x128xf32, #tpu.memory_space<vmem>>, vector<1x16xf32>,
      %parallel_loop3A_860 = vector.shape_cast %parallel_loop3A_859 : vector<1x16xf32> to vector<16xf32>
      %parallel_loop3A_861 = arith.mulf %parallel_loop3A_860, %get3A_37 : vector<16xf32>
      %parallel_loop3A_862 = arith.addf %parallel_loop3A_850, %parallel_loop3A_861 : vector<16xf32>
      %parallel_loop3A_863 = arith.index_cast %parallel_loop3A_822 : i32 to index
      %parallel_loop3A_864 = arith.constant 112 : index
      %parallel_loop3A_865 = tpu.vector_load %arg9[%parallel_loop3A_863, %parallel_loop3A_864] {strides = array<i32>} : memref<256x128xf32, #tpu.memory_space<vmem>>, vector<1x16xf32>,
      %parallel_loop3A_866 = vector.shape_cast %parallel_loop3A_865 : vector<1x16xf32> to vector<16xf32>
      %parallel_loop3A_867 = arith.mulf %parallel_loop3A_866, %get3A_40 : vector<16xf32>
      %parallel_loop3A_868 = arith.addf %parallel_loop3A_856, %parallel_loop3A_867 : vector<16xf32>
      %parallel_loop3A_869 = arith.addf %parallel_loop3A_862, %parallel_loop3A_868 : vector<16xf32>
      %parallel_loop3A_870 = arith.constant 16 : i32
      %parallel_loop3A_871 = arith.muli %parallel_loop3A_870, %parallel_loop3A_155 : i32
      %parallel_loop3A_872 = arith.constant 14 : i32
      %parallel_loop3A_873 = arith.addi %parallel_loop3A_871, %parallel_loop3A_872 : i32
      %parallel_loop3A_874 = arith.index_cast %parallel_loop3A_873 : i32 to index
      %parallel_loop3A_875 = arith.constant 0 : index
      %parallel_loop3A_876 = tpu.vector_load %arg9[%parallel_loop3A_874, %parallel_loop3A_875] {strides = array<i32>} : memref<256x128xf32, #tpu.memory_space<vmem>>, vector<1x16xf32>,
      %parallel_loop3A_877 = vector.shape_cast %parallel_loop3A_876 : vector<1x16xf32> to vector<16xf32>
      %parallel_loop3A_878 = arith.mulf %parallel_loop3A_877, %get3A_19 : vector<16xf32>
      %parallel_loop3A_879 = arith.index_cast %parallel_loop3A_873 : i32 to index
      %parallel_loop3A_880 = arith.constant 16 : index
      %parallel_loop3A_881 = tpu.vector_load %arg9[%parallel_loop3A_879, %parallel_loop3A_880] {strides = array<i32>} : memref<256x128xf32, #tpu.memory_space<vmem>>, vector<1x16xf32>,
      %parallel_loop3A_882 = vector.shape_cast %parallel_loop3A_881 : vector<1x16xf32> to vector<16xf32>
      %parallel_loop3A_883 = arith.mulf %parallel_loop3A_882, %get3A_22 : vector<16xf32>
      %parallel_loop3A_884 = arith.index_cast %parallel_loop3A_873 : i32 to index
      %parallel_loop3A_885 = arith.constant 32 : index
      %parallel_loop3A_886 = tpu.vector_load %arg9[%parallel_loop3A_884, %parallel_loop3A_885] {strides = array<i32>} : memref<256x128xf32, #tpu.memory_space<vmem>>, vector<1x16xf32>,
      %parallel_loop3A_887 = vector.shape_cast %parallel_loop3A_886 : vector<1x16xf32> to vector<16xf32>
      %parallel_loop3A_888 = arith.mulf %parallel_loop3A_887, %get3A_25 : vector<16xf32>
      %parallel_loop3A_889 = arith.addf %parallel_loop3A_878, %parallel_loop3A_888 : vector<16xf32>
      %parallel_loop3A_890 = arith.index_cast %parallel_loop3A_873 : i32 to index
      %parallel_loop3A_891 = arith.constant 48 : index
      %parallel_loop3A_892 = tpu.vector_load %arg9[%parallel_loop3A_890, %parallel_loop3A_891] {strides = array<i32>} : memref<256x128xf32, #tpu.memory_space<vmem>>, vector<1x16xf32>,
      %parallel_loop3A_893 = vector.shape_cast %parallel_loop3A_892 : vector<1x16xf32> to vector<16xf32>
      %parallel_loop3A_894 = arith.mulf %parallel_loop3A_893, %get3A_28 : vector<16xf32>
      %parallel_loop3A_895 = arith.addf %parallel_loop3A_883, %parallel_loop3A_894 : vector<16xf32>
      %parallel_loop3A_896 = arith.index_cast %parallel_loop3A_873 : i32 to index
      %parallel_loop3A_897 = arith.constant 64 : index
      %parallel_loop3A_898 = tpu.vector_load %arg9[%parallel_loop3A_896, %parallel_loop3A_897] {strides = array<i32>} : memref<256x128xf32, #tpu.memory_space<vmem>>, vector<1x16xf32>,
      %parallel_loop3A_899 = vector.shape_cast %parallel_loop3A_898 : vector<1x16xf32> to vector<16xf32>
      %parallel_loop3A_900 = arith.mulf %parallel_loop3A_899, %get3A_31 : vector<16xf32>
      %parallel_loop3A_901 = arith.addf %parallel_loop3A_889, %parallel_loop3A_900 : vector<16xf32>
      %parallel_loop3A_902 = arith.index_cast %parallel_loop3A_873 : i32 to index
      %parallel_loop3A_903 = arith.constant 80 : index
      %parallel_loop3A_904 = tpu.vector_load %arg9[%parallel_loop3A_902, %parallel_loop3A_903] {strides = array<i32>} : memref<256x128xf32, #tpu.memory_space<vmem>>, vector<1x16xf32>,
      %parallel_loop3A_905 = vector.shape_cast %parallel_loop3A_904 : vector<1x16xf32> to vector<16xf32>
      %parallel_loop3A_906 = arith.mulf %parallel_loop3A_905, %get3A_34 : vector<16xf32>
      %parallel_loop3A_907 = arith.addf %parallel_loop3A_895, %parallel_loop3A_906 : vector<16xf32>
      %parallel_loop3A_908 = arith.index_cast %parallel_loop3A_873 : i32 to index
      %parallel_loop3A_909 = arith.constant 96 : index
      %parallel_loop3A_910 = tpu.vector_load %arg9[%parallel_loop3A_908, %parallel_loop3A_909] {strides = array<i32>} : memref<256x128xf32, #tpu.memory_space<vmem>>, vector<1x16xf32>,
      %parallel_loop3A_911 = vector.shape_cast %parallel_loop3A_910 : vector<1x16xf32> to vector<16xf32>
      %parallel_loop3A_912 = arith.mulf %parallel_loop3A_911, %get3A_37 : vector<16xf32>
      %parallel_loop3A_913 = arith.addf %parallel_loop3A_901, %parallel_loop3A_912 : vector<16xf32>
      %parallel_loop3A_914 = arith.index_cast %parallel_loop3A_873 : i32 to index
      %parallel_loop3A_915 = arith.constant 112 : index
      %parallel_loop3A_916 = tpu.vector_load %arg9[%parallel_loop3A_914, %parallel_loop3A_915] {strides = array<i32>} : memref<256x128xf32, #tpu.memory_space<vmem>>, vector<1x16xf32>,
      %parallel_loop3A_917 = vector.shape_cast %parallel_loop3A_916 : vector<1x16xf32> to vector<16xf32>
      %parallel_loop3A_918 = arith.mulf %parallel_loop3A_917, %get3A_40 : vector<16xf32>
      %parallel_loop3A_919 = arith.addf %parallel_loop3A_907, %parallel_loop3A_918 : vector<16xf32>
      %parallel_loop3A_920 = arith.addf %parallel_loop3A_913, %parallel_loop3A_919 : vector<16xf32>
      %parallel_loop3A_921 = arith.constant 16 : i32
      %parallel_loop3A_922 = arith.muli %parallel_loop3A_921, %parallel_loop3A_155 : i32
      %parallel_loop3A_923 = arith.constant 15 : i32
      %parallel_loop3A_924 = arith.addi %parallel_loop3A_922, %parallel_loop3A_923 : i32
      %parallel_loop3A_925 = arith.index_cast %parallel_loop3A_924 : i32 to index
      %parallel_loop3A_926 = arith.constant 0 : index
      %parallel_loop3A_927 = tpu.vector_load %arg9[%parallel_loop3A_925, %parallel_loop3A_926] {strides = array<i32>} : memref<256x128xf32, #tpu.memory_space<vmem>>, vector<1x16xf32>,
      %parallel_loop3A_928 = vector.shape_cast %parallel_loop3A_927 : vector<1x16xf32> to vector<16xf32>
      %parallel_loop3A_929 = arith.mulf %parallel_loop3A_928, %get3A_19 : vector<16xf32>
      %parallel_loop3A_930 = arith.index_cast %parallel_loop3A_924 : i32 to index
      %parallel_loop3A_931 = arith.constant 16 : index
      %parallel_loop3A_932 = tpu.vector_load %arg9[%parallel_loop3A_930, %parallel_loop3A_931] {strides = array<i32>} : memref<256x128xf32, #tpu.memory_space<vmem>>, vector<1x16xf32>,
      %parallel_loop3A_933 = vector.shape_cast %parallel_loop3A_932 : vector<1x16xf32> to vector<16xf32>
      %parallel_loop3A_934 = arith.mulf %parallel_loop3A_933, %get3A_22 : vector<16xf32>
      %parallel_loop3A_935 = arith.index_cast %parallel_loop3A_924 : i32 to index
      %parallel_loop3A_936 = arith.constant 32 : index
      %parallel_loop3A_937 = tpu.vector_load %arg9[%parallel_loop3A_935, %parallel_loop3A_936] {strides = array<i32>} : memref<256x128xf32, #tpu.memory_space<vmem>>, vector<1x16xf32>,
      %parallel_loop3A_938 = vector.shape_cast %parallel_loop3A_937 : vector<1x16xf32> to vector<16xf32>
      %parallel_loop3A_939 = arith.mulf %parallel_loop3A_938, %get3A_25 : vector<16xf32>
      %parallel_loop3A_940 = arith.addf %parallel_loop3A_929, %parallel_loop3A_939 : vector<16xf32>
      %parallel_loop3A_941 = arith.index_cast %parallel_loop3A_924 : i32 to index
      %parallel_loop3A_942 = arith.constant 48 : index
      %parallel_loop3A_943 = tpu.vector_load %arg9[%parallel_loop3A_941, %parallel_loop3A_942] {strides = array<i32>} : memref<256x128xf32, #tpu.memory_space<vmem>>, vector<1x16xf32>,
      %parallel_loop3A_944 = vector.shape_cast %parallel_loop3A_943 : vector<1x16xf32> to vector<16xf32>
      %parallel_loop3A_945 = arith.mulf %parallel_loop3A_944, %get3A_28 : vector<16xf32>
      %parallel_loop3A_946 = arith.addf %parallel_loop3A_934, %parallel_loop3A_945 : vector<16xf32>
      %parallel_loop3A_947 = arith.index_cast %parallel_loop3A_924 : i32 to index
      %parallel_loop3A_948 = arith.constant 64 : index
      %parallel_loop3A_949 = tpu.vector_load %arg9[%parallel_loop3A_947, %parallel_loop3A_948] {strides = array<i32>} : memref<256x128xf32, #tpu.memory_space<vmem>>, vector<1x16xf32>,
      %parallel_loop3A_950 = vector.shape_cast %parallel_loop3A_949 : vector<1x16xf32> to vector<16xf32>
      %parallel_loop3A_951 = arith.mulf %parallel_loop3A_950, %get3A_31 : vector<16xf32>
      %parallel_loop3A_952 = arith.addf %parallel_loop3A_940, %parallel_loop3A_951 : vector<16xf32>
      %parallel_loop3A_953 = arith.index_cast %parallel_loop3A_924 : i32 to index
      %parallel_loop3A_954 = arith.constant 80 : index
      %parallel_loop3A_955 = tpu.vector_load %arg9[%parallel_loop3A_953, %parallel_loop3A_954] {strides = array<i32>} : memref<256x128xf32, #tpu.memory_space<vmem>>, vector<1x16xf32>,
      %parallel_loop3A_956 = vector.shape_cast %parallel_loop3A_955 : vector<1x16xf32> to vector<16xf32>
      %parallel_loop3A_957 = arith.mulf %parallel_loop3A_956, %get3A_34 : vector<16xf32>
      %parallel_loop3A_958 = arith.addf %parallel_loop3A_946, %parallel_loop3A_957 : vector<16xf32>
      %parallel_loop3A_959 = arith.index_cast %parallel_loop3A_924 : i32 to index
      %parallel_loop3A_960 = arith.constant 96 : index
      %parallel_loop3A_961 = tpu.vector_load %arg9[%parallel_loop3A_959, %parallel_loop3A_960] {strides = array<i32>} : memref<256x128xf32, #tpu.memory_space<vmem>>, vector<1x16xf32>,
      %parallel_loop3A_962 = vector.shape_cast %parallel_loop3A_961 : vector<1x16xf32> to vector<16xf32>
      %parallel_loop3A_963 = arith.mulf %parallel_loop3A_962, %get3A_37 : vector<16xf32>
      %parallel_loop3A_964 = arith.addf %parallel_loop3A_952, %parallel_loop3A_963 : vector<16xf32>
      %parallel_loop3A_965 = arith.index_cast %parallel_loop3A_924 : i32 to index
      %parallel_loop3A_966 = arith.constant 112 : index
      %parallel_loop3A_967 = tpu.vector_load %arg9[%parallel_loop3A_965, %parallel_loop3A_966] {strides = array<i32>} : memref<256x128xf32, #tpu.memory_space<vmem>>, vector<1x16xf32>,
      %parallel_loop3A_968 = vector.shape_cast %parallel_loop3A_967 : vector<1x16xf32> to vector<16xf32>
      %parallel_loop3A_969 = arith.mulf %parallel_loop3A_968, %get3A_40 : vector<16xf32>
      %parallel_loop3A_970 = arith.addf %parallel_loop3A_958, %parallel_loop3A_969 : vector<16xf32>
      %parallel_loop3A_971 = arith.addf %parallel_loop3A_964, %parallel_loop3A_970 : vector<16xf32>
      %parallel_loop3A_972 = arith.constant 0 : i32
      %parallel_loop3A_973 = vector.broadcast %parallel_loop3A_972 : i32 to vector<16xi32>
      %parallel_loop3A_974 = arith.cmpi slt, %xor3A_109, %parallel_loop3A_973 : vector<16xi32>
      %parallel_loop3A_975 = arith.constant 16 : i32
      %parallel_loop3A_976 = vector.broadcast %parallel_loop3A_975 : i32 to vector<16xi32>
      %parallel_loop3A_977 = arith.addi %xor3A_109, %parallel_loop3A_976 : vector<16xi32>
      %parallel_loop3A_978 = arith.select %parallel_loop3A_974, %parallel_loop3A_977, %xor3A_109 : vector<16xi1>, vector<16xi32>
      %parallel_loop3A_979 = vector.shape_cast %parallel_loop3A_978 : vector<16xi32> to vector<16x1xi32>
      %parallel_loop3A_980 = vector.shape_cast %parallel_loop3A_979 : vector<16x1xi32> to vector<16xi32>
      %parallel_loop3A_981 = tpu.dynamic_gather %parallel_loop3A_614[%parallel_loop3A_980] in [0] : vector<16xf32>, vector<16xi32> -> vector<16xf32>
      %parallel_loop3A_982 = arith.select %eq3A_107, %parallel_loop3A_206, %parallel_loop3A_981 : vector<16xi1>, vector<16xf32>
      %parallel_loop3A_983 = arith.constant 0 : i32
      %parallel_loop3A_984 = vector.broadcast %parallel_loop3A_983 : i32 to vector<16xi32>
      %parallel_loop3A_985 = arith.cmpi slt, %xor3A_109, %parallel_loop3A_984 : vector<16xi32>
      %parallel_loop3A_986 = arith.constant 16 : i32
      %parallel_loop3A_987 = vector.broadcast %parallel_loop3A_986 : i32 to vector<16xi32>
      %parallel_loop3A_988 = arith.addi %xor3A_109, %parallel_loop3A_987 : vector<16xi32>
      %parallel_loop3A_989 = arith.select %parallel_loop3A_985, %parallel_loop3A_988, %xor3A_109 : vector<16xi1>, vector<16xi32>
      %parallel_loop3A_990 = vector.shape_cast %parallel_loop3A_989 : vector<16xi32> to vector<16x1xi32>
      %parallel_loop3A_991 = vector.shape_cast %parallel_loop3A_990 : vector<16x1xi32> to vector<16xi32>
      %parallel_loop3A_992 = tpu.dynamic_gather %parallel_loop3A_206[%parallel_loop3A_991] in [0] : vector<16xf32>, vector<16xi32> -> vector<16xf32>
      %parallel_loop3A_993 = arith.select %eq3A_107, %parallel_loop3A_992, %parallel_loop3A_614 : vector<16xi1>, vector<16xf32>
      %parallel_loop3A_994 = arith.addf %parallel_loop3A_982, %parallel_loop3A_993 : vector<16xf32>
      %parallel_loop3A_995 = arith.constant 0 : i32
      %parallel_loop3A_996 = vector.broadcast %parallel_loop3A_995 : i32 to vector<16xi32>
      %parallel_loop3A_997 = arith.cmpi slt, %xor3A_109, %parallel_loop3A_996 : vector<16xi32>
      %parallel_loop3A_998 = arith.constant 16 : i32
      %parallel_loop3A_999 = vector.broadcast %parallel_loop3A_998 : i32 to vector<16xi32>
      %parallel_loop3A_1000 = arith.addi %xor3A_109, %parallel_loop3A_999 : vector<16xi32>
      %parallel_loop3A_1001 = arith.select %parallel_loop3A_997, %parallel_loop3A_1000, %xor3A_109 : vector<16xi1>, vector<16xi32>
      %parallel_loop3A_1002 = vector.shape_cast %parallel_loop3A_1001 : vector<16xi32> to vector<16x1xi32>
      %parallel_loop3A_1003 = vector.shape_cast %parallel_loop3A_1002 : vector<16x1xi32> to vector<16xi32>
      %parallel_loop3A_1004 = tpu.dynamic_gather %parallel_loop3A_665[%parallel_loop3A_1003] in [0] : vector<16xf32>, vector<16xi32> -> vector<16xf32>
      %parallel_loop3A_1005 = arith.select %eq3A_107, %parallel_loop3A_257, %parallel_loop3A_1004 : vector<16xi1>, vector<16xf32>
      %parallel_loop3A_1006 = arith.constant 0 : i32
      %parallel_loop3A_1007 = vector.broadcast %parallel_loop3A_1006 : i32 to vector<16xi32>
      %parallel_loop3A_1008 = arith.cmpi slt, %xor3A_109, %parallel_loop3A_1007 : vector<16xi32>
      %parallel_loop3A_1009 = arith.constant 16 : i32
      %parallel_loop3A_1010 = vector.broadcast %parallel_loop3A_1009 : i32 to vector<16xi32>
      %parallel_loop3A_1011 = arith.addi %xor3A_109, %parallel_loop3A_1010 : vector<16xi32>
      %parallel_loop3A_1012 = arith.select %parallel_loop3A_1008, %parallel_loop3A_1011, %xor3A_109 : vector<16xi1>, vector<16xi32>
      %parallel_loop3A_1013 = vector.shape_cast %parallel_loop3A_1012 : vector<16xi32> to vector<16x1xi32>
      %parallel_loop3A_1014 = vector.shape_cast %parallel_loop3A_1013 : vector<16x1xi32> to vector<16xi32>
      %parallel_loop3A_1015 = tpu.dynamic_gather %parallel_loop3A_257[%parallel_loop3A_1014] in [0] : vector<16xf32>, vector<16xi32> -> vector<16xf32>
      %parallel_loop3A_1016 = arith.select %eq3A_107, %parallel_loop3A_1015, %parallel_loop3A_665 : vector<16xi1>, vector<16xf32>
      %parallel_loop3A_1017 = arith.addf %parallel_loop3A_1005, %parallel_loop3A_1016 : vector<16xf32>
      %parallel_loop3A_1018 = arith.constant 0 : i32
      %parallel_loop3A_1019 = vector.broadcast %parallel_loop3A_1018 : i32 to vector<16xi32>
      %parallel_loop3A_1020 = arith.cmpi slt, %xor3A_109, %parallel_loop3A_1019 : vector<16xi32>
      %parallel_loop3A_1021 = arith.constant 16 : i32
      %parallel_loop3A_1022 = vector.broadcast %parallel_loop3A_1021 : i32 to vector<16xi32>
      %parallel_loop3A_1023 = arith.addi %xor3A_109, %parallel_loop3A_1022 : vector<16xi32>
      %parallel_loop3A_1024 = arith.select %parallel_loop3A_1020, %parallel_loop3A_1023, %xor3A_109 : vector<16xi1>, vector<16xi32>
      %parallel_loop3A_1025 = vector.shape_cast %parallel_loop3A_1024 : vector<16xi32> to vector<16x1xi32>
      %parallel_loop3A_1026 = vector.shape_cast %parallel_loop3A_1025 : vector<16x1xi32> to vector<16xi32>
      %parallel_loop3A_1027 = tpu.dynamic_gather %parallel_loop3A_716[%parallel_loop3A_1026] in [0] : vector<16xf32>, vector<16xi32> -> vector<16xf32>
      %parallel_loop3A_1028 = arith.select %eq3A_107, %parallel_loop3A_308, %parallel_loop3A_1027 : vector<16xi1>, vector<16xf32>
      %parallel_loop3A_1029 = arith.constant 0 : i32
      %parallel_loop3A_1030 = vector.broadcast %parallel_loop3A_1029 : i32 to vector<16xi32>
      %parallel_loop3A_1031 = arith.cmpi slt, %xor3A_109, %parallel_loop3A_1030 : vector<16xi32>
      %parallel_loop3A_1032 = arith.constant 16 : i32
      %parallel_loop3A_1033 = vector.broadcast %parallel_loop3A_1032 : i32 to vector<16xi32>
      %parallel_loop3A_1034 = arith.addi %xor3A_109, %parallel_loop3A_1033 : vector<16xi32>
      %parallel_loop3A_1035 = arith.select %parallel_loop3A_1031, %parallel_loop3A_1034, %xor3A_109 : vector<16xi1>, vector<16xi32>
      %parallel_loop3A_1036 = vector.shape_cast %parallel_loop3A_1035 : vector<16xi32> to vector<16x1xi32>
      %parallel_loop3A_1037 = vector.shape_cast %parallel_loop3A_1036 : vector<16x1xi32> to vector<16xi32>
      %parallel_loop3A_1038 = tpu.dynamic_gather %parallel_loop3A_308[%parallel_loop3A_1037] in [0] : vector<16xf32>, vector<16xi32> -> vector<16xf32>
      %parallel_loop3A_1039 = arith.select %eq3A_107, %parallel_loop3A_1038, %parallel_loop3A_716 : vector<16xi1>, vector<16xf32>
      %parallel_loop3A_1040 = arith.addf %parallel_loop3A_1028, %parallel_loop3A_1039 : vector<16xf32>
      %parallel_loop3A_1041 = arith.constant 0 : i32
      %parallel_loop3A_1042 = vector.broadcast %parallel_loop3A_1041 : i32 to vector<16xi32>
      %parallel_loop3A_1043 = arith.cmpi slt, %xor3A_109, %parallel_loop3A_1042 : vector<16xi32>
      %parallel_loop3A_1044 = arith.constant 16 : i32
      %parallel_loop3A_1045 = vector.broadcast %parallel_loop3A_1044 : i32 to vector<16xi32>
      %parallel_loop3A_1046 = arith.addi %xor3A_109, %parallel_loop3A_1045 : vector<16xi32>
      %parallel_loop3A_1047 = arith.select %parallel_loop3A_1043, %parallel_loop3A_1046, %xor3A_109 : vector<16xi1>, vector<16xi32>
      %parallel_loop3A_1048 = vector.shape_cast %parallel_loop3A_1047 : vector<16xi32> to vector<16x1xi32>
      %parallel_loop3A_1049 = vector.shape_cast %parallel_loop3A_1048 : vector<16x1xi32> to vector<16xi32>
      %parallel_loop3A_1050 = tpu.dynamic_gather %parallel_loop3A_767[%parallel_loop3A_1049] in [0] : vector<16xf32>, vector<16xi32> -> vector<16xf32>
      %parallel_loop3A_1051 = arith.select %eq3A_107, %parallel_loop3A_359, %parallel_loop3A_1050 : vector<16xi1>, vector<16xf32>
      %parallel_loop3A_1052 = arith.constant 0 : i32
      %parallel_loop3A_1053 = vector.broadcast %parallel_loop3A_1052 : i32 to vector<16xi32>
      %parallel_loop3A_1054 = arith.cmpi slt, %xor3A_109, %parallel_loop3A_1053 : vector<16xi32>
      %parallel_loop3A_1055 = arith.constant 16 : i32
      %parallel_loop3A_1056 = vector.broadcast %parallel_loop3A_1055 : i32 to vector<16xi32>
      %parallel_loop3A_1057 = arith.addi %xor3A_109, %parallel_loop3A_1056 : vector<16xi32>
      %parallel_loop3A_1058 = arith.select %parallel_loop3A_1054, %parallel_loop3A_1057, %xor3A_109 : vector<16xi1>, vector<16xi32>
      %parallel_loop3A_1059 = vector.shape_cast %parallel_loop3A_1058 : vector<16xi32> to vector<16x1xi32>
      %parallel_loop3A_1060 = vector.shape_cast %parallel_loop3A_1059 : vector<16x1xi32> to vector<16xi32>
      %parallel_loop3A_1061 = tpu.dynamic_gather %parallel_loop3A_359[%parallel_loop3A_1060] in [0] : vector<16xf32>, vector<16xi32> -> vector<16xf32>
      %parallel_loop3A_1062 = arith.select %eq3A_107, %parallel_loop3A_1061, %parallel_loop3A_767 : vector<16xi1>, vector<16xf32>
      %parallel_loop3A_1063 = arith.addf %parallel_loop3A_1051, %parallel_loop3A_1062 : vector<16xf32>
      %parallel_loop3A_1064 = arith.constant 0 : i32
      %parallel_loop3A_1065 = vector.broadcast %parallel_loop3A_1064 : i32 to vector<16xi32>
      %parallel_loop3A_1066 = arith.cmpi slt, %xor3A_109, %parallel_loop3A_1065 : vector<16xi32>
      %parallel_loop3A_1067 = arith.constant 16 : i32
      %parallel_loop3A_1068 = vector.broadcast %parallel_loop3A_1067 : i32 to vector<16xi32>
      %parallel_loop3A_1069 = arith.addi %xor3A_109, %parallel_loop3A_1068 : vector<16xi32>
      %parallel_loop3A_1070 = arith.select %parallel_loop3A_1066, %parallel_loop3A_1069, %xor3A_109 : vector<16xi1>, vector<16xi32>
      %parallel_loop3A_1071 = vector.shape_cast %parallel_loop3A_1070 : vector<16xi32> to vector<16x1xi32>
      %parallel_loop3A_1072 = vector.shape_cast %parallel_loop3A_1071 : vector<16x1xi32> to vector<16xi32>
      %parallel_loop3A_1073 = tpu.dynamic_gather %parallel_loop3A_818[%parallel_loop3A_1072] in [0] : vector<16xf32>, vector<16xi32> -> vector<16xf32>
      %parallel_loop3A_1074 = arith.select %eq3A_107, %parallel_loop3A_410, %parallel_loop3A_1073 : vector<16xi1>, vector<16xf32>
      %parallel_loop3A_1075 = arith.constant 0 : i32
      %parallel_loop3A_1076 = vector.broadcast %parallel_loop3A_1075 : i32 to vector<16xi32>
      %parallel_loop3A_1077 = arith.cmpi slt, %xor3A_109, %parallel_loop3A_1076 : vector<16xi32>
      %parallel_loop3A_1078 = arith.constant 16 : i32
      %parallel_loop3A_1079 = vector.broadcast %parallel_loop3A_1078 : i32 to vector<16xi32>
      %parallel_loop3A_1080 = arith.addi %xor3A_109, %parallel_loop3A_1079 : vector<16xi32>
      %parallel_loop3A_1081 = arith.select %parallel_loop3A_1077, %parallel_loop3A_1080, %xor3A_109 : vector<16xi1>, vector<16xi32>
      %parallel_loop3A_1082 = vector.shape_cast %parallel_loop3A_1081 : vector<16xi32> to vector<16x1xi32>
      %parallel_loop3A_1083 = vector.shape_cast %parallel_loop3A_1082 : vector<16x1xi32> to vector<16xi32>
      %parallel_loop3A_1084 = tpu.dynamic_gather %parallel_loop3A_410[%parallel_loop3A_1083] in [0] : vector<16xf32>, vector<16xi32> -> vector<16xf32>
      %parallel_loop3A_1085 = arith.select %eq3A_107, %parallel_loop3A_1084, %parallel_loop3A_818 : vector<16xi1>, vector<16xf32>
      %parallel_loop3A_1086 = arith.addf %parallel_loop3A_1074, %parallel_loop3A_1085 : vector<16xf32>
      %parallel_loop3A_1087 = arith.constant 0 : i32
      %parallel_loop3A_1088 = vector.broadcast %parallel_loop3A_1087 : i32 to vector<16xi32>
      %parallel_loop3A_1089 = arith.cmpi slt, %xor3A_109, %parallel_loop3A_1088 : vector<16xi32>
      %parallel_loop3A_1090 = arith.constant 16 : i32
      %parallel_loop3A_1091 = vector.broadcast %parallel_loop3A_1090 : i32 to vector<16xi32>
      %parallel_loop3A_1092 = arith.addi %xor3A_109, %parallel_loop3A_1091 : vector<16xi32>
      %parallel_loop3A_1093 = arith.select %parallel_loop3A_1089, %parallel_loop3A_1092, %xor3A_109 : vector<16xi1>, vector<16xi32>
      %parallel_loop3A_1094 = vector.shape_cast %parallel_loop3A_1093 : vector<16xi32> to vector<16x1xi32>
      %parallel_loop3A_1095 = vector.shape_cast %parallel_loop3A_1094 : vector<16x1xi32> to vector<16xi32>
      %parallel_loop3A_1096 = tpu.dynamic_gather %parallel_loop3A_869[%parallel_loop3A_1095] in [0] : vector<16xf32>, vector<16xi32> -> vector<16xf32>
      %parallel_loop3A_1097 = arith.select %eq3A_107, %parallel_loop3A_461, %parallel_loop3A_1096 : vector<16xi1>, vector<16xf32>
      %parallel_loop3A_1098 = arith.constant 0 : i32
      %parallel_loop3A_1099 = vector.broadcast %parallel_loop3A_1098 : i32 to vector<16xi32>
      %parallel_loop3A_1100 = arith.cmpi slt, %xor3A_109, %parallel_loop3A_1099 : vector<16xi32>
      %parallel_loop3A_1101 = arith.constant 16 : i32
      %parallel_loop3A_1102 = vector.broadcast %parallel_loop3A_1101 : i32 to vector<16xi32>
      %parallel_loop3A_1103 = arith.addi %xor3A_109, %parallel_loop3A_1102 : vector<16xi32>
      %parallel_loop3A_1104 = arith.select %parallel_loop3A_1100, %parallel_loop3A_1103, %xor3A_109 : vector<16xi1>, vector<16xi32>
      %parallel_loop3A_1105 = vector.shape_cast %parallel_loop3A_1104 : vector<16xi32> to vector<16x1xi32>
      %parallel_loop3A_1106 = vector.shape_cast %parallel_loop3A_1105 : vector<16x1xi32> to vector<16xi32>
      %parallel_loop3A_1107 = tpu.dynamic_gather %parallel_loop3A_461[%parallel_loop3A_1106] in [0] : vector<16xf32>, vector<16xi32> -> vector<16xf32>
      %parallel_loop3A_1108 = arith.select %eq3A_107, %parallel_loop3A_1107, %parallel_loop3A_869 : vector<16xi1>, vector<16xf32>
      %parallel_loop3A_1109 = arith.addf %parallel_loop3A_1097, %parallel_loop3A_1108 : vector<16xf32>
      %parallel_loop3A_1110 = arith.constant 0 : i32
      %parallel_loop3A_1111 = vector.broadcast %parallel_loop3A_1110 : i32 to vector<16xi32>
      %parallel_loop3A_1112 = arith.cmpi slt, %xor3A_109, %parallel_loop3A_1111 : vector<16xi32>
      %parallel_loop3A_1113 = arith.constant 16 : i32
      %parallel_loop3A_1114 = vector.broadcast %parallel_loop3A_1113 : i32 to vector<16xi32>
      %parallel_loop3A_1115 = arith.addi %xor3A_109, %parallel_loop3A_1114 : vector<16xi32>
      %parallel_loop3A_1116 = arith.select %parallel_loop3A_1112, %parallel_loop3A_1115, %xor3A_109 : vector<16xi1>, vector<16xi32>
      %parallel_loop3A_1117 = vector.shape_cast %parallel_loop3A_1116 : vector<16xi32> to vector<16x1xi32>
      %parallel_loop3A_1118 = vector.shape_cast %parallel_loop3A_1117 : vector<16x1xi32> to vector<16xi32>
      %parallel_loop3A_1119 = tpu.dynamic_gather %parallel_loop3A_920[%parallel_loop3A_1118] in [0] : vector<16xf32>, vector<16xi32> -> vector<16xf32>
      %parallel_loop3A_1120 = arith.select %eq3A_107, %parallel_loop3A_512, %parallel_loop3A_1119 : vector<16xi1>, vector<16xf32>
      %parallel_loop3A_1121 = arith.constant 0 : i32
      %parallel_loop3A_1122 = vector.broadcast %parallel_loop3A_1121 : i32 to vector<16xi32>
      %parallel_loop3A_1123 = arith.cmpi slt, %xor3A_109, %parallel_loop3A_1122 : vector<16xi32>
      %parallel_loop3A_1124 = arith.constant 16 : i32
      %parallel_loop3A_1125 = vector.broadcast %parallel_loop3A_1124 : i32 to vector<16xi32>
      %parallel_loop3A_1126 = arith.addi %xor3A_109, %parallel_loop3A_1125 : vector<16xi32>
      %parallel_loop3A_1127 = arith.select %parallel_loop3A_1123, %parallel_loop3A_1126, %xor3A_109 : vector<16xi1>, vector<16xi32>
      %parallel_loop3A_1128 = vector.shape_cast %parallel_loop3A_1127 : vector<16xi32> to vector<16x1xi32>
      %parallel_loop3A_1129 = vector.shape_cast %parallel_loop3A_1128 : vector<16x1xi32> to vector<16xi32>
      %parallel_loop3A_1130 = tpu.dynamic_gather %parallel_loop3A_512[%parallel_loop3A_1129] in [0] : vector<16xf32>, vector<16xi32> -> vector<16xf32>
      %parallel_loop3A_1131 = arith.select %eq3A_107, %parallel_loop3A_1130, %parallel_loop3A_920 : vector<16xi1>, vector<16xf32>
      %parallel_loop3A_1132 = arith.addf %parallel_loop3A_1120, %parallel_loop3A_1131 : vector<16xf32>
      %parallel_loop3A_1133 = arith.constant 0 : i32
      %parallel_loop3A_1134 = vector.broadcast %parallel_loop3A_1133 : i32 to vector<16xi32>
      %parallel_loop3A_1135 = arith.cmpi slt, %xor3A_109, %parallel_loop3A_1134 : vector<16xi32>
      %parallel_loop3A_1136 = arith.constant 16 : i32
      %parallel_loop3A_1137 = vector.broadcast %parallel_loop3A_1136 : i32 to vector<16xi32>
      %parallel_loop3A_1138 = arith.addi %xor3A_109, %parallel_loop3A_1137 : vector<16xi32>
      %parallel_loop3A_1139 = arith.select %parallel_loop3A_1135, %parallel_loop3A_1138, %xor3A_109 : vector<16xi1>, vector<16xi32>
      %parallel_loop3A_1140 = vector.shape_cast %parallel_loop3A_1139 : vector<16xi32> to vector<16x1xi32>
      %parallel_loop3A_1141 = vector.shape_cast %parallel_loop3A_1140 : vector<16x1xi32> to vector<16xi32>
      %parallel_loop3A_1142 = tpu.dynamic_gather %parallel_loop3A_971[%parallel_loop3A_1141] in [0] : vector<16xf32>, vector<16xi32> -> vector<16xf32>
      %parallel_loop3A_1143 = arith.select %eq3A_107, %parallel_loop3A_563, %parallel_loop3A_1142 : vector<16xi1>, vector<16xf32>
      %parallel_loop3A_1144 = arith.constant 0 : i32
      %parallel_loop3A_1145 = vector.broadcast %parallel_loop3A_1144 : i32 to vector<16xi32>
      %parallel_loop3A_1146 = arith.cmpi slt, %xor3A_109, %parallel_loop3A_1145 : vector<16xi32>
      %parallel_loop3A_1147 = arith.constant 16 : i32
      %parallel_loop3A_1148 = vector.broadcast %parallel_loop3A_1147 : i32 to vector<16xi32>
      %parallel_loop3A_1149 = arith.addi %xor3A_109, %parallel_loop3A_1148 : vector<16xi32>
      %parallel_loop3A_1150 = arith.select %parallel_loop3A_1146, %parallel_loop3A_1149, %xor3A_109 : vector<16xi1>, vector<16xi32>
      %parallel_loop3A_1151 = vector.shape_cast %parallel_loop3A_1150 : vector<16xi32> to vector<16x1xi32>
      %parallel_loop3A_1152 = vector.shape_cast %parallel_loop3A_1151 : vector<16x1xi32> to vector<16xi32>
      %parallel_loop3A_1153 = tpu.dynamic_gather %parallel_loop3A_563[%parallel_loop3A_1152] in [0] : vector<16xf32>, vector<16xi32> -> vector<16xf32>
      %parallel_loop3A_1154 = arith.select %eq3A_107, %parallel_loop3A_1153, %parallel_loop3A_971 : vector<16xi1>, vector<16xf32>
      %parallel_loop3A_1155 = arith.addf %parallel_loop3A_1143, %parallel_loop3A_1154 : vector<16xf32>
      %parallel_loop3A_1156 = arith.constant 0 : i32
      %parallel_loop3A_1157 = vector.broadcast %parallel_loop3A_1156 : i32 to vector<16xi32>
      %parallel_loop3A_1158 = arith.cmpi slt, %xor3A_118, %parallel_loop3A_1157 : vector<16xi32>
      %parallel_loop3A_1159 = arith.constant 16 : i32
      %parallel_loop3A_1160 = vector.broadcast %parallel_loop3A_1159 : i32 to vector<16xi32>
      %parallel_loop3A_1161 = arith.addi %xor3A_118, %parallel_loop3A_1160 : vector<16xi32>
      %parallel_loop3A_1162 = arith.select %parallel_loop3A_1158, %parallel_loop3A_1161, %xor3A_118 : vector<16xi1>, vector<16xi32>
      %parallel_loop3A_1163 = vector.shape_cast %parallel_loop3A_1162 : vector<16xi32> to vector<16x1xi32>
      %parallel_loop3A_1164 = vector.shape_cast %parallel_loop3A_1163 : vector<16x1xi32> to vector<16xi32>
      %parallel_loop3A_1165 = tpu.dynamic_gather %parallel_loop3A_1086[%parallel_loop3A_1164] in [0] : vector<16xf32>, vector<16xi32> -> vector<16xf32>
      %parallel_loop3A_1166 = arith.select %eq3A_115, %parallel_loop3A_994, %parallel_loop3A_1165 : vector<16xi1>, vector<16xf32>
      %parallel_loop3A_1167 = arith.constant 0 : i32
      %parallel_loop3A_1168 = vector.broadcast %parallel_loop3A_1167 : i32 to vector<16xi32>
      %parallel_loop3A_1169 = arith.cmpi slt, %xor3A_118, %parallel_loop3A_1168 : vector<16xi32>
      %parallel_loop3A_1170 = arith.constant 16 : i32
      %parallel_loop3A_1171 = vector.broadcast %parallel_loop3A_1170 : i32 to vector<16xi32>
      %parallel_loop3A_1172 = arith.addi %xor3A_118, %parallel_loop3A_1171 : vector<16xi32>
      %parallel_loop3A_1173 = arith.select %parallel_loop3A_1169, %parallel_loop3A_1172, %xor3A_118 : vector<16xi1>, vector<16xi32>
      %parallel_loop3A_1174 = vector.shape_cast %parallel_loop3A_1173 : vector<16xi32> to vector<16x1xi32>
      %parallel_loop3A_1175 = vector.shape_cast %parallel_loop3A_1174 : vector<16x1xi32> to vector<16xi32>
      %parallel_loop3A_1176 = tpu.dynamic_gather %parallel_loop3A_994[%parallel_loop3A_1175] in [0] : vector<16xf32>, vector<16xi32> -> vector<16xf32>
      %parallel_loop3A_1177 = arith.select %eq3A_115, %parallel_loop3A_1176, %parallel_loop3A_1086 : vector<16xi1>, vector<16xf32>
      %parallel_loop3A_1178 = arith.addf %parallel_loop3A_1166, %parallel_loop3A_1177 : vector<16xf32>
      %parallel_loop3A_1179 = arith.constant 0 : i32
      %parallel_loop3A_1180 = vector.broadcast %parallel_loop3A_1179 : i32 to vector<16xi32>
      %parallel_loop3A_1181 = arith.cmpi slt, %xor3A_118, %parallel_loop3A_1180 : vector<16xi32>
      %parallel_loop3A_1182 = arith.constant 16 : i32
      %parallel_loop3A_1183 = vector.broadcast %parallel_loop3A_1182 : i32 to vector<16xi32>
      %parallel_loop3A_1184 = arith.addi %xor3A_118, %parallel_loop3A_1183 : vector<16xi32>
      %parallel_loop3A_1185 = arith.select %parallel_loop3A_1181, %parallel_loop3A_1184, %xor3A_118 : vector<16xi1>, vector<16xi32>
      %parallel_loop3A_1186 = vector.shape_cast %parallel_loop3A_1185 : vector<16xi32> to vector<16x1xi32>
      %parallel_loop3A_1187 = vector.shape_cast %parallel_loop3A_1186 : vector<16x1xi32> to vector<16xi32>
      %parallel_loop3A_1188 = tpu.dynamic_gather %parallel_loop3A_1109[%parallel_loop3A_1187] in [0] : vector<16xf32>, vector<16xi32> -> vector<16xf32>
      %parallel_loop3A_1189 = arith.select %eq3A_115, %parallel_loop3A_1017, %parallel_loop3A_1188 : vector<16xi1>, vector<16xf32>
      %parallel_loop3A_1190 = arith.constant 0 : i32
      %parallel_loop3A_1191 = vector.broadcast %parallel_loop3A_1190 : i32 to vector<16xi32>
      %parallel_loop3A_1192 = arith.cmpi slt, %xor3A_118, %parallel_loop3A_1191 : vector<16xi32>
      %parallel_loop3A_1193 = arith.constant 16 : i32
      %parallel_loop3A_1194 = vector.broadcast %parallel_loop3A_1193 : i32 to vector<16xi32>
      %parallel_loop3A_1195 = arith.addi %xor3A_118, %parallel_loop3A_1194 : vector<16xi32>
      %parallel_loop3A_1196 = arith.select %parallel_loop3A_1192, %parallel_loop3A_1195, %xor3A_118 : vector<16xi1>, vector<16xi32>
      %parallel_loop3A_1197 = vector.shape_cast %parallel_loop3A_1196 : vector<16xi32> to vector<16x1xi32>
      %parallel_loop3A_1198 = vector.shape_cast %parallel_loop3A_1197 : vector<16x1xi32> to vector<16xi32>
      %parallel_loop3A_1199 = tpu.dynamic_gather %parallel_loop3A_1017[%parallel_loop3A_1198] in [0] : vector<16xf32>, vector<16xi32> -> vector<16xf32>
      %parallel_loop3A_1200 = arith.select %eq3A_115, %parallel_loop3A_1199, %parallel_loop3A_1109 : vector<16xi1>, vector<16xf32>
      %parallel_loop3A_1201 = arith.addf %parallel_loop3A_1189, %parallel_loop3A_1200 : vector<16xf32>
      %parallel_loop3A_1202 = arith.constant 0 : i32
      %parallel_loop3A_1203 = vector.broadcast %parallel_loop3A_1202 : i32 to vector<16xi32>
      %parallel_loop3A_1204 = arith.cmpi slt, %xor3A_118, %parallel_loop3A_1203 : vector<16xi32>
      %parallel_loop3A_1205 = arith.constant 16 : i32
      %parallel_loop3A_1206 = vector.broadcast %parallel_loop3A_1205 : i32 to vector<16xi32>
      %parallel_loop3A_1207 = arith.addi %xor3A_118, %parallel_loop3A_1206 : vector<16xi32>
      %parallel_loop3A_1208 = arith.select %parallel_loop3A_1204, %parallel_loop3A_1207, %xor3A_118 : vector<16xi1>, vector<16xi32>
      %parallel_loop3A_1209 = vector.shape_cast %parallel_loop3A_1208 : vector<16xi32> to vector<16x1xi32>
      %parallel_loop3A_1210 = vector.shape_cast %parallel_loop3A_1209 : vector<16x1xi32> to vector<16xi32>
      %parallel_loop3A_1211 = tpu.dynamic_gather %parallel_loop3A_1132[%parallel_loop3A_1210] in [0] : vector<16xf32>, vector<16xi32> -> vector<16xf32>
      %parallel_loop3A_1212 = arith.select %eq3A_115, %parallel_loop3A_1040, %parallel_loop3A_1211 : vector<16xi1>, vector<16xf32>
      %parallel_loop3A_1213 = arith.constant 0 : i32
      %parallel_loop3A_1214 = vector.broadcast %parallel_loop3A_1213 : i32 to vector<16xi32>
      %parallel_loop3A_1215 = arith.cmpi slt, %xor3A_118, %parallel_loop3A_1214 : vector<16xi32>
      %parallel_loop3A_1216 = arith.constant 16 : i32
      %parallel_loop3A_1217 = vector.broadcast %parallel_loop3A_1216 : i32 to vector<16xi32>
      %parallel_loop3A_1218 = arith.addi %xor3A_118, %parallel_loop3A_1217 : vector<16xi32>
      %parallel_loop3A_1219 = arith.select %parallel_loop3A_1215, %parallel_loop3A_1218, %xor3A_118 : vector<16xi1>, vector<16xi32>
      %parallel_loop3A_1220 = vector.shape_cast %parallel_loop3A_1219 : vector<16xi32> to vector<16x1xi32>
      %parallel_loop3A_1221 = vector.shape_cast %parallel_loop3A_1220 : vector<16x1xi32> to vector<16xi32>
      %parallel_loop3A_1222 = tpu.dynamic_gather %parallel_loop3A_1040[%parallel_loop3A_1221] in [0] : vector<16xf32>, vector<16xi32> -> vector<16xf32>
      %parallel_loop3A_1223 = arith.select %eq3A_115, %parallel_loop3A_1222, %parallel_loop3A_1132 : vector<16xi1>, vector<16xf32>
      %parallel_loop3A_1224 = arith.addf %parallel_loop3A_1212, %parallel_loop3A_1223 : vector<16xf32>
      %parallel_loop3A_1225 = arith.constant 0 : i32
      %parallel_loop3A_1226 = vector.broadcast %parallel_loop3A_1225 : i32 to vector<16xi32>
      %parallel_loop3A_1227 = arith.cmpi slt, %xor3A_118, %parallel_loop3A_1226 : vector<16xi32>
      %parallel_loop3A_1228 = arith.constant 16 : i32
      %parallel_loop3A_1229 = vector.broadcast %parallel_loop3A_1228 : i32 to vector<16xi32>
      %parallel_loop3A_1230 = arith.addi %xor3A_118, %parallel_loop3A_1229 : vector<16xi32>
      %parallel_loop3A_1231 = arith.select %parallel_loop3A_1227, %parallel_loop3A_1230, %xor3A_118 : vector<16xi1>, vector<16xi32>
      %parallel_loop3A_1232 = vector.shape_cast %parallel_loop3A_1231 : vector<16xi32> to vector<16x1xi32>
      %parallel_loop3A_1233 = vector.shape_cast %parallel_loop3A_1232 : vector<16x1xi32> to vector<16xi32>
      %parallel_loop3A_1234 = tpu.dynamic_gather %parallel_loop3A_1155[%parallel_loop3A_1233] in [0] : vector<16xf32>, vector<16xi32> -> vector<16xf32>
      %parallel_loop3A_1235 = arith.select %eq3A_115, %parallel_loop3A_1063, %parallel_loop3A_1234 : vector<16xi1>, vector<16xf32>
      %parallel_loop3A_1236 = arith.constant 0 : i32
      %parallel_loop3A_1237 = vector.broadcast %parallel_loop3A_1236 : i32 to vector<16xi32>
      %parallel_loop3A_1238 = arith.cmpi slt, %xor3A_118, %parallel_loop3A_1237 : vector<16xi32>
      %parallel_loop3A_1239 = arith.constant 16 : i32
      %parallel_loop3A_1240 = vector.broadcast %parallel_loop3A_1239 : i32 to vector<16xi32>
      %parallel_loop3A_1241 = arith.addi %xor3A_118, %parallel_loop3A_1240 : vector<16xi32>
      %parallel_loop3A_1242 = arith.select %parallel_loop3A_1238, %parallel_loop3A_1241, %xor3A_118 : vector<16xi1>, vector<16xi32>
      %parallel_loop3A_1243 = vector.shape_cast %parallel_loop3A_1242 : vector<16xi32> to vector<16x1xi32>
      %parallel_loop3A_1244 = vector.shape_cast %parallel_loop3A_1243 : vector<16x1xi32> to vector<16xi32>
      %parallel_loop3A_1245 = tpu.dynamic_gather %parallel_loop3A_1063[%parallel_loop3A_1244] in [0] : vector<16xf32>, vector<16xi32> -> vector<16xf32>
      %parallel_loop3A_1246 = arith.select %eq3A_115, %parallel_loop3A_1245, %parallel_loop3A_1155 : vector<16xi1>, vector<16xf32>
      %parallel_loop3A_1247 = arith.addf %parallel_loop3A_1235, %parallel_loop3A_1246 : vector<16xf32>
      %parallel_loop3A_1248 = arith.constant 0 : i32
      %parallel_loop3A_1249 = vector.broadcast %parallel_loop3A_1248 : i32 to vector<16xi32>
      %parallel_loop3A_1250 = arith.cmpi slt, %xor3A_127, %parallel_loop3A_1249 : vector<16xi32>
      %parallel_loop3A_1251 = arith.constant 16 : i32
      %parallel_loop3A_1252 = vector.broadcast %parallel_loop3A_1251 : i32 to vector<16xi32>
      %parallel_loop3A_1253 = arith.addi %xor3A_127, %parallel_loop3A_1252 : vector<16xi32>
      %parallel_loop3A_1254 = arith.select %parallel_loop3A_1250, %parallel_loop3A_1253, %xor3A_127 : vector<16xi1>, vector<16xi32>
      %parallel_loop3A_1255 = vector.shape_cast %parallel_loop3A_1254 : vector<16xi32> to vector<16x1xi32>
      %parallel_loop3A_1256 = vector.shape_cast %parallel_loop3A_1255 : vector<16x1xi32> to vector<16xi32>
      %parallel_loop3A_1257 = tpu.dynamic_gather %parallel_loop3A_1224[%parallel_loop3A_1256] in [0] : vector<16xf32>, vector<16xi32> -> vector<16xf32>
      %parallel_loop3A_1258 = arith.select %eq3A_124, %parallel_loop3A_1178, %parallel_loop3A_1257 : vector<16xi1>, vector<16xf32>
      %parallel_loop3A_1259 = arith.constant 0 : i32
      %parallel_loop3A_1260 = vector.broadcast %parallel_loop3A_1259 : i32 to vector<16xi32>
      %parallel_loop3A_1261 = arith.cmpi slt, %xor3A_127, %parallel_loop3A_1260 : vector<16xi32>
      %parallel_loop3A_1262 = arith.constant 16 : i32
      %parallel_loop3A_1263 = vector.broadcast %parallel_loop3A_1262 : i32 to vector<16xi32>
      %parallel_loop3A_1264 = arith.addi %xor3A_127, %parallel_loop3A_1263 : vector<16xi32>
      %parallel_loop3A_1265 = arith.select %parallel_loop3A_1261, %parallel_loop3A_1264, %xor3A_127 : vector<16xi1>, vector<16xi32>
      %parallel_loop3A_1266 = vector.shape_cast %parallel_loop3A_1265 : vector<16xi32> to vector<16x1xi32>
      %parallel_loop3A_1267 = vector.shape_cast %parallel_loop3A_1266 : vector<16x1xi32> to vector<16xi32>
      %parallel_loop3A_1268 = tpu.dynamic_gather %parallel_loop3A_1178[%parallel_loop3A_1267] in [0] : vector<16xf32>, vector<16xi32> -> vector<16xf32>
      %parallel_loop3A_1269 = arith.select %eq3A_124, %parallel_loop3A_1268, %parallel_loop3A_1224 : vector<16xi1>, vector<16xf32>
      %parallel_loop3A_1270 = arith.addf %parallel_loop3A_1258, %parallel_loop3A_1269 : vector<16xf32>
      %parallel_loop3A_1271 = arith.constant 0 : i32
      %parallel_loop3A_1272 = vector.broadcast %parallel_loop3A_1271 : i32 to vector<16xi32>
      %parallel_loop3A_1273 = arith.cmpi slt, %xor3A_127, %parallel_loop3A_1272 : vector<16xi32>
      %parallel_loop3A_1274 = arith.constant 16 : i32
      %parallel_loop3A_1275 = vector.broadcast %parallel_loop3A_1274 : i32 to vector<16xi32>
      %parallel_loop3A_1276 = arith.addi %xor3A_127, %parallel_loop3A_1275 : vector<16xi32>
      %parallel_loop3A_1277 = arith.select %parallel_loop3A_1273, %parallel_loop3A_1276, %xor3A_127 : vector<16xi1>, vector<16xi32>
      %parallel_loop3A_1278 = vector.shape_cast %parallel_loop3A_1277 : vector<16xi32> to vector<16x1xi32>
      %parallel_loop3A_1279 = vector.shape_cast %parallel_loop3A_1278 : vector<16x1xi32> to vector<16xi32>
      %parallel_loop3A_1280 = tpu.dynamic_gather %parallel_loop3A_1247[%parallel_loop3A_1279] in [0] : vector<16xf32>, vector<16xi32> -> vector<16xf32>
      %parallel_loop3A_1281 = arith.select %eq3A_124, %parallel_loop3A_1201, %parallel_loop3A_1280 : vector<16xi1>, vector<16xf32>
      %parallel_loop3A_1282 = arith.constant 0 : i32
      %parallel_loop3A_1283 = vector.broadcast %parallel_loop3A_1282 : i32 to vector<16xi32>
      %parallel_loop3A_1284 = arith.cmpi slt, %xor3A_127, %parallel_loop3A_1283 : vector<16xi32>
      %parallel_loop3A_1285 = arith.constant 16 : i32
      %parallel_loop3A_1286 = vector.broadcast %parallel_loop3A_1285 : i32 to vector<16xi32>
      %parallel_loop3A_1287 = arith.addi %xor3A_127, %parallel_loop3A_1286 : vector<16xi32>
      %parallel_loop3A_1288 = arith.select %parallel_loop3A_1284, %parallel_loop3A_1287, %xor3A_127 : vector<16xi1>, vector<16xi32>
      %parallel_loop3A_1289 = vector.shape_cast %parallel_loop3A_1288 : vector<16xi32> to vector<16x1xi32>
      %parallel_loop3A_1290 = vector.shape_cast %parallel_loop3A_1289 : vector<16x1xi32> to vector<16xi32>
      %parallel_loop3A_1291 = tpu.dynamic_gather %parallel_loop3A_1201[%parallel_loop3A_1290] in [0] : vector<16xf32>, vector<16xi32> -> vector<16xf32>
      %parallel_loop3A_1292 = arith.select %eq3A_124, %parallel_loop3A_1291, %parallel_loop3A_1247 : vector<16xi1>, vector<16xf32>
      %parallel_loop3A_1293 = arith.addf %parallel_loop3A_1281, %parallel_loop3A_1292 : vector<16xf32>
      %parallel_loop3A_1294 = arith.constant 0 : i32
      %parallel_loop3A_1295 = vector.broadcast %parallel_loop3A_1294 : i32 to vector<16xi32>
      %parallel_loop3A_1296 = arith.cmpi slt, %xor3A_136, %parallel_loop3A_1295 : vector<16xi32>
      %parallel_loop3A_1297 = arith.constant 16 : i32
      %parallel_loop3A_1298 = vector.broadcast %parallel_loop3A_1297 : i32 to vector<16xi32>
      %parallel_loop3A_1299 = arith.addi %xor3A_136, %parallel_loop3A_1298 : vector<16xi32>
      %parallel_loop3A_1300 = arith.select %parallel_loop3A_1296, %parallel_loop3A_1299, %xor3A_136 : vector<16xi1>, vector<16xi32>
      %parallel_loop3A_1301 = vector.shape_cast %parallel_loop3A_1300 : vector<16xi32> to vector<16x1xi32>
      %parallel_loop3A_1302 = vector.shape_cast %parallel_loop3A_1301 : vector<16x1xi32> to vector<16xi32>
      %parallel_loop3A_1303 = tpu.dynamic_gather %parallel_loop3A_1293[%parallel_loop3A_1302] in [0] : vector<16xf32>, vector<16xi32> -> vector<16xf32>
      %parallel_loop3A_1304 = arith.select %eq3A_133, %parallel_loop3A_1270, %parallel_loop3A_1303 : vector<16xi1>, vector<16xf32>
      %parallel_loop3A_1305 = arith.constant 0 : i32
      %parallel_loop3A_1306 = vector.broadcast %parallel_loop3A_1305 : i32 to vector<16xi32>
      %parallel_loop3A_1307 = arith.cmpi slt, %xor3A_136, %parallel_loop3A_1306 : vector<16xi32>
      %parallel_loop3A_1308 = arith.constant 16 : i32
      %parallel_loop3A_1309 = vector.broadcast %parallel_loop3A_1308 : i32 to vector<16xi32>
      %parallel_loop3A_1310 = arith.addi %xor3A_136, %parallel_loop3A_1309 : vector<16xi32>
      %parallel_loop3A_1311 = arith.select %parallel_loop3A_1307, %parallel_loop3A_1310, %xor3A_136 : vector<16xi1>, vector<16xi32>
      %parallel_loop3A_1312 = vector.shape_cast %parallel_loop3A_1311 : vector<16xi32> to vector<16x1xi32>
      %parallel_loop3A_1313 = vector.shape_cast %parallel_loop3A_1312 : vector<16x1xi32> to vector<16xi32>
      %parallel_loop3A_1314 = tpu.dynamic_gather %parallel_loop3A_1270[%parallel_loop3A_1313] in [0] : vector<16xf32>, vector<16xi32> -> vector<16xf32>
      %parallel_loop3A_1315 = arith.select %eq3A_133, %parallel_loop3A_1314, %parallel_loop3A_1293 : vector<16xi1>, vector<16xf32>
      %parallel_loop3A_1316 = arith.addf %parallel_loop3A_1304, %parallel_loop3A_1315 : vector<16xf32>
      %parallel_loop3A_1317 = arith.addf %parallel_loop3A_1316, %gather3A_51 : vector<16xf32>
      %parallel_loop3A_1318 = math.absf %parallel_loop3A_1317 : vector<16xf32>
      %parallel_loop3A_1319 = arith.mulf %broadcast_in_dim3A_103, %parallel_loop3A_1318 : vector<16xf32>
      %parallel_loop3A_1320 = math.exp %parallel_loop3A_1319 : vector<16xf32>
      %parallel_loop3A_1321 = arith.addf %parallel_loop3A_1320, %broadcast_in_dim3A_101 : vector<16xf32>
      %parallel_loop3A_1322 = arith.divf %broadcast_in_dim3A_103, %parallel_loop3A_1321 : vector<16xf32>
      %parallel_loop3A_1323 = arith.subf %broadcast_in_dim3A_101, %parallel_loop3A_1322 : vector<16xf32>
      %parallel_loop3A_1324 = arith.constant 0.000000e+00 : f32
      %parallel_loop3A_1325 = vector.broadcast %parallel_loop3A_1324 : f32 to vector<16xf32>
      %parallel_loop3A_1326 = arith.cmpf olt, %parallel_loop3A_1317, %parallel_loop3A_1325 : vector<16xf32>
      %parallel_loop3A_1327 = arith.constant 0.000000e+00 : f32
      %parallel_loop3A_1328 = vector.broadcast %parallel_loop3A_1327 : f32 to vector<16xf32>
      %parallel_loop3A_1329 = arith.subf %parallel_loop3A_1328, %parallel_loop3A_1323 : vector<16xf32>
      %parallel_loop3A_1330 = arith.select %parallel_loop3A_1326, %parallel_loop3A_1329, %parallel_loop3A_1323 : vector<16xi1>, vector<16xf32>
      %parallel_loop3A_1331 = arith.constant 16 : i32
      %parallel_loop3A_1332 = arith.muli %parallel_loop3A_1331, %parallel_loop3A_155 : i32
      %parallel_loop3A_1333 = arith.constant 256 : i32
      %parallel_loop3A_1334 = arith.addi %parallel_loop3A_1333, %parallel_loop3A_1332 : i32
      %parallel_loop3A_1335 = arith.index_cast %parallel_loop3A_1334 : i32 to index
      %parallel_loop3A_1336 = tpu.vector_load %arg10[%parallel_loop3A_1335] {strides = array<i32>} : memref<512xf32, #tpu.memory_space<vmem>>, vector<16xf32>,
      %parallel_loop3A_1337 = vector.shape_cast %parallel_loop3A_1336 : vector<16xf32> to vector<16xf32>
      %parallel_loop3A_1338 = arith.index_cast %parallel_loop3A_1334 : i32 to index
      %parallel_loop3A_1339 = tpu.vector_load %arg11[%parallel_loop3A_1338] {strides = array<i32>} : memref<512xf32, #tpu.memory_space<vmem>>, vector<16xf32>,
      %parallel_loop3A_1340 = vector.shape_cast %parallel_loop3A_1339 : vector<16xf32> to vector<16xf32>
      %parallel_loop3A_1341 = arith.mulf %parallel_loop3A_1337, %gather3A_63 : vector<16xf32>
      %parallel_loop3A_1342 = arith.mulf %parallel_loop3A_1340, %gather3A_75 : vector<16xf32>
      %parallel_loop3A_1343 = arith.addf %parallel_loop3A_1341, %parallel_loop3A_1342 : vector<16xf32>
      %parallel_loop3A_1344 = arith.mulf %parallel_loop3A_1330, %gather3A_87 : vector<16xf32>
      %parallel_loop3A_1345 = arith.addf %parallel_loop3A_1343, %parallel_loop3A_1344 : vector<16xf32>
      %parallel_loop3A_1346 = arith.addf %parallel_loop3A_1345, %gather3A_99 : vector<16xf32>
      %parallel_loop3A_1347 = arith.index_cast %parallel_loop3A_1334 : i32 to index
      %parallel_loop3A_1348 = tpu.vector_load %arg13[%parallel_loop3A_1347] {strides = array<i32>} : memref<512xf32, #tpu.memory_space<vmem>>, vector<16xf32>,
      %parallel_loop3A_1349 = vector.shape_cast %parallel_loop3A_1348 : vector<16xf32> to vector<16xf32>
      %parallel_loop3A_1350 = vector.shape_cast %parallel_loop3A_1346 : vector<16xf32> to vector<16xf32>
      tpu.vector_store %arg13[%parallel_loop3A_1347], %parallel_loop3A_1350 {strides = array<i32>} : memref<512xf32, #tpu.memory_space<vmem>>, vector<16xf32>,
    } {sc.loop_unroll_factor = 2 : i64, sc.parallel_access}
    "tpu.region"() ({
      %run_scoped3A = tpu.sem_alloc : memref<!tpu.dma_semaphore, #tpu.memory_space<semaphore_mem>>
      %dma_start3A_155 = tpu.memref_slice %arg6[%mul3A_2] : memref<16384xf32, #tpu.memory_space<hbm>> -> memref<512xf32, #tpu.memory_space<hbm>>
      %dma_start3A_156 = tpu.memref_slice %arg6[%mul3A_2] : memref<16384xf32, #tpu.memory_space<hbm>> -> memref<512xf32, #tpu.memory_space<hbm>>
      tpu.enqueue_dma source(%arg13 : memref<512xf32, #tpu.memory_space<vmem>>) target(%dma_start3A_156 : memref<512xf32, #tpu.memory_space<hbm>>) target_semaphore(%run_scoped3A : memref<!tpu.dma_semaphore, #tpu.memory_space<semaphore_mem>>)
      %dma_wait3A_157 = tpu.memref_slice %arg6[%mul3A_2] : memref<16384xf32, #tpu.memory_space<hbm>> -> memref<512xf32, #tpu.memory_space<hbm>>
      %dma_wait3A_158 = tpu.memref_slice %arg6[%mul3A_2] : memref<16384xf32, #tpu.memory_space<hbm>> -> memref<512xf32, #tpu.memory_space<hbm>>
      tpu.wait_dma2 semaphore(%run_scoped3A : memref<!tpu.dma_semaphore, #tpu.memory_space<semaphore_mem>>) src(%arg13 : memref<512xf32, #tpu.memory_space<vmem>>) dst(%dma_wait3A_158 : memref<512xf32, #tpu.memory_space<hbm>>)
      tpu.yield
    }) : () -> ()
    return
  }
}

</mosaic_0001>

<sc_bundles>
// kernel: kernel.3.cloned.1.call-start
scs
__scs_entry_jumppad:
0x0: {  	(pc) =	sbr.rel $0x88, $3  }
0x1: {  	(tag) =	ssettag $0x0;
	lr =	simm.s32 $0x1  }
0x2: {  	[smem:$0x3F9A] =	sst lr;
	_ =	strace $0xD0000000  }
0x3: {  	_ = 	snop  }
0x4: {  	_ = 	snop  }
0x5: {  	_ = 	snop  }
0x6: {  	_ = 	snop  }
0x7: {  	_ = 	snop  }
__scs_overlays_trampoline_lowered:
0x8: {  	[smem:$0x3FA9] =	sst s0  }
0x9: {  	[smem:$0x3FAA] =	sst s1  }
0xa: {  	[smem:$0x3FAB] =	sst s2  }
0xb: {  	[smem:$0x3FAC] =	sst s3  }
0xc: {  	[smem:$0x3FAD] =	sst s4  }
0xd: {  	[smem:$0x3FAE] =	sst s5  }
0xe: {  	[smem:$0x3FAF] =	sst s6  }
0xf: {  	[smem:$0x3FB0] =	sst s7  }
0x10: {  	[smem:$0x3FB1] =	sst s8  }
0x11: {  	[smem:$0x3FB2] =	sst s9;
	s0 =	simm.s32 @!p0 $0x0  }
0x12: {  	s1 =	sld [smem:$0x3F98];
	s0 =	simm.s32 @p0 $0x1  }
0x13: {  	[smem:$0x3FB3] =	sst s0;
	s0 =	simm.s32 @!p1 $0x0  }
0x14: {  	s2 =	sld [smem:$0x3F97];
	s0 =	simm.s32 @p1 $0x1  }
0x15: {  	[smem:$0x3FB4] =	sst s0;
	s0 =	simm.s32 @!p2 $0x0  }
0x16: {  	s3 =	sld [smem:$0x3FDB];
	s0 =	simm.s32 @p2 $0x1  }
0x17: {  	s4 =	simm.s32 $0x1BF5;
	[smem:$0x3FB6] =	sst s0  }
0x18: {  	s0 =	sld [smem:$0x3F99];
	_ =	swait.ge [sflag:s4], $0x0  }
0x19: {  	s7 =	sld [smem:$0x3F9A]  }
0x1a: {  	s8 =	sadd.s32 $0xFFFFE003, lr  }
0x1b: {  	s9 =	sadd.s32 $0xFFFFFEF7, lr;
	s5 =	simm.s32 $0xFFFFFFFF;
	p2 =	slt.u32 s8, $0xFFFFF086  }
0x1c: {  	p1 =	slt.u32 s9, $0xF7A;
	s5 =	simm.s32 @!p2 $0x0  }
0x1d: {  	s5 =	simm.s32 @p1 $0x1;
	p0 =	seq.s32 s7, s2  }
0x1e: {  	s7 =	smul.u32 @!p0 $0xF7A, s2;
	p2 =	seq.s32 @!p0 s5, $0x0  }
0x1f: {  	s9 =	smul.u32 $0xF7A, s1;
	s8 =	simm.s32 @!p0 $0x1BF5;
	p2 =	por !p2, p0  }
0x20: {  	[sflag:s8] =	ssyncset.s32 @!p0 $0xFFFFF086;
	s6 =	sadd.s32 @!p0 s3, s7;
	s7 =	simm.s32 @!p0 $0x108  }
0x21: {  	s3 =	sadd.s32 s3, s9;
	s6 =	sadd.s32 @!p0 $0x88, s6;
	s7 =	simm.s32 @p2 $0x1082  }
0x22: {  	[simem:s7], [sflag:s8] =	dma.local @!p0 [hbm:s6], $0xF7A  }
0x23: {  	s9 =	sor.u32 $0xD0000000, s2;
	s6 =	simm.s32 $0x108;
	_ =	swait.ge @!p0 [sflag:s8], $0x0  }
0x24: {  	s3 =	sadd.s32 $0x88, s3;
	s6 =	simm.s32 @!p1 $0x1082;
	[sflag:s4] =	ssyncset.s32 $0xFFFFF086  }
0x25: {  	[simem:s6], [sflag:s4] =	dma.local [hbm:s3], $0xF7A  }
0x26: {  	[smem:$0x3F9A] =	sst s1;
	(tag) =	ssettag s2;
	_ =	strace s9  }
0x27: {  	s1 =	sld [smem:$0x3FAA]  }
0x28: {  	s2 =	sld [smem:$0x3FAB]  }
0x29: {  	s4 =	sld [smem:$0x3FAD]  }
0x2a: {  	p0 =	seq.s32 s5, $0x0;
	s5 =	sld [smem:$0x3FAE]  }
0x2b: {  	s6 =	sld [smem:$0x3FAF]  }
0x2c: {  	s7 =	sld [smem:$0x3FB0]  }
0x2d: {  	s3 =	simm.s32 $0x108;
	s8 =	sld [smem:$0x3FB1]  }
0x2e: {  	s3 =	simm.s32 @!p0 $0x1082;
	s9 =	sld [smem:$0x3FB2]  }
0x2f: {  	lr =	sadd.s32 s0, s3;
	s0 =	sld [smem:$0x3FA9]  }
0x30: {  	s3 =	sld [smem:$0x3FAC]  }
0x31: {  	[smem:$0x3FB5] =	sst s10  }
0x32: {  	s10 =	sld [smem:$0x3FB3];
	_ =	sdelay $0x3  }
0x33: {  	p0 =	seq.s32 s10, $0x1;
	s10 =	sld [smem:$0x3FB5];
	_ =	sdelay $0x3  }
0x34: {  	[smem:$0x3FB5] =	sst s10  }
0x35: {  	s10 =	sld [smem:$0x3FB4];
	_ =	sdelay $0x3  }
0x36: {  	p1 =	seq.s32 s10, $0x1;
	s10 =	sld [smem:$0x3FB5];
	_ =	sdelay $0x3  }
0x37: {  	[smem:$0x3FB5] =	sst s10  }
0x38: {  	s10 =	sld [smem:$0x3FB6]  }
0x39: {  	_ = 	snop;
	(pc) =	sbr.ind lr, $3  }
0x3a: {  	_ = 	snop  }
0x3b: {  	_ = 	snop  }
0x3c: {  	p2 =	seq.s32 s10, $0x1;
	s10 =	sld [smem:$0x3FB5]  }
0x3d: {  	_ =	shalt  }
0x3e: {  	_ =	shalt  }
0x3f: {  	_ =	shalt  }
0x40: {  	_ =	shalt  }
0x41: {  	_ =	shalt  }
0x42: {  	_ =	shalt  }
0x43: {  	_ =	shalt  }
0x44: {  	_ =	shalt  }
0x45: {  	_ =	shalt  }
0x46: {  	_ =	shalt  }
0x47: {  	_ =	shalt  }
0x48: {  	_ =	shalt  }
0x49: {  	_ =	shalt  }
0x4a: {  	_ =	shalt  }
0x4b: {  	_ =	shalt  }
0x4c: {  	_ =	shalt  }
0x4d: {  	_ =	shalt  }
0x4e: {  	_ =	shalt  }
0x4f: {  	_ =	shalt  }
0x50: {  	_ =	shalt  }
0x51: {  	_ =	shalt  }
0x52: {  	_ =	shalt  }
0x53: {  	_ =	shalt  }
0x54: {  	_ =	shalt  }
0x55: {  	_ =	shalt  }
0x56: {  	_ =	shalt  }
0x57: {  	_ =	shalt  }
0x58: {  	_ =	shalt  }
0x59: {  	_ =	shalt  }
0x5a: {  	_ =	shalt  }
0x5b: {  	_ =	shalt  }
0x5c: {  	_ =	shalt  }
0x5d: {  	_ =	shalt  }
0x5e: {  	_ =	shalt  }
0x5f: {  	_ =	shalt  }
0x60: {  	_ =	shalt  }
0x61: {  	_ =	shalt  }
0x62: {  	_ =	shalt  }
0x63: {  	_ =	shalt  }
0x64: {  	_ =	shalt  }
0x65: {  	_ =	shalt  }
0x66: {  	_ =	shalt  }
0x67: {  	_ =	shalt  }
0x68: {  	_ =	shalt  }
0x69: {  	_ =	shalt  }
0x6a: {  	_ =	shalt  }
0x6b: {  	_ =	shalt  }
0x6c: {  	_ =	shalt  }
0x6d: {  	_ =	shalt  }
0x6e: {  	_ =	shalt  }
0x6f: {  	_ =	shalt  }
0x70: {  	_ =	shalt  }
0x71: {  	_ =	shalt  }
0x72: {  	_ =	shalt  }
0x73: {  	_ =	shalt  }
0x74: {  	_ =	shalt  }
0x75: {  	_ =	shalt  }
0x76: {  	_ =	shalt  }
0x77: {  	_ =	shalt  }
0x78: {  	_ =	shalt  }
0x79: {  	_ =	shalt  }
0x7a: {  	_ =	shalt  }
0x7b: {  	_ =	shalt  }
0x7c: {  	_ =	shalt  }
0x7d: {  	_ =	shalt  }
0x7e: {  	_ =	shalt  }
0x7f: {  	_ =	shalt  }
0x80: {  	_ =	shalt  }
0x81: {  	_ =	shalt  }
0x82: {  	_ =	shalt  }
0x83: {  	_ =	shalt  }
0x84: {  	_ =	shalt  }
0x85: {  	_ =	shalt  }
0x86: {  	_ =	shalt  }
0x87: {  	_ =	shalt  }
.Lfunc_end0:
.L_simem_size_0:
called_computation_lowered:
.L_overlay_start_0:
0x88: {  	s2 =	sld [smem:$0x3FD9]  }
0x89: {  	s3 =	sld [smem:$0x3FFE];
	_ =	sdelay $0x1  }
0x8a: {  	s1 =	srdreg.scid  }
0x8b: {  	s0 =	sand.u32 $0x1, s1  }
0x8c: {  	s17 =	sshll.u32 s0, $0xA;
	s2 =	sadd.s32 s3, s2  }
0x8d: {  	s2 =	sadd.s32 s2, s17  }
0x8e: {  	[smem:$0x3FC1] =	sst s2  }
0x8f: {  	_ = 	snop  }
0x90: {  	s2 =	sld [smem:$0x3FC9]  }
0x91: {  	s18 =	sld [smem:$0x3FC7]  }
0x92: {  	s4 =	sld [smem:$0x3FD0];
	(tm) =	ssettm $0x1  }
0x93: {  	s5 =	sld [smem:$0x3FFB];
	_ =	sdelay $0x3  }
0x94: {  	_ =	strace s5  }
0x95: {  	s5 =	sld [smem:$0x3FFC];
	_ =	sdelay $0x3  }
0x96: {  	_ =	strace s5  }
0x97: {  	s5 =	sld [smem:$0x3FFD];
	_ =	sdelay $0x3  }
0x98: {  	_ =	strace s5  }
0x99: {  	_ =	strace $0x8FFFFFFF  }
0x9a: {  	s19 =	sld [smem:$0x3FDB];
	_ =	sdelay $0x1  }
0x9b: {  	s6 =	simm.s32 $_scs_section_size  }
0x9c: {  	s7 =	simm.s32 $_size__tile_overlayer_lowered;
	s8 =	simm.s32 $_tile_overlayer_lowered  }
0x9d: {  	s22 =	simm.s32 $0x1BFF;
	s21 =	sshll.u32 s8, $0x1;
	s5 =	sadd.s32 s6, s19  }
0x9e: {  	s9 =	simm.s32 $0x0;
	s20 =	sshll.u32 s7, $0x1;
	s7 =	sadd.s32 s21, s5  }
0x9f: {  	[timem:s9], [sflag:s22] =	dma.local [hbm:s7], s20  }
0xa0: {  	_ =	swait.ge [sflag:s22], s20  }
0xa1: {  	s6 =	ssub.s32 $0x0, s20;
	[sflag:s22] =	ssyncset.done $0x0  }
0xa2: {  	[sflag:s22] =	ssyncadd.s32 s6;
	_ =	sdelay $0x1  }
0xa3: {  	s23 =	simm.s32 $0x1B8B  }
0xa4: {  	_ =	swait.ge [sflag:s23], $0x1  }
0xa5: {  	[sflag:s23] =	ssyncset.done $0x0  }
0xa6: {  	s25 =	simm.s32 $0x1B8E;
	s24 =	sld [smem:$0x3FFE];
	[sflag:s23] =	ssyncadd.s32 $0xFFFFFFFF  }
0xa7: {  	s26 =	simm.s32 $execute0_lowered;
	[smem:$0x3FD2] =	sst s25  }
0xa8: {  	s7 =	sshll.u32 s26, $0x1;
	_ =	strace $0x80000046;
	[dreg:$0x1] =	wrdreg $0xFFFFFFFF  }
0xa9: {  	s28 =	simm.s32 $_size_execute0_lowered;
	s5 =	sadd.s32 s5, s7;
	[dreg:$0x0] =	wrdreg $0x0  }
0xaa: {  	s7 =	sshll.u32 s28, $0x1;
	[dreg:$0x2] =	wrdreg s5  }
0xab: {  	[dreg:$0x3] =	wrdreg s7  }
0xac: {  	[dreg:$0x4] =	wrdreg $0xC0  }
0xad: {  	_ =	task [dreg:s9], $0x5FFFF  }
0xae: {  	[dreg:$0x1] =	wrdreg $0xFFFFFFFF  }
0xaf: {  	[dreg:$0x0] =	wrdreg $0x60  }
0xb0: {  	[dreg:$0x2] =	wrdreg s18  }
0xb1: {  	[dreg:$0x3] =	wrdreg s2  }
0xb2: {  	[dreg:$0x4] =	wrdreg s24  }
0xb3: {  	[dreg:$0x5] =	wrdreg s4  }
0xb4: {  	[dreg:$0x6] =	wrdreg $0x9  }
0xb5: {  	_ =	task.clear_ibuf [dreg:s9], $0x7FFFF;
	_ =	strace $0x90000046  }
0xb6: {  	s29 =	simm.s32 $0x9;
	_ =	strace $0x80000048  }
0xb7: {  	_ =	swait.ge [sflag:s29], $0x1  }
0xb8: {  	[sflag:s29] =	ssyncadd.s32 $0xFFFFFFFF  }
0xb9: {  	_ =	strace $0x90000048  }
0xba: {  	_ =	sfence  }
0xbb: {  	s30 =	sld [smem:$0x0];
	_ =	sdelay $0x2  }
0xbc: {  	s31 =	sshll.u32 s1, $0xD;
	s1 =	sshrl.u32 s1, $0x2  }
0xbd: {  	s3 =	sand.u32 $0x4000, s31;
	s1 =	sadd.s32 s1, s30  }
0xbe: {  	s0 =	sor.u32 s3, s0;
	s1 =	sshll.u32 s1, $0x11  }
0xbf: {  	s0 =	sor.u32 s1, s0  }
0xc0: {  	s0 =	sadd.s32 $0x8F2B, s0  }
0xc1: {  	[sflag:s0] =	ssyncadd.remote.s32 $0x1  }
0xc2: {  	_ =	sfence.sel $0xFFFF  }
0xc3: {  	[dreg:$0x0] =	wrdreg $0xFFFFFFFF;
	(pc) =	sbr.abs _section_cstart, $3  }
0xc4: {  	[dreg:$0x1] =	wrdreg $0xFFFFFFFF  }
0xc5: {  	_ =	task.clear_ibuf [dreg:s9], $0x2FFFF;
	_ =	strace $0x9FFFFFFF  }
0xc6: {  	(tm) =	ssettm $0x7FFFFFFF  }
0xc7: {  	_ =	shalt  }
tec
execute0_lowered:
.L_overlay_start_1:
0x0: {  	(tag) =	ssettag $0x1  }
0x1: {  	v0 =	vimm.s32 $0x76543210  }
0x2: {  	v1 =	vimm.s32 $0xFEDCBA98;
	v2 =	vimm.s32 $0xBA98FEDC;
	v3 =	vimm.s32 $0x32107654  }
0x3: {  	v4 =	vimm.s32 $0xDCFE98BA;
	v5 =	vimm.s32 $0x54761032;
	vm0 =	vcmask $0x2F20  }
0x4: {  	vm1 =	vcmask $0xF00;
	vm2 =	vcmask $0x700;
	v63 =	vimm.s32 $0xEFCDAB89  }
0x5: {  	vm3 =	vcmask $0x300;
	v0 =	vunpack.c.l.s4.s8 v0;
	v1 =	vunpack.c.l.s4.s8 v1  }
0x6: {  	s0 =	rddreg [dreg:$0x0];
	v2 =	vunpack.c.l.s4.s8 v2;
	v3 =	vunpack.c.l.s4.s8 v3;
	v6 =	vunpack.c.l.s4.s8 v4  }
0x7: {  	s5 =	rddreg [dreg:$0x1];
	v5 =	vunpack.c.l.s4.s8 v5;
	vm0 =	vmor vm1, vm0;
	vm1 =	vcmask $0x1710  }
0x8: {  	s4 =	rddreg [dreg:$0x2];
	vm1 =	vmor vm2, vm1;
	vm2 =	vcmask $0x2720;
	v0 =	vunpack.c.0.s8.s32 v0  }
0x9: {  	s8 =	rddreg [dreg:$0x3];
	s3 =	srdreg.scid;
	v1 =	vunpack.c.0.s8.s32 v1;
	v2 =	vunpack.c.0.s8.s32 v2;
	v3 =	vunpack.c.0.s8.s32 v3  }
0xa: {  	s1 =	rddreg [dreg:$0x4];
	s2 =	stileid.u32;
	s11 =	simm.s32 $0x100;
	v61 =	vunpack.c.0.s8.s32 v6;
	vm1 =	vmor vm1, vm2;
	vm2 =	vcmask $0x3730  }
0xb: {  	s12 =	simm.s32 $0x200;
	s13 =	simm.s32 $0x8200;
	s14 =	simm.s32 $0x10200;
	vm1 =	vmor vm1, vm2;
	vm2 =	vcmask $0xB08;
	v1 =	vand.u32 $0xF, v1  }
0xc: {  	s15 =	simm.s32 $0x10400;
	s16 =	simm.s32 $0x10600;
	s17 =	simm.s32 $0x5;
	v60 =	vcombine.low v3, v2;
	v2 =	vunpack.c.l.s4.s8 v63;
	v3 =	vimm.s32 $0x67452301  }
0xd: {  	s18 =	simm.s32 $0x3;
	s19 =	simm.s32 $0x4;
	s20 =	simm.s32 $0x1;
	vm2 =	vmor vm3, vm2;
	vm3 =	vcmask $0x1310;
	v3 =	vunpack.c.l.s4.s8 v3  }
0xe: {  	s21 =	simm.s32 $0x2;
	s22 =	simm.s32 $0x10700;
	s23 =	simm.s32 $0x0;
	v62 =	vunpack.c.0.s8.s32 v5;
	v4 =	vcombine.low v1, v0;
	vm2 =	vmor vm2, vm3  }
0xf: {  	s6 =	sand.u32 $0x1, s3;
	s3 =	simm.s32 $0x0;
	s7 =	sshll.u32 s2, $0x7;
	vm3 =	vcmask $0x1B18;
	v2 =	vunpack.c.0.s8.s32 v2;
	v3 =	vunpack.c.0.s8.s32 v3  }
0x10: {  	s9 =	sshll.u32 s6, $0x6;
	[smem:$0x7FF] =	sst s3;
	s6 =	ssub.s32 $0x2, s6;
	v1 =	vcombine.low v62, v61;
	vm2 =	vmor vm2, vm3;
	vm3 =	vcmask $0x2320  }
0x11: {  	vm4 =	vcmask $0x2B28;
	s9 =	sor.u32 s9, s7;
	_ =	strace $0x80000047;
	s10 =	sshrl.u32 s6, $0x1;
	vm3 =	vmor vm2, vm3;
	v2 =	vcombine.low v3, v2  }
0x12: {  	s7 =	sadd.s32 s9, s4;
	s4 =	sadd.s32 $0x1400, s4;
	s10 =	ssub.s32 s6, s10;
	v19 =	vand.u32 $0xF, v1;
	vm3 =	vmor vm3, vm4;
	vm4 =	vcmask $0x3330  }
0x13: {  	s5 =	sadd.s32 s5, s9;
	s8 =	sadd.s32 s8, s9;
	s6 =	sadd.s32 $0x400, s7;
	[tilespmem:$0x1FFE0] =	vst v19;
	vm3 =	vmor vm3, vm4;
	vm4 =	vcmask $0x3B38;
	v18 =	vand.u32 $0xF, v2  }
0x14: {  	s7 =	sadd.s32 $0xC00, s7;
	s9 =	smax.u32 s10, $0x1;
	s10 =	simm.s32 $0x6;
	v61 =	vand.u32 $0xF, v60;
	vm2 =	vmmov $0xff;
	vm3 =	vmor vm3, vm4;
	[tilespmem:$0x1FFF0] =	vst v18  }
.LBB2_1:
0x15: {  	[tilespmem:s3], [sflag:$0x6] =	stream.linear.gather [hbm4b:s5+s3], $0x200, $0x38;
	[tilespmem:$0x10900] =	vst v63  }
0x16: {  	_ =	swait.ge [sflag:s10], $0x200  }
0x17: {  	[sflag:s10] =	ssyncset.done $0x0  }
0x18: {  	[sflag:s10] =	ssyncadd.s32 $0xFFFFFE00  }
0x19: {  	[tilespmem:s12], [sflag:$0x1] =	stream.indirect.gather [hbm4b:s0+s11], $0x80, s3, s11, $0xb8;
	[tilespmem:$0x10900] =	vst v63  }
0x1a: {  	_ = 	snop  }
0x1b: {  	[tilespmem:s13], [sflag:$0x2] =	stream.indirect.gather [hbm4b:s0+s11], $0x80, s11, s11, $0xb8;
	[tilespmem:$0x10900] =	vst v63  }
0x1c: {  	_ = 	snop  }
0x1d: {  	[tilespmem:s14], [sflag:$0x3] =	stream.linear.gather [hbm4b:s6+s3], $0x200, $0x38;
	[tilespmem:$0x10900] =	vst v63  }
0x1e: {  	_ = 	snop  }
0x1f: {  	[tilespmem:s15], [sflag:$0x4] =	stream.linear.gather [hbm4b:s7+s3], $0x200, $0x38;
	[tilespmem:$0x10900] =	vst v63  }
0x20: {  	_ = 	snop  }
0x21: {  	[tilespmem:s16], [sflag:$0x5] =	stream.linear.gather [hbm4b:s4+s3], $0x100, $0x38;
	[tilespmem:$0x10900] =	vst v63  }
0x22: {  	_ =	swait.ge [sflag:s17], $0x100  }
0x23: {  	[sflag:s17] =	ssyncset.done $0x0  }
0x24: {  	[sflag:s17] =	ssyncadd.s32 $0xFFFFFF00  }
0x25: {  	v9 =	vld [tilespmem:$0x10600]  }
0x26: {  	v10 =	vld [tilespmem:$0x10610]  }
0x27: {  	v11 =	vld [tilespmem:$0x10620]  }
0x28: {  	v12 =	vld [tilespmem:$0x10630]  }
0x29: {  	v13 =	vld [tilespmem:$0x10640]  }
0x2a: {  	v14 =	vld [tilespmem:$0x10650]  }
0x2b: {  	v15 =	vld [tilespmem:$0x10660]  }
0x2c: {  	v16 =	vld [tilespmem:$0x10670]  }
0x2d: {  	v0 =	vld [tilespmem:$0x10680];
	_ =	swait.ge [sflag:s18], $0x200  }
0x2e: {  	[sflag:s18] =	ssyncset.done $0x0  }
0x2f: {  	[sflag:s18] =	ssyncadd.s32 $0xFFFFFE00  }
0x30: {  	_ =	swait.ge [sflag:s19], $0x200  }
0x31: {  	v1 =	vimm.s32 $0x0;
	[sflag:s19] =	ssyncset.done $0x0  }
0x32: {  	v59 =	vimm.s32 $0x1;
	[sflag:s19] =	ssyncadd.s32 $0xFFFFFE00;
	v22 =	vperm.xlane v0, v1  }
0x33: {  	v60 =	vimm.s32 $0x2;
	v17 =	vperm.xlane v0, v59;
	_ =	swait.ge [sflag:s20], $0x8000  }
0x34: {  	v62 =	vimm.s32 $0x3;
	v20 =	vperm.xlane v0, v60;
	[tilespmem:$0x1FF90] =	vst v22  }
0x35: {  	v63 =	vimm.s32 $0x4;
	v21 =	vperm.xlane v0, v62;
	[tilespmem:$0x1FFA0] =	vst v17  }
0x36: {  	v2 =	vperm.xlane v0, v63;
	[tilespmem:$0x1FFB0] =	vst v20  }
0x37: {  	[sflag:s20] =	ssyncset.done $0x0;
	[tilespmem:$0x1FFC0] =	vst v21  }
0x38: {  	s24 =	simm.s32 $0x0;
	[tilespmem:$0x1FFD0] =	vst v2;
	[sflag:s20] =	ssyncadd.s32 $0xFFFF8000  }
.LBB2_2:
0x39: {  	s26 =	sshll.u32 s24, $0xB  }
0x3a: {  	s25 =	sand.u32 $0x3FFFF800, s26  }
0x3b: {  	v3 =	vld [tilespmem:s25+$0x200]  }
0x3c: {  	v7 =	vld [tilespmem:s25+$0x210]  }
0x3d: {  	v17 =	vld [tilespmem:s25+$0x220]  }
0x3e: {  	v18 =	vld [tilespmem:s25+$0x230]  }
0x3f: {  	v19 =	vld [tilespmem:s25+$0x240]  }
0x40: {  	v20 =	vld [tilespmem:s25+$0x250]  }
0x41: {  	v21 =	vld [tilespmem:s25+$0x260]  }
0x42: {  	v25 =	vld [tilespmem:s25+$0x270]  }
0x43: {  	v30 =	vld [tilespmem:s25+$0x280]  }
0x44: {  	v31 =	vld [tilespmem:s25+$0x290]  }
0x45: {  	v32 =	vld [tilespmem:s25+$0x2A0]  }
0x46: {  	v36 =	vld [tilespmem:s25+$0x2B0]  }
0x47: {  	v40 =	vld [tilespmem:s25+$0x2C0]  }
0x48: {  	v41 =	vld [tilespmem:s25+$0x2D0]  }
0x49: {  	v47 =	vld [tilespmem:s25+$0x2E0]  }
0x4a: {  	v48 =	vld [tilespmem:s25+$0x2F0]  }
0x4b: {  	v49 =	vld [tilespmem:s25+$0x300]  }
0x4c: {  	v52 =	vld [tilespmem:s25+$0x310]  }
0x4d: {  	v53 =	vld [tilespmem:s25+$0x320]  }
0x4e: {  	v54 =	vld [tilespmem:s25+$0x330]  }
0x4f: {  	v56 =	vld [tilespmem:s25+$0x340]  }
0x50: {  	v63 =	vld [tilespmem:s25+$0x350]  }
0x51: {  	v26 =	vld [tilespmem:s25+$0x360]  }
0x52: {  	v24 =	vld [tilespmem:s25+$0x370]  }
0x53: {  	v0 =	vld [tilespmem:s25+$0x380]  }
0x54: {  	v2 =	vld [tilespmem:s25+$0x390]  }
0x55: {  	v6 =	vld [tilespmem:s25+$0x3A0]  }
0x56: {  	v1 =	vld [tilespmem:s25+$0x3B0]  }
0x57: {  	v5 =	vld [tilespmem:s25+$0x3C0]  }
0x58: {  	v8 =	vld [tilespmem:s25+$0x3D0]  }
0x59: {  	v22 =	vld [tilespmem:s25+$0x3E0]  }
0x5a: {  	v23 =	vld [tilespmem:s25+$0x3F0]  }
0x5b: {  	v28 =	vld [tilespmem:s25+$0x400]  }
0x5c: {  	v33 =	vld [tilespmem:s25+$0x410]  }
0x5d: {  	v27 =	vld [tilespmem:s25+$0x420]  }
0x5e: {  	v29 =	vld [tilespmem:s25+$0x430]  }
0x5f: {  	v39 =	vld [tilespmem:s25+$0x440]  }
0x60: {  	v35 =	vld [tilespmem:s25+$0x450]  }
0x61: {  	v50 =	vld [tilespmem:s25+$0x460]  }
0x62: {  	v55 =	vld [tilespmem:s25+$0x470]  }
0x63: {  	v38 =	vld [tilespmem:s25+$0x480]  }
0x64: {  	v43 =	vld [tilespmem:s25+$0x490]  }
0x65: {  	v34 =	vld [tilespmem:s25+$0x4A0]  }
0x66: {  	v42 =	vld [tilespmem:s25+$0x4B0]  }
0x67: {  	v44 =	vld [tilespmem:s25+$0x4C0]  }
0x68: {  	v45 =	vld [tilespmem:s25+$0x4D0]  }
0x69: {  	v46 =	vld [tilespmem:s25+$0x4E0]  }
0x6a: {  	v62 =	vld [tilespmem:s25+$0x550]  }
0x6b: {  	v51 =	vld [tilespmem:s25+$0x4F0]  }
0x6c: {  	v58 =	vld [tilespmem:s25+$0x500]  }
0x6d: {  	v59 =	vld [tilespmem:s25+$0x540]  }
0x6e: {  	v37 =	vld [tilespmem:s25+$0x510]  }
0x6f: {  	[tilespmem:$0x1FD60] =	vst v62;
	v62 =	vld [tilespmem:s25+$0x560]  }
0x70: {  	v60 =	vld [tilespmem:s25+$0x520]  }
0x71: {  	v57 =	vld [tilespmem:s25+$0x530];
	v3 =	vmul.f32 v3, v9;
	v17 =	vmul.f32 v17, v11  }
0x72: {  	[tilespmem:$0x1FD50] =	vst v59;
	v59 =	vld [tilespmem:s25+$0x5A0];
	v7 =	vmul.f32 v7, v10;
	v18 =	vmul.f32 v18, v12  }
0x73: {  	v3 =	vadd.f32 v17, v3;
	v17 =	vmul.f32 v19, v13;
	v19 =	vmul.f32 v20, v14;
	v20 =	vld [tilespmem:s25+$0x690]  }
0x74: {  	v0 =	vmul.f32 v0, v9;
	v6 =	vmul.f32 v6, v11;
	[tilespmem:$0x1FDC0] =	vst v62;
	v62 =	vld [tilespmem:s25+$0x570]  }
0x75: {  	v7 =	vadd.f32 v18, v7;
	v18 =	vmul.f32 v30, v9;
	v30 =	vmul.f32 v36, v12;
	v36 =	vld [tilespmem:s25+$0x6B0]  }
0x76: {  	v0 =	vadd.f32 v6, v0;
	v6 =	vld [tilespmem:s25+$0x760]  }
0x77: {  	v3 =	vadd.f32 v17, v3;
	v17 =	vmul.f32 v31, v10;
	v31 =	vld [tilespmem:s25+$0x6C0]  }
0x78: {  	v7 =	vadd.f32 v19, v7;
	v19 =	vmul.f32 v40, v13;
	v40 =	vld [tilespmem:s25+$0x6D0]  }
0x79: {  	[tilespmem:$0x1FDD0] =	vst v62;
	v62 =	vld [tilespmem:s25+$0x580]  }
0x7a: {  	v17 =	vadd.f32 v30, v17;
	v30 =	vmul.f32 v41, v14;
	v41 =	vmul.f32 v47, v15;
	v47 =	vld [tilespmem:s25+$0x6E0]  }
0x7b: {  	[tilespmem:$0x1FE60] =	vst v20;
	v20 =	vmul.f32 v32, v11;
	v32 =	vld [tilespmem:s25+$0x6A0]  }
0x7c: {  	[tilespmem:$0x1FE90] =	vst v6;
	v6 =	vld [tilespmem:s25+$0x770]  }
0x7d: {  	v17 =	vadd.f32 v30, v17;
	v30 =	vmul.f32 v48, v16;
	v48 =	vld [tilespmem:s25+$0x6F0]  }
0x7e: {  	v18 =	vadd.f32 v20, v18;
	[tilespmem:$0x1FD70] =	vst v62;
	v62 =	vld [tilespmem:s25+$0x590]  }
0x7f: {  	v20 =	vmul.f32 v21, v15;
	v21 =	vld [tilespmem:s25+$0x7F0]  }
0x80: {  	v18 =	vadd.f32 v19, v18;
	v19 =	vmul.f32 v25, v16;
	v25 =	vmul.f32 v52, v10;
	v52 =	vld [tilespmem:s25+$0x720]  }
0x81: {  	v3 =	vadd.f32 v20, v3;
	v20 =	vld [tilespmem:s25+$0x7D0]  }
0x82: {  	[tilespmem:$0x1FEA0] =	vst v6;
	v6 =	vld [tilespmem:s25+$0x7A0]  }
0x83: {  	[tilespmem:$0x1FD80] =	vst v62;
	v62 =	vld [tilespmem:s25+$0x5B0]  }
0x84: {  	v7 =	vadd.f32 v19, v7;
	v18 =	vadd.f32 v41, v18;
	v41 =	vld [tilespmem:s25+$0x700]  }
0x85: {  	v17 =	vadd.f32 v30, v17;
	v19 =	vmul.f32 v49, v9;
	v49 =	vld [tilespmem:s25+$0x710]  }
0x86: {  	v3 =	vadd.f32 v7, v3;
	v7 =	vmul.f32 v54, v12;
	v54 =	vld [tilespmem:s25+$0x740]  }
0x87: {  	v17 =	vadd.f32 v17, v18;
	v18 =	vmul.f32 v63, v14;
	v63 =	vmul.f32 v22, v15;
	v22 =	vld [tilespmem:s25+$0x790]  }
0x88: {  	v2 =	vmul.f32 v2, v10;
	v5 =	vmul.f32 v5, v13;
	[tilespmem:$0x1FD90] =	vst v62;
	v62 =	vld [tilespmem:s25+$0x5C0]  }
0x89: {  	v1 =	vmul.f32 v1, v12;
	[tilespmem:$0x1FEB0] =	vst v3;
	v3 =	vmul.f32 v53, v11;
	v53 =	vld [tilespmem:s25+$0x730]  }
0x8a: {  	v0 =	vadd.f32 v5, v0;
	[tilespmem:$0x1FEC0] =	vst v17;
	v17 =	vmul.f32 v56, v13;
	v56 =	vld [tilespmem:s25+$0x750]  }
0x8b: {  	v29 =	vmul.f32 v29, v12;
	v1 =	vadd.f32 v1, v2;
	v7 =	vadd.f32 v7, v25;
	v25 =	vld [tilespmem:s25+$0x780]  }
0x8c: {  	v5 =	vmul.f32 v26, v15;
	v30 =	vmul.f32 v8, v14;
	v0 =	vadd.f32 v63, v0;
	v63 =	vld [tilespmem:s25+$0x800]  }
0x8d: {  	v26 =	vmul.f32 v28, v9;
	v28 =	vmul.f32 v33, v10;
	v3 =	vadd.f32 v3, v19;
	[tilespmem:$0x1FDA0] =	vst v62;
	v62 =	vld [tilespmem:s25+$0x5D0]  }
0x8e: {  	v1 =	vadd.f32 v30, v1;
	v7 =	vadd.f32 v18, v7;
	v18 =	vmul.f32 v23, v16;
	v19 =	vld [tilespmem:s25+$0x7C0]  }
0x8f: {  	v33 =	vmul.f32 v34, v11;
	v8 =	vmul.f32 v24, v16;
	v3 =	vadd.f32 v17, v3;
	v17 =	vld [tilespmem:s25+$0x7B0]  }
0x90: {  	v30 =	vmul.f32 v38, v9;
	v6 =	vmul.f32 v6, v11;
	v1 =	vadd.f32 v18, v1;
	v18 =	vld [tilespmem:s25+$0x7E0]  }
0x91: {  	v8 =	vadd.f32 v8, v7;
	v7 =	vld [tilespmem:s25+$0x820];
	v25 =	vmul.f32 v25, v9;
	v5 =	vadd.f32 v5, v3  }
0x92: {  	v22 =	vmul.f32 v22, v10;
	v0 =	vadd.f32 v1, v0;
	v1 =	vadd.f32 v33, v30;
	[tilespmem:$0x1FDB0] =	vst v62;
	v62 =	vld [tilespmem:s25+$0x5E0]  }
0x93: {  	v30 =	vld [tilespmem:s25+$0x810];
	v6 =	vadd.f32 v6, v25;
	v19 =	vmul.f32 v19, v13;
	v24 =	vadd.f32 v8, v5  }
0x94: {  	s26 =	sor.u32 $0x800, s26;
	v3 =	vld [tilespmem:s25+$0x850];
	v5 =	vmul.f32 v27, v11;
	[tilespmem:$0x1FEE0] =	vst v0;
	v17 =	vmul.f32 v17, v12  }
0x95: {  	s26 =	sand.u32 $0x3FFFF800, s26;
	v8 =	vmul.f32 v35, v14;
	v0 =	vadd.f32 v29, v28;
	v6 =	vadd.f32 v19, v6;
	[tilespmem:$0x1FED0] =	vst v24;
	v24 =	vld [tilespmem:s25+$0x870]  }
0x96: {  	v18 =	vmul.f32 v18, v15;
	v2 =	vadd.f32 v5, v26;
	v17 =	vadd.f32 v17, v22;
	v22 =	vld [tilespmem:s26+$0x230]  }
0x97: {  	v5 =	vmul.f32 v39, v13;
	v0 =	vadd.f32 v8, v0;
	v8 =	vmul.f32 v44, v13;
	[tilespmem:$0x1FDE0] =	vst v62;
	v62 =	vld [tilespmem:s25+$0x5F0]  }
0x98: {  	v34 =	vmul.f32 v42, v12;
	v6 =	vadd.f32 v18, v6;
	v18 =	vld [tilespmem:s26+$0x250]  }
0x99: {  	v2 =	vadd.f32 v5, v2;
	v5 =	vmul.f32 v43, v10;
	v42 =	vadd.f32 v8, v1;
	v8 =	vld [tilespmem:s25+$0x830]  }
0x9a: {  	v1 =	vld [tilespmem:s25+$0x970]  }
0x9b: {  	v38 =	vmul.f32 v50, v15;
	v35 =	vadd.f32 v34, v5;
	v5 =	vld [tilespmem:s25+$0x840]  }
0x9c: {  	v44 =	vmul.f32 v46, v15;
	[tilespmem:$0x1FDF0] =	vst v62;
	v62 =	vld [tilespmem:s25+$0x600]  }
0x9d: {  	v2 =	vadd.f32 v38, v2;
	v38 =	vld [tilespmem:s25+$0x880]  }
0x9e: {  	v43 =	vmul.f32 v55, v16;
	v50 =	vadd.f32 v44, v42;
	v42 =	vld [tilespmem:s25+$0x890]  }
0x9f: {  	v39 =	vmul.f32 v45, v14;
	v44 =	vmul.f32 v60, v11;
	v60 =	vld [tilespmem:$0x1FD90]  }
0xa0: {  	v20 =	vmul.f32 v20, v14;
	v46 =	vadd.f32 v43, v0;
	v43 =	vld [tilespmem:s25+$0x8C0]  }
0xa1: {  	v19 =	vmul.f32 v21, v16;
	v45 =	vmul.f32 v51, v16;
	v23 =	vadd.f32 v39, v35;
	[tilespmem:$0x1FE00] =	vst v62;
	v62 =	vld [tilespmem:s25+$0x610]  }
0xa2: {  	v55 =	vmul.f32 v58, v9;
	v58 =	vmul.f32 v37, v10;
	v17 =	vadd.f32 v20, v17;
	v0 =	vld [tilespmem:s25+$0x990]  }
0xa3: {  	v27 =	vadd.f32 v46, v2;
	v46 =	vld [tilespmem:$0x1FD50];
	v51 =	vadd.f32 v45, v23;
	v45 =	vmul.f32 v57, v12  }
0xa4: {  	v2 =	vadd.f32 v44, v55;
	v44 =	vld [tilespmem:s25+$0x8A0]  }
0xa5: {  	v17 =	vadd.f32 v19, v17;
	v34 =	vadd.f32 v45, v58;
	v58 =	vld [tilespmem:$0x1FD80]  }
0xa6: {  	[tilespmem:$0x1FE20] =	vst v62;
	v62 =	vld [tilespmem:s25+$0x620]  }
0xa7: {  	v7 =	vmul.f32 v7, v11;
	v19 =	vmul.f32 v63, v9;
	v17 =	vadd.f32 v17, v6;
	v6 =	vld [tilespmem:s26+$0x270]  }
0xa8: {  	v26 =	vadd.f32 v51, v50;
	v51 =	vld [tilespmem:$0x1FD70]  }
0xa9: {  	v19 =	vadd.f32 v7, v19;
	v7 =	vld [tilespmem:s25+$0xAE0]  }
0xaa: {  	v57 =	vmul.f32 v59, v11;
	v50 =	vld [tilespmem:$0x1FD60]  }
0xab: {  	v37 =	vmul.f32 v60, v12;
	v59 =	vmul.f32 v58, v10;
	[tilespmem:$0x1FE10] =	vst v62;
	v62 =	vld [tilespmem:s25+$0x630]  }
0xac: {  	v28 =	vmul.f32 v46, v13;
	v46 =	vld [tilespmem:$0x1FDA0]  }
0xad: {  	v55 =	vmul.f32 v51, v9;
	v58 =	vadd.f32 v37, v59;
	v59 =	vld [tilespmem:$0x1FDB0]  }
0xae: {  	v51 =	vld [tilespmem:$0x1FDC0]  }
0xaf: {  	v2 =	vadd.f32 v28, v2;
	v28 =	vadd.f32 v57, v55;
	v55 =	vld [tilespmem:$0x1FDD0]  }
0xb0: {  	[tilespmem:$0x1FE30] =	vst v62;
	v62 =	vld [tilespmem:s25+$0x640]  }
0xb1: {  	v35 =	vld [tilespmem:$0x1FDF0]  }
0xb2: {  	v60 =	vmul.f32 v59, v14;
	v59 =	vld [tilespmem:$0x1FDE0]  }
0xb3: {  	v23 =	vld [tilespmem:s25+$0x860];
	v29 =	vmul.f32 v50, v14  }
0xb4: {  	v45 =	vld [tilespmem:s25+$0x8B0];
	v50 =	vmul.f32 v46, v13;
	v39 =	vmul.f32 v51, v15  }
0xb5: {  	v29 =	vadd.f32 v29, v34;
	[tilespmem:$0x1FE40] =	vst v62;
	v62 =	vld [tilespmem:s25+$0x650]  }
0xb6: {  	v28 =	vadd.f32 v50, v28;
	v57 =	vmul.f32 v55, v16;
	v2 =	vadd.f32 v39, v2;
	v39 =	vld [tilespmem:$0x1FE00]  }
0xb7: {  	v58 =	vadd.f32 v60, v58;
	v37 =	vmul.f32 v35, v16;
	v60 =	vmul.f32 v59, v15;
	v59 =	vld [tilespmem:$0x1FE10]  }
0xb8: {  	[tilespmem:$0x1FF30] =	vst v6;
	v6 =	vld [tilespmem:s25+$0xA80];
	v29 =	vadd.f32 v57, v29  }
0xb9: {  	v35 =	vld [tilespmem:$0x1FE60];
	v33 =	vadd.f32 v37, v58;
	v34 =	vadd.f32 v60, v28  }
0xba: {  	[tilespmem:$0x1FE50] =	vst v62;
	v62 =	vld [tilespmem:s25+$0x660]  }
0xbb: {  	v28 =	vadd.f32 v29, v2;
	v29 =	vadd.f32 v33, v34;
	v33 =	vld [tilespmem:$0x1FE20]  }
0xbc: {  	v55 =	vmul.f32 v39, v9;
	v60 =	vmul.f32 v59, v11;
	v34 =	vld [tilespmem:$0x1FE30]  }
0xbd: {  	v39 =	vld [tilespmem:$0x1FE40]  }
0xbe: {  	v5 =	vmul.f32 v5, v13;
	v2 =	vadd.f32 v60, v55;
	v60 =	vld [tilespmem:$0x1FE50]  }
0xbf: {  	[tilespmem:$0x1FE70] =	vst v62;
	v62 =	vld [tilespmem:s25+$0x670]  }
0xc0: {  	v5 =	vadd.f32 v5, v19;
	v19 =	vmul.f32 v42, v10;
	v42 =	vld [tilespmem:s25+$0xAA0]  }
0xc1: {  	[tilespmem:$0x1FF60] =	vst v7;
	v7 =	vld [tilespmem:s25+$0xAF0];
	v33 =	vmul.f32 v33, v10;
	v34 =	vmul.f32 v34, v12  }
0xc2: {  	[tilespmem:$0x1FF40] =	vst v6;
	v6 =	vld [tilespmem:s25+$0xA90];
	v55 =	vmul.f32 v39, v13  }
0xc3: {  	v50 =	vld [tilespmem:s25+$0x8D0];
	v33 =	vadd.f32 v34, v33;
	v39 =	vmul.f32 v60, v14  }
0xc4: {  	v36 =	vmul.f32 v36, v12;
	v2 =	vadd.f32 v55, v2;
	v55 =	vmul.f32 v35, v10;
	[tilespmem:$0x1FE80] =	vst v62;
	v62 =	vld [tilespmem:s25+$0x680]  }
0xc5: {  	v33 =	vadd.f32 v39, v33;
	v39 =	vld [tilespmem:$0x1FE70]  }
0xc6: {  	v35 =	vadd.f32 v36, v55;
	v36 =	vmul.f32 v40, v14;
	v40 =	vld [tilespmem:$0x1FE80]  }
0xc7: {  	v46 =	vld [tilespmem:s25+$0x8F0]  }
0xc8: {  	v31 =	vmul.f32 v31, v13;
	[tilespmem:$0x1FF70] =	vst v7;
	v7 =	vld [tilespmem:$0x1FEB0]  }
0xc9: {  	v32 =	vmul.f32 v32, v11;
	v51 =	vld [tilespmem:s25+$0x8E0];
	v34 =	vmul.f32 v62, v9  }
0xca: {  	v48 =	vmul.f32 v48, v16;
	[tilespmem:$0x1FF50] =	vst v6;
	v6 =	vld [tilespmem:s25+$0xAB0];
	v39 =	vmul.f32 v39, v15  }
0xcb: {  	v57 =	vld [tilespmem:s25+$0x920];
	v63 =	vmul.f32 v50, v14;
	v40 =	vmul.f32 v40, v16;
	v32 =	vadd.f32 v32, v34  }
0xcc: {  	v50 =	vld [tilespmem:s25+$0xB40];
	v55 =	vmul.f32 v47, v15;
	v35 =	vadd.f32 v36, v35;
	v2 =	vadd.f32 v39, v2  }
0xcd: {  	v36 =	vmul.f32 v41, v9;
	v41 =	vld [tilespmem:s26+$0x200];
	v33 =	vadd.f32 v40, v33;
	v31 =	vadd.f32 v31, v32  }
0xce: {  	v37 =	vld [tilespmem:s25+$0x900];
	v35 =	vadd.f32 v48, v35;
	v39 =	vmul.f32 v49, v10;
	v49 =	vmul.f32 v53, v12  }
0xcf: {  	v58 =	vld [tilespmem:s25+$0x910];
	v2 =	vadd.f32 v33, v2;
	v33 =	vmul.f32 v52, v11;
	v31 =	vadd.f32 v55, v31  }
0xd0: {  	v59 =	vld [tilespmem:s25+$0x940];
	v48 =	vmul.f32 v56, v14;
	v49 =	vadd.f32 v49, v39  }
0xd1: {  	v47 =	vld [tilespmem:s25+$0x980];
	v33 =	vadd.f32 v33, v36;
	v55 =	vadd.f32 v35, v31;
	v31 =	vmul.f32 v54, v13  }
0xd2: {  	[tilespmem:$0x1FEF0] =	vst v41;
	v41 =	vld [tilespmem:$0x1FEA0]  }
0xd3: {  	v31 =	vadd.f32 v31, v33;
	v33 =	vadd.f32 v48, v49;
	v48 =	vld [tilespmem:s26+$0x210]  }
0xd4: {  	v49 =	vld [tilespmem:$0x1FE90]  }
0xd5: {  	v60 =	vld [tilespmem:s25+$0x930]  }
0xd6: {  	v56 =	vld [tilespmem:s25+$0x9F0]  }
0xd7: {  	v62 =	vld [tilespmem:s25+$0x950]  }
0xd8: {  	v53 =	vld [tilespmem:s25+$0x9D0]  }
0xd9: {  	v34 =	vld [tilespmem:s25+$0x960];
	[tilespmem:$0x1FF00] =	vst v48;
	v25 =	vmul.f32 v49, v15;
	v48 =	vmul.f32 v41, v16  }
0xda: {  	v8 =	vmul.f32 v8, v12;
	v23 =	vmul.f32 v23, v15;
	v39 =	vld [tilespmem:s26+$0x220]  }
0xdb: {  	v40 =	vld [tilespmem:s25+$0x9B0];
	v49 =	vadd.f32 v25, v31;
	v25 =	vadd.f32 v48, v33;
	v33 =	vmul.f32 v30, v10  }
0xdc: {  	v3 =	vmul.f32 v3, v14;
	v5 =	vadd.f32 v23, v5;
	v31 =	vld [tilespmem:s26+$0x260];
	v48 =	vmul.f32 v45, v12  }
0xdd: {  	v32 =	vld [tilespmem:s25+$0x9A0];
	v36 =	vmul.f32 v38, v9;
	v38 =	vmul.f32 v44, v11;
	v8 =	vadd.f32 v8, v33  }
0xde: {  	v24 =	vmul.f32 v24, v16;
	[tilespmem:$0x1FF10] =	vst v18;
	v52 =	vld [tilespmem:s25+$0x9C0];
	v18 =	vadd.f32 v25, v49;
	v19 =	vadd.f32 v48, v19  }
0xdf: {  	v44 =	vld [tilespmem:s25+$0xAC0];
	v49 =	vmul.f32 v43, v13;
	v3 =	vadd.f32 v3, v8;
	v8 =	vadd.f32 v38, v36  }
0xe0: {  	v54 =	vld [tilespmem:s25+$0x9E0];
	v33 =	vmul.f32 v46, v16;
	v19 =	vadd.f32 v63, v19;
	v36 =	vmul.f32 v37, v9  }
0xe1: {  	v35 =	vld [tilespmem:s26+$0x240];
	[tilespmem:$0x1FF20] =	vst v31;
	v31 =	vmul.f32 v51, v15;
	v8 =	vadd.f32 v49, v8;
	v3 =	vadd.f32 v24, v3  }
0xe2: {  	v45 =	vld [tilespmem:s25+$0xAD0];
	v37 =	vmul.f32 v58, v10;
	v38 =	vmul.f32 v60, v12;
	v19 =	vadd.f32 v33, v19  }
0xe3: {  	v46 =	vld [tilespmem:s25+$0xB00];
	v8 =	vadd.f32 v31, v8;
	v3 =	vadd.f32 v3, v5;
	v5 =	vmul.f32 v57, v11  }
0xe4: {  	v1 =	vmul.f32 v1, v16;
	v41 =	vmul.f32 v62, v14;
	v43 =	vld [tilespmem:s25+$0xB10];
	v23 =	vadd.f32 v38, v37  }
0xe5: {  	v48 =	vld [tilespmem:s25+$0xB20];
	v8 =	vadd.f32 v19, v8;
	v19 =	vmul.f32 v59, v13;
	v5 =	vadd.f32 v5, v36  }
0xe6: {  	v62 =	vmul.f32 v34, v15;
	v60 =	vmul.f32 v53, v14;
	v53 =	vld [tilespmem:s25+$0xB70]  }
0xe7: {  	v63 =	vmul.f32 v54, v15;
	v54 =	vld [tilespmem:s25+$0xB90];
	v23 =	vadd.f32 v41, v23;
	v5 =	vadd.f32 v19, v5  }
0xe8: {  	v0 =	vmul.f32 v0, v10;
	v58 =	vmul.f32 v40, v12;
	v51 =	vld [tilespmem:s25+$0xB50]  }
0xe9: {  	v25 =	vperm.xlane v2, v4;
	v49 =	vld [tilespmem:s25+$0xB30];
	v1 =	vadd.f32 v1, v23;
	v5 =	vadd.f32 v62, v5  }
0xea: {  	v32 =	vmul.f32 v32, v11;
	v0 =	vadd.f32 v58, v0;
	v58 =	vld [tilespmem:s25+$0xBA0];
	v57 =	vmul.f32 v47, v9  }
0xeb: {  	v30 =	vperm.xlane v7, v4;
	v5 =	vadd.f32 v1, v5;
	v1 =	vsel vm2, v7, v25;
	v7 =	vld [tilespmem:$0x1FED0]  }
0xec: {  	v19 =	vadd.f32 v32, v57;
	v32 =	vld [tilespmem:$0x1FEC0]  }
0xed: {  	v21 =	vperm.xlane v27, v4;
	v24 =	vmul.f32 v56, v16;
	v56 =	vld [tilespmem:s25+$0xBF0]  }
0xee: {  	v34 =	vperm.xlane v18, v4;
	v41 =	vld [tilespmem:s25+$0xB80];
	v59 =	vmul.f32 v52, v13  }
0xef: {  	v40 =	vperm.xlane v17, v4;
	v0 =	vadd.f32 v60, v0;
	v31 =	vperm.xlane v55, v4;
	v60 =	vld [tilespmem:s25+$0xBC0]  }
0xf0: {  	v19 =	vadd.f32 v59, v19;
	v36 =	vperm.xlane v7, v4;
	v37 =	vsel vm2, v7, v34;
	v7 =	vld [tilespmem:$0x1FEE0]  }
0xf1: {  	v2 =	vsel vm2, v30, v2;
	v47 =	vperm.xlane v3, v4;
	v62 =	vld [tilespmem:s25+$0xC00];
	v33 =	vperm.xlane v32, v4  }
0xf2: {  	v52 =	vld [tilespmem:s25+$0xB60];
	v0 =	vadd.f32 v24, v0;
	v3 =	vsel vm2, v21, v3;
	v19 =	vadd.f32 v63, v19  }
0xf3: {  	v27 =	vsel vm2, v27, v47;
	v47 =	vperm.xlane v28, v4;
	v23 =	vsel vm2, v33, v55;
	v33 =	vld [tilespmem:s25+$0xC40]  }
0xf4: {  	v24 =	vld [tilespmem:s25+$0xC90];
	v25 =	vperm.xlane v26, v4;
	v19 =	vadd.f32 v0, v19;
	v0 =	vsel vm2, v32, v31  }
0xf5: {  	v57 =	vld [tilespmem:s25+$0xBB0];
	v31 =	vadd.f32 v2, v1;
	v38 =	vsel vm2, v36, v18;
	v18 =	vperm.xlane v7, v4  }
0xf6: {  	v62 =	vmul.f32 v62, v9;
	v36 =	vld [tilespmem:s25+$0xC20];
	v20 =	vadd.f32 v38, v37;
	v37 =	vadd.f32 v3, v27  }
0xf7: {  	v59 =	vld [tilespmem:s25+$0xBD0];
	v23 =	vadd.f32 v23, v0;
	v17 =	vsel vm2, v18, v17;
	v18 =	vperm.xlane v8, v4  }
0xf8: {  	v63 =	vld [tilespmem:s25+$0xC10];
	v33 =	vmul.f32 v33, v13;
	v2 =	vsel vm2, v7, v40;
	v21 =	vperm.xlane v37, v61  }
0xf9: {  	v55 =	vld [tilespmem:s25+$0xBE0];
	v0 =	vperm.xlane v20, v61;
	v8 =	vsel vm2, v25, v8;
	v3 =	vsel vm2, v26, v18  }
0xfa: {  	v38 =	vld [tilespmem:s25+$0xC30];
	v18 =	vperm.xlane v5, v4;
	v34 =	vadd.f32 v8, v3;
	v3 =	vperm.xlane v19, v4  }
0xfb: {  	v27 =	vld [tilespmem:s25+$0xC60];
	v36 =	vmul.f32 v36, v11;
	v17 =	vadd.f32 v17, v2;
	v8 =	vperm.xlane v29, v4  }
0xfc: {  	v7 =	vld [tilespmem:s25+$0xD30];
	v5 =	vsel vm2, v47, v5;
	v18 =	vsel vm2, v28, v18;
	v29 =	vsel vm2, v29, v3  }
0xfd: {  	v25 =	vld [tilespmem:s25+$0xC80];
	v8 =	vsel vm2, v8, v19;
	v19 =	vperm.xlane v31, v61;
	v40 =	vadd.f32 v5, v18  }
0xfe: {  	v26 =	vld [tilespmem:s25+$0xC50];
	v1 =	vperm.xlane v17, v61;
	v30 =	vperm.xlane v34, v61;
	v29 =	vadd.f32 v8, v29  }
0xff: {  	v47 =	vld [tilespmem:$0x1FFE0];
	v18 =	vsel vm0, v31, v21;
	v19 =	vsel vm0, v19, v37;
	v37 =	vperm.xlane v40, v61  }
0x100: {  	v28 =	vld [tilespmem:s25+$0xC70];
	v31 =	vperm.xlane v23, v61;
	v23 =	vsel vm0, v23, v30;
	v30 =	vperm.xlane v29, v61  }
0x101: {  	v36 =	vadd.f32 v36, v62;
	v0 =	vsel vm0, v0, v40;
	v40 =	vld [tilespmem:$0x1FFE0];
	v37 =	vsel vm0, v20, v37  }
0x102: {  	v1 =	vsel vm0, v1, v29;
	v0 =	vadd.f32 v0, v37;
	v30 =	vsel vm0, v17, v30;
	v37 =	vld [tilespmem:$0x1FFE0]  }
0x103: {  	v1 =	vadd.f32 v1, v30;
	v30 =	vld [tilespmem:$0x1FFE0]  }
0x104: {  	v33 =	vadd.f32 v33, v36;
	v36 =	vld [tilespmem:s25+$0xEC0]  }
0x105: {  	v21 =	vld [tilespmem:s25+$0xCA0];
	v31 =	vsel vm0, v31, v34;
	v32 =	vadd.f32 v19, v18  }
0x106: {  	v27 =	vmul.f32 v27, v15;
	v3 =	vld [tilespmem:$0x1FFF0];
	v23 =	vadd.f32 v31, v23  }
0x107: {  	v5 =	vld [tilespmem:$0x1FF10];
	v34 =	vperm.xlane v0, v40;
	v40 =	vperm.xlane v32, v47  }
0x108: {  	v8 =	vld [tilespmem:s25+$0xD70];
	v2 =	vperm.xlane v23, v37;
	v47 =	vperm.xlane v1, v30  }
0x109: {  	v27 =	vadd.f32 v27, v33;
	v33 =	vld [tilespmem:s25+$0xEE0]  }
0x10a: {  	v37 =	vld [tilespmem:$0x1FFF0];
	v1 =	vsel vm1, v2, v1;
	v23 =	vsel vm1, v23, v47  }
0x10b: {  	v1 =	vadd.f32 v1, v23;
	v23 =	vld [tilespmem:$0x1FEF0]  }
0x10c: {  	v18 =	vld [tilespmem:s25+$0xCB0]  }
0x10d: {  	v19 =	vld [tilespmem:s25+$0xCC0]  }
0x10e: {  	v63 =	vmul.f32 v63, v10;
	v38 =	vmul.f32 v38, v12;
	v29 =	vld [tilespmem:s25+$0xCF0];
	v32 =	vsel vm1, v32, v34  }
0x10f: {  	v0 =	vsel vm1, v40, v0;
	v2 =	vperm.xlane v1, v37;
	v37 =	vmul.f32 v5, v14;
	v5 =	vld [tilespmem:$0x1FF20]  }
0x110: {  	v39 =	vmul.f32 v39, v11;
	v0 =	vadd.f32 v0, v32;
	v32 =	vld [tilespmem:$0x1FF00];
	v23 =	vmul.f32 v23, v9  }
0x111: {  	v38 =	vadd.f32 v38, v63;
	v26 =	vmul.f32 v26, v14;
	v31 =	vld [tilespmem:s25+$0xD00]  }
0x112: {  	v35 =	vmul.f32 v35, v13;
	v20 =	vld [tilespmem:s25+$0xCD0];
	v23 =	vadd.f32 v39, v23  }
0x113: {  	v26 =	vadd.f32 v26, v38;
	v38 =	vld [tilespmem:s25+$0xED0];
	v3 =	vperm.xlane v0, v3  }
0x114: {  	v0 =	vsel vm3, v0, v2;
	v2 =	vadd.f32 v35, v23;
	v23 =	vmul.f32 v5, v15;
	v5 =	vld [tilespmem:$0x1FF30]  }
0x115: {  	v22 =	vmul.f32 v22, v12;
	v17 =	vld [tilespmem:s25+$0xCE0];
	v32 =	vmul.f32 v32, v10  }
0x116: {  	v24 =	vmul.f32 v24, v10;
	v18 =	vmul.f32 v18, v12;
	v34 =	vld [tilespmem:s25+$0xD20]  }
0x117: {  	v40 =	vld [tilespmem:s25+$0xD40];
	v22 =	vadd.f32 v22, v32  }
0x118: {  	v18 =	vadd.f32 v18, v24;
	v24 =	vld [tilespmem:s25+$0xF60]  }
0x119: {  	v30 =	vld [tilespmem:s25+$0xD10];
	v1 =	vsel vm3, v3, v1;
	v3 =	vadd.f32 v37, v22;
	v37 =	vmul.f32 v5, v16  }
0x11a: {  	v20 =	vmul.f32 v20, v14;
	v5 =	vld [tilespmem:$0x1FF40]  }
0x11b: {  	v3 =	vadd.f32 v37, v3;
	v37 =	vld [tilespmem:$0x1FF50]  }
0x11c: {  	v18 =	vadd.f32 v20, v18;
	v20 =	vld [tilespmem:s25+$0xF70]  }
0x11d: {  	v47 =	vld [tilespmem:s25+$0xD50]  }
0x11e: {  	v42 =	vmul.f32 v42, v11;
	v62 =	vmul.f32 v40, v13;
	v40 =	vld [tilespmem:s25+$0xF50];
	v0 =	vadd.f32 v1, v0  }
0x11f: {  	v32 =	vld [tilespmem:s25+$0xD90];
	v1 =	vmul.f32 v44, v13;
	v2 =	vadd.f32 v23, v2;
	v23 =	vmul.f32 v5, v9  }
0x120: {  	v44 =	vld [tilespmem:s25+$0xDE0];
	v22 =	vmul.f32 v37, v10;
	v37 =	vmul.f32 v6, v12  }
0x121: {  	v39 =	vld [tilespmem:s25+$0xD60];
	[tilespmem:$0x1FF80] =	vst v0;
	v0 =	vadd.f32 v42, v23  }
0x122: {  	v35 =	vld [tilespmem:s25+$0xD80];
	v23 =	vadd.f32 v3, v2;
	v3 =	vmul.f32 v45, v14;
	v2 =	vadd.f32 v37, v22  }
0x123: {  	v5 =	vld [tilespmem:s25+$0xDA0]  }
0x124: {  	v2 =	vadd.f32 v3, v2;
	v3 =	vmul.f32 v43, v10;
	v43 =	vmul.f32 v49, v12;
	v49 =	vld [tilespmem:$0x1FF60]  }
0x125: {  	v6 =	vld [tilespmem:s25+$0xDB0]  }
0x126: {  	v48 =	vmul.f32 v48, v11;
	v42 =	vld [tilespmem:s25+$0xDC0];
	v0 =	vadd.f32 v1, v0;
	v1 =	vmul.f32 v46, v9  }
0x127: {  	v45 =	vld [tilespmem:s25+$0xDF0]  }
0x128: {  	v22 =	vld [tilespmem:s25+$0xDD0];
	v37 =	vmul.f32 v50, v13;
	v1 =	vadd.f32 v48, v1  }
0x129: {  	v3 =	vadd.f32 v43, v3;
	v43 =	vmul.f32 v51, v14;
	v46 =	vmul.f32 v49, v15;
	v49 =	vld [tilespmem:$0x1FF70]  }
0x12a: {  	v52 =	vmul.f32 v52, v15;
	v50 =	vld [tilespmem:s25+$0xE10];
	v1 =	vadd.f32 v37, v1  }
0x12b: {  	v48 =	vld [tilespmem:s25+$0xE00];
	v3 =	vadd.f32 v43, v3;
	v43 =	vmul.f32 v53, v16  }
0x12c: {  	v58 =	vmul.f32 v58, v11;
	v37 =	vmul.f32 v41, v9;
	v51 =	vld [tilespmem:s25+$0xE40];
	v1 =	vadd.f32 v52, v1  }
0x12d: {  	v41 =	vld [tilespmem:s25+$0xE60];
	v52 =	vmul.f32 v57, v12;
	v3 =	vadd.f32 v43, v3;
	v43 =	vmul.f32 v54, v10  }
0x12e: {  	v53 =	vld [tilespmem:s25+$0xE50];
	v57 =	vadd.f32 v58, v37;
	v58 =	vmul.f32 v60, v13;
	v49 =	vmul.f32 v49, v16  }
0x12f: {  	v60 =	vmul.f32 v59, v14;
	v37 =	vld [tilespmem:s25+$0xEA0];
	v1 =	vadd.f32 v3, v1;
	v3 =	vadd.f32 v52, v43  }
0x130: {  	v59 =	vmul.f32 v34, v11;
	v34 =	vld [tilespmem:s25+$0xF40];
	v0 =	vadd.f32 v46, v0;
	v2 =	vadd.f32 v49, v2  }
0x131: {  	v56 =	vmul.f32 v56, v16;
	v55 =	vmul.f32 v55, v15;
	v54 =	vld [tilespmem:s25+$0xE80];
	v3 =	vadd.f32 v60, v3  }
0x132: {  	v7 =	vmul.f32 v7, v12;
	v46 =	vld [tilespmem:s25+$0xE20];
	v2 =	vadd.f32 v2, v0;
	v0 =	vadd.f32 v58, v57  }
0x133: {  	v25 =	vmul.f32 v25, v9;
	v28 =	vmul.f32 v28, v16;
	v52 =	vld [tilespmem:s25+$0xE70]  }
0x134: {  	v21 =	vmul.f32 v21, v11;
	v43 =	vld [tilespmem:s25+$0xEB0];
	v3 =	vadd.f32 v56, v3;
	v0 =	vadd.f32 v55, v0  }
0x135: {  	v28 =	vadd.f32 v28, v26;
	v8 =	vmul.f32 v8, v16;
	v60 =	vmul.f32 v30, v10;
	v49 =	vld [tilespmem:s25+$0xE30]  }
0x136: {  	v56 =	vld [tilespmem:s25+$0x1010];
	v57 =	vadd.f32 v21, v25;
	v26 =	vadd.f32 v3, v0;
	v3 =	vmul.f32 v19, v13  }
0x137: {  	v33 =	vmul.f32 v33, v15;
	v63 =	vmul.f32 v29, v16;
	v7 =	vadd.f32 v7, v60;
	v60 =	vld [tilespmem:s25+$0x1040]  }
0x138: {  	v27 =	vadd.f32 v28, v27;
	v58 =	vld [tilespmem:s25+$0xE90];
	v0 =	vadd.f32 v3, v57;
	v3 =	vmul.f32 v31, v9  }
0x139: {  	v17 =	vmul.f32 v17, v15;
	v18 =	vadd.f32 v63, v18;
	v30 =	vmul.f32 v47, v14;
	v55 =	vld [tilespmem:s25+$0xEF0]  }
0x13a: {  	v20 =	vmul.f32 v20, v16;
	v5 =	vmul.f32 v5, v11;
	v31 =	vld [tilespmem:s25+$0xF30];
	v3 =	vadd.f32 v59, v3  }
0x13b: {  	v6 =	vmul.f32 v6, v12;
	v37 =	vmul.f32 v37, v11;
	v7 =	vadd.f32 v30, v7;
	v59 =	vld [tilespmem:s25+$0x1030]  }
0x13c: {  	v21 =	vld [tilespmem:s25+$0xF10];
	v0 =	vadd.f32 v17, v0;
	v17 =	vmul.f32 v39, v15;
	v3 =	vadd.f32 v62, v3  }
0x13d: {  	v43 =	vmul.f32 v43, v12;
	v25 =	vld [tilespmem:s25+$0xF20];
	v7 =	vadd.f32 v8, v7;
	v8 =	vmul.f32 v32, v10  }
0x13e: {  	v32 =	vld [tilespmem:s25+$0xF90];
	v58 =	vmul.f32 v58, v10;
	v3 =	vadd.f32 v17, v3;
	v17 =	vmul.f32 v35, v9  }
0x13f: {  	v19 =	vld [tilespmem:s25+$0xF00];
	v63 =	vmul.f32 v55, v16;
	v29 =	vadd.f32 v18, v0;
	v62 =	vmul.f32 v31, v12  }
0x140: {  	v57 =	vld [tilespmem:s25+$0x1020];
	v55 =	vmul.f32 v59, v12;
	v47 =	vadd.f32 v5, v17;
	v5 =	vmul.f32 v42, v13  }
0x141: {  	v39 =	vld [tilespmem:s25+$0xFD0];
	v28 =	vadd.f32 v7, v3;
	v3 =	vadd.f32 v6, v8;
	v6 =	vmul.f32 v22, v14  }
0x142: {  	v18 =	vld [tilespmem:s25+$0xFC0];
	v8 =	vmul.f32 v46, v11;
	v0 =	vadd.f32 v5, v47;
	v5 =	vmul.f32 v48, v9  }
0x143: {  	v17 =	vld [tilespmem:s25+$0xFA0];
	v3 =	vadd.f32 v6, v3;
	v6 =	vmul.f32 v50, v10;
	v48 =	vmul.f32 v49, v12  }
0x144: {  	v7 =	vld [tilespmem:s25+$0xFB0];
	v49 =	vmul.f32 v44, v15;
	v5 =	vadd.f32 v8, v5;
	v8 =	vmul.f32 v51, v13  }
0x145: {  	v31 =	vld [tilespmem:s25+$0x1070];
	v50 =	vmul.f32 v45, v16;
	v6 =	vadd.f32 v48, v6;
	v51 =	vmul.f32 v53, v14  }
0x146: {  	v35 =	vld [tilespmem:s25+$0xF80];
	v0 =	vadd.f32 v49, v0;
	v5 =	vadd.f32 v8, v5;
	v8 =	vmul.f32 v41, v15  }
0x147: {  	v59 =	vld [tilespmem:s25+$0x1120];
	v3 =	vadd.f32 v50, v3;
	v53 =	vmul.f32 v52, v16;
	v6 =	vadd.f32 v51, v6  }
0x148: {  	v22 =	vld [tilespmem:s25+$0x1050];
	v17 =	vmul.f32 v17, v11;
	v5 =	vadd.f32 v8, v5;
	v8 =	vmul.f32 v54, v9  }
0x149: {  	v42 =	vld [tilespmem:s25+$0xFE0];
	v7 =	vmul.f32 v7, v12;
	v30 =	vadd.f32 v3, v0;
	v6 =	vadd.f32 v53, v6  }
0x14a: {  	v46 =	vld [tilespmem:s25+$0x1170];
	v51 =	vmul.f32 v32, v10;
	v3 =	vadd.f32 v37, v8;
	v8 =	vmul.f32 v36, v13  }
0x14b: {  	v45 =	vld [tilespmem:s25+$0xFF0];
	v0 =	vadd.f32 v6, v5;
	v5 =	vadd.f32 v43, v58;
	v6 =	vmul.f32 v38, v14  }
0x14c: {  	v50 =	vld [tilespmem:s25+$0x10C0];
	v3 =	vadd.f32 v8, v3;
	v8 =	vmul.f32 v19, v9;
	v19 =	vmul.f32 v25, v11  }
0x14d: {  	v44 =	vld [tilespmem:s25+$0x1160];
	v22 =	vmul.f32 v22, v14;
	v5 =	vadd.f32 v6, v5;
	v6 =	vmul.f32 v21, v10  }
0x14e: {  	v48 =	vld [tilespmem:s25+$0x10A0];
	v7 =	vadd.f32 v7, v51;
	v8 =	vadd.f32 v19, v8;
	v19 =	vmul.f32 v34, v13  }
0x14f: {  	v49 =	vld [tilespmem:s25+$0x10B0];
	v53 =	vmul.f32 v57, v11;
	v43 =	vmul.f32 v40, v14;
	v6 =	vadd.f32 v62, v6  }
0x150: {  	v52 =	vld [tilespmem:s25+$0x10D0];
	v57 =	vmul.f32 v42, v15;
	v8 =	vadd.f32 v19, v8;
	v19 =	vmul.f32 v24, v15  }
0x151: {  	v54 =	vld [tilespmem:s25+$0x1100];
	v47 =	vmul.f32 v50, v13;
	v3 =	vadd.f32 v33, v3;
	v6 =	vadd.f32 v43, v6  }
0x152: {  	v41 =	vld [tilespmem:s25+$0x1000];
	v5 =	vadd.f32 v63, v5;
	v8 =	vadd.f32 v19, v8;
	v19 =	vmul.f32 v35, v9  }
0x153: {  	v38 =	vld [tilespmem:s25+$0x1090];
	v58 =	vmul.f32 v60, v13;
	v60 =	vmul.f32 v45, v16;
	v6 =	vadd.f32 v20, v6  }
0x154: {  	v25 =	vld [tilespmem:s25+$0x1060];
	v3 =	vadd.f32 v5, v3;
	v5 =	vadd.f32 v17, v19;
	v17 =	vmul.f32 v18, v13  }
0x155: {  	v21 =	vmul.f32 v49, v12;
	v34 =	vld [tilespmem:s25+$0x1080];
	v6 =	vadd.f32 v6, v8;
	v8 =	vmul.f32 v39, v14  }
0x156: {  	v42 =	vld [tilespmem:s25+$0x1150];
	v49 =	vmul.f32 v52, v14;
	v52 =	vmul.f32 v54, v9;
	v5 =	vadd.f32 v17, v5  }
0x157: {  	v51 =	vld [tilespmem:s25+$0x11A0];
	v17 =	vmul.f32 v41, v9;
	v7 =	vadd.f32 v8, v7;
	v8 =	vmul.f32 v56, v10  }
0x158: {  	v54 =	vld [tilespmem:s25+$0x11B0];
	v45 =	vmul.f32 v38, v10;
	v24 =	vmul.f32 v48, v11  }
0x159: {  	v63 =	vmul.f32 v25, v15;
	v18 =	vld [tilespmem:s25+$0x10E0];
	v17 =	vadd.f32 v53, v17;
	v8 =	vadd.f32 v55, v8  }
0x15a: {  	v62 =	vld [tilespmem:s25+$0x1130];
	v43 =	vmul.f32 v34, v9;
	v5 =	vadd.f32 v57, v5;
	v7 =	vadd.f32 v60, v7  }
0x15b: {  	v56 =	vld [tilespmem:s25+$0x1110];
	v41 =	vmul.f32 v31, v16;
	v17 =	vadd.f32 v58, v17;
	v8 =	vadd.f32 v22, v8  }
0x15c: {  	v38 =	vmul.f32 v46, v16;
	v19 =	vld [tilespmem:s25+$0x10F0];
	v5 =	vadd.f32 v7, v5;
	v7 =	vadd.f32 v24, v43  }
0x15d: {  	v40 =	vld [tilespmem:s25+$0x1140];
	v20 =	vmul.f32 v51, v11;
	v17 =	vadd.f32 v63, v17;
	v8 =	vadd.f32 v41, v8  }
0x15e: {  	v48 =	vld [tilespmem:s25+$0x1180];
	v37 =	vmul.f32 v54, v12;
	v18 =	vmul.f32 v18, v15;
	v7 =	vadd.f32 v47, v7  }
0x15f: {  	v31 =	vmul.f32 v42, v14;
	v8 =	vadd.f32 v8, v17;
	v17 =	vadd.f32 v21, v45  }
0x160: {  	v50 =	vld [tilespmem:s25+$0x1190];
	v55 =	vmul.f32 v62, v12;
	v7 =	vadd.f32 v18, v7;
	v18 =	vmul.f32 v56, v10  }
0x161: {  	v53 =	vmul.f32 v59, v11;
	v60 =	vld [tilespmem:s25+$0x11E0];
	v19 =	vmul.f32 v19, v16;
	v17 =	vadd.f32 v49, v17  }
0x162: {  	v57 =	vmul.f32 v40, v13;
	v59 =	vmul.f32 v44, v15;
	v58 =	vld [tilespmem:s25+$0x11D0];
	v18 =	vadd.f32 v55, v18  }
0x163: {  	v62 =	vmul.f32 v48, v9;
	v56 =	vld [tilespmem:s25+$0x11C0];
	v17 =	vadd.f32 v19, v17;
	v19 =	vadd.f32 v53, v52  }
0x164: {  	v44 =	vperm.xlane v2, v4;
	v48 =	vperm.xlane v27, v4  }
0x165: {  	v22 =	vmul.f32 v50, v10;
	v63 =	vld [tilespmem:s25+$0x11F0];
	v18 =	vadd.f32 v31, v18;
	v19 =	vadd.f32 v57, v19  }
0x166: {  	v20 =	vadd.f32 v20, v62;
	v50 =	vperm.xlane v30, v4;
	v41 =	vperm.xlane v0, v4  }
0x167: {  	v40 =	vmul.f32 v60, v15;
	v18 =	vadd.f32 v38, v18;
	v19 =	vadd.f32 v59, v19  }
0x168: {  	v22 =	vadd.f32 v37, v22;
	v25 =	vmul.f32 v58, v14;
	v39 =	vmul.f32 v56, v13  }
0x169: {  	v7 =	vadd.f32 v17, v7;
	v17 =	vadd.f32 v18, v19;
	v18 =	vperm.xlane v23, v4  }
0x16a: {  	v22 =	vadd.f32 v25, v22;
	v24 =	vmul.f32 v63, v16;
	v20 =	vadd.f32 v39, v20  }
0x16b: {  	v43 =	vsel vm2, v23, v41;
	v0 =	vsel vm2, v18, v0;
	v18 =	vperm.xlane v3, v4  }
0x16c: {  	v45 =	vperm.xlane v6, v4;
	v42 =	vadd.f32 v24, v22;
	v19 =	vadd.f32 v40, v20  }
0x16d: {  	v49 =	vperm.xlane v29, v4;
	v2 =	vsel vm2, v2, v18;
	v18 =	vperm.xlane v1, v4  }
0x16e: {  	v19 =	vadd.f32 v42, v19;
	v3 =	vsel vm2, v44, v3;
	v1 =	vsel vm2, v1, v45  }
0x16f: {  	v2 =	vadd.f32 v3, v2;
	v3 =	vsel vm2, v18, v6;
	v6 =	vperm.xlane v5, v4  }
0x170: {  	v18 =	vperm.xlane v26, v4;
	v1 =	vadd.f32 v3, v1;
	v3 =	vperm.xlane v8, v4  }
0x171: {  	v0 =	vadd.f32 v0, v43;
	v8 =	vsel vm2, v48, v8;
	v6 =	vsel vm2, v26, v6  }
0x172: {  	v5 =	vsel vm2, v18, v5;
	v18 =	vperm.xlane v7, v4;
	v3 =	vsel vm2, v27, v3  }
0x173: {  	v7 =	vsel vm2, v49, v7;
	v5 =	vadd.f32 v5, v6;
	v3 =	vadd.f32 v8, v3  }
0x174: {  	v6 =	vsel vm2, v29, v18;
	v8 =	vperm.xlane v17, v4;
	v18 =	vperm.xlane v28, v4  }
0x175: {  	v51 =	vperm.xlane v0, v61;
	v6 =	vadd.f32 v7, v6;
	v7 =	vperm.xlane v19, v4  }
0x176: {  	v8 =	vsel vm2, v28, v8;
	v17 =	vsel vm2, v18, v17;
	v18 =	vperm.xlane v3, v61  }
0x177: {  	v46 =	vld [tilespmem:$0x1FF90];
	v19 =	vsel vm2, v50, v19;
	v7 =	vsel vm2, v30, v7;
	v8 =	vadd.f32 v17, v8  }
0x178: {  	v47 =	vld [tilespmem:$0x1FF80];
	v3 =	vsel vm0, v51, v3;
	v7 =	vadd.f32 v19, v7;
	v0 =	vsel vm0, v0, v18  }
0x179: {  	v19 =	vperm.xlane v1, v61;
	v0 =	vadd.f32 v3, v0;
	v3 =	vperm.xlane v8, v61  }
0x17a: {  	v17 =	vperm.xlane v6, v61  }
0x17b: {  	v18 =	vperm.xlane v2, v61;
	v1 =	vsel vm0, v1, v3;
	v3 =	vsel vm0, v19, v8;
	v19 =	vld [tilespmem:$0x1FFE0]  }
0x17c: {  	v52 =	vperm.xlane v5, v61;
	v2 =	vsel vm0, v2, v17;
	v17 =	vperm.xlane v7, v61  }
0x17d: {  	v21 =	vadd.f32 v47, v46;
	v6 =	vsel vm0, v18, v6  }
0x17e: {  	v1 =	vadd.f32 v3, v1;
	v3 =	vsel vm0, v5, v17;
	v5 =	vsel vm0, v52, v7  }
0x17f: {  	v2 =	vadd.f32 v6, v2;
	v7 =	vand.u32 $0x7FFFFFFF, v21;
	v3 =	vadd.f32 v5, v3  }
0x180: {  	v5 =	vadd.f32 v7, v7;
	v6 =	vperm.xlane v1, v19;
	v7 =	vperm.xlane v0, v19  }
0x181: {  	v18 =	vld [tilespmem:$0x1FFF0];
	v8 =	vperm.xlane v3, v19;
	v17 =	vperm.xlane v2, v19  }
0x182: {  	v5 =	vmul.f32 $1.442695020e+00, v5;
	v0 =	vsel vm1, v0, v6  }
0x183: {  	v1 =	vsel vm1, v7, v1;
	v2 =	vsel vm1, v2, v8;
	v3 =	vsel vm1, v17, v3  }
0x184: {  	v0 =	vadd.f32 v1, v0;
	v54 =	vadd.f32 v3, v2  }
0x185: {  	(erf) = vpow2.f32 v5  }
0x186: {  	v2 =	vperm.xlane v54, v18;
	v3 =	vperm.xlane v0, v18;
	_ =	sdelay $0x1  }
0x187: {  	v0 =	vsel vm3, v0, v2;
	v1 =	vsel vm3, v3, v54  }
0x188: {  	v0 =	vadd.f32 v1, v0;
	_ =	sdelay $0x1  }
0x189: {  	v0 =	vadd.f32 v0, v46;
	_ =	sdelay $0x1  }
0x18a: {  	v55 =	vand.u32 $0x7FFFFFFF, v0  }
0x18b: {  	v56 =	vpop (erf);
	v1 =	vadd.f32 v55, v55  }
0x18c: {  	v2 =	vadd.f32 $1.000000000e+00, v56  }
0x18d: {  	v1 =	vmul.f32 $1.442695020e+00, v1  }
0x18e: {  	(erf) = vrcp.f32 v2  }
0x18f: {  	(erf) = vpow2.f32 v1;
	_ =	sdelay $0x7  }
0x190: {  	v57 =	vpop (erf)  }
0x191: {  	v58 =	vpop (erf)  }
0x192: {  	v2 =	vadd.f32 $1.000000000e+00, v58;
	_ =	sdelay $0x1  }
0x193: {  	(erf) = vrcp.f32 v2;
	_ =	sdelay $0x4  }
0x194: {  	s30 =	sshll.u32 s24, $0x4;
	v53 =	vld [tilespmem:$0x1FFB0]  }
0x195: {  	v59 =	vld [tilespmem:s30+$0x10200]  }
0x196: {  	v17 =	vld [tilespmem:$0x1FFA0]  }
0x197: {  	v3 =	vld [tilespmem:s30+$0x10400];
	v1 =	vadd.f32 v57, v57  }
0x198: {  	v6 =	vld [tilespmem:s30+$0x10210];
	v5 =	vpop (erf)  }
0x199: {  	v7 =	vld [tilespmem:s30+$0x10410];
	v1 =	vsub.f32 $1.000000000e+00, v1;
	v5 =	vadd.f32 v5, v5  }
0x19a: {  	v60 =	vld [tilespmem:$0x1FFC0]  }
0x19b: {  	v8 =	vsub.f32 $0.0e+00, v1;
	v5 =	vsub.f32 $1.000000000e+00, v5  }
0x19c: {  	vm4 =	vlt.f32 v21, $0.0e+00;
	v3 =	vmul.f32 v3, v53  }
0x19d: {  	v1 =	vsel vm4, v8, v1;
	v2 =	vmul.f32 v59, v17;
	v8 =	vsub.f32 $0.0e+00, v5  }
0x19e: {  	v63 =	vld [tilespmem:$0x1FFD0];
	v62 =	vmul.f32 v6, v17;
	v6 =	vmul.f32 v7, v53;
	vm4 =	vlt.f32 v0, $0.0e+00  }
0x19f: {  	v1 =	vmul.f32 v1, v60;
	v2 =	vadd.f32 v3, v2;
	v3 =	vsel vm4, v8, v5  }
0x1a0: {  	v0 =	vadd.f32 v6, v62;
	v3 =	vmul.f32 v3, v60  }
0x1a1: {  	p0 =	slt.u32 s24, $0xE;
	v1 =	vadd.f32 v1, v2  }
.Ltmp0:
0x1a2: {  	v0 =	vadd.f32 v3, v0;
	(pc) =	sbr.rel @p0 .LBB2_2-.Ltmp0, $4  }
0x1a3: {  	v1 =	vadd.f32 v1, v63  }
0x1a4: {  	v0 =	vadd.f32 v0, v63  }
0x1a5: {  	s31 =	sadd.s32 $0x2, s24;
	[tilespmem:s30+$0x10700] =	vst v1  }
0x1a6: {  	s24 =	smov.u32 s31;
	[tilespmem:s30+$0x10710] =	vst v0  }
0x1a7: {  	_ =	swait.ge [sflag:s21], $0x8000  }
0x1a8: {  	[sflag:s21] =	ssyncset.done $0x0  }
0x1a9: {  	s24 =	simm.s32 $0x0;
	[sflag:s21] =	ssyncadd.s32 $0xFFFF8000  }
.LBB2_4:
0x1aa: {  	s25 =	sshll.u32 s24, $0xB  }
0x1ab: {  	s25 =	sand.u32 $0x3FFFF800, s25  }
0x1ac: {  	v58 =	vld [tilespmem:s25+$0x8550];
	_ =	sdelay $0x4  }
0x1ad: {  	[tilespmem:$0x1FB30] =	vst v58;
	v58 =	vld [tilespmem:s25+$0x8560];
	_ =	sdelay $0x4  }
0x1ae: {  	[tilespmem:$0x1FB90] =	vst v58;
	v58 =	vld [tilespmem:s25+$0x8570];
	_ =	sdelay $0x4  }
0x1af: {  	[tilespmem:$0x1FBA0] =	vst v58;
	v58 =	vld [tilespmem:s25+$0x8580];
	_ =	sdelay $0x4  }
0x1b0: {  	[tilespmem:$0x1FB40] =	vst v58;
	v58 =	vld [tilespmem:s25+$0x8590];
	_ =	sdelay $0x4  }
0x1b1: {  	[tilespmem:$0x1FB50] =	vst v58;
	v58 =	vld [tilespmem:s25+$0x85B0];
	_ =	sdelay $0x4  }
0x1b2: {  	[tilespmem:$0x1FB60] =	vst v58;
	v58 =	vld [tilespmem:s25+$0x85C0];
	_ =	sdelay $0x2  }
0x1b3: {  	v5 =	vld [tilespmem:s25+$0x8200]  }
0x1b4: {  	v6 =	vld [tilespmem:s25+$0x8210]  }
0x1b5: {  	[tilespmem:$0x1FB70] =	vst v58;
	v58 =	vld [tilespmem:s25+$0x85D0]  }
0x1b6: {  	v8 =	vld [tilespmem:s25+$0x8220]  }
0x1b7: {  	v18 =	vld [tilespmem:s25+$0x8230]  }
0x1b8: {  	v19 =	vld [tilespmem:s25+$0x8240]  }
0x1b9: {  	v20 =	vld [tilespmem:s25+$0x8250]  }
0x1ba: {  	[tilespmem:$0x1FB80] =	vst v58;
	v58 =	vld [tilespmem:s25+$0x85E0]  }
0x1bb: {  	v21 =	vld [tilespmem:s25+$0x8260]  }
0x1bc: {  	v26 =	vld [tilespmem:s25+$0x8270]  }
0x1bd: {  	v30 =	vld [tilespmem:s25+$0x8280]  }
0x1be: {  	v32 =	vld [tilespmem:s25+$0x8290]  }
0x1bf: {  	[tilespmem:$0x1FBB0] =	vst v58;
	v58 =	vld [tilespmem:s25+$0x85F0]  }
0x1c0: {  	v39 =	vld [tilespmem:s25+$0x82A0]  }
0x1c1: {  	v40 =	vld [tilespmem:s25+$0x82B0]  }
0x1c2: {  	v41 =	vld [tilespmem:s25+$0x82C0]  }
0x1c3: {  	v46 =	vld [tilespmem:s25+$0x82D0]  }
0x1c4: {  	[tilespmem:$0x1FBC0] =	vst v58;
	v58 =	vld [tilespmem:s25+$0x8600]  }
0x1c5: {  	v47 =	vld [tilespmem:s25+$0x82E0]  }
0x1c6: {  	v48 =	vld [tilespmem:s25+$0x82F0]  }
0x1c7: {  	v49 =	vld [tilespmem:s25+$0x8300]  }
0x1c8: {  	v52 =	vld [tilespmem:s25+$0x8310]  }
0x1c9: {  	[tilespmem:$0x1FBD0] =	vst v58;
	v58 =	vld [tilespmem:s25+$0x8610]  }
0x1ca: {  	v53 =	vld [tilespmem:s25+$0x8320]  }
0x1cb: {  	v54 =	vld [tilespmem:s25+$0x8330]  }
0x1cc: {  	v56 =	vld [tilespmem:s25+$0x8340]  }
0x1cd: {  	v60 =	vld [tilespmem:s25+$0x8350]  }
0x1ce: {  	[tilespmem:$0x1FBF0] =	vst v58;
	v58 =	vld [tilespmem:s25+$0x8620]  }
0x1cf: {  	v59 =	vld [tilespmem:s25+$0x8360]  }
0x1d0: {  	v62 =	vld [tilespmem:s25+$0x8370]  }
0x1d1: {  	v0 =	vld [tilespmem:s25+$0x8380]  }
0x1d2: {  	v2 =	vld [tilespmem:s25+$0x8390]  }
0x1d3: {  	[tilespmem:$0x1FBE0] =	vst v58;
	v58 =	vld [tilespmem:s25+$0x8630]  }
0x1d4: {  	v57 =	vld [tilespmem:s25+$0x83A0]  }
0x1d5: {  	v1 =	vld [tilespmem:s25+$0x83B0]  }
0x1d6: {  	v3 =	vld [tilespmem:s25+$0x83C0]  }
0x1d7: {  	v7 =	vld [tilespmem:s25+$0x83D0]  }
0x1d8: {  	[tilespmem:$0x1FC00] =	vst v58;
	v58 =	vld [tilespmem:s25+$0x8640]  }
0x1d9: {  	v17 =	vld [tilespmem:s25+$0x83E0]  }
0x1da: {  	v22 =	vld [tilespmem:s25+$0x83F0]  }
0x1db: {  	v24 =	vld [tilespmem:s25+$0x8400]  }
0x1dc: {  	v27 =	vld [tilespmem:s25+$0x8410]  }
0x1dd: {  	[tilespmem:$0x1FC10] =	vst v58;
	v58 =	vld [tilespmem:s25+$0x8650]  }
0x1de: {  	v23 =	vld [tilespmem:s25+$0x8420]  }
0x1df: {  	v25 =	vld [tilespmem:s25+$0x8430]  }
0x1e0: {  	v33 =	vld [tilespmem:s25+$0x8440]  }
0x1e1: {  	v29 =	vld [tilespmem:s25+$0x8450]  }
0x1e2: {  	[tilespmem:$0x1FC20] =	vst v58;
	v58 =	vld [tilespmem:s25+$0x8660]  }
0x1e3: {  	v42 =	vld [tilespmem:s25+$0x8460]  }
0x1e4: {  	v44 =	vld [tilespmem:s25+$0x8470]  }
0x1e5: {  	v31 =	vld [tilespmem:s25+$0x8480]  }
0x1e6: {  	v35 =	vld [tilespmem:s25+$0x8490]  }
0x1e7: {  	[tilespmem:$0x1FC50] =	vst v58;
	v58 =	vld [tilespmem:s25+$0x8670]  }
0x1e8: {  	v28 =	vld [tilespmem:s25+$0x84A0]  }
0x1e9: {  	v34 =	vld [tilespmem:s25+$0x84B0]  }
0x1ea: {  	v36 =	vld [tilespmem:s25+$0x84C0]  }
0x1eb: {  	v37 =	vld [tilespmem:s25+$0x84D0]  }
0x1ec: {  	[tilespmem:$0x1FC60] =	vst v58;
	v58 =	vld [tilespmem:s25+$0x8680]  }
0x1ed: {  	v38 =	vld [tilespmem:s25+$0x84E0]  }
0x1ee: {  	v43 =	vld [tilespmem:s25+$0x84F0]  }
0x1ef: {  	v63 =	vld [tilespmem:s25+$0x8500]  }
0x1f0: {  	v55 =	vld [tilespmem:s25+$0x8540]  }
0x1f1: {  	[tilespmem:$0x1FC30] =	vst v58;
	v58 =	vld [tilespmem:s25+$0x8690]  }
0x1f2: {  	v45 =	vld [tilespmem:s25+$0x8510];
	v5 =	vmul.f32 v5, v9;
	v8 =	vmul.f32 v8, v11  }
0x1f3: {  	v51 =	vld [tilespmem:s25+$0x8520];
	v6 =	vmul.f32 v6, v10;
	v18 =	vmul.f32 v18, v12  }
0x1f4: {  	v50 =	vld [tilespmem:s25+$0x8530];
	v40 =	vmul.f32 v40, v12;
	v5 =	vadd.f32 v8, v5  }
0x1f5: {  	[tilespmem:$0x1FB20] =	vst v55;
	v55 =	vld [tilespmem:s25+$0x85A0];
	v8 =	vmul.f32 v19, v13;
	v19 =	vmul.f32 v20, v14;
	v6 =	vadd.f32 v18, v6  }
0x1f6: {  	v18 =	vmul.f32 v30, v9;
	v30 =	vld [tilespmem:s25+$0x86C0];
	[tilespmem:$0x1FC40] =	vst v58;
	v58 =	vmul.f32 v39, v11  }
0x1f7: {  	v20 =	vld [tilespmem:s25+$0x87C0];
	v5 =	vadd.f32 v8, v5;
	v8 =	vmul.f32 v32, v10;
	v6 =	vadd.f32 v19, v6  }
0x1f8: {  	v19 =	vmul.f32 v41, v13;
	v41 =	vmul.f32 v21, v15;
	v21 =	vld [tilespmem:s25+$0x8760];
	v18 =	vadd.f32 v58, v18  }
0x1f9: {  	v32 =	vld [tilespmem:s25+$0x86B0];
	v8 =	vadd.f32 v40, v8;
	v40 =	vmul.f32 v47, v15  }
0x1fa: {  	v47 =	vld [tilespmem:s25+$0x86E0];
	v58 =	vmul.f32 v46, v14;
	v18 =	vadd.f32 v19, v18;
	v19 =	vmul.f32 v26, v16  }
0x1fb: {  	v5 =	vadd.f32 v41, v5;
	v41 =	vmul.f32 v48, v16;
	v48 =	vld [tilespmem:s25+$0x86F0]  }
0x1fc: {  	v8 =	vadd.f32 v58, v8;
	v6 =	vadd.f32 v19, v6;
	v19 =	vld [tilespmem:s25+$0x8700]  }
0x1fd: {  	[tilespmem:$0x1FC80] =	vst v21;
	v21 =	vld [tilespmem:s25+$0x87D0];
	v18 =	vadd.f32 v40, v18  }
0x1fe: {  	v1 =	vmul.f32 v1, v12;
	v39 =	vld [tilespmem:s25+$0x86A0];
	v8 =	vadd.f32 v41, v8;
	v5 =	vadd.f32 v6, v5  }
0x1ff: {  	v46 =	vld [tilespmem:s25+$0x86D0];
	v58 =	vmul.f32 v52, v10;
	v6 =	vmul.f32 v54, v12  }
0x200: {  	v52 =	vld [tilespmem:s25+$0x8720];
	v8 =	vadd.f32 v8, v18;
	v18 =	vmul.f32 v60, v14;
	v60 =	vmul.f32 v2, v10;
	[tilespmem:$0x1FC90] =	vst v5  }
0x201: {  	v26 =	vld [tilespmem:s25+$0x87A0];
	v5 =	vmul.f32 v53, v11;
	[tilespmem:$0x1FC70] =	vst v19;
	v19 =	vmul.f32 v49, v9  }
0x202: {  	v0 =	vmul.f32 v0, v9;
	v7 =	vmul.f32 v7, v14;
	v41 =	vld [tilespmem:s25+$0x8770];
	v6 =	vadd.f32 v6, v58  }
0x203: {  	v40 =	vld [tilespmem:s25+$0x8780];
	v1 =	vadd.f32 v1, v60;
	v5 =	vadd.f32 v5, v19;
	v19 =	vmul.f32 v57, v11  }
0x204: {  	v54 =	vld [tilespmem:s25+$0x8740];
	[tilespmem:$0x1FCA0] =	vst v8;
	v8 =	vmul.f32 v56, v13;
	v6 =	vadd.f32 v18, v6  }
0x205: {  	v3 =	vmul.f32 v3, v13;
	v53 =	vld [tilespmem:s25+$0x8730];
	v1 =	vadd.f32 v7, v1;
	v0 =	vadd.f32 v19, v0  }
0x206: {  	v56 =	vld [tilespmem:s25+$0x8750];
	v7 =	vmul.f32 v17, v15;
	v17 =	vmul.f32 v22, v16;
	v5 =	vadd.f32 v8, v5  }
0x207: {  	v60 =	vld [tilespmem:s25+$0x8790];
	v8 =	vmul.f32 v62, v16;
	v0 =	vadd.f32 v3, v0;
	v3 =	vmul.f32 v59, v15  }
0x208: {  	v58 =	vmul.f32 v38, v15;
	v38 =	vld [tilespmem:s25+$0x8890];
	v1 =	vadd.f32 v17, v1  }
0x209: {  	v49 =	vld [tilespmem:s25+$0x8710];
	v3 =	vadd.f32 v3, v5;
	v5 =	vadd.f32 v8, v6  }
0x20a: {  	v22 =	vld [tilespmem:s25+$0x87E0];
	v17 =	vmul.f32 v28, v11;
	v28 =	vmul.f32 v45, v10;
	v0 =	vadd.f32 v7, v0  }
0x20b: {  	v18 =	vld [tilespmem:s25+$0x87F0];
	v57 =	vadd.f32 v5, v3;
	v3 =	vmul.f32 v24, v9;
	v5 =	vmul.f32 v23, v11  }
0x20c: {  	v45 =	vld [tilespmem:$0x1FB30];
	v0 =	vadd.f32 v1, v0;
	v24 =	vmul.f32 v27, v10;
	v27 =	vmul.f32 v25, v12  }
0x20d: {  	v44 =	vmul.f32 v44, v16;
	v19 =	vld [tilespmem:s25+$0x87B0];
	v3 =	vadd.f32 v5, v3;
	v5 =	vmul.f32 v33, v13  }
0x20e: {  	v62 =	vld [tilespmem:s25+$0x8810];
	v7 =	vmul.f32 v29, v14;
	[tilespmem:$0x1FCB0] =	vst v0;
	v0 =	vadd.f32 v27, v24;
	v33 =	vmul.f32 v31, v9  }
0x20f: {  	v59 =	vld [tilespmem:s25+$0x8800];
	v3 =	vadd.f32 v5, v3;
	v5 =	vmul.f32 v35, v10;
	v35 =	vmul.f32 v34, v12  }
0x210: {  	v8 =	vld [tilespmem:s25+$0x8820];
	v0 =	vadd.f32 v7, v0;
	v1 =	vadd.f32 v17, v33;
	v7 =	vmul.f32 v36, v13  }
0x211: {  	v37 =	vmul.f32 v37, v14;
	v6 =	vld [tilespmem:s25+$0x8840];
	v17 =	vadd.f32 v35, v5  }
0x212: {  	v36 =	vmul.f32 v42, v15;
	v42 =	vadd.f32 v7, v1;
	v34 =	vadd.f32 v44, v0;
	v44 =	vld [tilespmem:$0x1FB20]  }
0x213: {  	v33 =	vmul.f32 v43, v16;
	v43 =	vmul.f32 v50, v12;
	v50 =	vld [tilespmem:$0x1FB40];
	v17 =	vadd.f32 v37, v17  }
0x214: {  	v7 =	vld [tilespmem:s25+$0x8830];
	v35 =	vmul.f32 v63, v9;
	v25 =	vadd.f32 v58, v42;
	v42 =	vmul.f32 v51, v11  }
0x215: {  	v5 =	vld [tilespmem:s25+$0x8850];
	v17 =	vadd.f32 v33, v17  }
0x216: {  	v23 =	vadd.f32 v42, v35;
	v35 =	vld [tilespmem:$0x1FB50]  }
0x217: {  	v17 =	vadd.f32 v17, v25;
	v25 =	vmul.f32 v44, v13;
	v44 =	vld [tilespmem:$0x1FB60]  }
0x218: {  	v51 =	vmul.f32 v50, v9;
	v50 =	vld [tilespmem:$0x1FB70]  }
0x219: {  	v58 =	vmul.f32 v55, v11;
	v55 =	vld [tilespmem:$0x1FB80]  }
0x21a: {  	v63 =	vld [tilespmem:s25+$0x8860]  }
0x21b: {  	v31 =	vmul.f32 v45, v14;
	v28 =	vadd.f32 v43, v28;
	v43 =	vld [tilespmem:s25+$0x88B0]  }
0x21c: {  	v3 =	vadd.f32 v36, v3;
	v1 =	vld [tilespmem:s25+$0x8940];
	v36 =	vmul.f32 v35, v10;
	v45 =	vmul.f32 v44, v12  }
0x21d: {  	v0 =	vmul.f32 v47, v15;
	v47 =	vld [tilespmem:s25+$0x8980];
	v24 =	vadd.f32 v58, v51;
	v51 =	vmul.f32 v50, v13  }
0x21e: {  	v58 =	vmul.f32 v55, v14;
	v35 =	vld [tilespmem:$0x1FB90];
	v29 =	vadd.f32 v45, v36  }
0x21f: {  	v24 =	vadd.f32 v51, v24;
	v51 =	vld [tilespmem:$0x1FBB0]  }
0x220: {  	v29 =	vadd.f32 v58, v29;
	v58 =	vld [tilespmem:$0x1FBC0]  }
0x221: {  	v27 =	vadd.f32 v34, v3;
	v3 =	vld [tilespmem:s25+$0x8870]  }
0x222: {  	v34 =	vld [tilespmem:$0x1FBF0]  }
0x223: {  	v45 =	vld [tilespmem:$0x1FBA0]  }
0x224: {  	v36 =	vmul.f32 v35, v15;
	v35 =	vld [tilespmem:$0x1FC00]  }
0x225: {  	v37 =	vld [tilespmem:s25+$0x8880];
	v55 =	vmul.f32 v51, v15;
	v2 =	vmul.f32 v58, v16  }
0x226: {  	v28 =	vadd.f32 v31, v28;
	v31 =	vld [tilespmem:$0x1FBD0];
	v23 =	vadd.f32 v25, v23  }
0x227: {  	v42 =	vld [tilespmem:s25+$0x88A0];
	v24 =	vadd.f32 v55, v24;
	v29 =	vadd.f32 v2, v29  }
0x228: {  	v33 =	vld [tilespmem:$0x1FBE0];
	v23 =	vadd.f32 v36, v23;
	v50 =	vmul.f32 v45, v16  }
0x229: {  	v25 =	vld [tilespmem:s25+$0x88D0];
	v36 =	vmul.f32 v35, v12;
	v29 =	vadd.f32 v29, v24;
	v24 =	vmul.f32 v34, v10  }
0x22a: {  	v34 =	vld [tilespmem:$0x1FC10]  }
0x22b: {  	v28 =	vadd.f32 v50, v28;
	v24 =	vadd.f32 v36, v24;
	v36 =	vld [tilespmem:$0x1FC30]  }
0x22c: {  	v44 =	vld [tilespmem:s25+$0x88C0]  }
0x22d: {  	v51 =	vld [tilespmem:s25+$0x8900];
	v28 =	vadd.f32 v28, v23;
	v23 =	vmul.f32 v31, v9;
	v31 =	vmul.f32 v33, v11  }
0x22e: {  	v35 =	vld [tilespmem:$0x1FC20]  }
0x22f: {  	v55 =	vld [tilespmem:s25+$0x8910];
	v23 =	vadd.f32 v31, v23;
	v31 =	vmul.f32 v34, v13  }
0x230: {  	v45 =	vld [tilespmem:s25+$0x88E0];
	v33 =	vmul.f32 v36, v9;
	v36 =	vmul.f32 v39, v11  }
0x231: {  	v23 =	vadd.f32 v31, v23;
	v31 =	vld [tilespmem:$0x1FC40]  }
0x232: {  	v33 =	vadd.f32 v36, v33;
	v36 =	vld [tilespmem:$0x1FC60]  }
0x233: {  	v50 =	vld [tilespmem:s25+$0x88F0];
	v34 =	vmul.f32 v35, v14  }
0x234: {  	v58 =	vld [tilespmem:s25+$0x8920]  }
0x235: {  	v24 =	vadd.f32 v34, v24;
	v34 =	vld [tilespmem:$0x1FC50]  }
0x236: {  	v30 =	vmul.f32 v30, v13;
	v32 =	vmul.f32 v32, v12;
	v2 =	vld [tilespmem:s25+$0x8960]  }
0x237: {  	v35 =	vld [tilespmem:s25+$0x8930];
	v31 =	vmul.f32 v31, v10;
	v36 =	vmul.f32 v36, v16  }
0x238: {  	v39 =	vld [tilespmem:s25+$0x8950];
	v30 =	vadd.f32 v30, v33  }
0x239: {  	v31 =	vadd.f32 v32, v31;
	v32 =	vmul.f32 v46, v14;
	v24 =	vadd.f32 v36, v24;
	v36 =	vld [tilespmem:$0x1FC70]  }
0x23a: {  	v34 =	vmul.f32 v34, v15;
	v30 =	vadd.f32 v0, v30;
	v0 =	vld [tilespmem:s25+$0x89A0]  }
0x23b: {  	v46 =	vld [tilespmem:s25+$0x8970];
	v31 =	vadd.f32 v32, v31;
	v32 =	vmul.f32 v48, v16  }
0x23c: {  	v26 =	vmul.f32 v26, v11;
	v23 =	vadd.f32 v34, v23;
	v34 =	vld [tilespmem:s25+$0x89B0]  }
0x23d: {  	v19 =	vmul.f32 v19, v12;
	v33 =	vmul.f32 v49, v10;
	v48 =	vld [tilespmem:s25+$0x8990];
	v31 =	vadd.f32 v32, v31  }
0x23e: {  	v49 =	vadd.f32 v24, v23;
	v23 =	vmul.f32 v52, v11;
	v52 =	vld [tilespmem:s25+$0x89C0];
	v32 =	vmul.f32 v36, v9  }
0x23f: {  	v24 =	vmul.f32 v53, v12;
	v53 =	vld [tilespmem:s25+$0x89D0];
	v30 =	vadd.f32 v31, v30;
	v31 =	vmul.f32 v54, v13  }
0x240: {  	v54 =	vld [tilespmem:s25+$0x89E0];
	v23 =	vadd.f32 v23, v32;
	v32 =	vmul.f32 v40, v9;
	v40 =	vmul.f32 v60, v10  }
0x241: {  	v24 =	vadd.f32 v24, v33;
	v36 =	vmul.f32 v56, v14;
	v60 =	vld [tilespmem:s25+$0x8A00]  }
0x242: {  	v26 =	vadd.f32 v26, v32;
	v19 =	vadd.f32 v19, v40;
	v32 =	vmul.f32 v21, v14;
	v40 =	vld [tilespmem:$0x1FC80]  }
0x243: {  	v56 =	vld [tilespmem:s25+$0x89F0]  }
0x244: {  	v18 =	vmul.f32 v18, v16;
	v24 =	vadd.f32 v36, v24;
	v36 =	vld [tilespmem:s25+$0x8A10];
	v19 =	vadd.f32 v32, v19  }
0x245: {  	v23 =	vadd.f32 v31, v23;
	v31 =	vld [tilespmem:s25+$0x8A20]  }
0x246: {  	v20 =	vmul.f32 v20, v13;
	v18 =	vadd.f32 v18, v19;
	v19 =	vld [tilespmem:s25+$0x8A50]  }
0x247: {  	v21 =	vld [tilespmem:s25+$0x8CA0];
	[tilespmem:$0x1FCC0] =	vst v60;
	v60 =	vmul.f32 v41, v16;
	v33 =	vmul.f32 v40, v15  }
0x248: {  	v20 =	vadd.f32 v20, v26;
	v32 =	vld [tilespmem:s25+$0x8A40]  }
0x249: {  	v26 =	vld [tilespmem:s25+$0x8A60];
	v24 =	vadd.f32 v60, v24;
	v41 =	vadd.f32 v33, v23  }
0x24a: {  	v22 =	vmul.f32 v22, v15;
	v8 =	vmul.f32 v8, v11;
	[tilespmem:$0x1FCD0] =	vst v36;
	v36 =	vld [tilespmem:s25+$0x8A70]  }
0x24b: {  	v7 =	vmul.f32 v7, v12;
	[tilespmem:$0x1FCE0] =	vst v19;
	v19 =	vadd.f32 v24, v41;
	v41 =	vmul.f32 v6, v13;
	v6 =	vld [tilespmem:s25+$0x8A80]  }
0x24c: {  	v5 =	vmul.f32 v5, v14;
	v1 =	vmul.f32 v1, v13;
	v20 =	vadd.f32 v22, v20;
	v22 =	vld [tilespmem:s25+$0x8C80]  }
0x24d: {  	v3 =	vmul.f32 v3, v16;
	v40 =	vld [tilespmem:s25+$0x8A30];
	v60 =	vmul.f32 v59, v9  }
0x24e: {  	v25 =	vmul.f32 v25, v14;
	v59 =	vmul.f32 v37, v9;
	v37 =	vld [tilespmem:s25+$0x8B80]  }
0x24f: {  	v51 =	vmul.f32 v51, v9;
	v8 =	vadd.f32 v8, v60;
	v60 =	vmul.f32 v42, v11;
	v42 =	vld [tilespmem:s25+$0x8AA0]  }
0x250: {  	v55 =	vmul.f32 v55, v10;
	v50 =	vmul.f32 v50, v16;
	[tilespmem:$0x1FD10] =	vst v6;
	v6 =	vld [tilespmem:s25+$0x8A90]  }
0x251: {  	v33 =	vmul.f32 v62, v10;
	v23 =	vmul.f32 v53, v14;
	v53 =	vld [tilespmem:s25+$0x8B70]  }
0x252: {  	v2 =	vmul.f32 v2, v15;
	[tilespmem:$0x1FD00] =	vst v36;
	v36 =	vmul.f32 v44, v13;
	v44 =	vld [tilespmem:s25+$0x8AC0]  }
0x253: {  	v62 =	vmul.f32 v38, v10;
	v7 =	vadd.f32 v7, v33;
	v33 =	vmul.f32 v43, v12;
	v43 =	vld [tilespmem:s25+$0x8AB0]  }
0x254: {  	v38 =	vmul.f32 v63, v15;
	v8 =	vadd.f32 v41, v8;
	v41 =	vmul.f32 v45, v15;
	v45 =	vld [tilespmem:s25+$0x8AD0]  }
0x255: {  	v5 =	vadd.f32 v5, v7;
	v7 =	vadd.f32 v60, v59;
	v59 =	vmul.f32 v47, v9;
	[tilespmem:$0x1FD20] =	vst v6;
	v6 =	vld [tilespmem:s25+$0x8AE0]  }
0x256: {  	v24 =	vadd.f32 v33, v62;
	v47 =	vld [tilespmem:s25+$0x8B30];
	v60 =	vmul.f32 v48, v10;
	v62 =	vmul.f32 v34, v12  }
0x257: {  	v34 =	vmul.f32 v54, v15;
	v54 =	vld [tilespmem:s25+$0x8B90];
	v8 =	vadd.f32 v38, v8;
	v3 =	vadd.f32 v3, v5  }
0x258: {  	v0 =	vmul.f32 v0, v11;
	v7 =	vadd.f32 v36, v7;
	v24 =	vadd.f32 v25, v24;
	v38 =	vld [tilespmem:s25+$0x8B10]  }
0x259: {  	v63 =	vadd.f32 v62, v60;
	v60 =	vld [tilespmem:s25+$0x8BC0];
	v3 =	vadd.f32 v3, v8;
	v8 =	vmul.f32 v58, v11  }
0x25a: {  	v5 =	vadd.f32 v41, v7;
	v7 =	vadd.f32 v50, v24;
	v58 =	vmul.f32 v35, v12;
	[tilespmem:$0x1FD30] =	vst v6;
	v6 =	vld [tilespmem:s25+$0x8AF0]  }
0x25b: {  	v33 =	vmul.f32 v46, v16;
	v35 =	vmul.f32 v56, v16;
	v56 =	vld [tilespmem:$0x1FCA0];
	v8 =	vadd.f32 v8, v51  }
0x25c: {  	v62 =	vld [tilespmem:s25+$0x8C00];
	v5 =	vadd.f32 v7, v5;
	v7 =	vmul.f32 v39, v14;
	v24 =	vadd.f32 v58, v55  }
0x25d: {  	v0 =	vadd.f32 v0, v59;
	v41 =	vld [tilespmem:s25+$0x8B00];
	v1 =	vadd.f32 v1, v8;
	v8 =	vmul.f32 v52, v13  }
0x25e: {  	v46 =	vperm.xlane v49, v4;
	v25 =	vperm.xlane v57, v4;
	v58 =	vld [tilespmem:s25+$0x8BA0];
	v7 =	vadd.f32 v7, v24  }
0x25f: {  	v0 =	vadd.f32 v8, v0;
	v8 =	vadd.f32 v23, v63;
	v63 =	vperm.xlane v19, v4;
	[tilespmem:$0x1FD40] =	vst v6;
	v6 =	vld [tilespmem:$0x1FC90]  }
0x260: {  	v18 =	vadd.f32 v18, v20;
	v50 =	vld [tilespmem:s25+$0x8B40];
	v55 =	vperm.xlane v30, v4;
	v59 =	vperm.xlane v56, v4  }
0x261: {  	[tilespmem:$0x1FCF0] =	vst v26;
	v39 =	vld [tilespmem:s25+$0x8B20];
	v36 =	vadd.f32 v33, v7;
	v33 =	vsel vm2, v25, v19;
	v26 =	vsel vm2, v57, v63  }
0x262: {  	v1 =	vadd.f32 v2, v1;
	v20 =	vsel vm2, v59, v30;
	v30 =	vadd.f32 v33, v26;
	v33 =	vld [tilespmem:s25+$0x8C20]  }
0x263: {  	v37 =	vmul.f32 v37, v9;
	v25 =	vld [tilespmem:s25+$0x8C40];
	v58 =	vmul.f32 v58, v11;
	v7 =	vadd.f32 v35, v8  }
0x264: {  	v8 =	vadd.f32 v36, v1;
	v48 =	vperm.xlane v6, v4;
	v1 =	vsel vm2, v6, v46;
	v6 =	vld [tilespmem:$0x1FCB0]  }
0x265: {  	v51 =	vld [tilespmem:s25+$0x8B50];
	v0 =	vadd.f32 v34, v0  }
0x266: {  	v62 =	vmul.f32 v62, v9;
	v52 =	vld [tilespmem:s25+$0x8B60];
	v57 =	vperm.xlane v17, v4;
	v58 =	vadd.f32 v58, v37  }
0x267: {  	v24 =	vld [tilespmem:s25+$0x8C30];
	v7 =	vadd.f32 v7, v0;
	v0 =	vsel vm2, v56, v55;
	v33 =	vmul.f32 v33, v11  }
0x268: {  	v23 =	vld [tilespmem:s25+$0x8C90];
	v25 =	vmul.f32 v25, v13;
	v2 =	vsel vm2, v48, v49;
	v48 =	vperm.xlane v3, v4  }
0x269: {  	v35 =	vld [tilespmem:s25+$0x8BB0];
	v33 =	vadd.f32 v33, v62;
	v46 =	vperm.xlane v18, v4;
	v19 =	vperm.xlane v6, v4  }
0x26a: {  	v36 =	vld [tilespmem:s25+$0x8BD0];
	v49 =	vperm.xlane v27, v4;
	v34 =	vadd.f32 v2, v1;
	v27 =	vsel vm2, v27, v48  }
0x26b: {  	v63 =	vld [tilespmem:s25+$0x8C10];
	v2 =	vsel vm2, v6, v46;
	v18 =	vsel vm2, v19, v18;
	v19 =	vperm.xlane v5, v4  }
0x26c: {  	v26 =	vld [tilespmem:s25+$0x8C50];
	v3 =	vsel vm2, v49, v3;
	v5 =	vsel vm2, v57, v5;
	v46 =	vadd.f32 v18, v2  }
0x26d: {  	v37 =	vld [tilespmem:s25+$0x8EA0];
	v18 =	vadd.f32 v3, v27;
	v3 =	vsel vm2, v17, v19;
	v19 =	vperm.xlane v28, v4  }
0x26e: {  	v55 =	vld [tilespmem:s25+$0x8BE0];
	v48 =	vadd.f32 v5, v3;
	v3 =	vperm.xlane v7, v4;
	v5 =	vperm.xlane v29, v4  }
0x26f: {  	v56 =	vld [tilespmem:s25+$0x8BF0];
	v17 =	vperm.xlane v8, v4;
	v8 =	vsel vm2, v19, v8;
	v19 =	vperm.xlane v18, v61  }
0x270: {  	v29 =	vsel vm2, v29, v3;
	v5 =	vsel vm2, v5, v7;
	v7 =	vperm.xlane v34, v61;
	v3 =	vld [tilespmem:$0x1FFE0]  }
0x271: {  	v25 =	vadd.f32 v25, v33;
	v33 =	vld [tilespmem:s25+$0x8EC0];
	v29 =	vadd.f32 v5, v29  }
0x272: {  	v20 =	vadd.f32 v20, v0;
	v6 =	vld [tilespmem:$0x1FD20];
	v19 =	vsel vm0, v34, v19;
	v7 =	vsel vm0, v7, v18  }
0x273: {  	v27 =	vld [tilespmem:s25+$0x8C60];
	v57 =	vadd.f32 v7, v19;
	v59 =	vperm.xlane v29, v61  }
0x274: {  	v49 =	vperm.xlane v20, v61;
	v2 =	vperm.xlane v46, v61;
	v17 =	vsel vm2, v28, v17;
	v28 =	vld [tilespmem:s25+$0x8C70]  }
0x275: {  	v17 =	vadd.f32 v8, v17;
	v1 =	vsel vm0, v46, v59;
	v46 =	vperm.xlane v57, v3;
	v3 =	vld [tilespmem:$0x1FFE0]  }
0x276: {  	v0 =	vperm.xlane v30, v61;
	v8 =	vld [tilespmem:s25+$0x8D10];
	v34 =	vperm.xlane v48, v61  }
0x277: {  	v48 =	vsel vm0, v49, v48;
	v49 =	vld [tilespmem:$0x1FFE0];
	v7 =	vperm.xlane v17, v61;
	v2 =	vsel vm0, v2, v29  }
0x278: {  	v5 =	vld [tilespmem:$0x1FFF0];
	v1 =	vadd.f32 v2, v1  }
0x279: {  	v18 =	vld [tilespmem:s25+$0x8CB0];
	v0 =	vsel vm0, v0, v17;
	v34 =	vsel vm0, v20, v34;
	v7 =	vsel vm0, v30, v7  }
0x27a: {  	v34 =	vadd.f32 v48, v34;
	v0 =	vadd.f32 v0, v7;
	v48 =	vperm.xlane v1, v3;
	v3 =	vld [tilespmem:$0x1FFE0]  }
0x27b: {  	v19 =	vld [tilespmem:s25+$0x8CC0]  }
0x27c: {  	v59 =	vld [tilespmem:$0x1FCD0];
	v2 =	vperm.xlane v0, v49  }
0x27d: {  	v24 =	vmul.f32 v24, v12;
	v20 =	vld [tilespmem:s25+$0x8CD0]  }
0x27e: {  	v63 =	vmul.f32 v63, v10;
	v17 =	vld [tilespmem:s25+$0x8CE0];
	v0 =	vsel vm1, v46, v0;
	v2 =	vsel vm1, v57, v2  }
0x27f: {  	v0 =	vadd.f32 v0, v2;
	v49 =	vperm.xlane v34, v3;
	v3 =	vld [tilespmem:$0x1FCC0]  }
0x280: {  	v26 =	vmul.f32 v26, v14;
	v24 =	vadd.f32 v24, v63;
	v29 =	vld [tilespmem:s25+$0x8CF0]  }
0x281: {  	v2 =	vmul.f32 v59, v10;
	v59 =	vperm.xlane v0, v5;
	v5 =	vld [tilespmem:$0x1FCE0]  }
0x282: {  	v24 =	vadd.f32 v26, v24;
	v27 =	vmul.f32 v27, v15;
	v30 =	vld [tilespmem:s25+$0x8D00]  }
0x283: {  	v28 =	vmul.f32 v28, v16;
	v7 =	vld [tilespmem:s25+$0x8D70];
	v34 =	vsel vm1, v34, v48;
	v1 =	vsel vm1, v49, v1  }
0x284: {  	v40 =	vmul.f32 v40, v12;
	v1 =	vadd.f32 v1, v34;
	v34 =	vmul.f32 v3, v9;
	v3 =	vld [tilespmem:$0x1FFF0]  }
0x285: {  	v25 =	vadd.f32 v27, v25;
	v24 =	vadd.f32 v28, v24;
	v46 =	vld [tilespmem:s25+$0x8D30]  }
0x286: {  	v31 =	vmul.f32 v31, v11;
	v2 =	vadd.f32 v40, v2;
	v40 =	vmul.f32 v5, v14;
	v5 =	vld [tilespmem:$0x1FCF0]  }
0x287: {  	v23 =	vmul.f32 v23, v10;
	v18 =	vmul.f32 v18, v12;
	v27 =	vadd.f32 v24, v25;
	v24 =	vld [tilespmem:s25+$0x8F20]  }
0x288: {  	v32 =	vmul.f32 v32, v13;
	v25 =	vld [tilespmem:s25+$0x8F30]  }
0x289: {  	v18 =	vadd.f32 v18, v23;
	v23 =	vld [tilespmem:s25+$0x8F60];
	v31 =	vadd.f32 v31, v34;
	v3 =	vperm.xlane v1, v3  }
0x28a: {  	v20 =	vmul.f32 v20, v14;
	v57 =	vld [tilespmem:s25+$0x8D20]  }
0x28b: {  	v0 =	vsel vm3, v0, v3;
	v3 =	vadd.f32 v32, v31;
	v31 =	vmul.f32 v5, v15;
	v5 =	vld [tilespmem:$0x1FD00]  }
0x28c: {  	v18 =	vadd.f32 v20, v18;
	v20 =	vld [tilespmem:s25+$0x8F70]  }
0x28d: {  	v62 =	vmul.f32 v46, v12;
	v46 =	vld [tilespmem:s25+$0x9090]  }
0x28e: {  	v48 =	vld [tilespmem:s25+$0x8D40]  }
0x28f: {  	v49 =	vld [tilespmem:s25+$0x8D50]  }
0x290: {  	v2 =	vadd.f32 v40, v2;
	v40 =	vmul.f32 v5, v16;
	v5 =	vld [tilespmem:$0x1FD10]  }
0x291: {  	v34 =	vld [tilespmem:s25+$0x8D60]  }
0x292: {  	v43 =	vmul.f32 v43, v12;
	v1 =	vsel vm3, v59, v1;
	v59 =	vld [tilespmem:s25+$0x8D90]  }
0x293: {  	v32 =	vld [tilespmem:s25+$0x8D80];
	v3 =	vadd.f32 v31, v3;
	v2 =	vadd.f32 v40, v2;
	v40 =	vmul.f32 v6, v10  }
0x294: {  	v42 =	vmul.f32 v42, v11;
	v45 =	vmul.f32 v45, v14;
	v6 =	vld [tilespmem:s25+$0x8DB0]  }
0x295: {  	v2 =	vadd.f32 v2, v3;
	v3 =	vadd.f32 v43, v40;
	v43 =	vld [tilespmem:s25+$0x8DD0];
	v31 =	vmul.f32 v5, v9  }
0x296: {  	v38 =	vmul.f32 v38, v10;
	v40 =	vmul.f32 v47, v12;
	v47 =	vld [tilespmem:s25+$0x8E00]  }
0x297: {  	v1 =	vadd.f32 v1, v0;
	v5 =	vld [tilespmem:s25+$0x8DA0];
	v0 =	vadd.f32 v42, v31;
	v31 =	vmul.f32 v44, v13  }
0x298: {  	v39 =	vmul.f32 v39, v11;
	v3 =	vadd.f32 v45, v3;
	v45 =	vld [tilespmem:$0x1FD30];
	v38 =	vadd.f32 v40, v38  }
0x299: {  	v40 =	vmul.f32 v51, v14;
	v51 =	vld [tilespmem:s25+$0x8E10];
	v0 =	vadd.f32 v31, v0;
	v31 =	vmul.f32 v41, v9  }
0x29a: {  	v42 =	vld [tilespmem:s25+$0x8DC0]  }
0x29b: {  	v31 =	vadd.f32 v39, v31;
	v39 =	vmul.f32 v50, v13;
	v50 =	vld [tilespmem:$0x1FD40]  }
0x29c: {  	v60 =	vmul.f32 v60, v13;
	v44 =	vld [tilespmem:s25+$0x8DF0];
	v38 =	vadd.f32 v40, v38;
	v40 =	vmul.f32 v53, v16  }
0x29d: {  	v52 =	vmul.f32 v52, v15;
	v35 =	vmul.f32 v35, v12;
	v53 =	vld [tilespmem:s25+$0x8E40]  }
0x29e: {  	v36 =	vmul.f32 v36, v14;
	v38 =	vadd.f32 v40, v38;
	v40 =	vmul.f32 v54, v10;
	v54 =	vld [tilespmem:s25+$0x8E50]  }
0x29f: {  	v55 =	vmul.f32 v55, v15;
	v41 =	vld [tilespmem:s25+$0x8DE0];
	v45 =	vmul.f32 v45, v15  }
0x2a0: {  	v63 =	vmul.f32 v48, v13;
	v35 =	vadd.f32 v35, v40;
	v40 =	vld [tilespmem:s25+$0x8E90];
	v50 =	vmul.f32 v50, v16  }
0x2a1: {  	v48 =	vmul.f32 v29, v16;
	v0 =	vadd.f32 v45, v0;
	v31 =	vadd.f32 v39, v31;
	v45 =	vld [tilespmem:s25+$0x8E20]  }
0x2a2: {  	v56 =	vmul.f32 v56, v16;
	v35 =	vadd.f32 v36, v35;
	v36 =	vld [tilespmem:s25+$0x8EB0];
	v3 =	vadd.f32 v50, v3  }
0x2a3: {  	v18 =	vadd.f32 v48, v18;
	v39 =	vadd.f32 v52, v31;
	v52 =	vld [tilespmem:s25+$0x8E60];
	v48 =	vmul.f32 v54, v14  }
0x2a4: {  	v54 =	vmul.f32 v24, v11;
	v24 =	vld [tilespmem:s25+$0x9060];
	v31 =	vadd.f32 v3, v0;
	v0 =	vadd.f32 v60, v58  }
0x2a5: {  	v35 =	vadd.f32 v56, v35;
	v56 =	vld [tilespmem:s25+$0x8EE0]  }
0x2a6: {  	v21 =	vmul.f32 v21, v11;
	v22 =	vmul.f32 v22, v9;
	v50 =	vld [tilespmem:s25+$0x8E30];
	v0 =	vadd.f32 v55, v0  }
0x2a7: {  	v37 =	vmul.f32 v37, v11;
	v8 =	vmul.f32 v8, v10;
	v3 =	vadd.f32 v38, v39;
	v38 =	vld [tilespmem:s25+$0x8E70]  }
0x2a8: {  	v19 =	vmul.f32 v19, v13;
	v58 =	vld [tilespmem:s25+$0x8EF0];
	v26 =	vadd.f32 v35, v0;
	v35 =	vadd.f32 v21, v22  }
0x2a9: {  	v8 =	vadd.f32 v62, v8;
	v39 =	vld [tilespmem:s25+$0x8E80];
	v60 =	vmul.f32 v57, v11;
	v57 =	vmul.f32 v49, v14  }
0x2aa: {  	v17 =	vmul.f32 v17, v15;
	v49 =	vld [tilespmem:s25+$0x9000];
	v0 =	vadd.f32 v19, v35;
	v19 =	vmul.f32 v30, v9  }
0x2ab: {  	v7 =	vmul.f32 v7, v16;
	v20 =	vmul.f32 v20, v16;
	v55 =	vld [tilespmem:s25+$0x8ED0];
	v8 =	vadd.f32 v57, v8  }
0x2ac: {  	v6 =	vmul.f32 v6, v12;
	v5 =	vmul.f32 v5, v11;
	v21 =	vld [tilespmem:s25+$0x8F00];
	v19 =	vadd.f32 v60, v19  }
0x2ad: {  	v22 =	vld [tilespmem:s25+$0x8F10];
	v7 =	vadd.f32 v7, v8;
	v8 =	vmul.f32 v59, v10;
	v59 =	vmul.f32 v58, v16  }
0x2ae: {  	v58 =	vld [tilespmem:s25+$0x9140];
	v0 =	vadd.f32 v17, v0;
	v17 =	vadd.f32 v63, v19;
	v19 =	vmul.f32 v34, v15  }
0x2af: {  	v44 =	vmul.f32 v44, v16;
	v41 =	vmul.f32 v41, v15;
	v35 =	vld [tilespmem:s25+$0x8F40]  }
0x2b0: {  	v6 =	vadd.f32 v6, v8;
	v8 =	vld [tilespmem:s25+$0x8FB0];
	v17 =	vadd.f32 v19, v17;
	v19 =	vmul.f32 v32, v9  }
0x2b1: {  	v40 =	vmul.f32 v40, v10;
	v36 =	vmul.f32 v36, v12;
	v60 =	vld [tilespmem:s25+$0x8F50];
	v29 =	vadd.f32 v18, v0  }
0x2b2: {  	v34 =	vld [tilespmem:s25+$0x8F90];
	v63 =	vmul.f32 v50, v12;
	v62 =	vadd.f32 v5, v19;
	v5 =	vmul.f32 v42, v13  }
0x2b3: {  	v18 =	vld [tilespmem:s25+$0x8FA0];
	v50 =	vmul.f32 v38, v16;
	v28 =	vadd.f32 v7, v17;
	v7 =	vmul.f32 v43, v14  }
0x2b4: {  	v38 =	vld [tilespmem:s25+$0x9010];
	v17 =	vmul.f32 v45, v11;
	v0 =	vadd.f32 v5, v62;
	v5 =	vmul.f32 v47, v9  }
0x2b5: {  	v57 =	vmul.f32 v35, v13;
	v35 =	vld [tilespmem:s25+$0x9080];
	v6 =	vadd.f32 v7, v6;
	v7 =	vmul.f32 v51, v10  }
0x2b6: {  	v56 =	vmul.f32 v56, v15;
	v5 =	vadd.f32 v17, v5;
	v17 =	vmul.f32 v53, v13;
	v53 =	vld [tilespmem:s25+$0x9040]  }
0x2b7: {  	v8 =	vmul.f32 v8, v12;
	v60 =	vmul.f32 v60, v14;
	v7 =	vadd.f32 v63, v7;
	v63 =	vld [tilespmem:s25+$0x90A0]  }
0x2b8: {  	v32 =	vld [tilespmem:s25+$0x8F80];
	v18 =	vmul.f32 v18, v11;
	v47 =	vmul.f32 v34, v10;
	v0 =	vadd.f32 v41, v0  }
0x2b9: {  	v19 =	vld [tilespmem:s25+$0x8FC0];
	v6 =	vadd.f32 v44, v6;
	v5 =	vadd.f32 v17, v5;
	v17 =	vmul.f32 v52, v15  }
0x2ba: {  	v42 =	vld [tilespmem:s25+$0x8FD0];
	v62 =	vmul.f32 v23, v15;
	v8 =	vadd.f32 v8, v47;
	v7 =	vadd.f32 v48, v7  }
0x2bb: {  	v45 =	vld [tilespmem:s25+$0x8FF0];
	v30 =	vadd.f32 v6, v0;
	v5 =	vadd.f32 v17, v5;
	v17 =	vmul.f32 v39, v9  }
0x2bc: {  	v48 =	vld [tilespmem:s25+$0x90D0];
	v7 =	vadd.f32 v50, v7;
	v53 =	vmul.f32 v53, v13;
	v23 =	vmul.f32 v63, v11  }
0x2bd: {  	v50 =	vld [tilespmem:s25+$0x9100];
	v63 =	vmul.f32 v46, v10;
	v6 =	vadd.f32 v37, v17;
	v17 =	vmul.f32 v33, v13  }
0x2be: {  	v0 =	vadd.f32 v7, v5;
	v5 =	vadd.f32 v36, v40;
	v7 =	vmul.f32 v55, v14;
	v36 =	vld [tilespmem:s25+$0x9050]  }
0x2bf: {  	v55 =	vmul.f32 v25, v12;
	v25 =	vld [tilespmem:s25+$0x9070];
	v6 =	vadd.f32 v17, v6;
	v17 =	vmul.f32 v21, v9  }
0x2c0: {  	v43 =	vld [tilespmem:s25+$0x8FE0];
	v40 =	vmul.f32 v32, v9;
	v5 =	vadd.f32 v7, v5;
	v7 =	vmul.f32 v22, v10  }
0x2c1: {  	v32 =	vld [tilespmem:s25+$0x90C0];
	v47 =	vmul.f32 v48, v14;
	v41 =	vperm.xlane v0, v4;
	v17 =	vadd.f32 v54, v17  }
0x2c2: {  	v51 =	vld [tilespmem:s25+$0x9020];
	v50 =	vmul.f32 v50, v9;
	v7 =	vadd.f32 v55, v7;
	v6 =	vadd.f32 v56, v6  }
0x2c3: {  	v44 =	vld [tilespmem:s25+$0x9170];
	v5 =	vadd.f32 v59, v5;
	v55 =	vmul.f32 v45, v16;
	v36 =	vmul.f32 v36, v14  }
0x2c4: {  	v52 =	vld [tilespmem:s25+$0x9030];
	v25 =	vmul.f32 v25, v16;
	v17 =	vadd.f32 v57, v17;
	v7 =	vadd.f32 v60, v7  }
0x2c5: {  	v39 =	vld [tilespmem:s25+$0x9110];
	v5 =	vadd.f32 v5, v6;
	v6 =	vadd.f32 v18, v40;
	v18 =	vmul.f32 v19, v13  }
0x2c6: {  	v22 =	vld [tilespmem:s25+$0x90B0];
	v45 =	vmul.f32 v32, v13;
	v17 =	vadd.f32 v62, v17;
	v7 =	vadd.f32 v20, v7  }
0x2c7: {  	v19 =	vld [tilespmem:s25+$0x90E0];
	v57 =	vmul.f32 v24, v15;
	v6 =	vadd.f32 v18, v6;
	v18 =	vmul.f32 v49, v9  }
0x2c8: {  	v56 =	vld [tilespmem:s25+$0x9130];
	v49 =	vmul.f32 v51, v11;
	v7 =	vadd.f32 v7, v17;
	v17 =	vmul.f32 v42, v14  }
0x2c9: {  	v59 =	vld [tilespmem:s25+$0x9150];
	v51 =	vmul.f32 v52, v12;
	v52 =	vmul.f32 v43, v15  }
0x2ca: {  	v46 =	vld [tilespmem:s25+$0x9180];
	v18 =	vadd.f32 v49, v18;
	v8 =	vadd.f32 v17, v8;
	v17 =	vmul.f32 v38, v10  }
0x2cb: {  	v60 =	vmul.f32 v35, v9;
	v22 =	vmul.f32 v22, v12;
	v20 =	vld [tilespmem:s25+$0x90F0];
	v6 =	vadd.f32 v52, v6  }
0x2cc: {  	v62 =	vld [tilespmem:s25+$0x9160];
	v19 =	vmul.f32 v19, v15;
	v18 =	vadd.f32 v53, v18;
	v17 =	vadd.f32 v51, v17  }
0x2cd: {  	v54 =	vld [tilespmem:s25+$0x9120];
	v53 =	vmul.f32 v56, v12;
	v56 =	vmul.f32 v58, v13;
	v8 =	vadd.f32 v55, v8  }
0x2ce: {  	v49 =	vld [tilespmem:s25+$0x91A0];
	v58 =	vmul.f32 v59, v14;
	v38 =	vmul.f32 v44, v16;
	v17 =	vadd.f32 v36, v17  }
0x2cf: {  	v44 =	vperm.xlane v31, v4;
	v6 =	vadd.f32 v8, v6;
	v8 =	vadd.f32 v23, v60  }
0x2d0: {  	v52 =	vld [tilespmem:s25+$0x91B0];
	v20 =	vmul.f32 v20, v16;
	v18 =	vadd.f32 v57, v18;
	v17 =	vadd.f32 v25, v17  }
0x2d1: {  	v48 =	vld [tilespmem:s25+$0x9190];
	v59 =	vmul.f32 v62, v15;
	v62 =	vmul.f32 v46, v9;
	v8 =	vadd.f32 v45, v8  }
0x2d2: {  	v46 =	vld [tilespmem:$0x1FF90];
	v51 =	vmul.f32 v54, v11;
	v17 =	vadd.f32 v17, v18;
	v18 =	vadd.f32 v22, v63  }
0x2d3: {  	v54 =	vld [tilespmem:s25+$0x91C0];
	v21 =	vmul.f32 v49, v11;
	v8 =	vadd.f32 v19, v8;
	v19 =	vmul.f32 v39, v10  }
0x2d4: {  	v57 =	vld [tilespmem:s25+$0x91D0];
	v49 =	vperm.xlane v29, v4;
	v55 =	vadd.f32 v51, v50;
	v18 =	vadd.f32 v47, v18  }
0x2d5: {  	v60 =	vld [tilespmem:s25+$0x91E0];
	v36 =	vmul.f32 v52, v12;
	v50 =	vperm.xlane v30, v4;
	v19 =	vadd.f32 v53, v19  }
0x2d6: {  	v21 =	vadd.f32 v21, v62;
	v25 =	vmul.f32 v48, v10;
	v18 =	vadd.f32 v20, v18  }
0x2d7: {  	v45 =	vperm.xlane v7, v4;
	v20 =	vadd.f32 v56, v55;
	v19 =	vadd.f32 v58, v19  }
0x2d8: {  	v1 =	vadd.f32 v1, v46;
	v48 =	vperm.xlane v27, v4;
	v39 =	vmul.f32 v54, v13  }
0x2d9: {  	v24 =	vmul.f32 v57, v14;
	v20 =	vadd.f32 v59, v20;
	v19 =	vadd.f32 v38, v19  }
0x2da: {  	v25 =	vadd.f32 v36, v25;
	v40 =	vmul.f32 v60, v15;
	v21 =	vadd.f32 v39, v21  }
0x2db: {  	v8 =	vadd.f32 v18, v8;
	v18 =	vadd.f32 v19, v20;
	v19 =	vperm.xlane v2, v4  }
0x2dc: {  	v63 =	vld [tilespmem:s25+$0x91F0];
	v24 =	vadd.f32 v24, v25;
	v47 =	vperm.xlane v3, v4;
	v42 =	vadd.f32 v40, v21  }
0x2dd: {  	v2 =	vsel vm2, v2, v41;
	v0 =	vsel vm2, v19, v0;
	v19 =	vperm.xlane v5, v4  }
0x2de: {  	v0 =	vadd.f32 v0, v2;
	v2 =	vsel vm2, v3, v45;
	v3 =	vsel vm2, v47, v7  }
0x2df: {  	v5 =	vsel vm2, v44, v5;
	v19 =	vsel vm2, v31, v19;
	v2 =	vadd.f32 v3, v2  }
0x2e0: {  	v3 =	vperm.xlane v17, v4;
	v5 =	vadd.f32 v5, v19;
	v19 =	vperm.xlane v26, v4  }
0x2e1: {  	v23 =	vmul.f32 v63, v16;
	v7 =	vperm.xlane v6, v4;
	v17 =	vsel vm2, v48, v17  }
0x2e2: {  	v3 =	vsel vm2, v27, v3;
	v6 =	vsel vm2, v19, v6;
	v19 =	vperm.xlane v8, v4  }
0x2e3: {  	v43 =	vadd.f32 v23, v24;
	v7 =	vsel vm2, v26, v7;
	v3 =	vadd.f32 v17, v3  }
0x2e4: {  	v6 =	vadd.f32 v6, v7;
	v7 =	vsel vm2, v29, v19;
	v19 =	vperm.xlane v28, v4  }
0x2e5: {  	v20 =	vadd.f32 v43, v42;
	v51 =	vperm.xlane v0, v61;
	v17 =	vperm.xlane v18, v4  }
0x2e6: {  	v8 =	vsel vm2, v49, v8;
	v18 =	vsel vm2, v19, v18;
	v19 =	vperm.xlane v3, v61  }
0x2e7: {  	v17 =	vsel vm2, v28, v17;
	v7 =	vadd.f32 v8, v7;
	v8 =	vperm.xlane v20, v4  }
0x2e8: {  	v20 =	vsel vm2, v50, v20;
	v0 =	vsel vm0, v0, v19;
	v19 =	vperm.xlane v5, v61  }
0x2e9: {  	v3 =	vsel vm0, v51, v3;
	v8 =	vsel vm2, v30, v8;
	v17 =	vadd.f32 v18, v17  }
0x2ea: {  	v18 =	vperm.xlane v7, v61;
	v8 =	vadd.f32 v20, v8;
	v7 =	vsel vm0, v19, v7;
	v19 =	vld [tilespmem:$0x1FFE0]  }
0x2eb: {  	v52 =	vperm.xlane v2, v61;
	v0 =	vadd.f32 v3, v0;
	v3 =	vperm.xlane v17, v61  }
0x2ec: {  	v53 =	vperm.xlane v6, v61;
	v5 =	vsel vm0, v5, v18;
	v18 =	vperm.xlane v8, v61  }
0x2ed: {  	v2 =	vsel vm0, v2, v3;
	v3 =	vsel vm0, v52, v17;
	v5 =	vadd.f32 v7, v5  }
0x2ee: {  	v2 =	vadd.f32 v3, v2;
	v3 =	vsel vm0, v6, v18;
	v6 =	vsel vm0, v53, v8  }
0x2ef: {  	v8 =	vand.u32 $0x7FFFFFFF, v1;
	v3 =	vadd.f32 v6, v3;
	v18 =	vperm.xlane v5, v19  }
0x2f0: {  	v6 =	vadd.f32 v8, v8;
	v7 =	vperm.xlane v2, v19  }
0x2f1: {  	v8 =	vperm.xlane v0, v19;
	v17 =	vperm.xlane v3, v19;
	v3 =	vsel vm1, v18, v3;
	v18 =	vld [tilespmem:$0x1FFF0]  }
0x2f2: {  	v6 =	vmul.f32 $1.442695020e+00, v6  }
0x2f3: {  	v0 =	vsel vm1, v0, v7;
	v2 =	vsel vm1, v8, v2;
	v5 =	vsel vm1, v5, v17  }
0x2f4: {  	v0 =	vadd.f32 v2, v0;
	v56 =	vadd.f32 v3, v5  }
0x2f5: {  	(erf) = vpow2.f32 v6  }
0x2f6: {  	v3 =	vperm.xlane v56, v18;
	v5 =	vperm.xlane v0, v18;
	_ =	sdelay $0x1  }
0x2f7: {  	v0 =	vsel vm3, v0, v3;
	v2 =	vsel vm3, v5, v56  }
0x2f8: {  	v0 =	vadd.f32 v2, v0;
	_ =	sdelay $0x1  }
0x2f9: {  	v0 =	vadd.f32 v0, v46;
	_ =	sdelay $0x1  }
0x2fa: {  	v57 =	vand.u32 $0x7FFFFFFF, v0  }
0x2fb: {  	v3 =	vpop (erf);
	v2 =	vadd.f32 v57, v57  }
0x2fc: {  	v3 =	vadd.f32 $1.000000000e+00, v3  }
0x2fd: {  	v2 =	vmul.f32 $1.442695020e+00, v2  }
0x2fe: {  	(erf) = vrcp.f32 v3  }
0x2ff: {  	(erf) = vpow2.f32 v2;
	_ =	sdelay $0x7  }
0x300: {  	v58 =	vpop (erf)  }
0x301: {  	v3 =	vpop (erf)  }
0x302: {  	v3 =	vadd.f32 $1.000000000e+00, v3;
	_ =	sdelay $0x1  }
0x303: {  	(erf) = vrcp.f32 v3;
	_ =	sdelay $0x1  }
0x304: {  	v2 =	vadd.f32 v58, v58;
	_ =	sdelay $0x1  }
0x305: {  	v2 =	vsub.f32 $1.000000000e+00, v2  }
0x306: {  	s31 =	sshll.u32 s24, $0x4;
	v54 =	vld [tilespmem:$0x1FFB0]  }
0x307: {  	v7 =	vld [tilespmem:s31+$0x10310];
	v17 =	vsub.f32 $0.0e+00, v2  }
0x308: {  	vm4 =	vlt.f32 v1, $0.0e+00;
	v5 =	vld [tilespmem:s31+$0x10500]  }
0x309: {  	v2 =	vsel vm4, v17, v2;
	v17 =	vld [tilespmem:$0x1FFA0]  }
0x30a: {  	v3 =	vld [tilespmem:s31+$0x10300];
	v6 =	vpop (erf)  }
0x30b: {  	v8 =	vld [tilespmem:s31+$0x10510];
	v6 =	vadd.f32 v6, v6  }
0x30c: {  	v55 =	vld [tilespmem:$0x1FFC0]  }
0x30d: {  	v59 =	vsub.f32 $1.000000000e+00, v6;
	_ =	sdelay $0x1  }
0x30e: {  	v5 =	vmul.f32 v5, v54;
	v3 =	vmul.f32 v3, v17;
	v6 =	vsub.f32 $0.0e+00, v59  }
0x30f: {  	v62 =	vld [tilespmem:$0x1FFD0];
	vm4 =	vlt.f32 v0, $0.0e+00;
	v60 =	vmul.f32 v7, v17;
	v7 =	vmul.f32 v8, v54  }
0x310: {  	v63 =	vld [tilespmem:$0x1FFD0];
	v2 =	vmul.f32 v2, v55;
	v3 =	vadd.f32 v5, v3;
	v1 =	vsel vm4, v6, v59  }
0x311: {  	v0 =	vadd.f32 v7, v60;
	v1 =	vmul.f32 v1, v55  }
0x312: {  	p0 =	slt.u32 s24, $0xE;
	v2 =	vadd.f32 v2, v3  }
.Ltmp1:
0x313: {  	v0 =	vadd.f32 v1, v0;
	(pc) =	sbr.rel @p0 .LBB2_4-.Ltmp1, $4  }
0x314: {  	v1 =	vadd.f32 v2, v62  }
0x315: {  	v0 =	vadd.f32 v0, v63  }
0x316: {  	s26 =	sadd.s32 $0x2, s24;
	[tilespmem:s31+$0x10800] =	vst v1  }
0x317: {  	s24 =	smov.u32 s26;
	[tilespmem:s31+$0x10810] =	vst v0  }
0x318: {  	s23 =	sadd.s32 $0x1, s23  }
0x319: {  	p0 =	sne.s32 s23, s9  }
.Ltmp2:
0x31a: {  	_ = 	snop;
	(pc) =	sbr.rel @p0 .LBB2_1-.Ltmp2, $4  }
0x31b: {  	[hbm4b:s8+s3] =	stream.linear.scatter [tilespmem:s22], [sflag:$0x6], $0x200, $0x38;
	[tilespmem:$0x10900] =	vst v63  }
0x31c: {  	_ =	swait.ge [sflag:s10], $0x200  }
0x31d: {  	[sflag:s10] =	ssyncset.done $0x0  }
0x31e: {  	[sflag:s10] =	ssyncadd.s32 $0xFFFFFE00  }
0x31f: {  	_ =	sfence.sel $0x180000  }
0x320: {  	[bflag:$0x0] =	sbarrier.arrive $0xFFFF  }
0x321: {  	p0 =	sne.s32 s2, $0x0;
	_ =	strace $0x90000047  }
0x322: {  	s0 =	sadd.s32 @!p0 $0x100000, s1;
	[bflag:$0x2] =	sbarrier.arrive $0xFFFF  }
0x323: {  	[sflag:s0] =	ssyncadd.tile.s32 @!p0 $0x1;
	_ =	shalt  }
.Lfunc_end2:
_tile_overlayer_lowered:
.L_overlay_start_2:
0x324: {  	(tag) =	ssettag $0x2  }
0x325: {  	s0 =	rddreg [dreg:$0x0];
	s2 =	stileid.u32  }
0x326: {  	s1 =	rddreg [dreg:$0x1];
	p0 =	sne.s32 s2, $0x0  }
0x327: {  	s3 =	rddreg [dreg:$0x2];
	[bflag:$0x3] =	sbarrier.arrive $0xFFFF;
	s2 =	simm.s32 @!p0 $0x1C06  }
0x328: {  	[timem:s3], [sflag:s2] =	dma.local @!p0 [hbm:s0], s1  }
0x329: {  	s0 =	simm.s32 @!p0 $0x6  }
0x32a: {  	_ =	swait.ge @!p0 [sflag:s0], s1  }
0x32b: {  	s1 =	ssub.s32 @!p0 $0x0, s1;
	[sflag:s0] =	ssyncset.done @!p0 $0x0  }
0x32c: {  	[sflag:s0] =	ssyncadd.s32 @!p0 s1  }
0x32d: {  	[bflag:$0x3] =	sbarrier.arrive $0xFFFF  }
0x32e: {  	_ =	shalt  }

</sc_bundles>
